<compile_context>
chip_gen: v7x
topology: tpu7x:2x2x1
jax: 0.10.2.dev20260603
libtpu: 0.0.44.dev20260713+nightly
codegen_flags: <defaults>
</compile_context>

<pallas_src>
import functools

import jax
import jax.numpy as jnp
from jax import lax
from jax.experimental import pallas as pl
from jax.experimental.pallas import tpu as pltpu
from jax.experimental.pallas import tpu_sc as plsc

NC = 2
NS = 16
L = 16
K = 128


def _make_sc_scatter(n_pad, dh, e_pad, with_deg):
    SS = 4
    nit = e_pad // (NS * SS * K)
    rows_per_tile = n_pad // NS

    out_type = [jax.ShapeDtypeStruct((NC * n_pad, dh), jnp.float32)]
    if with_deg:
        out_type.append(jax.ShapeDtypeStruct((NC * n_pad, L), jnp.float32))

    SK = SS * K
    scratch = [
        pltpu.VMEM((4 * SK,), jnp.int32),
        pltpu.VMEM((4 * SK,), jnp.int32),
        pltpu.VMEM((2 * SK, dh), jnp.float32),
        pltpu.VMEM((SK, L), jnp.float32),
        pltpu.VMEM((K, L), jnp.float32),
        pltpu.VMEM_SHARED((n_pad, dh), jnp.float32),
        pltpu.VMEM_SHARED((n_pad, L), jnp.float32),
        pltpu.SemaphoreType.DMA,
        pltpu.SemaphoreType.DMA,
        pltpu.SemaphoreType.DMA,
        pltpu.SemaphoreType.DMA,
    ]

    mesh = plsc.VectorSubcoreMesh(core_axis_name="c", subcore_axis_name="s")

    @functools.partial(
        pl.kernel, mesh=mesh, out_type=tuple(out_type),
        scratch_types=scratch,
        compiler_params=pltpu.CompilerParams(use_tc_tiling_on_sc=False))
    def k(table_hbm, src2_hbm, dst2_hbm, zeros_hbm, zeros16_hbm, ones_hbm,
          *rest):
        if with_deg:
            acc_out, deg_out = rest[0], rest[1]
            rest = rest[2:]
        else:
            acc_out = rest[0]
            rest = rest[1:]
        (sidx_v, didx_v, rows_v, ones_v, z16_v, acc_sh, deg_sh,
         sem_i, sem_g, sem_s0, sem_s1) = rest
        sem_s = (sem_s0, sem_s1)

        c = lax.axis_index("c")
        s = lax.axis_index("s")
        do_deg = with_deg

        base_r = s * rows_per_tile
        chunks = []
        q = 0
        while q < rows_per_tile:
            w = min(K, rows_per_tile - q)
            chunks.append((q, w))
            q += w
        pltpu.sync_copy(zeros_hbm.at[pl.ds(0, K)], rows_v.at[pl.ds(0, K)])
        if do_deg:
            pltpu.sync_copy(ones_hbm, ones_v)
            pltpu.sync_copy(zeros16_hbm.at[pl.ds(0, K)], z16_v)
        for q, w in chunks:
            pltpu.sync_copy(rows_v.at[pl.ds(0, w)],
                            acc_sh.at[pl.ds(base_r + q, w)])
            if do_deg:
                pltpu.sync_copy(z16_v.at[pl.ds(0, w)],
                                deg_sh.at[pl.ds(base_r + q, w)])
        plsc.subcore_barrier()

        def fire_idx(i, slot):
            base = (s * nit + i) * SK
            pltpu.async_copy(src2_hbm.at[pl.ds(c * e_pad + base, SK)],
                             sidx_v.at[pl.ds(slot * SK, SK)], sem_i)
            pltpu.async_copy(dst2_hbm.at[pl.ds(base, SK)],
                             didx_v.at[pl.ds(slot * SK, SK)], sem_i)

        def drain_idx(slot):
            pltpu.make_async_copy(
                src2_hbm.at[pl.ds(0, SK)],
                sidx_v.at[pl.ds(slot * SK, SK)], sem_i).wait()
            pltpu.make_async_copy(
                dst2_hbm.at[pl.ds(0, SK)],
                didx_v.at[pl.ds(slot * SK, SK)], sem_i).wait()

        def drain_scatters(p):
            pltpu.make_async_copy(rows_v.at[pl.ds(p * SK, SK)],
                                  acc_sh.at[pl.ds(0, SK)], sem_s[p]).wait()
            if do_deg:
                @pl.when(c == 0)
                def _():
                    pltpu.make_async_copy(
                        ones_v, deg_sh.at[pl.ds(0, SK)], sem_s[p]).wait()

        fire_idx(0, 0)
        assert nit % 4 == 0

        def body(g, carry):
            for u in range(4):
                i = 4 * g + u
                p = u % 2
                drain_idx(u)
                fire_idx(jnp.minimum(i + 1, nit - 1), (u + 1) % 4)

                if u < 2:
                    @pl.when(g >= 1)
                    def _():
                        drain_scatters(p)
                else:
                    drain_scatters(p)

                pltpu.async_copy(
                    table_hbm.at[sidx_v.at[pl.ds(u * SK, SK)]],
                    rows_v.at[pl.ds(p * SK, SK)], sem_g)
                pltpu.make_async_copy(
                    table_hbm.at[sidx_v.at[pl.ds(u * SK, SK)]],
                    rows_v.at[pl.ds(p * SK, SK)], sem_g).wait()

                pltpu.async_copy(rows_v.at[pl.ds(p * SK, SK)],
                                 acc_sh.at[didx_v.at[pl.ds(u * SK, SK)]],
                                 sem_s[p], add=True)
                if do_deg:
                    @pl.when(c == 0)
                    def _():
                        pltpu.async_copy(
                            ones_v,
                            deg_sh.at[didx_v.at[pl.ds(u * SK, SK)]],
                            sem_s[p], add=True)
            return carry

        lax.fori_loop(0, nit // 4, body, 0)

        drain_scatters(0)
        drain_scatters(1)
        drain_idx(0)
        plsc.subcore_barrier()

        obase = c * n_pad + base_r
        for q, w in chunks:
            pltpu.sync_copy(acc_sh.at[pl.ds(base_r + q, w)],
                            rows_v.at[pl.ds(0, w)])
            pltpu.sync_copy(rows_v.at[pl.ds(0, w)],
                            acc_out.at[pl.ds(obase + q, w)])
            if do_deg:
                pltpu.sync_copy(deg_sh.at[pl.ds(base_r + q, w)],
                                z16_v.at[pl.ds(0, w)])
                pltpu.sync_copy(z16_v.at[pl.ds(0, w)],
                                deg_out.at[pl.ds(obase + q, w)])

    return k


def _tc_stage1(n_pad, d, h, grid_r):
    def body(x_ref, aA_ref, aB_ref, deg_ref, w1r_ref, w1x_ref, b1_ref,
             w2_ref, xs2_ref, dis_ref):
        a = jnp.concatenate([aA_ref[...], aB_ref[...]], axis=1)
        h1 = jnp.dot(a, w1r_ref[...], preferred_element_type=jnp.float32)
        h1 += jnp.dot(x_ref[...], w1x_ref[...],
                      preferred_element_type=jnp.float32)
        h1 = jnp.maximum(h1 + b1_ref[...], 0.0)
        t2 = jnp.dot(h1, w2_ref[...], preferred_element_type=jnp.float32)
        dis = lax.rsqrt(1.0 + deg_ref[...])
        dis_ref[...] = dis
        xs2_ref[...] = dis * t2

    r = n_pad // grid_r
    row = lambda i: (i, 0)
    fix = lambda i: (0, 0)
    return pl.pallas_call(
        body,
        grid=(grid_r,),
        in_specs=[
            pl.BlockSpec((r, d), row),
            pl.BlockSpec((r, d // 2), row),
            pl.BlockSpec((r, d // 2), row),
            pl.BlockSpec((r, 1), row),
            pl.BlockSpec((d, h), fix),
            pl.BlockSpec((d, h), fix),
            pl.BlockSpec((1, h), fix),
            pl.BlockSpec((h, h), fix),
        ],
        out_specs=[pl.BlockSpec((r, h), row), pl.BlockSpec((r, 1), row)],
        out_shape=[jax.ShapeDtypeStruct((n_pad, h), jnp.float32),
                   jax.ShapeDtypeStruct((n_pad, 1), jnp.float32)],
    )


def _tc_stage2(n_pad, h, grid_r):
    def body(aA_ref, aB_ref, xs2_ref, dis_ref, b2_ref, w3_ref, xs3_ref):
        dis = dis_ref[...]
        a = jnp.concatenate([aA_ref[...], aB_ref[...]], axis=1)
        h2 = dis * (a + xs2_ref[...]) + b2_ref[...]
        h2 = jnp.maximum(h2, 0.0)
        t3 = jnp.dot(h2, w3_ref[...], preferred_element_type=jnp.float32)
        xs3_ref[...] = dis * t3

    r = n_pad // grid_r
    row = lambda i: (i, 0)
    fix = lambda i: (0, 0)
    return pl.pallas_call(
        body,
        grid=(grid_r,),
        in_specs=[
            pl.BlockSpec((r, h // 2), row),
            pl.BlockSpec((r, h // 2), row),
            pl.BlockSpec((r, h), row),
            pl.BlockSpec((r, 1), row),
            pl.BlockSpec((1, h), fix),
            pl.BlockSpec((h, h), fix),
        ],
        out_specs=[pl.BlockSpec((r, h), row)],
        out_shape=[jax.ShapeDtypeStruct((n_pad, h), jnp.float32)],
    )


def _tc_stage3(n_pad, h, nb, c, grid_r):
    r = n_pad // grid_r

    def body(aA_ref, aB_ref, xs3_ref, dis_ref, b3_ref, batch_ref,
             wlin_ref, blin_ref, xn_ref, out_ref, sums_ref, cnt_ref):
        i = pl.program_id(0)

        @pl.when(i == 0)
        def _():
            sums_ref[...] = jnp.zeros_like(sums_ref)
            cnt_ref[...] = jnp.zeros_like(cnt_ref)

        dis = dis_ref[...]
        a = jnp.concatenate([aA_ref[...], aB_ref[...]], axis=1)
        h3 = dis * (a + xs3_ref[...]) + b3_ref[...]
        seg = lax.broadcasted_iota(jnp.int32, (r, nb), 1)
        onehot = (batch_ref[...] == seg).astype(jnp.float32)
        dn = (((0,), (0,)), ((), ()))
        sums_ref[...] += lax.dot_general(
            onehot, h3, dn, preferred_element_type=jnp.float32)
        cnt_ref[...] += lax.dot_general(
            onehot, jnp.ones((r, h), jnp.float32), dn,
            preferred_element_type=jnp.float32)

        @pl.when(i == grid_r - 1)
        def _():
            pooled = sums_ref[...] / jnp.maximum(cnt_ref[...], 1.0)
            nrm = jnp.sqrt(jnp.sum(pooled * pooled, axis=1, keepdims=True))
            xn = pooled / jnp.maximum(nrm, 1e-12)
            xn_ref[...] = xn
            wl = wlin_ref[...]
            wn = jnp.sqrt(jnp.sum(wl * wl, axis=1, keepdims=True))
            wl = wl / jnp.maximum(wn, 1e-12)
            out_ref[...] = lax.dot_general(
                xn, wl, (((1,), (1,)), ((), ())),
                preferred_element_type=jnp.float32) + blin_ref[...]

    row = lambda i: (i, 0)
    fix = lambda i: (0, 0)
    return pl.pallas_call(
        body,
        grid=(grid_r,),
        in_specs=[
            pl.BlockSpec((r, h // 2), row),
            pl.BlockSpec((r, h // 2), row),
            pl.BlockSpec((r, h), row),
            pl.BlockSpec((r, 1), row),
            pl.BlockSpec((1, h), fix),
            pl.BlockSpec((r, 1), row),
            pl.BlockSpec((c, h), fix),
            pl.BlockSpec((1, c), fix),
        ],
        out_specs=[pl.BlockSpec((nb, h), fix), pl.BlockSpec((nb, c), fix)],
        out_shape=[jax.ShapeDtypeStruct((nb, h), jnp.float32),
                   jax.ShapeDtypeStruct((nb, c), jnp.float32)],
        scratch_shapes=[pltpu.VMEM((nb, h), jnp.float32),
                        pltpu.VMEM((nb, h), jnp.float32)],
    )


def kernel(x, edge_index, batch, W1_rel, W1_root, b1, W2, b2, W3, b3,
           Wlin, blin):
    n, d = x.shape
    h = W1_rel.shape[0]
    c = Wlin.shape[0]
    nb = 64
    e = edge_index.shape[1]

    n_pad = ((n + NS * 8 - 1) // (NS * 8)) * (NS * 8)
    e_grain = NS * 4 * K
    e_pad = ((e + e_grain - 1) // e_grain) * e_grain
    grid_r = 8
    assert n_pad % grid_r == 0

    f32 = jnp.float32
    x_p = jnp.concatenate([x, jnp.zeros((n_pad - n, d), f32)], axis=0)
    pad_idx = jnp.full((e_pad - e,), n, jnp.int32)
    src = jnp.concatenate([edge_index[0], pad_idx])
    dst = jnp.concatenate([edge_index[1], pad_idx])
    src2 = jnp.concatenate([2 * src, 2 * src + 1])
    dst2 = dst
    batch_p = jnp.concatenate([batch, jnp.full((n_pad - n,), nb, jnp.int32)])
    batch2d = batch_p.reshape(n_pad, 1)
    dh = d // 2
    zeros = jnp.zeros((2 * n_pad, dh), f32)
    zeros16 = jnp.zeros((n_pad, L), f32)
    ones = jnp.ones((4 * K, L), f32)

    sc1 = _make_sc_scatter(n_pad, dh, e_pad, with_deg=True)
    sc23 = _make_sc_scatter(n_pad, dh, e_pad, with_deg=False)

    acc1, deg2 = sc1(x_p.reshape(2 * n_pad, dh), src2, dst2,
                     zeros, zeros16, ones)
    deg = deg2[:n_pad, 0].reshape(n_pad, 1)

    xs2, dis = _tc_stage1(n_pad, d, h, grid_r)(
        x_p, acc1[:n_pad], acc1[n_pad:], deg, W1_rel.T, W1_root.T,
        b1.reshape(1, h), W2.T)

    (acc2,) = sc23(xs2.reshape(2 * n_pad, dh), src2, dst2,
                   zeros, zeros16, ones)
    (xs3,) = _tc_stage2(n_pad, h, grid_r)(
        acc2[:n_pad], acc2[n_pad:], xs2, dis, b2.reshape(1, h), W3.T)

    (acc3,) = sc23(xs3.reshape(2 * n_pad, dh), src2, dst2,
                   zeros, zeros16, ones)
    xn, out = _tc_stage3(n_pad, h, nb, c, grid_r)(
        acc3[:n_pad], acc3[n_pad:], xs3, dis, b3.reshape(1, h), batch2d,
        Wlin, blin.reshape(1, c))
    return (xn, out)

# --- scband reference (transcript-rebuilt; emitter-appended) ---
"""Pipeline reference for scband-gc-gnn-drop-message-5841155523231 (READ-ONLY COPY).

The authoritative reference and input builder live on the scoring server;
editing this copy changes nothing except your own understanding.
"""

import jax, jax.numpy as jnp
import numpy as np

N = 10000
E = 320000
D = 128
H = 128
C = 10
B = 64


def _xavier(key, fan_out, fan_in):
    a = float(np.sqrt(6.0 / (fan_in + fan_out)))
    return jax.random.uniform(key, (fan_out, fan_in), dtype=jnp.float32, minval=-a, maxval=a)


def setup_inputs(seed: int = 0) -> dict:
    key = jax.random.key(seed)
    ks = jax.random.split(key, 10)
    x = jax.random.normal(ks[0], (N, D), dtype=jnp.float32)
    edge_index = jax.random.randint(ks[1], (2, E), 0, N, dtype=jnp.int32)
    batch = jnp.sort(jax.random.randint(ks[2], (N,), 0, B, dtype=jnp.int32))
    return {
        "x": x,
        "edge_index": edge_index,
        "batch": batch,
        "W1_rel": _xavier(ks[3], H, D),
        "W1_root": _xavier(ks[4], H, D),
        "b1": jnp.zeros((H,), jnp.float32),
        "W2": _xavier(ks[5], H, H),
        "b2": jnp.zeros((H,), jnp.float32),
        "W3": _xavier(ks[6], H, H),
        "b3": jnp.zeros((H,), jnp.float32),
        "Wlin": _xavier(ks[7], C, H),
        "blin": jnp.zeros((C,), jnp.float32),
    }


def _gcn_drop_message(x, edge_index, W, b):
    # eval mode: F.dropout on messages is identity
    n = x.shape[0]
    loop = jnp.arange(n, dtype=edge_index.dtype)
    src = jnp.concatenate([edge_index[0], loop])
    dst = jnp.concatenate([edge_index[1], loop])
    h = x @ W.T
    deg = jnp.zeros((n,), h.dtype).at[dst].add(1.0)
    dis = jnp.where(deg > 0, deg ** -0.5, 0.0)
    norm = dis[src] * dis[dst]
    msg = norm[:, None] * h[src]
    out = jnp.zeros_like(h).at[dst].add(msg)
    return out + b


def _graph_conv(x, edge_index, W_rel, W_root, b):
    # PyG GraphConv aggr='add': out = lin_rel(sum_j x_j) + lin_root(x)
    n = x.shape[0]
    src, dst = edge_index[0], edge_index[1]
    aggr = jnp.zeros((n, x.shape[1]), x.dtype).at[dst].add(x[src])
    return aggr @ W_rel.T + b + x @ W_root.T


def reference(x, edge_index, batch, W1_rel, W1_root, b1, W2, b2, W3, b3, Wlin, blin):
    h = jax.nn.relu(_graph_conv(x, edge_index, W1_rel, W1_root, b1))
    h = jax.nn.relu(_gcn_drop_message(h, edge_index, W2, b2))
    h = _gcn_drop_message(h, edge_index, W3, b3)
    sums = jax.ops.segment_sum(h, batch, num_segments=B)
    counts = jax.ops.segment_sum(jnp.ones((h.shape[0],), h.dtype), batch, num_segments=B)
    pooled = sums / jnp.maximum(counts, 1.0)[:, None]
    xn = pooled / jnp.maximum(jnp.linalg.norm(pooled, axis=1, keepdims=True), 1e-12)
    Wn = Wlin / jnp.maximum(jnp.linalg.norm(Wlin, axis=1, keepdims=True), 1e-12)
    # eval mode: dropout identity
    out = xn @ Wn.T + blin
    return (xn, out)

if __name__ == "__main__":
    import jax
    _d = setup_inputs()
    print(jax.jit(kernel)(*tuple(_d.values())))

</pallas_src>

<mosaic_0001>
#map = affine_map<(d0, d1) -> (0, 0)>
#map1 = affine_map<(d0, d1) -> (0)>
module attributes {stable_mosaic.version = 14 : i64} {
  func.func @k(%arg0: i32, %arg1: i32, %arg2: memref<20224x64xf32, #tpu.memory_space<hbm>>, %arg3: memref<655360xi32, #tpu.memory_space<hbm>>, %arg4: memref<327680xi32, #tpu.memory_space<hbm>>, %arg5: memref<20224x64xf32, #tpu.memory_space<hbm>>, %arg6: memref<10112x16xf32, #tpu.memory_space<hbm>>, %arg7: memref<512x16xf32, #tpu.memory_space<hbm>>, %arg8: memref<20224x64xf32, #tpu.memory_space<hbm>>, %arg9: memref<2048xi32, #tpu.memory_space<vmem>>, %arg10: memref<2048xi32, #tpu.memory_space<vmem>>, %arg11: memref<1024x64xf32, #tpu.memory_space<vmem>>, %arg12: memref<512x16xf32, #tpu.memory_space<vmem>>, %arg13: memref<128x16xf32, #tpu.memory_space<vmem>>, %arg14: memref<10112x64xf32, #tpu.memory_space<vmem_shared>>, %arg15: memref<10112x16xf32, #tpu.memory_space<vmem_shared>>, %arg16: memref<!tpu.dma_semaphore, #tpu.memory_space<semaphore_mem>>, %arg17: memref<!tpu.dma_semaphore, #tpu.memory_space<semaphore_mem>>, %arg18: memref<!tpu.dma_semaphore, #tpu.memory_space<semaphore_mem>>, %arg19: memref<!tpu.dma_semaphore, #tpu.memory_space<semaphore_mem>>) attributes {dimension_semantics = [#tpu.dimension_semantics<core_parallel>, #tpu.dimension_semantics<subcore_parallel>], iteration_bounds = array<i64: 2, 16>, scalar_prefetch = 0 : i64, scratch_operands = 11 : i64, tpu.core_type = #tpu.core_type<sc_vector_subcore>, window_params = [{transform_indices = #map}, {transform_indices = #map1}, {transform_indices = #map1}, {transform_indices = #map}, {transform_indices = #map}, {transform_indices = #map}, {transform_indices = #map}]} {
    %mul3A = arith.constant 632 : i32
    %mul3A_0 = arith.muli %arg1, %mul3A : i32
    "tpu.region"() ({
      %run_scoped3A = tpu.sem_alloc : memref<!tpu.dma_semaphore, #tpu.memory_space<semaphore_mem>>
      %dma_start3A_98 = arith.constant 0 : i32
      %dma_start3A_99 = arith.constant 0 : i32
      %dma_start3A_100 = tpu.memref_slice %arg11[%dma_start3A_98, %dma_start3A_99] : memref<1024x64xf32, #tpu.memory_space<vmem>> -> memref<128x64xf32, #tpu.memory_space<vmem>>
      %dma_start3A_101 = arith.constant 0 : i32
      %dma_start3A_102 = arith.constant 0 : i32
      %dma_start3A_103 = tpu.memref_slice %arg5[%dma_start3A_101, %dma_start3A_102] : memref<20224x64xf32, #tpu.memory_space<hbm>> -> memref<128x64xf32, #tpu.memory_space<hbm>>
      %dma_start3A_104 = arith.constant 0 : i32
      %dma_start3A_105 = arith.constant 0 : i32
      %dma_start3A_106 = tpu.memref_slice %arg11[%dma_start3A_104, %dma_start3A_105] : memref<1024x64xf32, #tpu.memory_space<vmem>> -> memref<128x64xf32, #tpu.memory_space<vmem>>
      %dma_start3A_107 = arith.constant 0 : i32
      %dma_start3A_108 = arith.constant 0 : i32
      %dma_start3A_109 = tpu.memref_slice %arg5[%dma_start3A_107, %dma_start3A_108] : memref<20224x64xf32, #tpu.memory_space<hbm>> -> memref<128x64xf32, #tpu.memory_space<hbm>>
      tpu.enqueue_dma source(%dma_start3A_109 : memref<128x64xf32, #tpu.memory_space<hbm>>) target(%dma_start3A_106 : memref<128x64xf32, #tpu.memory_space<vmem>>) target_semaphore(%run_scoped3A : memref<!tpu.dma_semaphore, #tpu.memory_space<semaphore_mem>>)
      %dma_wait3A_110 = arith.constant 0 : i32
      %dma_wait3A_111 = arith.constant 0 : i32
      %dma_wait3A_112 = tpu.memref_slice %arg11[%dma_wait3A_110, %dma_wait3A_111] : memref<1024x64xf32, #tpu.memory_space<vmem>> -> memref<128x64xf32, #tpu.memory_space<vmem>>
      %dma_wait3A_113 = arith.constant 0 : i32
      %dma_wait3A_114 = arith.constant 0 : i32
      %dma_wait3A_115 = tpu.memref_slice %arg5[%dma_wait3A_113, %dma_wait3A_114] : memref<20224x64xf32, #tpu.memory_space<hbm>> -> memref<128x64xf32, #tpu.memory_space<hbm>>
      %dma_wait3A_116 = arith.constant 0 : i32
      %dma_wait3A_117 = arith.constant 0 : i32
      %dma_wait3A_118 = tpu.memref_slice %arg11[%dma_wait3A_116, %dma_wait3A_117] : memref<1024x64xf32, #tpu.memory_space<vmem>> -> memref<128x64xf32, #tpu.memory_space<vmem>>
      %dma_wait3A_119 = arith.constant 0 : i32
      %dma_wait3A_120 = arith.constant 0 : i32
      %dma_wait3A_121 = tpu.memref_slice %arg5[%dma_wait3A_119, %dma_wait3A_120] : memref<20224x64xf32, #tpu.memory_space<hbm>> -> memref<128x64xf32, #tpu.memory_space<hbm>>
      tpu.wait_dma2 semaphore(%run_scoped3A : memref<!tpu.dma_semaphore, #tpu.memory_space<semaphore_mem>>) src(%dma_wait3A_121 : memref<128x64xf32, #tpu.memory_space<hbm>>) dst(%dma_wait3A_118 : memref<128x64xf32, #tpu.memory_space<vmem>>)
      tpu.yield
    }) : () -> ()
    %add3A = arith.constant 0 : i32
    %add3A_1 = arith.addi %mul3A_0, %add3A : i32
    "tpu.region"() ({
      %run_scoped3A = tpu.sem_alloc : memref<!tpu.dma_semaphore, #tpu.memory_space<semaphore_mem>>
      %dma_start3A_98 = arith.constant 0 : i32
      %dma_start3A_99 = arith.constant 0 : i32
      %dma_start3A_100 = tpu.memref_slice %arg11[%dma_start3A_98, %dma_start3A_99] : memref<1024x64xf32, #tpu.memory_space<vmem>> -> memref<128x64xf32, #tpu.memory_space<vmem>>
      %dma_start3A_101 = arith.constant 0 : i32
      %dma_start3A_102 = tpu.memref_slice %arg14[%add3A_1, %dma_start3A_101] : memref<10112x64xf32, #tpu.memory_space<vmem_shared>> -> memref<128x64xf32, #tpu.memory_space<vmem_shared>>
      %dma_start3A_103 = arith.constant 0 : i32
      %dma_start3A_104 = tpu.memref_slice %arg14[%add3A_1, %dma_start3A_103] : memref<10112x64xf32, #tpu.memory_space<vmem_shared>> -> memref<128x64xf32, #tpu.memory_space<vmem_shared>>
      %dma_start3A_105 = arith.constant 0 : i32
      %dma_start3A_106 = arith.constant 0 : i32
      %dma_start3A_107 = tpu.memref_slice %arg11[%dma_start3A_105, %dma_start3A_106] : memref<1024x64xf32, #tpu.memory_space<vmem>> -> memref<128x64xf32, #tpu.memory_space<vmem>>
      tpu.enqueue_dma source(%dma_start3A_107 : memref<128x64xf32, #tpu.memory_space<vmem>>) target(%dma_start3A_104 : memref<128x64xf32, #tpu.memory_space<vmem_shared>>) target_semaphore(%run_scoped3A : memref<!tpu.dma_semaphore, #tpu.memory_space<semaphore_mem>>)
      %dma_wait3A_108 = arith.constant 0 : i32
      %dma_wait3A_109 = arith.constant 0 : i32
      %dma_wait3A_110 = tpu.memref_slice %arg11[%dma_wait3A_108, %dma_wait3A_109] : memref<1024x64xf32, #tpu.memory_space<vmem>> -> memref<128x64xf32, #tpu.memory_space<vmem>>
      %dma_wait3A_111 = arith.constant 0 : i32
      %dma_wait3A_112 = tpu.memref_slice %arg14[%add3A_1, %dma_wait3A_111] : memref<10112x64xf32, #tpu.memory_space<vmem_shared>> -> memref<128x64xf32, #tpu.memory_space<vmem_shared>>
      %dma_wait3A_113 = arith.constant 0 : i32
      %dma_wait3A_114 = tpu.memref_slice %arg14[%add3A_1, %dma_wait3A_113] : memref<10112x64xf32, #tpu.memory_space<vmem_shared>> -> memref<128x64xf32, #tpu.memory_space<vmem_shared>>
      %dma_wait3A_115 = arith.constant 0 : i32
      %dma_wait3A_116 = arith.constant 0 : i32
      %dma_wait3A_117 = tpu.memref_slice %arg11[%dma_wait3A_115, %dma_wait3A_116] : memref<1024x64xf32, #tpu.memory_space<vmem>> -> memref<128x64xf32, #tpu.memory_space<vmem>>
      tpu.wait_dma2 semaphore(%run_scoped3A : memref<!tpu.dma_semaphore, #tpu.memory_space<semaphore_mem>>) src(%dma_wait3A_117 : memref<128x64xf32, #tpu.memory_space<vmem>>) dst(%dma_wait3A_114 : memref<128x64xf32, #tpu.memory_space<vmem_shared>>)
      tpu.yield
    }) : () -> ()
    %add3A_2 = arith.constant 128 : i32
    %add3A_3 = arith.addi %mul3A_0, %add3A_2 : i32
    "tpu.region"() ({
      %run_scoped3A = tpu.sem_alloc : memref<!tpu.dma_semaphore, #tpu.memory_space<semaphore_mem>>
      %dma_start3A_98 = arith.constant 0 : i32
      %dma_start3A_99 = arith.constant 0 : i32
      %dma_start3A_100 = tpu.memref_slice %arg11[%dma_start3A_98, %dma_start3A_99] : memref<1024x64xf32, #tpu.memory_space<vmem>> -> memref<128x64xf32, #tpu.memory_space<vmem>>
      %dma_start3A_101 = arith.constant 0 : i32
      %dma_start3A_102 = tpu.memref_slice %arg14[%add3A_3, %dma_start3A_101] : memref<10112x64xf32, #tpu.memory_space<vmem_shared>> -> memref<128x64xf32, #tpu.memory_space<vmem_shared>>
      %dma_start3A_103 = arith.constant 0 : i32
      %dma_start3A_104 = tpu.memref_slice %arg14[%add3A_3, %dma_start3A_103] : memref<10112x64xf32, #tpu.memory_space<vmem_shared>> -> memref<128x64xf32, #tpu.memory_space<vmem_shared>>
      %dma_start3A_105 = arith.constant 0 : i32
      %dma_start3A_106 = arith.constant 0 : i32
      %dma_start3A_107 = tpu.memref_slice %arg11[%dma_start3A_105, %dma_start3A_106] : memref<1024x64xf32, #tpu.memory_space<vmem>> -> memref<128x64xf32, #tpu.memory_space<vmem>>
      tpu.enqueue_dma source(%dma_start3A_107 : memref<128x64xf32, #tpu.memory_space<vmem>>) target(%dma_start3A_104 : memref<128x64xf32, #tpu.memory_space<vmem_shared>>) target_semaphore(%run_scoped3A : memref<!tpu.dma_semaphore, #tpu.memory_space<semaphore_mem>>)
      %dma_wait3A_108 = arith.constant 0 : i32
      %dma_wait3A_109 = arith.constant 0 : i32
      %dma_wait3A_110 = tpu.memref_slice %arg11[%dma_wait3A_108, %dma_wait3A_109] : memref<1024x64xf32, #tpu.memory_space<vmem>> -> memref<128x64xf32, #tpu.memory_space<vmem>>
      %dma_wait3A_111 = arith.constant 0 : i32
      %dma_wait3A_112 = tpu.memref_slice %arg14[%add3A_3, %dma_wait3A_111] : memref<10112x64xf32, #tpu.memory_space<vmem_shared>> -> memref<128x64xf32, #tpu.memory_space<vmem_shared>>
      %dma_wait3A_113 = arith.constant 0 : i32
      %dma_wait3A_114 = tpu.memref_slice %arg14[%add3A_3, %dma_wait3A_113] : memref<10112x64xf32, #tpu.memory_space<vmem_shared>> -> memref<128x64xf32, #tpu.memory_space<vmem_shared>>
      %dma_wait3A_115 = arith.constant 0 : i32
      %dma_wait3A_116 = arith.constant 0 : i32
      %dma_wait3A_117 = tpu.memref_slice %arg11[%dma_wait3A_115, %dma_wait3A_116] : memref<1024x64xf32, #tpu.memory_space<vmem>> -> memref<128x64xf32, #tpu.memory_space<vmem>>
      tpu.wait_dma2 semaphore(%run_scoped3A : memref<!tpu.dma_semaphore, #tpu.memory_space<semaphore_mem>>) src(%dma_wait3A_117 : memref<128x64xf32, #tpu.memory_space<vmem>>) dst(%dma_wait3A_114 : memref<128x64xf32, #tpu.memory_space<vmem_shared>>)
      tpu.yield
    }) : () -> ()
    %add3A_4 = arith.constant 256 : i32
    %add3A_5 = arith.addi %mul3A_0, %add3A_4 : i32
    "tpu.region"() ({
      %run_scoped3A = tpu.sem_alloc : memref<!tpu.dma_semaphore, #tpu.memory_space<semaphore_mem>>
      %dma_start3A_98 = arith.constant 0 : i32
      %dma_start3A_99 = arith.constant 0 : i32
      %dma_start3A_100 = tpu.memref_slice %arg11[%dma_start3A_98, %dma_start3A_99] : memref<1024x64xf32, #tpu.memory_space<vmem>> -> memref<128x64xf32, #tpu.memory_space<vmem>>
      %dma_start3A_101 = arith.constant 0 : i32
      %dma_start3A_102 = tpu.memref_slice %arg14[%add3A_5, %dma_start3A_101] : memref<10112x64xf32, #tpu.memory_space<vmem_shared>> -> memref<128x64xf32, #tpu.memory_space<vmem_shared>>
      %dma_start3A_103 = arith.constant 0 : i32
      %dma_start3A_104 = tpu.memref_slice %arg14[%add3A_5, %dma_start3A_103] : memref<10112x64xf32, #tpu.memory_space<vmem_shared>> -> memref<128x64xf32, #tpu.memory_space<vmem_shared>>
      %dma_start3A_105 = arith.constant 0 : i32
      %dma_start3A_106 = arith.constant 0 : i32
      %dma_start3A_107 = tpu.memref_slice %arg11[%dma_start3A_105, %dma_start3A_106] : memref<1024x64xf32, #tpu.memory_space<vmem>> -> memref<128x64xf32, #tpu.memory_space<vmem>>
      tpu.enqueue_dma source(%dma_start3A_107 : memref<128x64xf32, #tpu.memory_space<vmem>>) target(%dma_start3A_104 : memref<128x64xf32, #tpu.memory_space<vmem_shared>>) target_semaphore(%run_scoped3A : memref<!tpu.dma_semaphore, #tpu.memory_space<semaphore_mem>>)
      %dma_wait3A_108 = arith.constant 0 : i32
      %dma_wait3A_109 = arith.constant 0 : i32
      %dma_wait3A_110 = tpu.memref_slice %arg11[%dma_wait3A_108, %dma_wait3A_109] : memref<1024x64xf32, #tpu.memory_space<vmem>> -> memref<128x64xf32, #tpu.memory_space<vmem>>
      %dma_wait3A_111 = arith.constant 0 : i32
      %dma_wait3A_112 = tpu.memref_slice %arg14[%add3A_5, %dma_wait3A_111] : memref<10112x64xf32, #tpu.memory_space<vmem_shared>> -> memref<128x64xf32, #tpu.memory_space<vmem_shared>>
      %dma_wait3A_113 = arith.constant 0 : i32
      %dma_wait3A_114 = tpu.memref_slice %arg14[%add3A_5, %dma_wait3A_113] : memref<10112x64xf32, #tpu.memory_space<vmem_shared>> -> memref<128x64xf32, #tpu.memory_space<vmem_shared>>
      %dma_wait3A_115 = arith.constant 0 : i32
      %dma_wait3A_116 = arith.constant 0 : i32
      %dma_wait3A_117 = tpu.memref_slice %arg11[%dma_wait3A_115, %dma_wait3A_116] : memref<1024x64xf32, #tpu.memory_space<vmem>> -> memref<128x64xf32, #tpu.memory_space<vmem>>
      tpu.wait_dma2 semaphore(%run_scoped3A : memref<!tpu.dma_semaphore, #tpu.memory_space<semaphore_mem>>) src(%dma_wait3A_117 : memref<128x64xf32, #tpu.memory_space<vmem>>) dst(%dma_wait3A_114 : memref<128x64xf32, #tpu.memory_space<vmem_shared>>)
      tpu.yield
    }) : () -> ()
    %add3A_6 = arith.constant 384 : i32
    %add3A_7 = arith.addi %mul3A_0, %add3A_6 : i32
    "tpu.region"() ({
      %run_scoped3A = tpu.sem_alloc : memref<!tpu.dma_semaphore, #tpu.memory_space<semaphore_mem>>
      %dma_start3A_98 = arith.constant 0 : i32
      %dma_start3A_99 = arith.constant 0 : i32
      %dma_start3A_100 = tpu.memref_slice %arg11[%dma_start3A_98, %dma_start3A_99] : memref<1024x64xf32, #tpu.memory_space<vmem>> -> memref<128x64xf32, #tpu.memory_space<vmem>>
      %dma_start3A_101 = arith.constant 0 : i32
      %dma_start3A_102 = tpu.memref_slice %arg14[%add3A_7, %dma_start3A_101] : memref<10112x64xf32, #tpu.memory_space<vmem_shared>> -> memref<128x64xf32, #tpu.memory_space<vmem_shared>>
      %dma_start3A_103 = arith.constant 0 : i32
      %dma_start3A_104 = tpu.memref_slice %arg14[%add3A_7, %dma_start3A_103] : memref<10112x64xf32, #tpu.memory_space<vmem_shared>> -> memref<128x64xf32, #tpu.memory_space<vmem_shared>>
      %dma_start3A_105 = arith.constant 0 : i32
      %dma_start3A_106 = arith.constant 0 : i32
      %dma_start3A_107 = tpu.memref_slice %arg11[%dma_start3A_105, %dma_start3A_106] : memref<1024x64xf32, #tpu.memory_space<vmem>> -> memref<128x64xf32, #tpu.memory_space<vmem>>
      tpu.enqueue_dma source(%dma_start3A_107 : memref<128x64xf32, #tpu.memory_space<vmem>>) target(%dma_start3A_104 : memref<128x64xf32, #tpu.memory_space<vmem_shared>>) target_semaphore(%run_scoped3A : memref<!tpu.dma_semaphore, #tpu.memory_space<semaphore_mem>>)
      %dma_wait3A_108 = arith.constant 0 : i32
      %dma_wait3A_109 = arith.constant 0 : i32
      %dma_wait3A_110 = tpu.memref_slice %arg11[%dma_wait3A_108, %dma_wait3A_109] : memref<1024x64xf32, #tpu.memory_space<vmem>> -> memref<128x64xf32, #tpu.memory_space<vmem>>
      %dma_wait3A_111 = arith.constant 0 : i32
      %dma_wait3A_112 = tpu.memref_slice %arg14[%add3A_7, %dma_wait3A_111] : memref<10112x64xf32, #tpu.memory_space<vmem_shared>> -> memref<128x64xf32, #tpu.memory_space<vmem_shared>>
      %dma_wait3A_113 = arith.constant 0 : i32
      %dma_wait3A_114 = tpu.memref_slice %arg14[%add3A_7, %dma_wait3A_113] : memref<10112x64xf32, #tpu.memory_space<vmem_shared>> -> memref<128x64xf32, #tpu.memory_space<vmem_shared>>
      %dma_wait3A_115 = arith.constant 0 : i32
      %dma_wait3A_116 = arith.constant 0 : i32
      %dma_wait3A_117 = tpu.memref_slice %arg11[%dma_wait3A_115, %dma_wait3A_116] : memref<1024x64xf32, #tpu.memory_space<vmem>> -> memref<128x64xf32, #tpu.memory_space<vmem>>
      tpu.wait_dma2 semaphore(%run_scoped3A : memref<!tpu.dma_semaphore, #tpu.memory_space<semaphore_mem>>) src(%dma_wait3A_117 : memref<128x64xf32, #tpu.memory_space<vmem>>) dst(%dma_wait3A_114 : memref<128x64xf32, #tpu.memory_space<vmem_shared>>)
      tpu.yield
    }) : () -> ()
    %add3A_8 = arith.constant 512 : i32
    %add3A_9 = arith.addi %mul3A_0, %add3A_8 : i32
    "tpu.region"() ({
      %run_scoped3A = tpu.sem_alloc : memref<!tpu.dma_semaphore, #tpu.memory_space<semaphore_mem>>
      %dma_start3A_98 = arith.constant 0 : i32
      %dma_start3A_99 = arith.constant 0 : i32
      %dma_start3A_100 = tpu.memref_slice %arg11[%dma_start3A_98, %dma_start3A_99] : memref<1024x64xf32, #tpu.memory_space<vmem>> -> memref<120x64xf32, #tpu.memory_space<vmem>>
      %dma_start3A_101 = arith.constant 0 : i32
      %dma_start3A_102 = tpu.memref_slice %arg14[%add3A_9, %dma_start3A_101] : memref<10112x64xf32, #tpu.memory_space<vmem_shared>> -> memref<120x64xf32, #tpu.memory_space<vmem_shared>>
      %dma_start3A_103 = arith.constant 0 : i32
      %dma_start3A_104 = tpu.memref_slice %arg14[%add3A_9, %dma_start3A_103] : memref<10112x64xf32, #tpu.memory_space<vmem_shared>> -> memref<120x64xf32, #tpu.memory_space<vmem_shared>>
      %dma_start3A_105 = arith.constant 0 : i32
      %dma_start3A_106 = arith.constant 0 : i32
      %dma_start3A_107 = tpu.memref_slice %arg11[%dma_start3A_105, %dma_start3A_106] : memref<1024x64xf32, #tpu.memory_space<vmem>> -> memref<120x64xf32, #tpu.memory_space<vmem>>
      tpu.enqueue_dma source(%dma_start3A_107 : memref<120x64xf32, #tpu.memory_space<vmem>>) target(%dma_start3A_104 : memref<120x64xf32, #tpu.memory_space<vmem_shared>>) target_semaphore(%run_scoped3A : memref<!tpu.dma_semaphore, #tpu.memory_space<semaphore_mem>>)
      %dma_wait3A_108 = arith.constant 0 : i32
      %dma_wait3A_109 = arith.constant 0 : i32
      %dma_wait3A_110 = tpu.memref_slice %arg11[%dma_wait3A_108, %dma_wait3A_109] : memref<1024x64xf32, #tpu.memory_space<vmem>> -> memref<120x64xf32, #tpu.memory_space<vmem>>
      %dma_wait3A_111 = arith.constant 0 : i32
      %dma_wait3A_112 = tpu.memref_slice %arg14[%add3A_9, %dma_wait3A_111] : memref<10112x64xf32, #tpu.memory_space<vmem_shared>> -> memref<120x64xf32, #tpu.memory_space<vmem_shared>>
      %dma_wait3A_113 = arith.constant 0 : i32
      %dma_wait3A_114 = tpu.memref_slice %arg14[%add3A_9, %dma_wait3A_113] : memref<10112x64xf32, #tpu.memory_space<vmem_shared>> -> memref<120x64xf32, #tpu.memory_space<vmem_shared>>
      %dma_wait3A_115 = arith.constant 0 : i32
      %dma_wait3A_116 = arith.constant 0 : i32
      %dma_wait3A_117 = tpu.memref_slice %arg11[%dma_wait3A_115, %dma_wait3A_116] : memref<1024x64xf32, #tpu.memory_space<vmem>> -> memref<120x64xf32, #tpu.memory_space<vmem>>
      tpu.wait_dma2 semaphore(%run_scoped3A : memref<!tpu.dma_semaphore, #tpu.memory_space<semaphore_mem>>) src(%dma_wait3A_117 : memref<120x64xf32, #tpu.memory_space<vmem>>) dst(%dma_wait3A_114 : memref<120x64xf32, #tpu.memory_space<vmem_shared>>)
      tpu.yield
    }) : () -> ()
    %barrier3A = arith.constant 0 : index
    tpu.barrier barrier_id(%barrier3A)
    %mul3A_10 = arith.constant 40 : i32
    %mul3A_11 = arith.muli %arg1, %mul3A_10 : i32
    %add3A_12 = arith.constant 0 : i32
    %add3A_13 = arith.addi %mul3A_11, %add3A_12 : i32
    %mul3A_14 = arith.constant 512 : i32
    %mul3A_15 = arith.muli %add3A_13, %mul3A_14 : i32
    %mul3A_16 = arith.constant 327680 : i32
    %mul3A_17 = arith.muli %arg0, %mul3A_16 : i32
    %add3A_18 = arith.addi %mul3A_17, %mul3A_15 : i32
    %dma_start3A = arith.constant 0 : i32
    %dma_start3A_19 = tpu.memref_slice %arg9[%dma_start3A] : memref<2048xi32, #tpu.memory_space<vmem>> -> memref<512xi32, #tpu.memory_space<vmem>>
    %dma_start3A_20 = tpu.memref_slice %arg3[%add3A_18] : memref<655360xi32, #tpu.memory_space<hbm>> -> memref<512xi32, #tpu.memory_space<hbm>>
    %dma_start3A_21 = arith.constant 0 : i32
    %dma_start3A_22 = tpu.memref_slice %arg9[%dma_start3A_21] : memref<2048xi32, #tpu.memory_space<vmem>> -> memref<512xi32, #tpu.memory_space<vmem>>
    %dma_start3A_23 = tpu.memref_slice %arg3[%add3A_18] : memref<655360xi32, #tpu.memory_space<hbm>> -> memref<512xi32, #tpu.memory_space<hbm>>
    tpu.enqueue_dma source(%dma_start3A_23 : memref<512xi32, #tpu.memory_space<hbm>>) target(%dma_start3A_22 : memref<512xi32, #tpu.memory_space<vmem>>) target_semaphore(%arg16 : memref<!tpu.dma_semaphore, #tpu.memory_space<semaphore_mem>>)
    %dma_start3A_24 = arith.constant 0 : i32
    %dma_start3A_25 = tpu.memref_slice %arg10[%dma_start3A_24] : memref<2048xi32, #tpu.memory_space<vmem>> -> memref<512xi32, #tpu.memory_space<vmem>>
    %dma_start3A_26 = tpu.memref_slice %arg4[%mul3A_15] : memref<327680xi32, #tpu.memory_space<hbm>> -> memref<512xi32, #tpu.memory_space<hbm>>
    %dma_start3A_27 = arith.constant 0 : i32
    %dma_start3A_28 = tpu.memref_slice %arg10[%dma_start3A_27] : memref<2048xi32, #tpu.memory_space<vmem>> -> memref<512xi32, #tpu.memory_space<vmem>>
    %dma_start3A_29 = tpu.memref_slice %arg4[%mul3A_15] : memref<327680xi32, #tpu.memory_space<hbm>> -> memref<512xi32, #tpu.memory_space<hbm>>
    tpu.enqueue_dma source(%dma_start3A_29 : memref<512xi32, #tpu.memory_space<hbm>>) target(%dma_start3A_28 : memref<512xi32, #tpu.memory_space<vmem>>) target_semaphore(%arg16 : memref<!tpu.dma_semaphore, #tpu.memory_space<semaphore_mem>>)
    %scan3A = arith.constant 0 : i32
    %scan3A_30 = arith.constant 0 : i32
    %scan3A_31 = arith.constant 10 : i32
    %scan3A_32 = arith.addi %scan3A_30, %scan3A_31 : i32
    %scan3A_33 = arith.constant 1 : i32
    scf.for %scan3A_98 = %scan3A_30 to %scan3A_32 step %scan3A_33  : i32 {
      %mul3A_99 = arith.constant 4 : i32
      %mul3A_100 = arith.muli %mul3A_99, %scan3A_98 : i32
      %add3A_101 = arith.constant 0 : i32
      %add3A_102 = arith.addi %mul3A_100, %add3A_101 : i32
      %dma_wait3A_103 = arith.constant 0 : i32
      %dma_wait3A_104 = tpu.memref_slice %arg9[%dma_wait3A_103] : memref<2048xi32, #tpu.memory_space<vmem>> -> memref<512xi32, #tpu.memory_space<vmem>>
      %dma_wait3A_105 = arith.constant 0 : i32
      %dma_wait3A_106 = tpu.memref_slice %arg3[%dma_wait3A_105] : memref<655360xi32, #tpu.memory_space<hbm>> -> memref<512xi32, #tpu.memory_space<hbm>>
      %dma_wait3A_107 = arith.constant 0 : i32
      %dma_wait3A_108 = tpu.memref_slice %arg9[%dma_wait3A_107] : memref<2048xi32, #tpu.memory_space<vmem>> -> memref<512xi32, #tpu.memory_space<vmem>>
      %dma_wait3A_109 = arith.constant 0 : i32
      %dma_wait3A_110 = tpu.memref_slice %arg3[%dma_wait3A_109] : memref<655360xi32, #tpu.memory_space<hbm>> -> memref<512xi32, #tpu.memory_space<hbm>>
      tpu.wait_dma2 semaphore(%arg16 : memref<!tpu.dma_semaphore, #tpu.memory_space<semaphore_mem>>) src(%dma_wait3A_110 : memref<512xi32, #tpu.memory_space<hbm>>) dst(%dma_wait3A_108 : memref<512xi32, #tpu.memory_space<vmem>>)
      %dma_wait3A_111 = arith.constant 0 : i32
      %dma_wait3A_112 = tpu.memref_slice %arg10[%dma_wait3A_111] : memref<2048xi32, #tpu.memory_space<vmem>> -> memref<512xi32, #tpu.memory_space<vmem>>
      %dma_wait3A_113 = arith.constant 0 : i32
      %dma_wait3A_114 = tpu.memref_slice %arg4[%dma_wait3A_113] : memref<327680xi32, #tpu.memory_space<hbm>> -> memref<512xi32, #tpu.memory_space<hbm>>
      %dma_wait3A_115 = arith.constant 0 : i32
      %dma_wait3A_116 = tpu.memref_slice %arg10[%dma_wait3A_115] : memref<2048xi32, #tpu.memory_space<vmem>> -> memref<512xi32, #tpu.memory_space<vmem>>
      %dma_wait3A_117 = arith.constant 0 : i32
      %dma_wait3A_118 = tpu.memref_slice %arg4[%dma_wait3A_117] : memref<327680xi32, #tpu.memory_space<hbm>> -> memref<512xi32, #tpu.memory_space<hbm>>
      tpu.wait_dma2 semaphore(%arg16 : memref<!tpu.dma_semaphore, #tpu.memory_space<semaphore_mem>>) src(%dma_wait3A_118 : memref<512xi32, #tpu.memory_space<hbm>>) dst(%dma_wait3A_116 : memref<512xi32, #tpu.memory_space<vmem>>)
      %add3A_119 = arith.constant 1 : i32
      %add3A_120 = arith.addi %add3A_102, %add3A_119 : i32
      %min3A = arith.constant 39 : i32
      %min3A_121 = arith.minsi %add3A_120, %min3A : i32
      %mul3A_122 = arith.constant 40 : i32
      %mul3A_123 = arith.muli %arg1, %mul3A_122 : i32
      %add3A_124 = arith.addi %mul3A_123, %min3A_121 : i32
      %mul3A_125 = arith.constant 512 : i32
      %mul3A_126 = arith.muli %add3A_124, %mul3A_125 : i32
      %mul3A_127 = arith.constant 327680 : i32
      %mul3A_128 = arith.muli %arg0, %mul3A_127 : i32
      %add3A_129 = arith.addi %mul3A_128, %mul3A_126 : i32
      %dma_start3A_130 = arith.constant 512 : i32
      %dma_start3A_131 = tpu.memref_slice %arg9[%dma_start3A_130] : memref<2048xi32, #tpu.memory_space<vmem>> -> memref<512xi32, #tpu.memory_space<vmem>>
      %dma_start3A_132 = tpu.memref_slice %arg3[%add3A_129] : memref<655360xi32, #tpu.memory_space<hbm>> -> memref<512xi32, #tpu.memory_space<hbm>>
      %dma_start3A_133 = arith.constant 512 : i32
      %dma_start3A_134 = tpu.memref_slice %arg9[%dma_start3A_133] : memref<2048xi32, #tpu.memory_space<vmem>> -> memref<512xi32, #tpu.memory_space<vmem>>
      %dma_start3A_135 = tpu.memref_slice %arg3[%add3A_129] : memref<655360xi32, #tpu.memory_space<hbm>> -> memref<512xi32, #tpu.memory_space<hbm>>
      tpu.enqueue_dma source(%dma_start3A_135 : memref<512xi32, #tpu.memory_space<hbm>>) target(%dma_start3A_134 : memref<512xi32, #tpu.memory_space<vmem>>) target_semaphore(%arg16 : memref<!tpu.dma_semaphore, #tpu.memory_space<semaphore_mem>>)
      %dma_start3A_136 = arith.constant 512 : i32
      %dma_start3A_137 = tpu.memref_slice %arg10[%dma_start3A_136] : memref<2048xi32, #tpu.memory_space<vmem>> -> memref<512xi32, #tpu.memory_space<vmem>>
      %dma_start3A_138 = tpu.memref_slice %arg4[%mul3A_126] : memref<327680xi32, #tpu.memory_space<hbm>> -> memref<512xi32, #tpu.memory_space<hbm>>
      %dma_start3A_139 = arith.constant 512 : i32
      %dma_start3A_140 = tpu.memref_slice %arg10[%dma_start3A_139] : memref<2048xi32, #tpu.memory_space<vmem>> -> memref<512xi32, #tpu.memory_space<vmem>>
      %dma_start3A_141 = tpu.memref_slice %arg4[%mul3A_126] : memref<327680xi32, #tpu.memory_space<hbm>> -> memref<512xi32, #tpu.memory_space<hbm>>
      tpu.enqueue_dma source(%dma_start3A_141 : memref<512xi32, #tpu.memory_space<hbm>>) target(%dma_start3A_140 : memref<512xi32, #tpu.memory_space<vmem>>) target_semaphore(%arg16 : memref<!tpu.dma_semaphore, #tpu.memory_space<semaphore_mem>>)
      %ge3A = arith.constant 1 : i32
      %ge3A_142 = arith.cmpi sge, %scan3A_98, %ge3A : i32
      %convert_element_type3A = arith.extui %ge3A_142 : i1 to i32
      %cond3A = arith.constant 0 : i32
      %cond3A_143 = arith.cmpi ne, %convert_element_type3A, %cond3A : i32
      scf.if %cond3A_143 {
        %dma_wait3A_401 = arith.constant 0 : i32
        %dma_wait3A_402 = arith.constant 0 : i32
        %dma_wait3A_403 = tpu.memref_slice %arg11[%dma_wait3A_401, %dma_wait3A_402] : memref<1024x64xf32, #tpu.memory_space<vmem>> -> memref<512x64xf32, #tpu.memory_space<vmem>>
        %dma_wait3A_404 = arith.constant 0 : i32
        %dma_wait3A_405 = arith.constant 0 : i32
        %dma_wait3A_406 = tpu.memref_slice %arg14[%dma_wait3A_404, %dma_wait3A_405] : memref<10112x64xf32, #tpu.memory_space<vmem_shared>> -> memref<512x64xf32, #tpu.memory_space<vmem_shared>>
        %dma_wait3A_407 = arith.constant 0 : i32
        %dma_wait3A_408 = arith.constant 0 : i32
        %dma_wait3A_409 = tpu.memref_slice %arg14[%dma_wait3A_407, %dma_wait3A_408] : memref<10112x64xf32, #tpu.memory_space<vmem_shared>> -> memref<512x64xf32, #tpu.memory_space<vmem_shared>>
        %dma_wait3A_410 = arith.constant 0 : i32
        %dma_wait3A_411 = arith.constant 0 : i32
        %dma_wait3A_412 = tpu.memref_slice %arg11[%dma_wait3A_410, %dma_wait3A_411] : memref<1024x64xf32, #tpu.memory_space<vmem>> -> memref<512x64xf32, #tpu.memory_space<vmem>>
        tpu.wait_dma2 semaphore(%arg18 : memref<!tpu.dma_semaphore, #tpu.memory_space<semaphore_mem>>) src(%dma_wait3A_412 : memref<512x64xf32, #tpu.memory_space<vmem>>) dst(%dma_wait3A_409 : memref<512x64xf32, #tpu.memory_space<vmem_shared>>)
      } else {
      }
      %dma_start3A_144 = arith.constant 0 : i32
      %dma_start3A_145 = arith.constant 0 : i32
      %dma_start3A_146 = tpu.memref_slice %arg11[%dma_start3A_144, %dma_start3A_145] : memref<1024x64xf32, #tpu.memory_space<vmem>> -> memref<512x64xf32, #tpu.memory_space<vmem>>
      %dma_start3A_147 = arith.constant 0 : i32
      %dma_start3A_148 = tpu.memref_slice %arg9[%dma_start3A_147] : memref<2048xi32, #tpu.memory_space<vmem>> -> memref<512xi32, #tpu.memory_space<vmem>>
      %dma_start3A_149 = arith.constant 0 : i32
      %dma_start3A_150 = arith.constant 0 : i32
      %dma_start3A_151 = tpu.memref_slice %arg2[%dma_start3A_149, %dma_start3A_150] : memref<20224x64xf32, #tpu.memory_space<hbm>> -> memref<20224x64xf32, #tpu.memory_space<hbm>>
      tpu.enqueue_indirect_dma source(%dma_start3A_151 : memref<20224x64xf32, #tpu.memory_space<hbm>>) target(%dma_start3A_146 : memref<512x64xf32, #tpu.memory_space<vmem>>) offsets(%dma_start3A_148 : memref<512xi32, #tpu.memory_space<vmem>>) semaphore(%arg17 : memref<!tpu.dma_semaphore, #tpu.memory_space<semaphore_mem>>)
      %dma_wait3A_152 = arith.constant 0 : i32
      %dma_wait3A_153 = arith.constant 0 : i32
      %dma_wait3A_154 = tpu.memref_slice %arg11[%dma_wait3A_152, %dma_wait3A_153] : memref<1024x64xf32, #tpu.memory_space<vmem>> -> memref<512x64xf32, #tpu.memory_space<vmem>>
      %dma_wait3A_155 = arith.constant 0 : i32
      %dma_wait3A_156 = tpu.memref_slice %arg9[%dma_wait3A_155] : memref<2048xi32, #tpu.memory_space<vmem>> -> memref<512xi32, #tpu.memory_space<vmem>>
      %dma_wait3A_157 = arith.constant 0 : i32
      %dma_wait3A_158 = arith.constant 0 : i32
      %dma_wait3A_159 = tpu.memref_slice %arg2[%dma_wait3A_157, %dma_wait3A_158] : memref<20224x64xf32, #tpu.memory_space<hbm>> -> memref<20224x64xf32, #tpu.memory_space<hbm>>
      tpu.wait_indirect_dma semaphore(%arg17 : memref<!tpu.dma_semaphore, #tpu.memory_space<semaphore_mem>>) src(%dma_wait3A_159 : memref<20224x64xf32, #tpu.memory_space<hbm>>) dst(%dma_wait3A_154 : memref<512x64xf32, #tpu.memory_space<vmem>>)
      %dma_start3A_160 = arith.constant 0 : i32
      %dma_start3A_161 = arith.constant 0 : i32
      %dma_start3A_162 = tpu.memref_slice %arg11[%dma_start3A_160, %dma_start3A_161] : memref<1024x64xf32, #tpu.memory_space<vmem>> -> memref<512x64xf32, #tpu.memory_space<vmem>>
      %dma_start3A_163 = arith.constant 0 : i32
      %dma_start3A_164 = tpu.memref_slice %arg10[%dma_start3A_163] : memref<2048xi32, #tpu.memory_space<vmem>> -> memref<512xi32, #tpu.memory_space<vmem>>
      %dma_start3A_165 = arith.constant 0 : i32
      %dma_start3A_166 = arith.constant 0 : i32
      %dma_start3A_167 = tpu.memref_slice %arg14[%dma_start3A_165, %dma_start3A_166] : memref<10112x64xf32, #tpu.memory_space<vmem_shared>> -> memref<10112x64xf32, #tpu.memory_space<vmem_shared>>
      tpu.enqueue_indirect_dma source(%dma_start3A_162 : memref<512x64xf32, #tpu.memory_space<vmem>>) target(%dma_start3A_167 : memref<10112x64xf32, #tpu.memory_space<vmem_shared>>) offsets(%dma_start3A_164 : memref<512xi32, #tpu.memory_space<vmem>>) semaphore(%arg18 : memref<!tpu.dma_semaphore, #tpu.memory_space<semaphore_mem>>) {add = true}
      %mul3A_168 = arith.constant 4 : i32
      %mul3A_169 = arith.muli %mul3A_168, %scan3A_98 : i32
      %add3A_170 = arith.constant 1 : i32
      %add3A_171 = arith.addi %mul3A_169, %add3A_170 : i32
      %dma_wait3A_172 = arith.constant 512 : i32
      %dma_wait3A_173 = tpu.memref_slice %arg9[%dma_wait3A_172] : memref<2048xi32, #tpu.memory_space<vmem>> -> memref<512xi32, #tpu.memory_space<vmem>>
      %dma_wait3A_174 = arith.constant 0 : i32
      %dma_wait3A_175 = tpu.memref_slice %arg3[%dma_wait3A_174] : memref<655360xi32, #tpu.memory_space<hbm>> -> memref<512xi32, #tpu.memory_space<hbm>>
      %dma_wait3A_176 = arith.constant 512 : i32
      %dma_wait3A_177 = tpu.memref_slice %arg9[%dma_wait3A_176] : memref<2048xi32, #tpu.memory_space<vmem>> -> memref<512xi32, #tpu.memory_space<vmem>>
      %dma_wait3A_178 = arith.constant 0 : i32
      %dma_wait3A_179 = tpu.memref_slice %arg3[%dma_wait3A_178] : memref<655360xi32, #tpu.memory_space<hbm>> -> memref<512xi32, #tpu.memory_space<hbm>>
      tpu.wait_dma2 semaphore(%arg16 : memref<!tpu.dma_semaphore, #tpu.memory_space<semaphore_mem>>) src(%dma_wait3A_179 : memref<512xi32, #tpu.memory_space<hbm>>) dst(%dma_wait3A_177 : memref<512xi32, #tpu.memory_space<vmem>>)
      %dma_wait3A_180 = arith.constant 512 : i32
      %dma_wait3A_181 = tpu.memref_slice %arg10[%dma_wait3A_180] : memref<2048xi32, #tpu.memory_space<vmem>> -> memref<512xi32, #tpu.memory_space<vmem>>
      %dma_wait3A_182 = arith.constant 0 : i32
      %dma_wait3A_183 = tpu.memref_slice %arg4[%dma_wait3A_182] : memref<327680xi32, #tpu.memory_space<hbm>> -> memref<512xi32, #tpu.memory_space<hbm>>
      %dma_wait3A_184 = arith.constant 512 : i32
      %dma_wait3A_185 = tpu.memref_slice %arg10[%dma_wait3A_184] : memref<2048xi32, #tpu.memory_space<vmem>> -> memref<512xi32, #tpu.memory_space<vmem>>
      %dma_wait3A_186 = arith.constant 0 : i32
      %dma_wait3A_187 = tpu.memref_slice %arg4[%dma_wait3A_186] : memref<327680xi32, #tpu.memory_space<hbm>> -> memref<512xi32, #tpu.memory_space<hbm>>
      tpu.wait_dma2 semaphore(%arg16 : memref<!tpu.dma_semaphore, #tpu.memory_space<semaphore_mem>>) src(%dma_wait3A_187 : memref<512xi32, #tpu.memory_space<hbm>>) dst(%dma_wait3A_185 : memref<512xi32, #tpu.memory_space<vmem>>)
      %add3A_188 = arith.constant 1 : i32
      %add3A_189 = arith.addi %add3A_171, %add3A_188 : i32
      %min3A_190 = arith.constant 39 : i32
      %min3A_191 = arith.minsi %add3A_189, %min3A_190 : i32
      %mul3A_192 = arith.constant 40 : i32
      %mul3A_193 = arith.muli %arg1, %mul3A_192 : i32
      %add3A_194 = arith.addi %mul3A_193, %min3A_191 : i32
      %mul3A_195 = arith.constant 512 : i32
      %mul3A_196 = arith.muli %add3A_194, %mul3A_195 : i32
      %mul3A_197 = arith.constant 327680 : i32
      %mul3A_198 = arith.muli %arg0, %mul3A_197 : i32
      %add3A_199 = arith.addi %mul3A_198, %mul3A_196 : i32
      %dma_start3A_200 = arith.constant 1024 : i32
      %dma_start3A_201 = tpu.memref_slice %arg9[%dma_start3A_200] : memref<2048xi32, #tpu.memory_space<vmem>> -> memref<512xi32, #tpu.memory_space<vmem>>
      %dma_start3A_202 = tpu.memref_slice %arg3[%add3A_199] : memref<655360xi32, #tpu.memory_space<hbm>> -> memref<512xi32, #tpu.memory_space<hbm>>
      %dma_start3A_203 = arith.constant 1024 : i32
      %dma_start3A_204 = tpu.memref_slice %arg9[%dma_start3A_203] : memref<2048xi32, #tpu.memory_space<vmem>> -> memref<512xi32, #tpu.memory_space<vmem>>
      %dma_start3A_205 = tpu.memref_slice %arg3[%add3A_199] : memref<655360xi32, #tpu.memory_space<hbm>> -> memref<512xi32, #tpu.memory_space<hbm>>
      tpu.enqueue_dma source(%dma_start3A_205 : memref<512xi32, #tpu.memory_space<hbm>>) target(%dma_start3A_204 : memref<512xi32, #tpu.memory_space<vmem>>) target_semaphore(%arg16 : memref<!tpu.dma_semaphore, #tpu.memory_space<semaphore_mem>>)
      %dma_start3A_206 = arith.constant 1024 : i32
      %dma_start3A_207 = tpu.memref_slice %arg10[%dma_start3A_206] : memref<2048xi32, #tpu.memory_space<vmem>> -> memref<512xi32, #tpu.memory_space<vmem>>
      %dma_start3A_208 = tpu.memref_slice %arg4[%mul3A_196] : memref<327680xi32, #tpu.memory_space<hbm>> -> memref<512xi32, #tpu.memory_space<hbm>>
      %dma_start3A_209 = arith.constant 1024 : i32
      %dma_start3A_210 = tpu.memref_slice %arg10[%dma_start3A_209] : memref<2048xi32, #tpu.memory_space<vmem>> -> memref<512xi32, #tpu.memory_space<vmem>>
      %dma_start3A_211 = tpu.memref_slice %arg4[%mul3A_196] : memref<327680xi32, #tpu.memory_space<hbm>> -> memref<512xi32, #tpu.memory_space<hbm>>
      tpu.enqueue_dma source(%dma_start3A_211 : memref<512xi32, #tpu.memory_space<hbm>>) target(%dma_start3A_210 : memref<512xi32, #tpu.memory_space<vmem>>) target_semaphore(%arg16 : memref<!tpu.dma_semaphore, #tpu.memory_space<semaphore_mem>>)
      %ge3A_212 = arith.constant 1 : i32
      %ge3A_213 = arith.cmpi sge, %scan3A_98, %ge3A_212 : i32
      %convert_element_type3A_214 = arith.extui %ge3A_213 : i1 to i32
      %cond3A_215 = arith.constant 0 : i32
      %cond3A_216 = arith.cmpi ne, %convert_element_type3A_214, %cond3A_215 : i32
      scf.if %cond3A_216 {
        %dma_wait3A_401 = arith.constant 512 : i32
        %dma_wait3A_402 = arith.constant 0 : i32
        %dma_wait3A_403 = tpu.memref_slice %arg11[%dma_wait3A_401, %dma_wait3A_402] : memref<1024x64xf32, #tpu.memory_space<vmem>> -> memref<512x64xf32, #tpu.memory_space<vmem>>
        %dma_wait3A_404 = arith.constant 0 : i32
        %dma_wait3A_405 = arith.constant 0 : i32
        %dma_wait3A_406 = tpu.memref_slice %arg14[%dma_wait3A_404, %dma_wait3A_405] : memref<10112x64xf32, #tpu.memory_space<vmem_shared>> -> memref<512x64xf32, #tpu.memory_space<vmem_shared>>
        %dma_wait3A_407 = arith.constant 0 : i32
        %dma_wait3A_408 = arith.constant 0 : i32
        %dma_wait3A_409 = tpu.memref_slice %arg14[%dma_wait3A_407, %dma_wait3A_408] : memref<10112x64xf32, #tpu.memory_space<vmem_shared>> -> memref<512x64xf32, #tpu.memory_space<vmem_shared>>
        %dma_wait3A_410 = arith.constant 512 : i32
        %dma_wait3A_411 = arith.constant 0 : i32
        %dma_wait3A_412 = tpu.memref_slice %arg11[%dma_wait3A_410, %dma_wait3A_411] : memref<1024x64xf32, #tpu.memory_space<vmem>> -> memref<512x64xf32, #tpu.memory_space<vmem>>
        tpu.wait_dma2 semaphore(%arg19 : memref<!tpu.dma_semaphore, #tpu.memory_space<semaphore_mem>>) src(%dma_wait3A_412 : memref<512x64xf32, #tpu.memory_space<vmem>>) dst(%dma_wait3A_409 : memref<512x64xf32, #tpu.memory_space<vmem_shared>>)
      } else {
      }
      %dma_start3A_217 = arith.constant 512 : i32
      %dma_start3A_218 = arith.constant 0 : i32
      %dma_start3A_219 = tpu.memref_slice %arg11[%dma_start3A_217, %dma_start3A_218] : memref<1024x64xf32, #tpu.memory_space<vmem>> -> memref<512x64xf32, #tpu.memory_space<vmem>>
      %dma_start3A_220 = arith.constant 512 : i32
      %dma_start3A_221 = tpu.memref_slice %arg9[%dma_start3A_220] : memref<2048xi32, #tpu.memory_space<vmem>> -> memref<512xi32, #tpu.memory_space<vmem>>
      %dma_start3A_222 = arith.constant 0 : i32
      %dma_start3A_223 = arith.constant 0 : i32
      %dma_start3A_224 = tpu.memref_slice %arg2[%dma_start3A_222, %dma_start3A_223] : memref<20224x64xf32, #tpu.memory_space<hbm>> -> memref<20224x64xf32, #tpu.memory_space<hbm>>
      tpu.enqueue_indirect_dma source(%dma_start3A_224 : memref<20224x64xf32, #tpu.memory_space<hbm>>) target(%dma_start3A_219 : memref<512x64xf32, #tpu.memory_space<vmem>>) offsets(%dma_start3A_221 : memref<512xi32, #tpu.memory_space<vmem>>) semaphore(%arg17 : memref<!tpu.dma_semaphore, #tpu.memory_space<semaphore_mem>>)
      %dma_wait3A_225 = arith.constant 512 : i32
      %dma_wait3A_226 = arith.constant 0 : i32
      %dma_wait3A_227 = tpu.memref_slice %arg11[%dma_wait3A_225, %dma_wait3A_226] : memref<1024x64xf32, #tpu.memory_space<vmem>> -> memref<512x64xf32, #tpu.memory_space<vmem>>
      %dma_wait3A_228 = arith.constant 512 : i32
      %dma_wait3A_229 = tpu.memref_slice %arg9[%dma_wait3A_228] : memref<2048xi32, #tpu.memory_space<vmem>> -> memref<512xi32, #tpu.memory_space<vmem>>
      %dma_wait3A_230 = arith.constant 0 : i32
      %dma_wait3A_231 = arith.constant 0 : i32
      %dma_wait3A_232 = tpu.memref_slice %arg2[%dma_wait3A_230, %dma_wait3A_231] : memref<20224x64xf32, #tpu.memory_space<hbm>> -> memref<20224x64xf32, #tpu.memory_space<hbm>>
      tpu.wait_indirect_dma semaphore(%arg17 : memref<!tpu.dma_semaphore, #tpu.memory_space<semaphore_mem>>) src(%dma_wait3A_232 : memref<20224x64xf32, #tpu.memory_space<hbm>>) dst(%dma_wait3A_227 : memref<512x64xf32, #tpu.memory_space<vmem>>)
      %dma_start3A_233 = arith.constant 512 : i32
      %dma_start3A_234 = arith.constant 0 : i32
      %dma_start3A_235 = tpu.memref_slice %arg11[%dma_start3A_233, %dma_start3A_234] : memref<1024x64xf32, #tpu.memory_space<vmem>> -> memref<512x64xf32, #tpu.memory_space<vmem>>
      %dma_start3A_236 = arith.constant 512 : i32
      %dma_start3A_237 = tpu.memref_slice %arg10[%dma_start3A_236] : memref<2048xi32, #tpu.memory_space<vmem>> -> memref<512xi32, #tpu.memory_space<vmem>>
      %dma_start3A_238 = arith.constant 0 : i32
      %dma_start3A_239 = arith.constant 0 : i32
      %dma_start3A_240 = tpu.memref_slice %arg14[%dma_start3A_238, %dma_start3A_239] : memref<10112x64xf32, #tpu.memory_space<vmem_shared>> -> memref<10112x64xf32, #tpu.memory_space<vmem_shared>>
      tpu.enqueue_indirect_dma source(%dma_start3A_235 : memref<512x64xf32, #tpu.memory_space<vmem>>) target(%dma_start3A_240 : memref<10112x64xf32, #tpu.memory_space<vmem_shared>>) offsets(%dma_start3A_237 : memref<512xi32, #tpu.memory_space<vmem>>) semaphore(%arg19 : memref<!tpu.dma_semaphore, #tpu.memory_space<semaphore_mem>>) {add = true}
      %mul3A_241 = arith.constant 4 : i32
      %mul3A_242 = arith.muli %mul3A_241, %scan3A_98 : i32
      %add3A_243 = arith.constant 2 : i32
      %add3A_244 = arith.addi %mul3A_242, %add3A_243 : i32
      %dma_wait3A_245 = arith.constant 1024 : i32
      %dma_wait3A_246 = tpu.memref_slice %arg9[%dma_wait3A_245] : memref<2048xi32, #tpu.memory_space<vmem>> -> memref<512xi32, #tpu.memory_space<vmem>>
      %dma_wait3A_247 = arith.constant 0 : i32
      %dma_wait3A_248 = tpu.memref_slice %arg3[%dma_wait3A_247] : memref<655360xi32, #tpu.memory_space<hbm>> -> memref<512xi32, #tpu.memory_space<hbm>>
      %dma_wait3A_249 = arith.constant 1024 : i32
      %dma_wait3A_250 = tpu.memref_slice %arg9[%dma_wait3A_249] : memref<2048xi32, #tpu.memory_space<vmem>> -> memref<512xi32, #tpu.memory_space<vmem>>
      %dma_wait3A_251 = arith.constant 0 : i32
      %dma_wait3A_252 = tpu.memref_slice %arg3[%dma_wait3A_251] : memref<655360xi32, #tpu.memory_space<hbm>> -> memref<512xi32, #tpu.memory_space<hbm>>
      tpu.wait_dma2 semaphore(%arg16 : memref<!tpu.dma_semaphore, #tpu.memory_space<semaphore_mem>>) src(%dma_wait3A_252 : memref<512xi32, #tpu.memory_space<hbm>>) dst(%dma_wait3A_250 : memref<512xi32, #tpu.memory_space<vmem>>)
      %dma_wait3A_253 = arith.constant 1024 : i32
      %dma_wait3A_254 = tpu.memref_slice %arg10[%dma_wait3A_253] : memref<2048xi32, #tpu.memory_space<vmem>> -> memref<512xi32, #tpu.memory_space<vmem>>
      %dma_wait3A_255 = arith.constant 0 : i32
      %dma_wait3A_256 = tpu.memref_slice %arg4[%dma_wait3A_255] : memref<327680xi32, #tpu.memory_space<hbm>> -> memref<512xi32, #tpu.memory_space<hbm>>
      %dma_wait3A_257 = arith.constant 1024 : i32
      %dma_wait3A_258 = tpu.memref_slice %arg10[%dma_wait3A_257] : memref<2048xi32, #tpu.memory_space<vmem>> -> memref<512xi32, #tpu.memory_space<vmem>>
      %dma_wait3A_259 = arith.constant 0 : i32
      %dma_wait3A_260 = tpu.memref_slice %arg4[%dma_wait3A_259] : memref<327680xi32, #tpu.memory_space<hbm>> -> memref<512xi32, #tpu.memory_space<hbm>>
      tpu.wait_dma2 semaphore(%arg16 : memref<!tpu.dma_semaphore, #tpu.memory_space<semaphore_mem>>) src(%dma_wait3A_260 : memref<512xi32, #tpu.memory_space<hbm>>) dst(%dma_wait3A_258 : memref<512xi32, #tpu.memory_space<vmem>>)
      %add3A_261 = arith.constant 1 : i32
      %add3A_262 = arith.addi %add3A_244, %add3A_261 : i32
      %min3A_263 = arith.constant 39 : i32
      %min3A_264 = arith.minsi %add3A_262, %min3A_263 : i32
      %mul3A_265 = arith.constant 40 : i32
      %mul3A_266 = arith.muli %arg1, %mul3A_265 : i32
      %add3A_267 = arith.addi %mul3A_266, %min3A_264 : i32
      %mul3A_268 = arith.constant 512 : i32
      %mul3A_269 = arith.muli %add3A_267, %mul3A_268 : i32
      %mul3A_270 = arith.constant 327680 : i32
      %mul3A_271 = arith.muli %arg0, %mul3A_270 : i32
      %add3A_272 = arith.addi %mul3A_271, %mul3A_269 : i32
      %dma_start3A_273 = arith.constant 1536 : i32
      %dma_start3A_274 = tpu.memref_slice %arg9[%dma_start3A_273] : memref<2048xi32, #tpu.memory_space<vmem>> -> memref<512xi32, #tpu.memory_space<vmem>>
      %dma_start3A_275 = tpu.memref_slice %arg3[%add3A_272] : memref<655360xi32, #tpu.memory_space<hbm>> -> memref<512xi32, #tpu.memory_space<hbm>>
      %dma_start3A_276 = arith.constant 1536 : i32
      %dma_start3A_277 = tpu.memref_slice %arg9[%dma_start3A_276] : memref<2048xi32, #tpu.memory_space<vmem>> -> memref<512xi32, #tpu.memory_space<vmem>>
      %dma_start3A_278 = tpu.memref_slice %arg3[%add3A_272] : memref<655360xi32, #tpu.memory_space<hbm>> -> memref<512xi32, #tpu.memory_space<hbm>>
      tpu.enqueue_dma source(%dma_start3A_278 : memref<512xi32, #tpu.memory_space<hbm>>) target(%dma_start3A_277 : memref<512xi32, #tpu.memory_space<vmem>>) target_semaphore(%arg16 : memref<!tpu.dma_semaphore, #tpu.memory_space<semaphore_mem>>)
      %dma_start3A_279 = arith.constant 1536 : i32
      %dma_start3A_280 = tpu.memref_slice %arg10[%dma_start3A_279] : memref<2048xi32, #tpu.memory_space<vmem>> -> memref<512xi32, #tpu.memory_space<vmem>>
      %dma_start3A_281 = tpu.memref_slice %arg4[%mul3A_269] : memref<327680xi32, #tpu.memory_space<hbm>> -> memref<512xi32, #tpu.memory_space<hbm>>
      %dma_start3A_282 = arith.constant 1536 : i32
      %dma_start3A_283 = tpu.memref_slice %arg10[%dma_start3A_282] : memref<2048xi32, #tpu.memory_space<vmem>> -> memref<512xi32, #tpu.memory_space<vmem>>
      %dma_start3A_284 = tpu.memref_slice %arg4[%mul3A_269] : memref<327680xi32, #tpu.memory_space<hbm>> -> memref<512xi32, #tpu.memory_space<hbm>>
      tpu.enqueue_dma source(%dma_start3A_284 : memref<512xi32, #tpu.memory_space<hbm>>) target(%dma_start3A_283 : memref<512xi32, #tpu.memory_space<vmem>>) target_semaphore(%arg16 : memref<!tpu.dma_semaphore, #tpu.memory_space<semaphore_mem>>)
      %dma_wait3A_285 = arith.constant 0 : i32
      %dma_wait3A_286 = arith.constant 0 : i32
      %dma_wait3A_287 = tpu.memref_slice %arg11[%dma_wait3A_285, %dma_wait3A_286] : memref<1024x64xf32, #tpu.memory_space<vmem>> -> memref<512x64xf32, #tpu.memory_space<vmem>>
      %dma_wait3A_288 = arith.constant 0 : i32
      %dma_wait3A_289 = arith.constant 0 : i32
      %dma_wait3A_290 = tpu.memref_slice %arg14[%dma_wait3A_288, %dma_wait3A_289] : memref<10112x64xf32, #tpu.memory_space<vmem_shared>> -> memref<512x64xf32, #tpu.memory_space<vmem_shared>>
      %dma_wait3A_291 = arith.constant 0 : i32
      %dma_wait3A_292 = arith.constant 0 : i32
      %dma_wait3A_293 = tpu.memref_slice %arg14[%dma_wait3A_291, %dma_wait3A_292] : memref<10112x64xf32, #tpu.memory_space<vmem_shared>> -> memref<512x64xf32, #tpu.memory_space<vmem_shared>>
      %dma_wait3A_294 = arith.constant 0 : i32
      %dma_wait3A_295 = arith.constant 0 : i32
      %dma_wait3A_296 = tpu.memref_slice %arg11[%dma_wait3A_294, %dma_wait3A_295] : memref<1024x64xf32, #tpu.memory_space<vmem>> -> memref<512x64xf32, #tpu.memory_space<vmem>>
      tpu.wait_dma2 semaphore(%arg18 : memref<!tpu.dma_semaphore, #tpu.memory_space<semaphore_mem>>) src(%dma_wait3A_296 : memref<512x64xf32, #tpu.memory_space<vmem>>) dst(%dma_wait3A_293 : memref<512x64xf32, #tpu.memory_space<vmem_shared>>)
      %dma_start3A_297 = arith.constant 0 : i32
      %dma_start3A_298 = arith.constant 0 : i32
      %dma_start3A_299 = tpu.memref_slice %arg11[%dma_start3A_297, %dma_start3A_298] : memref<1024x64xf32, #tpu.memory_space<vmem>> -> memref<512x64xf32, #tpu.memory_space<vmem>>
      %dma_start3A_300 = arith.constant 1024 : i32
      %dma_start3A_301 = tpu.memref_slice %arg9[%dma_start3A_300] : memref<2048xi32, #tpu.memory_space<vmem>> -> memref<512xi32, #tpu.memory_space<vmem>>
      %dma_start3A_302 = arith.constant 0 : i32
      %dma_start3A_303 = arith.constant 0 : i32
      %dma_start3A_304 = tpu.memref_slice %arg2[%dma_start3A_302, %dma_start3A_303] : memref<20224x64xf32, #tpu.memory_space<hbm>> -> memref<20224x64xf32, #tpu.memory_space<hbm>>
      tpu.enqueue_indirect_dma source(%dma_start3A_304 : memref<20224x64xf32, #tpu.memory_space<hbm>>) target(%dma_start3A_299 : memref<512x64xf32, #tpu.memory_space<vmem>>) offsets(%dma_start3A_301 : memref<512xi32, #tpu.memory_space<vmem>>) semaphore(%arg17 : memref<!tpu.dma_semaphore, #tpu.memory_space<semaphore_mem>>)
      %dma_wait3A_305 = arith.constant 0 : i32
      %dma_wait3A_306 = arith.constant 0 : i32
      %dma_wait3A_307 = tpu.memref_slice %arg11[%dma_wait3A_305, %dma_wait3A_306] : memref<1024x64xf32, #tpu.memory_space<vmem>> -> memref<512x64xf32, #tpu.memory_space<vmem>>
      %dma_wait3A_308 = arith.constant 1024 : i32
      %dma_wait3A_309 = tpu.memref_slice %arg9[%dma_wait3A_308] : memref<2048xi32, #tpu.memory_space<vmem>> -> memref<512xi32, #tpu.memory_space<vmem>>
      %dma_wait3A_310 = arith.constant 0 : i32
      %dma_wait3A_311 = arith.constant 0 : i32
      %dma_wait3A_312 = tpu.memref_slice %arg2[%dma_wait3A_310, %dma_wait3A_311] : memref<20224x64xf32, #tpu.memory_space<hbm>> -> memref<20224x64xf32, #tpu.memory_space<hbm>>
      tpu.wait_indirect_dma semaphore(%arg17 : memref<!tpu.dma_semaphore, #tpu.memory_space<semaphore_mem>>) src(%dma_wait3A_312 : memref<20224x64xf32, #tpu.memory_space<hbm>>) dst(%dma_wait3A_307 : memref<512x64xf32, #tpu.memory_space<vmem>>)
      %dma_start3A_313 = arith.constant 0 : i32
      %dma_start3A_314 = arith.constant 0 : i32
      %dma_start3A_315 = tpu.memref_slice %arg11[%dma_start3A_313, %dma_start3A_314] : memref<1024x64xf32, #tpu.memory_space<vmem>> -> memref<512x64xf32, #tpu.memory_space<vmem>>
      %dma_start3A_316 = arith.constant 1024 : i32
      %dma_start3A_317 = tpu.memref_slice %arg10[%dma_start3A_316] : memref<2048xi32, #tpu.memory_space<vmem>> -> memref<512xi32, #tpu.memory_space<vmem>>
      %dma_start3A_318 = arith.constant 0 : i32
      %dma_start3A_319 = arith.constant 0 : i32
      %dma_start3A_320 = tpu.memref_slice %arg14[%dma_start3A_318, %dma_start3A_319] : memref<10112x64xf32, #tpu.memory_space<vmem_shared>> -> memref<10112x64xf32, #tpu.memory_space<vmem_shared>>
      tpu.enqueue_indirect_dma source(%dma_start3A_315 : memref<512x64xf32, #tpu.memory_space<vmem>>) target(%dma_start3A_320 : memref<10112x64xf32, #tpu.memory_space<vmem_shared>>) offsets(%dma_start3A_317 : memref<512xi32, #tpu.memory_space<vmem>>) semaphore(%arg18 : memref<!tpu.dma_semaphore, #tpu.memory_space<semaphore_mem>>) {add = true}
      %mul3A_321 = arith.constant 4 : i32
      %mul3A_322 = arith.muli %mul3A_321, %scan3A_98 : i32
      %add3A_323 = arith.constant 3 : i32
      %add3A_324 = arith.addi %mul3A_322, %add3A_323 : i32
      %dma_wait3A_325 = arith.constant 1536 : i32
      %dma_wait3A_326 = tpu.memref_slice %arg9[%dma_wait3A_325] : memref<2048xi32, #tpu.memory_space<vmem>> -> memref<512xi32, #tpu.memory_space<vmem>>
      %dma_wait3A_327 = arith.constant 0 : i32
      %dma_wait3A_328 = tpu.memref_slice %arg3[%dma_wait3A_327] : memref<655360xi32, #tpu.memory_space<hbm>> -> memref<512xi32, #tpu.memory_space<hbm>>
      %dma_wait3A_329 = arith.constant 1536 : i32
      %dma_wait3A_330 = tpu.memref_slice %arg9[%dma_wait3A_329] : memref<2048xi32, #tpu.memory_space<vmem>> -> memref<512xi32, #tpu.memory_space<vmem>>
      %dma_wait3A_331 = arith.constant 0 : i32
      %dma_wait3A_332 = tpu.memref_slice %arg3[%dma_wait3A_331] : memref<655360xi32, #tpu.memory_space<hbm>> -> memref<512xi32, #tpu.memory_space<hbm>>
      tpu.wait_dma2 semaphore(%arg16 : memref<!tpu.dma_semaphore, #tpu.memory_space<semaphore_mem>>) src(%dma_wait3A_332 : memref<512xi32, #tpu.memory_space<hbm>>) dst(%dma_wait3A_330 : memref<512xi32, #tpu.memory_space<vmem>>)
      %dma_wait3A_333 = arith.constant 1536 : i32
      %dma_wait3A_334 = tpu.memref_slice %arg10[%dma_wait3A_333] : memref<2048xi32, #tpu.memory_space<vmem>> -> memref<512xi32, #tpu.memory_space<vmem>>
      %dma_wait3A_335 = arith.constant 0 : i32
      %dma_wait3A_336 = tpu.memref_slice %arg4[%dma_wait3A_335] : memref<327680xi32, #tpu.memory_space<hbm>> -> memref<512xi32, #tpu.memory_space<hbm>>
      %dma_wait3A_337 = arith.constant 1536 : i32
      %dma_wait3A_338 = tpu.memref_slice %arg10[%dma_wait3A_337] : memref<2048xi32, #tpu.memory_space<vmem>> -> memref<512xi32, #tpu.memory_space<vmem>>
      %dma_wait3A_339 = arith.constant 0 : i32
      %dma_wait3A_340 = tpu.memref_slice %arg4[%dma_wait3A_339] : memref<327680xi32, #tpu.memory_space<hbm>> -> memref<512xi32, #tpu.memory_space<hbm>>
      tpu.wait_dma2 semaphore(%arg16 : memref<!tpu.dma_semaphore, #tpu.memory_space<semaphore_mem>>) src(%dma_wait3A_340 : memref<512xi32, #tpu.memory_space<hbm>>) dst(%dma_wait3A_338 : memref<512xi32, #tpu.memory_space<vmem>>)
      %add3A_341 = arith.constant 1 : i32
      %add3A_342 = arith.addi %add3A_324, %add3A_341 : i32
      %min3A_343 = arith.constant 39 : i32
      %min3A_344 = arith.minsi %add3A_342, %min3A_343 : i32
      %mul3A_345 = arith.constant 40 : i32
      %mul3A_346 = arith.muli %arg1, %mul3A_345 : i32
      %add3A_347 = arith.addi %mul3A_346, %min3A_344 : i32
      %mul3A_348 = arith.constant 512 : i32
      %mul3A_349 = arith.muli %add3A_347, %mul3A_348 : i32
      %mul3A_350 = arith.constant 327680 : i32
      %mul3A_351 = arith.muli %arg0, %mul3A_350 : i32
      %add3A_352 = arith.addi %mul3A_351, %mul3A_349 : i32
      %dma_start3A_353 = arith.constant 0 : i32
      %dma_start3A_354 = tpu.memref_slice %arg9[%dma_start3A_353] : memref<2048xi32, #tpu.memory_space<vmem>> -> memref<512xi32, #tpu.memory_space<vmem>>
      %dma_start3A_355 = tpu.memref_slice %arg3[%add3A_352] : memref<655360xi32, #tpu.memory_space<hbm>> -> memref<512xi32, #tpu.memory_space<hbm>>
      %dma_start3A_356 = arith.constant 0 : i32
      %dma_start3A_357 = tpu.memref_slice %arg9[%dma_start3A_356] : memref<2048xi32, #tpu.memory_space<vmem>> -> memref<512xi32, #tpu.memory_space<vmem>>
      %dma_start3A_358 = tpu.memref_slice %arg3[%add3A_352] : memref<655360xi32, #tpu.memory_space<hbm>> -> memref<512xi32, #tpu.memory_space<hbm>>
      tpu.enqueue_dma source(%dma_start3A_358 : memref<512xi32, #tpu.memory_space<hbm>>) target(%dma_start3A_357 : memref<512xi32, #tpu.memory_space<vmem>>) target_semaphore(%arg16 : memref<!tpu.dma_semaphore, #tpu.memory_space<semaphore_mem>>)
      %dma_start3A_359 = arith.constant 0 : i32
      %dma_start3A_360 = tpu.memref_slice %arg10[%dma_start3A_359] : memref<2048xi32, #tpu.memory_space<vmem>> -> memref<512xi32, #tpu.memory_space<vmem>>
      %dma_start3A_361 = tpu.memref_slice %arg4[%mul3A_349] : memref<327680xi32, #tpu.memory_space<hbm>> -> memref<512xi32, #tpu.memory_space<hbm>>
      %dma_start3A_362 = arith.constant 0 : i32
      %dma_start3A_363 = tpu.memref_slice %arg10[%dma_start3A_362] : memref<2048xi32, #tpu.memory_space<vmem>> -> memref<512xi32, #tpu.memory_space<vmem>>
      %dma_start3A_364 = tpu.memref_slice %arg4[%mul3A_349] : memref<327680xi32, #tpu.memory_space<hbm>> -> memref<512xi32, #tpu.memory_space<hbm>>
      tpu.enqueue_dma source(%dma_start3A_364 : memref<512xi32, #tpu.memory_space<hbm>>) target(%dma_start3A_363 : memref<512xi32, #tpu.memory_space<vmem>>) target_semaphore(%arg16 : memref<!tpu.dma_semaphore, #tpu.memory_space<semaphore_mem>>)
      %dma_wait3A_365 = arith.constant 512 : i32
      %dma_wait3A_366 = arith.constant 0 : i32
      %dma_wait3A_367 = tpu.memref_slice %arg11[%dma_wait3A_365, %dma_wait3A_366] : memref<1024x64xf32, #tpu.memory_space<vmem>> -> memref<512x64xf32, #tpu.memory_space<vmem>>
      %dma_wait3A_368 = arith.constant 0 : i32
      %dma_wait3A_369 = arith.constant 0 : i32
      %dma_wait3A_370 = tpu.memref_slice %arg14[%dma_wait3A_368, %dma_wait3A_369] : memref<10112x64xf32, #tpu.memory_space<vmem_shared>> -> memref<512x64xf32, #tpu.memory_space<vmem_shared>>
      %dma_wait3A_371 = arith.constant 0 : i32
      %dma_wait3A_372 = arith.constant 0 : i32
      %dma_wait3A_373 = tpu.memref_slice %arg14[%dma_wait3A_371, %dma_wait3A_372] : memref<10112x64xf32, #tpu.memory_space<vmem_shared>> -> memref<512x64xf32, #tpu.memory_space<vmem_shared>>
      %dma_wait3A_374 = arith.constant 512 : i32
      %dma_wait3A_375 = arith.constant 0 : i32
      %dma_wait3A_376 = tpu.memref_slice %arg11[%dma_wait3A_374, %dma_wait3A_375] : memref<1024x64xf32, #tpu.memory_space<vmem>> -> memref<512x64xf32, #tpu.memory_space<vmem>>
      tpu.wait_dma2 semaphore(%arg19 : memref<!tpu.dma_semaphore, #tpu.memory_space<semaphore_mem>>) src(%dma_wait3A_376 : memref<512x64xf32, #tpu.memory_space<vmem>>) dst(%dma_wait3A_373 : memref<512x64xf32, #tpu.memory_space<vmem_shared>>)
      %dma_start3A_377 = arith.constant 512 : i32
      %dma_start3A_378 = arith.constant 0 : i32
      %dma_start3A_379 = tpu.memref_slice %arg11[%dma_start3A_377, %dma_start3A_378] : memref<1024x64xf32, #tpu.memory_space<vmem>> -> memref<512x64xf32, #tpu.memory_space<vmem>>
      %dma_start3A_380 = arith.constant 1536 : i32
      %dma_start3A_381 = tpu.memref_slice %arg9[%dma_start3A_380] : memref<2048xi32, #tpu.memory_space<vmem>> -> memref<512xi32, #tpu.memory_space<vmem>>
      %dma_start3A_382 = arith.constant 0 : i32
      %dma_start3A_383 = arith.constant 0 : i32
      %dma_start3A_384 = tpu.memref_slice %arg2[%dma_start3A_382, %dma_start3A_383] : memref<20224x64xf32, #tpu.memory_space<hbm>> -> memref<20224x64xf32, #tpu.memory_space<hbm>>
      tpu.enqueue_indirect_dma source(%dma_start3A_384 : memref<20224x64xf32, #tpu.memory_space<hbm>>) target(%dma_start3A_379 : memref<512x64xf32, #tpu.memory_space<vmem>>) offsets(%dma_start3A_381 : memref<512xi32, #tpu.memory_space<vmem>>) semaphore(%arg17 : memref<!tpu.dma_semaphore, #tpu.memory_space<semaphore_mem>>)
      %dma_wait3A_385 = arith.constant 512 : i32
      %dma_wait3A_386 = arith.constant 0 : i32
      %dma_wait3A_387 = tpu.memref_slice %arg11[%dma_wait3A_385, %dma_wait3A_386] : memref<1024x64xf32, #tpu.memory_space<vmem>> -> memref<512x64xf32, #tpu.memory_space<vmem>>
      %dma_wait3A_388 = arith.constant 1536 : i32
      %dma_wait3A_389 = tpu.memref_slice %arg9[%dma_wait3A_388] : memref<2048xi32, #tpu.memory_space<vmem>> -> memref<512xi32, #tpu.memory_space<vmem>>
      %dma_wait3A_390 = arith.constant 0 : i32
      %dma_wait3A_391 = arith.constant 0 : i32
      %dma_wait3A_392 = tpu.memref_slice %arg2[%dma_wait3A_390, %dma_wait3A_391] : memref<20224x64xf32, #tpu.memory_space<hbm>> -> memref<20224x64xf32, #tpu.memory_space<hbm>>
      tpu.wait_indirect_dma semaphore(%arg17 : memref<!tpu.dma_semaphore, #tpu.memory_space<semaphore_mem>>) src(%dma_wait3A_392 : memref<20224x64xf32, #tpu.memory_space<hbm>>) dst(%dma_wait3A_387 : memref<512x64xf32, #tpu.memory_space<vmem>>)
      %dma_start3A_393 = arith.constant 512 : i32
      %dma_start3A_394 = arith.constant 0 : i32
      %dma_start3A_395 = tpu.memref_slice %arg11[%dma_start3A_393, %dma_start3A_394] : memref<1024x64xf32, #tpu.memory_space<vmem>> -> memref<512x64xf32, #tpu.memory_space<vmem>>
      %dma_start3A_396 = arith.constant 1536 : i32
      %dma_start3A_397 = tpu.memref_slice %arg10[%dma_start3A_396] : memref<2048xi32, #tpu.memory_space<vmem>> -> memref<512xi32, #tpu.memory_space<vmem>>
      %dma_start3A_398 = arith.constant 0 : i32
      %dma_start3A_399 = arith.constant 0 : i32
      %dma_start3A_400 = tpu.memref_slice %arg14[%dma_start3A_398, %dma_start3A_399] : memref<10112x64xf32, #tpu.memory_space<vmem_shared>> -> memref<10112x64xf32, #tpu.memory_space<vmem_shared>>
      tpu.enqueue_indirect_dma source(%dma_start3A_395 : memref<512x64xf32, #tpu.memory_space<vmem>>) target(%dma_start3A_400 : memref<10112x64xf32, #tpu.memory_space<vmem_shared>>) offsets(%dma_start3A_397 : memref<512xi32, #tpu.memory_space<vmem>>) semaphore(%arg19 : memref<!tpu.dma_semaphore, #tpu.memory_space<semaphore_mem>>) {add = true}
    }
    %scan3A_34 = arith.constant 10 : i32
    %dma_wait3A = arith.constant 0 : i32
    %dma_wait3A_35 = arith.constant 0 : i32
    %dma_wait3A_36 = tpu.memref_slice %arg11[%dma_wait3A, %dma_wait3A_35] : memref<1024x64xf32, #tpu.memory_space<vmem>> -> memref<512x64xf32, #tpu.memory_space<vmem>>
    %dma_wait3A_37 = arith.constant 0 : i32
    %dma_wait3A_38 = arith.constant 0 : i32
    %dma_wait3A_39 = tpu.memref_slice %arg14[%dma_wait3A_37, %dma_wait3A_38] : memref<10112x64xf32, #tpu.memory_space<vmem_shared>> -> memref<512x64xf32, #tpu.memory_space<vmem_shared>>
    %dma_wait3A_40 = arith.constant 0 : i32
    %dma_wait3A_41 = arith.constant 0 : i32
    %dma_wait3A_42 = tpu.memref_slice %arg14[%dma_wait3A_40, %dma_wait3A_41] : memref<10112x64xf32, #tpu.memory_space<vmem_shared>> -> memref<512x64xf32, #tpu.memory_space<vmem_shared>>
    %dma_wait3A_43 = arith.constant 0 : i32
    %dma_wait3A_44 = arith.constant 0 : i32
    %dma_wait3A_45 = tpu.memref_slice %arg11[%dma_wait3A_43, %dma_wait3A_44] : memref<1024x64xf32, #tpu.memory_space<vmem>> -> memref<512x64xf32, #tpu.memory_space<vmem>>
    tpu.wait_dma2 semaphore(%arg18 : memref<!tpu.dma_semaphore, #tpu.memory_space<semaphore_mem>>) src(%dma_wait3A_45 : memref<512x64xf32, #tpu.memory_space<vmem>>) dst(%dma_wait3A_42 : memref<512x64xf32, #tpu.memory_space<vmem_shared>>)
    %dma_wait3A_46 = arith.constant 512 : i32
    %dma_wait3A_47 = arith.constant 0 : i32
    %dma_wait3A_48 = tpu.memref_slice %arg11[%dma_wait3A_46, %dma_wait3A_47] : memref<1024x64xf32, #tpu.memory_space<vmem>> -> memref<512x64xf32, #tpu.memory_space<vmem>>
    %dma_wait3A_49 = arith.constant 0 : i32
    %dma_wait3A_50 = arith.constant 0 : i32
    %dma_wait3A_51 = tpu.memref_slice %arg14[%dma_wait3A_49, %dma_wait3A_50] : memref<10112x64xf32, #tpu.memory_space<vmem_shared>> -> memref<512x64xf32, #tpu.memory_space<vmem_shared>>
    %dma_wait3A_52 = arith.constant 0 : i32
    %dma_wait3A_53 = arith.constant 0 : i32
    %dma_wait3A_54 = tpu.memref_slice %arg14[%dma_wait3A_52, %dma_wait3A_53] : memref<10112x64xf32, #tpu.memory_space<vmem_shared>> -> memref<512x64xf32, #tpu.memory_space<vmem_shared>>
    %dma_wait3A_55 = arith.constant 512 : i32
    %dma_wait3A_56 = arith.constant 0 : i32
    %dma_wait3A_57 = tpu.memref_slice %arg11[%dma_wait3A_55, %dma_wait3A_56] : memref<1024x64xf32, #tpu.memory_space<vmem>> -> memref<512x64xf32, #tpu.memory_space<vmem>>
    tpu.wait_dma2 semaphore(%arg19 : memref<!tpu.dma_semaphore, #tpu.memory_space<semaphore_mem>>) src(%dma_wait3A_57 : memref<512x64xf32, #tpu.memory_space<vmem>>) dst(%dma_wait3A_54 : memref<512x64xf32, #tpu.memory_space<vmem_shared>>)
    %dma_wait3A_58 = arith.constant 0 : i32
    %dma_wait3A_59 = tpu.memref_slice %arg9[%dma_wait3A_58] : memref<2048xi32, #tpu.memory_space<vmem>> -> memref<512xi32, #tpu.memory_space<vmem>>
    %dma_wait3A_60 = arith.constant 0 : i32
    %dma_wait3A_61 = tpu.memref_slice %arg3[%dma_wait3A_60] : memref<655360xi32, #tpu.memory_space<hbm>> -> memref<512xi32, #tpu.memory_space<hbm>>
    %dma_wait3A_62 = arith.constant 0 : i32
    %dma_wait3A_63 = tpu.memref_slice %arg9[%dma_wait3A_62] : memref<2048xi32, #tpu.memory_space<vmem>> -> memref<512xi32, #tpu.memory_space<vmem>>
    %dma_wait3A_64 = arith.constant 0 : i32
    %dma_wait3A_65 = tpu.memref_slice %arg3[%dma_wait3A_64] : memref<655360xi32, #tpu.memory_space<hbm>> -> memref<512xi32, #tpu.memory_space<hbm>>
    tpu.wait_dma2 semaphore(%arg16 : memref<!tpu.dma_semaphore, #tpu.memory_space<semaphore_mem>>) src(%dma_wait3A_65 : memref<512xi32, #tpu.memory_space<hbm>>) dst(%dma_wait3A_63 : memref<512xi32, #tpu.memory_space<vmem>>)
    %dma_wait3A_66 = arith.constant 0 : i32
    %dma_wait3A_67 = tpu.memref_slice %arg10[%dma_wait3A_66] : memref<2048xi32, #tpu.memory_space<vmem>> -> memref<512xi32, #tpu.memory_space<vmem>>
    %dma_wait3A_68 = arith.constant 0 : i32
    %dma_wait3A_69 = tpu.memref_slice %arg4[%dma_wait3A_68] : memref<327680xi32, #tpu.memory_space<hbm>> -> memref<512xi32, #tpu.memory_space<hbm>>
    %dma_wait3A_70 = arith.constant 0 : i32
    %dma_wait3A_71 = tpu.memref_slice %arg10[%dma_wait3A_70] : memref<2048xi32, #tpu.memory_space<vmem>> -> memref<512xi32, #tpu.memory_space<vmem>>
    %dma_wait3A_72 = arith.constant 0 : i32
    %dma_wait3A_73 = tpu.memref_slice %arg4[%dma_wait3A_72] : memref<327680xi32, #tpu.memory_space<hbm>> -> memref<512xi32, #tpu.memory_space<hbm>>
    tpu.wait_dma2 semaphore(%arg16 : memref<!tpu.dma_semaphore, #tpu.memory_space<semaphore_mem>>) src(%dma_wait3A_73 : memref<512xi32, #tpu.memory_space<hbm>>) dst(%dma_wait3A_71 : memref<512xi32, #tpu.memory_space<vmem>>)
    %barrier3A_74 = arith.constant 0 : index
    tpu.barrier barrier_id(%barrier3A_74)
    %mul3A_75 = arith.constant 10112 : i32
    %mul3A_76 = arith.muli %arg0, %mul3A_75 : i32
    %add3A_77 = arith.addi %mul3A_76, %mul3A_0 : i32
    %add3A_78 = arith.constant 0 : i32
    %add3A_79 = arith.addi %mul3A_0, %add3A_78 : i32
    "tpu.region"() ({
      %run_scoped3A = tpu.sem_alloc : memref<!tpu.dma_semaphore, #tpu.memory_space<semaphore_mem>>
      %dma_start3A_98 = arith.constant 0 : i32
      %dma_start3A_99 = arith.constant 0 : i32
      %dma_start3A_100 = tpu.memref_slice %arg11[%dma_start3A_98, %dma_start3A_99] : memref<1024x64xf32, #tpu.memory_space<vmem>> -> memref<128x64xf32, #tpu.memory_space<vmem>>
      %dma_start3A_101 = arith.constant 0 : i32
      %dma_start3A_102 = tpu.memref_slice %arg14[%add3A_79, %dma_start3A_101] : memref<10112x64xf32, #tpu.memory_space<vmem_shared>> -> memref<128x64xf32, #tpu.memory_space<vmem_shared>>
      %dma_start3A_103 = arith.constant 0 : i32
      %dma_start3A_104 = arith.constant 0 : i32
      %dma_start3A_105 = tpu.memref_slice %arg11[%dma_start3A_103, %dma_start3A_104] : memref<1024x64xf32, #tpu.memory_space<vmem>> -> memref<128x64xf32, #tpu.memory_space<vmem>>
      %dma_start3A_106 = arith.constant 0 : i32
      %dma_start3A_107 = tpu.memref_slice %arg14[%add3A_79, %dma_start3A_106] : memref<10112x64xf32, #tpu.memory_space<vmem_shared>> -> memref<128x64xf32, #tpu.memory_space<vmem_shared>>
      tpu.enqueue_dma source(%dma_start3A_107 : memref<128x64xf32, #tpu.memory_space<vmem_shared>>) target(%dma_start3A_105 : memref<128x64xf32, #tpu.memory_space<vmem>>) target_semaphore(%run_scoped3A : memref<!tpu.dma_semaphore, #tpu.memory_space<semaphore_mem>>)
      %dma_wait3A_108 = arith.constant 0 : i32
      %dma_wait3A_109 = arith.constant 0 : i32
      %dma_wait3A_110 = tpu.memref_slice %arg11[%dma_wait3A_108, %dma_wait3A_109] : memref<1024x64xf32, #tpu.memory_space<vmem>> -> memref<128x64xf32, #tpu.memory_space<vmem>>
      %dma_wait3A_111 = arith.constant 0 : i32
      %dma_wait3A_112 = tpu.memref_slice %arg14[%add3A_79, %dma_wait3A_111] : memref<10112x64xf32, #tpu.memory_space<vmem_shared>> -> memref<128x64xf32, #tpu.memory_space<vmem_shared>>
      %dma_wait3A_113 = arith.constant 0 : i32
      %dma_wait3A_114 = arith.constant 0 : i32
      %dma_wait3A_115 = tpu.memref_slice %arg11[%dma_wait3A_113, %dma_wait3A_114] : memref<1024x64xf32, #tpu.memory_space<vmem>> -> memref<128x64xf32, #tpu.memory_space<vmem>>
      %dma_wait3A_116 = arith.constant 0 : i32
      %dma_wait3A_117 = tpu.memref_slice %arg14[%add3A_79, %dma_wait3A_116] : memref<10112x64xf32, #tpu.memory_space<vmem_shared>> -> memref<128x64xf32, #tpu.memory_space<vmem_shared>>
      tpu.wait_dma2 semaphore(%run_scoped3A : memref<!tpu.dma_semaphore, #tpu.memory_space<semaphore_mem>>) src(%dma_wait3A_117 : memref<128x64xf32, #tpu.memory_space<vmem_shared>>) dst(%dma_wait3A_115 : memref<128x64xf32, #tpu.memory_space<vmem>>)
      tpu.yield
    }) : () -> ()
    %add3A_80 = arith.constant 0 : i32
    %add3A_81 = arith.addi %add3A_77, %add3A_80 : i32
    "tpu.region"() ({
      %run_scoped3A = tpu.sem_alloc : memref<!tpu.dma_semaphore, #tpu.memory_space<semaphore_mem>>
      %dma_start3A_98 = arith.constant 0 : i32
      %dma_start3A_99 = arith.constant 0 : i32
      %dma_start3A_100 = tpu.memref_slice %arg11[%dma_start3A_98, %dma_start3A_99] : memref<1024x64xf32, #tpu.memory_space<vmem>> -> memref<128x64xf32, #tpu.memory_space<vmem>>
      %dma_start3A_101 = arith.constant 0 : i32
      %dma_start3A_102 = tpu.memref_slice %arg8[%add3A_81, %dma_start3A_101] : memref<20224x64xf32, #tpu.memory_space<hbm>> -> memref<128x64xf32, #tpu.memory_space<hbm>>
      %dma_start3A_103 = arith.constant 0 : i32
      %dma_start3A_104 = tpu.memref_slice %arg8[%add3A_81, %dma_start3A_103] : memref<20224x64xf32, #tpu.memory_space<hbm>> -> memref<128x64xf32, #tpu.memory_space<hbm>>
      %dma_start3A_105 = arith.constant 0 : i32
      %dma_start3A_106 = arith.constant 0 : i32
      %dma_start3A_107 = tpu.memref_slice %arg11[%dma_start3A_105, %dma_start3A_106] : memref<1024x64xf32, #tpu.memory_space<vmem>> -> memref<128x64xf32, #tpu.memory_space<vmem>>
      tpu.enqueue_dma source(%dma_start3A_107 : memref<128x64xf32, #tpu.memory_space<vmem>>) target(%dma_start3A_104 : memref<128x64xf32, #tpu.memory_space<hbm>>) target_semaphore(%run_scoped3A : memref<!tpu.dma_semaphore, #tpu.memory_space<semaphore_mem>>)
      %dma_wait3A_108 = arith.constant 0 : i32
      %dma_wait3A_109 = arith.constant 0 : i32
      %dma_wait3A_110 = tpu.memref_slice %arg11[%dma_wait3A_108, %dma_wait3A_109] : memref<1024x64xf32, #tpu.memory_space<vmem>> -> memref<128x64xf32, #tpu.memory_space<vmem>>
      %dma_wait3A_111 = arith.constant 0 : i32
      %dma_wait3A_112 = tpu.memref_slice %arg8[%add3A_81, %dma_wait3A_111] : memref<20224x64xf32, #tpu.memory_space<hbm>> -> memref<128x64xf32, #tpu.memory_space<hbm>>
      %dma_wait3A_113 = arith.constant 0 : i32
      %dma_wait3A_114 = tpu.memref_slice %arg8[%add3A_81, %dma_wait3A_113] : memref<20224x64xf32, #tpu.memory_space<hbm>> -> memref<128x64xf32, #tpu.memory_space<hbm>>
      %dma_wait3A_115 = arith.constant 0 : i32
      %dma_wait3A_116 = arith.constant 0 : i32
      %dma_wait3A_117 = tpu.memref_slice %arg11[%dma_wait3A_115, %dma_wait3A_116] : memref<1024x64xf32, #tpu.memory_space<vmem>> -> memref<128x64xf32, #tpu.memory_space<vmem>>
      tpu.wait_dma2 semaphore(%run_scoped3A : memref<!tpu.dma_semaphore, #tpu.memory_space<semaphore_mem>>) src(%dma_wait3A_117 : memref<128x64xf32, #tpu.memory_space<vmem>>) dst(%dma_wait3A_114 : memref<128x64xf32, #tpu.memory_space<hbm>>)
      tpu.yield
    }) : () -> ()
    %add3A_82 = arith.constant 128 : i32
    %add3A_83 = arith.addi %mul3A_0, %add3A_82 : i32
    "tpu.region"() ({
      %run_scoped3A = tpu.sem_alloc : memref<!tpu.dma_semaphore, #tpu.memory_space<semaphore_mem>>
      %dma_start3A_98 = arith.constant 0 : i32
      %dma_start3A_99 = arith.constant 0 : i32
      %dma_start3A_100 = tpu.memref_slice %arg11[%dma_start3A_98, %dma_start3A_99] : memref<1024x64xf32, #tpu.memory_space<vmem>> -> memref<128x64xf32, #tpu.memory_space<vmem>>
      %dma_start3A_101 = arith.constant 0 : i32
      %dma_start3A_102 = tpu.memref_slice %arg14[%add3A_83, %dma_start3A_101] : memref<10112x64xf32, #tpu.memory_space<vmem_shared>> -> memref<128x64xf32, #tpu.memory_space<vmem_shared>>
      %dma_start3A_103 = arith.constant 0 : i32
      %dma_start3A_104 = arith.constant 0 : i32
      %dma_start3A_105 = tpu.memref_slice %arg11[%dma_start3A_103, %dma_start3A_104] : memref<1024x64xf32, #tpu.memory_space<vmem>> -> memref<128x64xf32, #tpu.memory_space<vmem>>
      %dma_start3A_106 = arith.constant 0 : i32
      %dma_start3A_107 = tpu.memref_slice %arg14[%add3A_83, %dma_start3A_106] : memref<10112x64xf32, #tpu.memory_space<vmem_shared>> -> memref<128x64xf32, #tpu.memory_space<vmem_shared>>
      tpu.enqueue_dma source(%dma_start3A_107 : memref<128x64xf32, #tpu.memory_space<vmem_shared>>) target(%dma_start3A_105 : memref<128x64xf32, #tpu.memory_space<vmem>>) target_semaphore(%run_scoped3A : memref<!tpu.dma_semaphore, #tpu.memory_space<semaphore_mem>>)
      %dma_wait3A_108 = arith.constant 0 : i32
      %dma_wait3A_109 = arith.constant 0 : i32
      %dma_wait3A_110 = tpu.memref_slice %arg11[%dma_wait3A_108, %dma_wait3A_109] : memref<1024x64xf32, #tpu.memory_space<vmem>> -> memref<128x64xf32, #tpu.memory_space<vmem>>
      %dma_wait3A_111 = arith.constant 0 : i32
      %dma_wait3A_112 = tpu.memref_slice %arg14[%add3A_83, %dma_wait3A_111] : memref<10112x64xf32, #tpu.memory_space<vmem_shared>> -> memref<128x64xf32, #tpu.memory_space<vmem_shared>>
      %dma_wait3A_113 = arith.constant 0 : i32
      %dma_wait3A_114 = arith.constant 0 : i32
      %dma_wait3A_115 = tpu.memref_slice %arg11[%dma_wait3A_113, %dma_wait3A_114] : memref<1024x64xf32, #tpu.memory_space<vmem>> -> memref<128x64xf32, #tpu.memory_space<vmem>>
      %dma_wait3A_116 = arith.constant 0 : i32
      %dma_wait3A_117 = tpu.memref_slice %arg14[%add3A_83, %dma_wait3A_116] : memref<10112x64xf32, #tpu.memory_space<vmem_shared>> -> memref<128x64xf32, #tpu.memory_space<vmem_shared>>
      tpu.wait_dma2 semaphore(%run_scoped3A : memref<!tpu.dma_semaphore, #tpu.memory_space<semaphore_mem>>) src(%dma_wait3A_117 : memref<128x64xf32, #tpu.memory_space<vmem_shared>>) dst(%dma_wait3A_115 : memref<128x64xf32, #tpu.memory_space<vmem>>)
      tpu.yield
    }) : () -> ()
    %add3A_84 = arith.constant 128 : i32
    %add3A_85 = arith.addi %add3A_77, %add3A_84 : i32
    "tpu.region"() ({
      %run_scoped3A = tpu.sem_alloc : memref<!tpu.dma_semaphore, #tpu.memory_space<semaphore_mem>>
      %dma_start3A_98 = arith.constant 0 : i32
      %dma_start3A_99 = arith.constant 0 : i32
      %dma_start3A_100 = tpu.memref_slice %arg11[%dma_start3A_98, %dma_start3A_99] : memref<1024x64xf32, #tpu.memory_space<vmem>> -> memref<128x64xf32, #tpu.memory_space<vmem>>
      %dma_start3A_101 = arith.constant 0 : i32
      %dma_start3A_102 = tpu.memref_slice %arg8[%add3A_85, %dma_start3A_101] : memref<20224x64xf32, #tpu.memory_space<hbm>> -> memref<128x64xf32, #tpu.memory_space<hbm>>
      %dma_start3A_103 = arith.constant 0 : i32
      %dma_start3A_104 = tpu.memref_slice %arg8[%add3A_85, %dma_start3A_103] : memref<20224x64xf32, #tpu.memory_space<hbm>> -> memref<128x64xf32, #tpu.memory_space<hbm>>
      %dma_start3A_105 = arith.constant 0 : i32
      %dma_start3A_106 = arith.constant 0 : i32
      %dma_start3A_107 = tpu.memref_slice %arg11[%dma_start3A_105, %dma_start3A_106] : memref<1024x64xf32, #tpu.memory_space<vmem>> -> memref<128x64xf32, #tpu.memory_space<vmem>>
      tpu.enqueue_dma source(%dma_start3A_107 : memref<128x64xf32, #tpu.memory_space<vmem>>) target(%dma_start3A_104 : memref<128x64xf32, #tpu.memory_space<hbm>>) target_semaphore(%run_scoped3A : memref<!tpu.dma_semaphore, #tpu.memory_space<semaphore_mem>>)
      %dma_wait3A_108 = arith.constant 0 : i32
      %dma_wait3A_109 = arith.constant 0 : i32
      %dma_wait3A_110 = tpu.memref_slice %arg11[%dma_wait3A_108, %dma_wait3A_109] : memref<1024x64xf32, #tpu.memory_space<vmem>> -> memref<128x64xf32, #tpu.memory_space<vmem>>
      %dma_wait3A_111 = arith.constant 0 : i32
      %dma_wait3A_112 = tpu.memref_slice %arg8[%add3A_85, %dma_wait3A_111] : memref<20224x64xf32, #tpu.memory_space<hbm>> -> memref<128x64xf32, #tpu.memory_space<hbm>>
      %dma_wait3A_113 = arith.constant 0 : i32
      %dma_wait3A_114 = tpu.memref_slice %arg8[%add3A_85, %dma_wait3A_113] : memref<20224x64xf32, #tpu.memory_space<hbm>> -> memref<128x64xf32, #tpu.memory_space<hbm>>
      %dma_wait3A_115 = arith.constant 0 : i32
      %dma_wait3A_116 = arith.constant 0 : i32
      %dma_wait3A_117 = tpu.memref_slice %arg11[%dma_wait3A_115, %dma_wait3A_116] : memref<1024x64xf32, #tpu.memory_space<vmem>> -> memref<128x64xf32, #tpu.memory_space<vmem>>
      tpu.wait_dma2 semaphore(%run_scoped3A : memref<!tpu.dma_semaphore, #tpu.memory_space<semaphore_mem>>) src(%dma_wait3A_117 : memref<128x64xf32, #tpu.memory_space<vmem>>) dst(%dma_wait3A_114 : memref<128x64xf32, #tpu.memory_space<hbm>>)
      tpu.yield
    }) : () -> ()
    %add3A_86 = arith.constant 256 : i32
    %add3A_87 = arith.addi %mul3A_0, %add3A_86 : i32
    "tpu.region"() ({
      %run_scoped3A = tpu.sem_alloc : memref<!tpu.dma_semaphore, #tpu.memory_space<semaphore_mem>>
      %dma_start3A_98 = arith.constant 0 : i32
      %dma_start3A_99 = arith.constant 0 : i32
      %dma_start3A_100 = tpu.memref_slice %arg11[%dma_start3A_98, %dma_start3A_99] : memref<1024x64xf32, #tpu.memory_space<vmem>> -> memref<128x64xf32, #tpu.memory_space<vmem>>
      %dma_start3A_101 = arith.constant 0 : i32
      %dma_start3A_102 = tpu.memref_slice %arg14[%add3A_87, %dma_start3A_101] : memref<10112x64xf32, #tpu.memory_space<vmem_shared>> -> memref<128x64xf32, #tpu.memory_space<vmem_shared>>
      %dma_start3A_103 = arith.constant 0 : i32
      %dma_start3A_104 = arith.constant 0 : i32
      %dma_start3A_105 = tpu.memref_slice %arg11[%dma_start3A_103, %dma_start3A_104] : memref<1024x64xf32, #tpu.memory_space<vmem>> -> memref<128x64xf32, #tpu.memory_space<vmem>>
      %dma_start3A_106 = arith.constant 0 : i32
      %dma_start3A_107 = tpu.memref_slice %arg14[%add3A_87, %dma_start3A_106] : memref<10112x64xf32, #tpu.memory_space<vmem_shared>> -> memref<128x64xf32, #tpu.memory_space<vmem_shared>>
      tpu.enqueue_dma source(%dma_start3A_107 : memref<128x64xf32, #tpu.memory_space<vmem_shared>>) target(%dma_start3A_105 : memref<128x64xf32, #tpu.memory_space<vmem>>) target_semaphore(%run_scoped3A : memref<!tpu.dma_semaphore, #tpu.memory_space<semaphore_mem>>)
      %dma_wait3A_108 = arith.constant 0 : i32
      %dma_wait3A_109 = arith.constant 0 : i32
      %dma_wait3A_110 = tpu.memref_slice %arg11[%dma_wait3A_108, %dma_wait3A_109] : memref<1024x64xf32, #tpu.memory_space<vmem>> -> memref<128x64xf32, #tpu.memory_space<vmem>>
      %dma_wait3A_111 = arith.constant 0 : i32
      %dma_wait3A_112 = tpu.memref_slice %arg14[%add3A_87, %dma_wait3A_111] : memref<10112x64xf32, #tpu.memory_space<vmem_shared>> -> memref<128x64xf32, #tpu.memory_space<vmem_shared>>
      %dma_wait3A_113 = arith.constant 0 : i32
      %dma_wait3A_114 = arith.constant 0 : i32
      %dma_wait3A_115 = tpu.memref_slice %arg11[%dma_wait3A_113, %dma_wait3A_114] : memref<1024x64xf32, #tpu.memory_space<vmem>> -> memref<128x64xf32, #tpu.memory_space<vmem>>
      %dma_wait3A_116 = arith.constant 0 : i32
      %dma_wait3A_117 = tpu.memref_slice %arg14[%add3A_87, %dma_wait3A_116] : memref<10112x64xf32, #tpu.memory_space<vmem_shared>> -> memref<128x64xf32, #tpu.memory_space<vmem_shared>>
      tpu.wait_dma2 semaphore(%run_scoped3A : memref<!tpu.dma_semaphore, #tpu.memory_space<semaphore_mem>>) src(%dma_wait3A_117 : memref<128x64xf32, #tpu.memory_space<vmem_shared>>) dst(%dma_wait3A_115 : memref<128x64xf32, #tpu.memory_space<vmem>>)
      tpu.yield
    }) : () -> ()
    %add3A_88 = arith.constant 256 : i32
    %add3A_89 = arith.addi %add3A_77, %add3A_88 : i32
    "tpu.region"() ({
      %run_scoped3A = tpu.sem_alloc : memref<!tpu.dma_semaphore, #tpu.memory_space<semaphore_mem>>
      %dma_start3A_98 = arith.constant 0 : i32
      %dma_start3A_99 = arith.constant 0 : i32
      %dma_start3A_100 = tpu.memref_slice %arg11[%dma_start3A_98, %dma_start3A_99] : memref<1024x64xf32, #tpu.memory_space<vmem>> -> memref<128x64xf32, #tpu.memory_space<vmem>>
      %dma_start3A_101 = arith.constant 0 : i32
      %dma_start3A_102 = tpu.memref_slice %arg8[%add3A_89, %dma_start3A_101] : memref<20224x64xf32, #tpu.memory_space<hbm>> -> memref<128x64xf32, #tpu.memory_space<hbm>>
      %dma_start3A_103 = arith.constant 0 : i32
      %dma_start3A_104 = tpu.memref_slice %arg8[%add3A_89, %dma_start3A_103] : memref<20224x64xf32, #tpu.memory_space<hbm>> -> memref<128x64xf32, #tpu.memory_space<hbm>>
      %dma_start3A_105 = arith.constant 0 : i32
      %dma_start3A_106 = arith.constant 0 : i32
      %dma_start3A_107 = tpu.memref_slice %arg11[%dma_start3A_105, %dma_start3A_106] : memref<1024x64xf32, #tpu.memory_space<vmem>> -> memref<128x64xf32, #tpu.memory_space<vmem>>
      tpu.enqueue_dma source(%dma_start3A_107 : memref<128x64xf32, #tpu.memory_space<vmem>>) target(%dma_start3A_104 : memref<128x64xf32, #tpu.memory_space<hbm>>) target_semaphore(%run_scoped3A : memref<!tpu.dma_semaphore, #tpu.memory_space<semaphore_mem>>)
      %dma_wait3A_108 = arith.constant 0 : i32
      %dma_wait3A_109 = arith.constant 0 : i32
      %dma_wait3A_110 = tpu.memref_slice %arg11[%dma_wait3A_108, %dma_wait3A_109] : memref<1024x64xf32, #tpu.memory_space<vmem>> -> memref<128x64xf32, #tpu.memory_space<vmem>>
      %dma_wait3A_111 = arith.constant 0 : i32
      %dma_wait3A_112 = tpu.memref_slice %arg8[%add3A_89, %dma_wait3A_111] : memref<20224x64xf32, #tpu.memory_space<hbm>> -> memref<128x64xf32, #tpu.memory_space<hbm>>
      %dma_wait3A_113 = arith.constant 0 : i32
      %dma_wait3A_114 = tpu.memref_slice %arg8[%add3A_89, %dma_wait3A_113] : memref<20224x64xf32, #tpu.memory_space<hbm>> -> memref<128x64xf32, #tpu.memory_space<hbm>>
      %dma_wait3A_115 = arith.constant 0 : i32
      %dma_wait3A_116 = arith.constant 0 : i32
      %dma_wait3A_117 = tpu.memref_slice %arg11[%dma_wait3A_115, %dma_wait3A_116] : memref<1024x64xf32, #tpu.memory_space<vmem>> -> memref<128x64xf32, #tpu.memory_space<vmem>>
      tpu.wait_dma2 semaphore(%run_scoped3A : memref<!tpu.dma_semaphore, #tpu.memory_space<semaphore_mem>>) src(%dma_wait3A_117 : memref<128x64xf32, #tpu.memory_space<vmem>>) dst(%dma_wait3A_114 : memref<128x64xf32, #tpu.memory_space<hbm>>)
      tpu.yield
    }) : () -> ()
    %add3A_90 = arith.constant 384 : i32
    %add3A_91 = arith.addi %mul3A_0, %add3A_90 : i32
    "tpu.region"() ({
      %run_scoped3A = tpu.sem_alloc : memref<!tpu.dma_semaphore, #tpu.memory_space<semaphore_mem>>
      %dma_start3A_98 = arith.constant 0 : i32
      %dma_start3A_99 = arith.constant 0 : i32
      %dma_start3A_100 = tpu.memref_slice %arg11[%dma_start3A_98, %dma_start3A_99] : memref<1024x64xf32, #tpu.memory_space<vmem>> -> memref<128x64xf32, #tpu.memory_space<vmem>>
      %dma_start3A_101 = arith.constant 0 : i32
      %dma_start3A_102 = tpu.memref_slice %arg14[%add3A_91, %dma_start3A_101] : memref<10112x64xf32, #tpu.memory_space<vmem_shared>> -> memref<128x64xf32, #tpu.memory_space<vmem_shared>>
      %dma_start3A_103 = arith.constant 0 : i32
      %dma_start3A_104 = arith.constant 0 : i32
      %dma_start3A_105 = tpu.memref_slice %arg11[%dma_start3A_103, %dma_start3A_104] : memref<1024x64xf32, #tpu.memory_space<vmem>> -> memref<128x64xf32, #tpu.memory_space<vmem>>
      %dma_start3A_106 = arith.constant 0 : i32
      %dma_start3A_107 = tpu.memref_slice %arg14[%add3A_91, %dma_start3A_106] : memref<10112x64xf32, #tpu.memory_space<vmem_shared>> -> memref<128x64xf32, #tpu.memory_space<vmem_shared>>
      tpu.enqueue_dma source(%dma_start3A_107 : memref<128x64xf32, #tpu.memory_space<vmem_shared>>) target(%dma_start3A_105 : memref<128x64xf32, #tpu.memory_space<vmem>>) target_semaphore(%run_scoped3A : memref<!tpu.dma_semaphore, #tpu.memory_space<semaphore_mem>>)
      %dma_wait3A_108 = arith.constant 0 : i32
      %dma_wait3A_109 = arith.constant 0 : i32
      %dma_wait3A_110 = tpu.memref_slice %arg11[%dma_wait3A_108, %dma_wait3A_109] : memref<1024x64xf32, #tpu.memory_space<vmem>> -> memref<128x64xf32, #tpu.memory_space<vmem>>
      %dma_wait3A_111 = arith.constant 0 : i32
      %dma_wait3A_112 = tpu.memref_slice %arg14[%add3A_91, %dma_wait3A_111] : memref<10112x64xf32, #tpu.memory_space<vmem_shared>> -> memref<128x64xf32, #tpu.memory_space<vmem_shared>>
      %dma_wait3A_113 = arith.constant 0 : i32
      %dma_wait3A_114 = arith.constant 0 : i32
      %dma_wait3A_115 = tpu.memref_slice %arg11[%dma_wait3A_113, %dma_wait3A_114] : memref<1024x64xf32, #tpu.memory_space<vmem>> -> memref<128x64xf32, #tpu.memory_space<vmem>>
      %dma_wait3A_116 = arith.constant 0 : i32
      %dma_wait3A_117 = tpu.memref_slice %arg14[%add3A_91, %dma_wait3A_116] : memref<10112x64xf32, #tpu.memory_space<vmem_shared>> -> memref<128x64xf32, #tpu.memory_space<vmem_shared>>
      tpu.wait_dma2 semaphore(%run_scoped3A : memref<!tpu.dma_semaphore, #tpu.memory_space<semaphore_mem>>) src(%dma_wait3A_117 : memref<128x64xf32, #tpu.memory_space<vmem_shared>>) dst(%dma_wait3A_115 : memref<128x64xf32, #tpu.memory_space<vmem>>)
      tpu.yield
    }) : () -> ()
    %add3A_92 = arith.constant 384 : i32
    %add3A_93 = arith.addi %add3A_77, %add3A_92 : i32
    "tpu.region"() ({
      %run_scoped3A = tpu.sem_alloc : memref<!tpu.dma_semaphore, #tpu.memory_space<semaphore_mem>>
      %dma_start3A_98 = arith.constant 0 : i32
      %dma_start3A_99 = arith.constant 0 : i32
      %dma_start3A_100 = tpu.memref_slice %arg11[%dma_start3A_98, %dma_start3A_99] : memref<1024x64xf32, #tpu.memory_space<vmem>> -> memref<128x64xf32, #tpu.memory_space<vmem>>
      %dma_start3A_101 = arith.constant 0 : i32
      %dma_start3A_102 = tpu.memref_slice %arg8[%add3A_93, %dma_start3A_101] : memref<20224x64xf32, #tpu.memory_space<hbm>> -> memref<128x64xf32, #tpu.memory_space<hbm>>
      %dma_start3A_103 = arith.constant 0 : i32
      %dma_start3A_104 = tpu.memref_slice %arg8[%add3A_93, %dma_start3A_103] : memref<20224x64xf32, #tpu.memory_space<hbm>> -> memref<128x64xf32, #tpu.memory_space<hbm>>
      %dma_start3A_105 = arith.constant 0 : i32
      %dma_start3A_106 = arith.constant 0 : i32
      %dma_start3A_107 = tpu.memref_slice %arg11[%dma_start3A_105, %dma_start3A_106] : memref<1024x64xf32, #tpu.memory_space<vmem>> -> memref<128x64xf32, #tpu.memory_space<vmem>>
      tpu.enqueue_dma source(%dma_start3A_107 : memref<128x64xf32, #tpu.memory_space<vmem>>) target(%dma_start3A_104 : memref<128x64xf32, #tpu.memory_space<hbm>>) target_semaphore(%run_scoped3A : memref<!tpu.dma_semaphore, #tpu.memory_space<semaphore_mem>>)
      %dma_wait3A_108 = arith.constant 0 : i32
      %dma_wait3A_109 = arith.constant 0 : i32
      %dma_wait3A_110 = tpu.memref_slice %arg11[%dma_wait3A_108, %dma_wait3A_109] : memref<1024x64xf32, #tpu.memory_space<vmem>> -> memref<128x64xf32, #tpu.memory_space<vmem>>
      %dma_wait3A_111 = arith.constant 0 : i32
      %dma_wait3A_112 = tpu.memref_slice %arg8[%add3A_93, %dma_wait3A_111] : memref<20224x64xf32, #tpu.memory_space<hbm>> -> memref<128x64xf32, #tpu.memory_space<hbm>>
      %dma_wait3A_113 = arith.constant 0 : i32
      %dma_wait3A_114 = tpu.memref_slice %arg8[%add3A_93, %dma_wait3A_113] : memref<20224x64xf32, #tpu.memory_space<hbm>> -> memref<128x64xf32, #tpu.memory_space<hbm>>
      %dma_wait3A_115 = arith.constant 0 : i32
      %dma_wait3A_116 = arith.constant 0 : i32
      %dma_wait3A_117 = tpu.memref_slice %arg11[%dma_wait3A_115, %dma_wait3A_116] : memref<1024x64xf32, #tpu.memory_space<vmem>> -> memref<128x64xf32, #tpu.memory_space<vmem>>
      tpu.wait_dma2 semaphore(%run_scoped3A : memref<!tpu.dma_semaphore, #tpu.memory_space<semaphore_mem>>) src(%dma_wait3A_117 : memref<128x64xf32, #tpu.memory_space<vmem>>) dst(%dma_wait3A_114 : memref<128x64xf32, #tpu.memory_space<hbm>>)
      tpu.yield
    }) : () -> ()
    %add3A_94 = arith.constant 512 : i32
    %add3A_95 = arith.addi %mul3A_0, %add3A_94 : i32
    "tpu.region"() ({
      %run_scoped3A = tpu.sem_alloc : memref<!tpu.dma_semaphore, #tpu.memory_space<semaphore_mem>>
      %dma_start3A_98 = arith.constant 0 : i32
      %dma_start3A_99 = arith.constant 0 : i32
      %dma_start3A_100 = tpu.memref_slice %arg11[%dma_start3A_98, %dma_start3A_99] : memref<1024x64xf32, #tpu.memory_space<vmem>> -> memref<120x64xf32, #tpu.memory_space<vmem>>
      %dma_start3A_101 = arith.constant 0 : i32
      %dma_start3A_102 = tpu.memref_slice %arg14[%add3A_95, %dma_start3A_101] : memref<10112x64xf32, #tpu.memory_space<vmem_shared>> -> memref<120x64xf32, #tpu.memory_space<vmem_shared>>
      %dma_start3A_103 = arith.constant 0 : i32
      %dma_start3A_104 = arith.constant 0 : i32
      %dma_start3A_105 = tpu.memref_slice %arg11[%dma_start3A_103, %dma_start3A_104] : memref<1024x64xf32, #tpu.memory_space<vmem>> -> memref<120x64xf32, #tpu.memory_space<vmem>>
      %dma_start3A_106 = arith.constant 0 : i32
      %dma_start3A_107 = tpu.memref_slice %arg14[%add3A_95, %dma_start3A_106] : memref<10112x64xf32, #tpu.memory_space<vmem_shared>> -> memref<120x64xf32, #tpu.memory_space<vmem_shared>>
      tpu.enqueue_dma source(%dma_start3A_107 : memref<120x64xf32, #tpu.memory_space<vmem_shared>>) target(%dma_start3A_105 : memref<120x64xf32, #tpu.memory_space<vmem>>) target_semaphore(%run_scoped3A : memref<!tpu.dma_semaphore, #tpu.memory_space<semaphore_mem>>)
      %dma_wait3A_108 = arith.constant 0 : i32
      %dma_wait3A_109 = arith.constant 0 : i32
      %dma_wait3A_110 = tpu.memref_slice %arg11[%dma_wait3A_108, %dma_wait3A_109] : memref<1024x64xf32, #tpu.memory_space<vmem>> -> memref<120x64xf32, #tpu.memory_space<vmem>>
      %dma_wait3A_111 = arith.constant 0 : i32
      %dma_wait3A_112 = tpu.memref_slice %arg14[%add3A_95, %dma_wait3A_111] : memref<10112x64xf32, #tpu.memory_space<vmem_shared>> -> memref<120x64xf32, #tpu.memory_space<vmem_shared>>
      %dma_wait3A_113 = arith.constant 0 : i32
      %dma_wait3A_114 = arith.constant 0 : i32
      %dma_wait3A_115 = tpu.memref_slice %arg11[%dma_wait3A_113, %dma_wait3A_114] : memref<1024x64xf32, #tpu.memory_space<vmem>> -> memref<120x64xf32, #tpu.memory_space<vmem>>
      %dma_wait3A_116 = arith.constant 0 : i32
      %dma_wait3A_117 = tpu.memref_slice %arg14[%add3A_95, %dma_wait3A_116] : memref<10112x64xf32, #tpu.memory_space<vmem_shared>> -> memref<120x64xf32, #tpu.memory_space<vmem_shared>>
      tpu.wait_dma2 semaphore(%run_scoped3A : memref<!tpu.dma_semaphore, #tpu.memory_space<semaphore_mem>>) src(%dma_wait3A_117 : memref<120x64xf32, #tpu.memory_space<vmem_shared>>) dst(%dma_wait3A_115 : memref<120x64xf32, #tpu.memory_space<vmem>>)
      tpu.yield
    }) : () -> ()
    %add3A_96 = arith.constant 512 : i32
    %add3A_97 = arith.addi %add3A_77, %add3A_96 : i32
    "tpu.region"() ({
      %run_scoped3A = tpu.sem_alloc : memref<!tpu.dma_semaphore, #tpu.memory_space<semaphore_mem>>
      %dma_start3A_98 = arith.constant 0 : i32
      %dma_start3A_99 = arith.constant 0 : i32
      %dma_start3A_100 = tpu.memref_slice %arg11[%dma_start3A_98, %dma_start3A_99] : memref<1024x64xf32, #tpu.memory_space<vmem>> -> memref<120x64xf32, #tpu.memory_space<vmem>>
      %dma_start3A_101 = arith.constant 0 : i32
      %dma_start3A_102 = tpu.memref_slice %arg8[%add3A_97, %dma_start3A_101] : memref<20224x64xf32, #tpu.memory_space<hbm>> -> memref<120x64xf32, #tpu.memory_space<hbm>>
      %dma_start3A_103 = arith.constant 0 : i32
      %dma_start3A_104 = tpu.memref_slice %arg8[%add3A_97, %dma_start3A_103] : memref<20224x64xf32, #tpu.memory_space<hbm>> -> memref<120x64xf32, #tpu.memory_space<hbm>>
      %dma_start3A_105 = arith.constant 0 : i32
      %dma_start3A_106 = arith.constant 0 : i32
      %dma_start3A_107 = tpu.memref_slice %arg11[%dma_start3A_105, %dma_start3A_106] : memref<1024x64xf32, #tpu.memory_space<vmem>> -> memref<120x64xf32, #tpu.memory_space<vmem>>
      tpu.enqueue_dma source(%dma_start3A_107 : memref<120x64xf32, #tpu.memory_space<vmem>>) target(%dma_start3A_104 : memref<120x64xf32, #tpu.memory_space<hbm>>) target_semaphore(%run_scoped3A : memref<!tpu.dma_semaphore, #tpu.memory_space<semaphore_mem>>)
      %dma_wait3A_108 = arith.constant 0 : i32
      %dma_wait3A_109 = arith.constant 0 : i32
      %dma_wait3A_110 = tpu.memref_slice %arg11[%dma_wait3A_108, %dma_wait3A_109] : memref<1024x64xf32, #tpu.memory_space<vmem>> -> memref<120x64xf32, #tpu.memory_space<vmem>>
      %dma_wait3A_111 = arith.constant 0 : i32
      %dma_wait3A_112 = tpu.memref_slice %arg8[%add3A_97, %dma_wait3A_111] : memref<20224x64xf32, #tpu.memory_space<hbm>> -> memref<120x64xf32, #tpu.memory_space<hbm>>
      %dma_wait3A_113 = arith.constant 0 : i32
      %dma_wait3A_114 = tpu.memref_slice %arg8[%add3A_97, %dma_wait3A_113] : memref<20224x64xf32, #tpu.memory_space<hbm>> -> memref<120x64xf32, #tpu.memory_space<hbm>>
      %dma_wait3A_115 = arith.constant 0 : i32
      %dma_wait3A_116 = arith.constant 0 : i32
      %dma_wait3A_117 = tpu.memref_slice %arg11[%dma_wait3A_115, %dma_wait3A_116] : memref<1024x64xf32, #tpu.memory_space<vmem>> -> memref<120x64xf32, #tpu.memory_space<vmem>>
      tpu.wait_dma2 semaphore(%run_scoped3A : memref<!tpu.dma_semaphore, #tpu.memory_space<semaphore_mem>>) src(%dma_wait3A_117 : memref<120x64xf32, #tpu.memory_space<vmem>>) dst(%dma_wait3A_114 : memref<120x64xf32, #tpu.memory_space<hbm>>)
      tpu.yield
    }) : () -> ()
    return
  }
}

#map = affine_map<(d0, d1) -> (0, 0)>
#map1 = affine_map<(d0, d1) -> (0)>
module attributes {stable_mosaic.version = 14 : i64} {
  func.func @k(%arg0: i32, %arg1: i32, %arg2: memref<20224x64xf32, #tpu.memory_space<hbm>>, %arg3: memref<655360xi32, #tpu.memory_space<hbm>>, %arg4: memref<327680xi32, #tpu.memory_space<hbm>>, %arg5: memref<20224x64xf32, #tpu.memory_space<hbm>>, %arg6: memref<10112x16xf32, #tpu.memory_space<hbm>>, %arg7: memref<512x16xf32, #tpu.memory_space<hbm>>, %arg8: memref<20224x64xf32, #tpu.memory_space<hbm>>, %arg9: memref<20224x16xf32, #tpu.memory_space<hbm>>, %arg10: memref<2048xi32, #tpu.memory_space<vmem>>, %arg11: memref<2048xi32, #tpu.memory_space<vmem>>, %arg12: memref<1024x64xf32, #tpu.memory_space<vmem>>, %arg13: memref<512x16xf32, #tpu.memory_space<vmem>>, %arg14: memref<128x16xf32, #tpu.memory_space<vmem>>, %arg15: memref<10112x64xf32, #tpu.memory_space<vmem_shared>>, %arg16: memref<10112x16xf32, #tpu.memory_space<vmem_shared>>, %arg17: memref<!tpu.dma_semaphore, #tpu.memory_space<semaphore_mem>>, %arg18: memref<!tpu.dma_semaphore, #tpu.memory_space<semaphore_mem>>, %arg19: memref<!tpu.dma_semaphore, #tpu.memory_space<semaphore_mem>>, %arg20: memref<!tpu.dma_semaphore, #tpu.memory_space<semaphore_mem>>) attributes {dimension_semantics = [#tpu.dimension_semantics<core_parallel>, #tpu.dimension_semantics<subcore_parallel>], iteration_bounds = array<i64: 2, 16>, scalar_prefetch = 0 : i64, scratch_operands = 11 : i64, tpu.core_type = #tpu.core_type<sc_vector_subcore>, window_params = [{transform_indices = #map}, {transform_indices = #map1}, {transform_indices = #map1}, {transform_indices = #map}, {transform_indices = #map}, {transform_indices = #map}, {transform_indices = #map}, {transform_indices = #map}]} {
    %mul3A = arith.constant 632 : i32
    %mul3A_0 = arith.muli %arg1, %mul3A : i32
    "tpu.region"() ({
      %run_scoped3A = tpu.sem_alloc : memref<!tpu.dma_semaphore, #tpu.memory_space<semaphore_mem>>
      %dma_start3A_135 = arith.constant 0 : i32
      %dma_start3A_136 = arith.constant 0 : i32
      %dma_start3A_137 = tpu.memref_slice %arg12[%dma_start3A_135, %dma_start3A_136] : memref<1024x64xf32, #tpu.memory_space<vmem>> -> memref<128x64xf32, #tpu.memory_space<vmem>>
      %dma_start3A_138 = arith.constant 0 : i32
      %dma_start3A_139 = arith.constant 0 : i32
      %dma_start3A_140 = tpu.memref_slice %arg5[%dma_start3A_138, %dma_start3A_139] : memref<20224x64xf32, #tpu.memory_space<hbm>> -> memref<128x64xf32, #tpu.memory_space<hbm>>
      %dma_start3A_141 = arith.constant 0 : i32
      %dma_start3A_142 = arith.constant 0 : i32
      %dma_start3A_143 = tpu.memref_slice %arg12[%dma_start3A_141, %dma_start3A_142] : memref<1024x64xf32, #tpu.memory_space<vmem>> -> memref<128x64xf32, #tpu.memory_space<vmem>>
      %dma_start3A_144 = arith.constant 0 : i32
      %dma_start3A_145 = arith.constant 0 : i32
      %dma_start3A_146 = tpu.memref_slice %arg5[%dma_start3A_144, %dma_start3A_145] : memref<20224x64xf32, #tpu.memory_space<hbm>> -> memref<128x64xf32, #tpu.memory_space<hbm>>
      tpu.enqueue_dma source(%dma_start3A_146 : memref<128x64xf32, #tpu.memory_space<hbm>>) target(%dma_start3A_143 : memref<128x64xf32, #tpu.memory_space<vmem>>) target_semaphore(%run_scoped3A : memref<!tpu.dma_semaphore, #tpu.memory_space<semaphore_mem>>)
      %dma_wait3A_147 = arith.constant 0 : i32
      %dma_wait3A_148 = arith.constant 0 : i32
      %dma_wait3A_149 = tpu.memref_slice %arg12[%dma_wait3A_147, %dma_wait3A_148] : memref<1024x64xf32, #tpu.memory_space<vmem>> -> memref<128x64xf32, #tpu.memory_space<vmem>>
      %dma_wait3A_150 = arith.constant 0 : i32
      %dma_wait3A_151 = arith.constant 0 : i32
      %dma_wait3A_152 = tpu.memref_slice %arg5[%dma_wait3A_150, %dma_wait3A_151] : memref<20224x64xf32, #tpu.memory_space<hbm>> -> memref<128x64xf32, #tpu.memory_space<hbm>>
      %dma_wait3A_153 = arith.constant 0 : i32
      %dma_wait3A_154 = arith.constant 0 : i32
      %dma_wait3A_155 = tpu.memref_slice %arg12[%dma_wait3A_153, %dma_wait3A_154] : memref<1024x64xf32, #tpu.memory_space<vmem>> -> memref<128x64xf32, #tpu.memory_space<vmem>>
      %dma_wait3A_156 = arith.constant 0 : i32
      %dma_wait3A_157 = arith.constant 0 : i32
      %dma_wait3A_158 = tpu.memref_slice %arg5[%dma_wait3A_156, %dma_wait3A_157] : memref<20224x64xf32, #tpu.memory_space<hbm>> -> memref<128x64xf32, #tpu.memory_space<hbm>>
      tpu.wait_dma2 semaphore(%run_scoped3A : memref<!tpu.dma_semaphore, #tpu.memory_space<semaphore_mem>>) src(%dma_wait3A_158 : memref<128x64xf32, #tpu.memory_space<hbm>>) dst(%dma_wait3A_155 : memref<128x64xf32, #tpu.memory_space<vmem>>)
      tpu.yield
    }) : () -> ()
    "tpu.region"() ({
      %run_scoped3A = tpu.sem_alloc : memref<!tpu.dma_semaphore, #tpu.memory_space<semaphore_mem>>
      tpu.enqueue_dma source(%arg7 : memref<512x16xf32, #tpu.memory_space<hbm>>) target(%arg13 : memref<512x16xf32, #tpu.memory_space<vmem>>) target_semaphore(%run_scoped3A : memref<!tpu.dma_semaphore, #tpu.memory_space<semaphore_mem>>)
      tpu.wait_dma2 semaphore(%run_scoped3A : memref<!tpu.dma_semaphore, #tpu.memory_space<semaphore_mem>>) src(%arg7 : memref<512x16xf32, #tpu.memory_space<hbm>>) dst(%arg13 : memref<512x16xf32, #tpu.memory_space<vmem>>)
      tpu.yield
    }) : () -> ()
    "tpu.region"() ({
      %run_scoped3A = tpu.sem_alloc : memref<!tpu.dma_semaphore, #tpu.memory_space<semaphore_mem>>
      %dma_start3A_135 = arith.constant 0 : i32
      %dma_start3A_136 = arith.constant 0 : i32
      %dma_start3A_137 = tpu.memref_slice %arg6[%dma_start3A_135, %dma_start3A_136] : memref<10112x16xf32, #tpu.memory_space<hbm>> -> memref<128x16xf32, #tpu.memory_space<hbm>>
      %dma_start3A_138 = arith.constant 0 : i32
      %dma_start3A_139 = arith.constant 0 : i32
      %dma_start3A_140 = tpu.memref_slice %arg6[%dma_start3A_138, %dma_start3A_139] : memref<10112x16xf32, #tpu.memory_space<hbm>> -> memref<128x16xf32, #tpu.memory_space<hbm>>
      tpu.enqueue_dma source(%dma_start3A_140 : memref<128x16xf32, #tpu.memory_space<hbm>>) target(%arg14 : memref<128x16xf32, #tpu.memory_space<vmem>>) target_semaphore(%run_scoped3A : memref<!tpu.dma_semaphore, #tpu.memory_space<semaphore_mem>>)
      %dma_wait3A_141 = arith.constant 0 : i32
      %dma_wait3A_142 = arith.constant 0 : i32
      %dma_wait3A_143 = tpu.memref_slice %arg6[%dma_wait3A_141, %dma_wait3A_142] : memref<10112x16xf32, #tpu.memory_space<hbm>> -> memref<128x16xf32, #tpu.memory_space<hbm>>
      %dma_wait3A_144 = arith.constant 0 : i32
      %dma_wait3A_145 = arith.constant 0 : i32
      %dma_wait3A_146 = tpu.memref_slice %arg6[%dma_wait3A_144, %dma_wait3A_145] : memref<10112x16xf32, #tpu.memory_space<hbm>> -> memref<128x16xf32, #tpu.memory_space<hbm>>
      tpu.wait_dma2 semaphore(%run_scoped3A : memref<!tpu.dma_semaphore, #tpu.memory_space<semaphore_mem>>) src(%dma_wait3A_146 : memref<128x16xf32, #tpu.memory_space<hbm>>) dst(%arg14 : memref<128x16xf32, #tpu.memory_space<vmem>>)
      tpu.yield
    }) : () -> ()
    %add3A = arith.constant 0 : i32
    %add3A_1 = arith.addi %mul3A_0, %add3A : i32
    "tpu.region"() ({
      %run_scoped3A = tpu.sem_alloc : memref<!tpu.dma_semaphore, #tpu.memory_space<semaphore_mem>>
      %dma_start3A_135 = arith.constant 0 : i32
      %dma_start3A_136 = arith.constant 0 : i32
      %dma_start3A_137 = tpu.memref_slice %arg12[%dma_start3A_135, %dma_start3A_136] : memref<1024x64xf32, #tpu.memory_space<vmem>> -> memref<128x64xf32, #tpu.memory_space<vmem>>
      %dma_start3A_138 = arith.constant 0 : i32
      %dma_start3A_139 = tpu.memref_slice %arg15[%add3A_1, %dma_start3A_138] : memref<10112x64xf32, #tpu.memory_space<vmem_shared>> -> memref<128x64xf32, #tpu.memory_space<vmem_shared>>
      %dma_start3A_140 = arith.constant 0 : i32
      %dma_start3A_141 = tpu.memref_slice %arg15[%add3A_1, %dma_start3A_140] : memref<10112x64xf32, #tpu.memory_space<vmem_shared>> -> memref<128x64xf32, #tpu.memory_space<vmem_shared>>
      %dma_start3A_142 = arith.constant 0 : i32
      %dma_start3A_143 = arith.constant 0 : i32
      %dma_start3A_144 = tpu.memref_slice %arg12[%dma_start3A_142, %dma_start3A_143] : memref<1024x64xf32, #tpu.memory_space<vmem>> -> memref<128x64xf32, #tpu.memory_space<vmem>>
      tpu.enqueue_dma source(%dma_start3A_144 : memref<128x64xf32, #tpu.memory_space<vmem>>) target(%dma_start3A_141 : memref<128x64xf32, #tpu.memory_space<vmem_shared>>) target_semaphore(%run_scoped3A : memref<!tpu.dma_semaphore, #tpu.memory_space<semaphore_mem>>)
      %dma_wait3A_145 = arith.constant 0 : i32
      %dma_wait3A_146 = arith.constant 0 : i32
      %dma_wait3A_147 = tpu.memref_slice %arg12[%dma_wait3A_145, %dma_wait3A_146] : memref<1024x64xf32, #tpu.memory_space<vmem>> -> memref<128x64xf32, #tpu.memory_space<vmem>>
      %dma_wait3A_148 = arith.constant 0 : i32
      %dma_wait3A_149 = tpu.memref_slice %arg15[%add3A_1, %dma_wait3A_148] : memref<10112x64xf32, #tpu.memory_space<vmem_shared>> -> memref<128x64xf32, #tpu.memory_space<vmem_shared>>
      %dma_wait3A_150 = arith.constant 0 : i32
      %dma_wait3A_151 = tpu.memref_slice %arg15[%add3A_1, %dma_wait3A_150] : memref<10112x64xf32, #tpu.memory_space<vmem_shared>> -> memref<128x64xf32, #tpu.memory_space<vmem_shared>>
      %dma_wait3A_152 = arith.constant 0 : i32
      %dma_wait3A_153 = arith.constant 0 : i32
      %dma_wait3A_154 = tpu.memref_slice %arg12[%dma_wait3A_152, %dma_wait3A_153] : memref<1024x64xf32, #tpu.memory_space<vmem>> -> memref<128x64xf32, #tpu.memory_space<vmem>>
      tpu.wait_dma2 semaphore(%run_scoped3A : memref<!tpu.dma_semaphore, #tpu.memory_space<semaphore_mem>>) src(%dma_wait3A_154 : memref<128x64xf32, #tpu.memory_space<vmem>>) dst(%dma_wait3A_151 : memref<128x64xf32, #tpu.memory_space<vmem_shared>>)
      tpu.yield
    }) : () -> ()
    %add3A_2 = arith.constant 0 : i32
    %add3A_3 = arith.addi %mul3A_0, %add3A_2 : i32
    "tpu.region"() ({
      %run_scoped3A = tpu.sem_alloc : memref<!tpu.dma_semaphore, #tpu.memory_space<semaphore_mem>>
      %dma_start3A_135 = arith.constant 0 : i32
      %dma_start3A_136 = arith.constant 0 : i32
      %dma_start3A_137 = tpu.memref_slice %arg14[%dma_start3A_135, %dma_start3A_136] : memref<128x16xf32, #tpu.memory_space<vmem>> -> memref<128x16xf32, #tpu.memory_space<vmem>>
      %dma_start3A_138 = arith.constant 0 : i32
      %dma_start3A_139 = tpu.memref_slice %arg16[%add3A_3, %dma_start3A_138] : memref<10112x16xf32, #tpu.memory_space<vmem_shared>> -> memref<128x16xf32, #tpu.memory_space<vmem_shared>>
      %dma_start3A_140 = arith.constant 0 : i32
      %dma_start3A_141 = tpu.memref_slice %arg16[%add3A_3, %dma_start3A_140] : memref<10112x16xf32, #tpu.memory_space<vmem_shared>> -> memref<128x16xf32, #tpu.memory_space<vmem_shared>>
      %dma_start3A_142 = arith.constant 0 : i32
      %dma_start3A_143 = arith.constant 0 : i32
      %dma_start3A_144 = tpu.memref_slice %arg14[%dma_start3A_142, %dma_start3A_143] : memref<128x16xf32, #tpu.memory_space<vmem>> -> memref<128x16xf32, #tpu.memory_space<vmem>>
      tpu.enqueue_dma source(%dma_start3A_144 : memref<128x16xf32, #tpu.memory_space<vmem>>) target(%dma_start3A_141 : memref<128x16xf32, #tpu.memory_space<vmem_shared>>) target_semaphore(%run_scoped3A : memref<!tpu.dma_semaphore, #tpu.memory_space<semaphore_mem>>)
      %dma_wait3A_145 = arith.constant 0 : i32
      %dma_wait3A_146 = arith.constant 0 : i32
      %dma_wait3A_147 = tpu.memref_slice %arg14[%dma_wait3A_145, %dma_wait3A_146] : memref<128x16xf32, #tpu.memory_space<vmem>> -> memref<128x16xf32, #tpu.memory_space<vmem>>
      %dma_wait3A_148 = arith.constant 0 : i32
      %dma_wait3A_149 = tpu.memref_slice %arg16[%add3A_3, %dma_wait3A_148] : memref<10112x16xf32, #tpu.memory_space<vmem_shared>> -> memref<128x16xf32, #tpu.memory_space<vmem_shared>>
      %dma_wait3A_150 = arith.constant 0 : i32
      %dma_wait3A_151 = tpu.memref_slice %arg16[%add3A_3, %dma_wait3A_150] : memref<10112x16xf32, #tpu.memory_space<vmem_shared>> -> memref<128x16xf32, #tpu.memory_space<vmem_shared>>
      %dma_wait3A_152 = arith.constant 0 : i32
      %dma_wait3A_153 = arith.constant 0 : i32
      %dma_wait3A_154 = tpu.memref_slice %arg14[%dma_wait3A_152, %dma_wait3A_153] : memref<128x16xf32, #tpu.memory_space<vmem>> -> memref<128x16xf32, #tpu.memory_space<vmem>>
      tpu.wait_dma2 semaphore(%run_scoped3A : memref<!tpu.dma_semaphore, #tpu.memory_space<semaphore_mem>>) src(%dma_wait3A_154 : memref<128x16xf32, #tpu.memory_space<vmem>>) dst(%dma_wait3A_151 : memref<128x16xf32, #tpu.memory_space<vmem_shared>>)
      tpu.yield
    }) : () -> ()
    %add3A_4 = arith.constant 128 : i32
    %add3A_5 = arith.addi %mul3A_0, %add3A_4 : i32
    "tpu.region"() ({
      %run_scoped3A = tpu.sem_alloc : memref<!tpu.dma_semaphore, #tpu.memory_space<semaphore_mem>>
      %dma_start3A_135 = arith.constant 0 : i32
      %dma_start3A_136 = arith.constant 0 : i32
      %dma_start3A_137 = tpu.memref_slice %arg12[%dma_start3A_135, %dma_start3A_136] : memref<1024x64xf32, #tpu.memory_space<vmem>> -> memref<128x64xf32, #tpu.memory_space<vmem>>
      %dma_start3A_138 = arith.constant 0 : i32
      %dma_start3A_139 = tpu.memref_slice %arg15[%add3A_5, %dma_start3A_138] : memref<10112x64xf32, #tpu.memory_space<vmem_shared>> -> memref<128x64xf32, #tpu.memory_space<vmem_shared>>
      %dma_start3A_140 = arith.constant 0 : i32
      %dma_start3A_141 = tpu.memref_slice %arg15[%add3A_5, %dma_start3A_140] : memref<10112x64xf32, #tpu.memory_space<vmem_shared>> -> memref<128x64xf32, #tpu.memory_space<vmem_shared>>
      %dma_start3A_142 = arith.constant 0 : i32
      %dma_start3A_143 = arith.constant 0 : i32
      %dma_start3A_144 = tpu.memref_slice %arg12[%dma_start3A_142, %dma_start3A_143] : memref<1024x64xf32, #tpu.memory_space<vmem>> -> memref<128x64xf32, #tpu.memory_space<vmem>>
      tpu.enqueue_dma source(%dma_start3A_144 : memref<128x64xf32, #tpu.memory_space<vmem>>) target(%dma_start3A_141 : memref<128x64xf32, #tpu.memory_space<vmem_shared>>) target_semaphore(%run_scoped3A : memref<!tpu.dma_semaphore, #tpu.memory_space<semaphore_mem>>)
      %dma_wait3A_145 = arith.constant 0 : i32
      %dma_wait3A_146 = arith.constant 0 : i32
      %dma_wait3A_147 = tpu.memref_slice %arg12[%dma_wait3A_145, %dma_wait3A_146] : memref<1024x64xf32, #tpu.memory_space<vmem>> -> memref<128x64xf32, #tpu.memory_space<vmem>>
      %dma_wait3A_148 = arith.constant 0 : i32
      %dma_wait3A_149 = tpu.memref_slice %arg15[%add3A_5, %dma_wait3A_148] : memref<10112x64xf32, #tpu.memory_space<vmem_shared>> -> memref<128x64xf32, #tpu.memory_space<vmem_shared>>
      %dma_wait3A_150 = arith.constant 0 : i32
      %dma_wait3A_151 = tpu.memref_slice %arg15[%add3A_5, %dma_wait3A_150] : memref<10112x64xf32, #tpu.memory_space<vmem_shared>> -> memref<128x64xf32, #tpu.memory_space<vmem_shared>>
      %dma_wait3A_152 = arith.constant 0 : i32
      %dma_wait3A_153 = arith.constant 0 : i32
      %dma_wait3A_154 = tpu.memref_slice %arg12[%dma_wait3A_152, %dma_wait3A_153] : memref<1024x64xf32, #tpu.memory_space<vmem>> -> memref<128x64xf32, #tpu.memory_space<vmem>>
      tpu.wait_dma2 semaphore(%run_scoped3A : memref<!tpu.dma_semaphore, #tpu.memory_space<semaphore_mem>>) src(%dma_wait3A_154 : memref<128x64xf32, #tpu.memory_space<vmem>>) dst(%dma_wait3A_151 : memref<128x64xf32, #tpu.memory_space<vmem_shared>>)
      tpu.yield
    }) : () -> ()
    %add3A_6 = arith.constant 128 : i32
    %add3A_7 = arith.addi %mul3A_0, %add3A_6 : i32
    "tpu.region"() ({
      %run_scoped3A = tpu.sem_alloc : memref<!tpu.dma_semaphore, #tpu.memory_space<semaphore_mem>>
      %dma_start3A_135 = arith.constant 0 : i32
      %dma_start3A_136 = arith.constant 0 : i32
      %dma_start3A_137 = tpu.memref_slice %arg14[%dma_start3A_135, %dma_start3A_136] : memref<128x16xf32, #tpu.memory_space<vmem>> -> memref<128x16xf32, #tpu.memory_space<vmem>>
      %dma_start3A_138 = arith.constant 0 : i32
      %dma_start3A_139 = tpu.memref_slice %arg16[%add3A_7, %dma_start3A_138] : memref<10112x16xf32, #tpu.memory_space<vmem_shared>> -> memref<128x16xf32, #tpu.memory_space<vmem_shared>>
      %dma_start3A_140 = arith.constant 0 : i32
      %dma_start3A_141 = tpu.memref_slice %arg16[%add3A_7, %dma_start3A_140] : memref<10112x16xf32, #tpu.memory_space<vmem_shared>> -> memref<128x16xf32, #tpu.memory_space<vmem_shared>>
      %dma_start3A_142 = arith.constant 0 : i32
      %dma_start3A_143 = arith.constant 0 : i32
      %dma_start3A_144 = tpu.memref_slice %arg14[%dma_start3A_142, %dma_start3A_143] : memref<128x16xf32, #tpu.memory_space<vmem>> -> memref<128x16xf32, #tpu.memory_space<vmem>>
      tpu.enqueue_dma source(%dma_start3A_144 : memref<128x16xf32, #tpu.memory_space<vmem>>) target(%dma_start3A_141 : memref<128x16xf32, #tpu.memory_space<vmem_shared>>) target_semaphore(%run_scoped3A : memref<!tpu.dma_semaphore, #tpu.memory_space<semaphore_mem>>)
      %dma_wait3A_145 = arith.constant 0 : i32
      %dma_wait3A_146 = arith.constant 0 : i32
      %dma_wait3A_147 = tpu.memref_slice %arg14[%dma_wait3A_145, %dma_wait3A_146] : memref<128x16xf32, #tpu.memory_space<vmem>> -> memref<128x16xf32, #tpu.memory_space<vmem>>
      %dma_wait3A_148 = arith.constant 0 : i32
      %dma_wait3A_149 = tpu.memref_slice %arg16[%add3A_7, %dma_wait3A_148] : memref<10112x16xf32, #tpu.memory_space<vmem_shared>> -> memref<128x16xf32, #tpu.memory_space<vmem_shared>>
      %dma_wait3A_150 = arith.constant 0 : i32
      %dma_wait3A_151 = tpu.memref_slice %arg16[%add3A_7, %dma_wait3A_150] : memref<10112x16xf32, #tpu.memory_space<vmem_shared>> -> memref<128x16xf32, #tpu.memory_space<vmem_shared>>
      %dma_wait3A_152 = arith.constant 0 : i32
      %dma_wait3A_153 = arith.constant 0 : i32
      %dma_wait3A_154 = tpu.memref_slice %arg14[%dma_wait3A_152, %dma_wait3A_153] : memref<128x16xf32, #tpu.memory_space<vmem>> -> memref<128x16xf32, #tpu.memory_space<vmem>>
      tpu.wait_dma2 semaphore(%run_scoped3A : memref<!tpu.dma_semaphore, #tpu.memory_space<semaphore_mem>>) src(%dma_wait3A_154 : memref<128x16xf32, #tpu.memory_space<vmem>>) dst(%dma_wait3A_151 : memref<128x16xf32, #tpu.memory_space<vmem_shared>>)
      tpu.yield
    }) : () -> ()
    %add3A_8 = arith.constant 256 : i32
    %add3A_9 = arith.addi %mul3A_0, %add3A_8 : i32
    "tpu.region"() ({
      %run_scoped3A = tpu.sem_alloc : memref<!tpu.dma_semaphore, #tpu.memory_space<semaphore_mem>>
      %dma_start3A_135 = arith.constant 0 : i32
      %dma_start3A_136 = arith.constant 0 : i32
      %dma_start3A_137 = tpu.memref_slice %arg12[%dma_start3A_135, %dma_start3A_136] : memref<1024x64xf32, #tpu.memory_space<vmem>> -> memref<128x64xf32, #tpu.memory_space<vmem>>
      %dma_start3A_138 = arith.constant 0 : i32
      %dma_start3A_139 = tpu.memref_slice %arg15[%add3A_9, %dma_start3A_138] : memref<10112x64xf32, #tpu.memory_space<vmem_shared>> -> memref<128x64xf32, #tpu.memory_space<vmem_shared>>
      %dma_start3A_140 = arith.constant 0 : i32
      %dma_start3A_141 = tpu.memref_slice %arg15[%add3A_9, %dma_start3A_140] : memref<10112x64xf32, #tpu.memory_space<vmem_shared>> -> memref<128x64xf32, #tpu.memory_space<vmem_shared>>
      %dma_start3A_142 = arith.constant 0 : i32
      %dma_start3A_143 = arith.constant 0 : i32
      %dma_start3A_144 = tpu.memref_slice %arg12[%dma_start3A_142, %dma_start3A_143] : memref<1024x64xf32, #tpu.memory_space<vmem>> -> memref<128x64xf32, #tpu.memory_space<vmem>>
      tpu.enqueue_dma source(%dma_start3A_144 : memref<128x64xf32, #tpu.memory_space<vmem>>) target(%dma_start3A_141 : memref<128x64xf32, #tpu.memory_space<vmem_shared>>) target_semaphore(%run_scoped3A : memref<!tpu.dma_semaphore, #tpu.memory_space<semaphore_mem>>)
      %dma_wait3A_145 = arith.constant 0 : i32
      %dma_wait3A_146 = arith.constant 0 : i32
      %dma_wait3A_147 = tpu.memref_slice %arg12[%dma_wait3A_145, %dma_wait3A_146] : memref<1024x64xf32, #tpu.memory_space<vmem>> -> memref<128x64xf32, #tpu.memory_space<vmem>>
      %dma_wait3A_148 = arith.constant 0 : i32
      %dma_wait3A_149 = tpu.memref_slice %arg15[%add3A_9, %dma_wait3A_148] : memref<10112x64xf32, #tpu.memory_space<vmem_shared>> -> memref<128x64xf32, #tpu.memory_space<vmem_shared>>
      %dma_wait3A_150 = arith.constant 0 : i32
      %dma_wait3A_151 = tpu.memref_slice %arg15[%add3A_9, %dma_wait3A_150] : memref<10112x64xf32, #tpu.memory_space<vmem_shared>> -> memref<128x64xf32, #tpu.memory_space<vmem_shared>>
      %dma_wait3A_152 = arith.constant 0 : i32
      %dma_wait3A_153 = arith.constant 0 : i32
      %dma_wait3A_154 = tpu.memref_slice %arg12[%dma_wait3A_152, %dma_wait3A_153] : memref<1024x64xf32, #tpu.memory_space<vmem>> -> memref<128x64xf32, #tpu.memory_space<vmem>>
      tpu.wait_dma2 semaphore(%run_scoped3A : memref<!tpu.dma_semaphore, #tpu.memory_space<semaphore_mem>>) src(%dma_wait3A_154 : memref<128x64xf32, #tpu.memory_space<vmem>>) dst(%dma_wait3A_151 : memref<128x64xf32, #tpu.memory_space<vmem_shared>>)
      tpu.yield
    }) : () -> ()
    %add3A_10 = arith.constant 256 : i32
    %add3A_11 = arith.addi %mul3A_0, %add3A_10 : i32
    "tpu.region"() ({
      %run_scoped3A = tpu.sem_alloc : memref<!tpu.dma_semaphore, #tpu.memory_space<semaphore_mem>>
      %dma_start3A_135 = arith.constant 0 : i32
      %dma_start3A_136 = arith.constant 0 : i32
      %dma_start3A_137 = tpu.memref_slice %arg14[%dma_start3A_135, %dma_start3A_136] : memref<128x16xf32, #tpu.memory_space<vmem>> -> memref<128x16xf32, #tpu.memory_space<vmem>>
      %dma_start3A_138 = arith.constant 0 : i32
      %dma_start3A_139 = tpu.memref_slice %arg16[%add3A_11, %dma_start3A_138] : memref<10112x16xf32, #tpu.memory_space<vmem_shared>> -> memref<128x16xf32, #tpu.memory_space<vmem_shared>>
      %dma_start3A_140 = arith.constant 0 : i32
      %dma_start3A_141 = tpu.memref_slice %arg16[%add3A_11, %dma_start3A_140] : memref<10112x16xf32, #tpu.memory_space<vmem_shared>> -> memref<128x16xf32, #tpu.memory_space<vmem_shared>>
      %dma_start3A_142 = arith.constant 0 : i32
      %dma_start3A_143 = arith.constant 0 : i32
      %dma_start3A_144 = tpu.memref_slice %arg14[%dma_start3A_142, %dma_start3A_143] : memref<128x16xf32, #tpu.memory_space<vmem>> -> memref<128x16xf32, #tpu.memory_space<vmem>>
      tpu.enqueue_dma source(%dma_start3A_144 : memref<128x16xf32, #tpu.memory_space<vmem>>) target(%dma_start3A_141 : memref<128x16xf32, #tpu.memory_space<vmem_shared>>) target_semaphore(%run_scoped3A : memref<!tpu.dma_semaphore, #tpu.memory_space<semaphore_mem>>)
      %dma_wait3A_145 = arith.constant 0 : i32
      %dma_wait3A_146 = arith.constant 0 : i32
      %dma_wait3A_147 = tpu.memref_slice %arg14[%dma_wait3A_145, %dma_wait3A_146] : memref<128x16xf32, #tpu.memory_space<vmem>> -> memref<128x16xf32, #tpu.memory_space<vmem>>
      %dma_wait3A_148 = arith.constant 0 : i32
      %dma_wait3A_149 = tpu.memref_slice %arg16[%add3A_11, %dma_wait3A_148] : memref<10112x16xf32, #tpu.memory_space<vmem_shared>> -> memref<128x16xf32, #tpu.memory_space<vmem_shared>>
      %dma_wait3A_150 = arith.constant 0 : i32
      %dma_wait3A_151 = tpu.memref_slice %arg16[%add3A_11, %dma_wait3A_150] : memref<10112x16xf32, #tpu.memory_space<vmem_shared>> -> memref<128x16xf32, #tpu.memory_space<vmem_shared>>
      %dma_wait3A_152 = arith.constant 0 : i32
      %dma_wait3A_153 = arith.constant 0 : i32
      %dma_wait3A_154 = tpu.memref_slice %arg14[%dma_wait3A_152, %dma_wait3A_153] : memref<128x16xf32, #tpu.memory_space<vmem>> -> memref<128x16xf32, #tpu.memory_space<vmem>>
      tpu.wait_dma2 semaphore(%run_scoped3A : memref<!tpu.dma_semaphore, #tpu.memory_space<semaphore_mem>>) src(%dma_wait3A_154 : memref<128x16xf32, #tpu.memory_space<vmem>>) dst(%dma_wait3A_151 : memref<128x16xf32, #tpu.memory_space<vmem_shared>>)
      tpu.yield
    }) : () -> ()
    %add3A_12 = arith.constant 384 : i32
    %add3A_13 = arith.addi %mul3A_0, %add3A_12 : i32
    "tpu.region"() ({
      %run_scoped3A = tpu.sem_alloc : memref<!tpu.dma_semaphore, #tpu.memory_space<semaphore_mem>>
      %dma_start3A_135 = arith.constant 0 : i32
      %dma_start3A_136 = arith.constant 0 : i32
      %dma_start3A_137 = tpu.memref_slice %arg12[%dma_start3A_135, %dma_start3A_136] : memref<1024x64xf32, #tpu.memory_space<vmem>> -> memref<128x64xf32, #tpu.memory_space<vmem>>
      %dma_start3A_138 = arith.constant 0 : i32
      %dma_start3A_139 = tpu.memref_slice %arg15[%add3A_13, %dma_start3A_138] : memref<10112x64xf32, #tpu.memory_space<vmem_shared>> -> memref<128x64xf32, #tpu.memory_space<vmem_shared>>
      %dma_start3A_140 = arith.constant 0 : i32
      %dma_start3A_141 = tpu.memref_slice %arg15[%add3A_13, %dma_start3A_140] : memref<10112x64xf32, #tpu.memory_space<vmem_shared>> -> memref<128x64xf32, #tpu.memory_space<vmem_shared>>
      %dma_start3A_142 = arith.constant 0 : i32
      %dma_start3A_143 = arith.constant 0 : i32
      %dma_start3A_144 = tpu.memref_slice %arg12[%dma_start3A_142, %dma_start3A_143] : memref<1024x64xf32, #tpu.memory_space<vmem>> -> memref<128x64xf32, #tpu.memory_space<vmem>>
      tpu.enqueue_dma source(%dma_start3A_144 : memref<128x64xf32, #tpu.memory_space<vmem>>) target(%dma_start3A_141 : memref<128x64xf32, #tpu.memory_space<vmem_shared>>) target_semaphore(%run_scoped3A : memref<!tpu.dma_semaphore, #tpu.memory_space<semaphore_mem>>)
      %dma_wait3A_145 = arith.constant 0 : i32
      %dma_wait3A_146 = arith.constant 0 : i32
      %dma_wait3A_147 = tpu.memref_slice %arg12[%dma_wait3A_145, %dma_wait3A_146] : memref<1024x64xf32, #tpu.memory_space<vmem>> -> memref<128x64xf32, #tpu.memory_space<vmem>>
      %dma_wait3A_148 = arith.constant 0 : i32
      %dma_wait3A_149 = tpu.memref_slice %arg15[%add3A_13, %dma_wait3A_148] : memref<10112x64xf32, #tpu.memory_space<vmem_shared>> -> memref<128x64xf32, #tpu.memory_space<vmem_shared>>
      %dma_wait3A_150 = arith.constant 0 : i32
      %dma_wait3A_151 = tpu.memref_slice %arg15[%add3A_13, %dma_wait3A_150] : memref<10112x64xf32, #tpu.memory_space<vmem_shared>> -> memref<128x64xf32, #tpu.memory_space<vmem_shared>>
      %dma_wait3A_152 = arith.constant 0 : i32
      %dma_wait3A_153 = arith.constant 0 : i32
      %dma_wait3A_154 = tpu.memref_slice %arg12[%dma_wait3A_152, %dma_wait3A_153] : memref<1024x64xf32, #tpu.memory_space<vmem>> -> memref<128x64xf32, #tpu.memory_space<vmem>>
      tpu.wait_dma2 semaphore(%run_scoped3A : memref<!tpu.dma_semaphore, #tpu.memory_space<semaphore_mem>>) src(%dma_wait3A_154 : memref<128x64xf32, #tpu.memory_space<vmem>>) dst(%dma_wait3A_151 : memref<128x64xf32, #tpu.memory_space<vmem_shared>>)
      tpu.yield
    }) : () -> ()
    %add3A_14 = arith.constant 384 : i32
    %add3A_15 = arith.addi %mul3A_0, %add3A_14 : i32
    "tpu.region"() ({
      %run_scoped3A = tpu.sem_alloc : memref<!tpu.dma_semaphore, #tpu.memory_space<semaphore_mem>>
      %dma_start3A_135 = arith.constant 0 : i32
      %dma_start3A_136 = arith.constant 0 : i32
      %dma_start3A_137 = tpu.memref_slice %arg14[%dma_start3A_135, %dma_start3A_136] : memref<128x16xf32, #tpu.memory_space<vmem>> -> memref<128x16xf32, #tpu.memory_space<vmem>>
      %dma_start3A_138 = arith.constant 0 : i32
      %dma_start3A_139 = tpu.memref_slice %arg16[%add3A_15, %dma_start3A_138] : memref<10112x16xf32, #tpu.memory_space<vmem_shared>> -> memref<128x16xf32, #tpu.memory_space<vmem_shared>>
      %dma_start3A_140 = arith.constant 0 : i32
      %dma_start3A_141 = tpu.memref_slice %arg16[%add3A_15, %dma_start3A_140] : memref<10112x16xf32, #tpu.memory_space<vmem_shared>> -> memref<128x16xf32, #tpu.memory_space<vmem_shared>>
      %dma_start3A_142 = arith.constant 0 : i32
      %dma_start3A_143 = arith.constant 0 : i32
      %dma_start3A_144 = tpu.memref_slice %arg14[%dma_start3A_142, %dma_start3A_143] : memref<128x16xf32, #tpu.memory_space<vmem>> -> memref<128x16xf32, #tpu.memory_space<vmem>>
      tpu.enqueue_dma source(%dma_start3A_144 : memref<128x16xf32, #tpu.memory_space<vmem>>) target(%dma_start3A_141 : memref<128x16xf32, #tpu.memory_space<vmem_shared>>) target_semaphore(%run_scoped3A : memref<!tpu.dma_semaphore, #tpu.memory_space<semaphore_mem>>)
      %dma_wait3A_145 = arith.constant 0 : i32
      %dma_wait3A_146 = arith.constant 0 : i32
      %dma_wait3A_147 = tpu.memref_slice %arg14[%dma_wait3A_145, %dma_wait3A_146] : memref<128x16xf32, #tpu.memory_space<vmem>> -> memref<128x16xf32, #tpu.memory_space<vmem>>
      %dma_wait3A_148 = arith.constant 0 : i32
      %dma_wait3A_149 = tpu.memref_slice %arg16[%add3A_15, %dma_wait3A_148] : memref<10112x16xf32, #tpu.memory_space<vmem_shared>> -> memref<128x16xf32, #tpu.memory_space<vmem_shared>>
      %dma_wait3A_150 = arith.constant 0 : i32
      %dma_wait3A_151 = tpu.memref_slice %arg16[%add3A_15, %dma_wait3A_150] : memref<10112x16xf32, #tpu.memory_space<vmem_shared>> -> memref<128x16xf32, #tpu.memory_space<vmem_shared>>
      %dma_wait3A_152 = arith.constant 0 : i32
      %dma_wait3A_153 = arith.constant 0 : i32
      %dma_wait3A_154 = tpu.memref_slice %arg14[%dma_wait3A_152, %dma_wait3A_153] : memref<128x16xf32, #tpu.memory_space<vmem>> -> memref<128x16xf32, #tpu.memory_space<vmem>>
      tpu.wait_dma2 semaphore(%run_scoped3A : memref<!tpu.dma_semaphore, #tpu.memory_space<semaphore_mem>>) src(%dma_wait3A_154 : memref<128x16xf32, #tpu.memory_space<vmem>>) dst(%dma_wait3A_151 : memref<128x16xf32, #tpu.memory_space<vmem_shared>>)
      tpu.yield
    }) : () -> ()
    %add3A_16 = arith.constant 512 : i32
    %add3A_17 = arith.addi %mul3A_0, %add3A_16 : i32
    "tpu.region"() ({
      %run_scoped3A = tpu.sem_alloc : memref<!tpu.dma_semaphore, #tpu.memory_space<semaphore_mem>>
      %dma_start3A_135 = arith.constant 0 : i32
      %dma_start3A_136 = arith.constant 0 : i32
      %dma_start3A_137 = tpu.memref_slice %arg12[%dma_start3A_135, %dma_start3A_136] : memref<1024x64xf32, #tpu.memory_space<vmem>> -> memref<120x64xf32, #tpu.memory_space<vmem>>
      %dma_start3A_138 = arith.constant 0 : i32
      %dma_start3A_139 = tpu.memref_slice %arg15[%add3A_17, %dma_start3A_138] : memref<10112x64xf32, #tpu.memory_space<vmem_shared>> -> memref<120x64xf32, #tpu.memory_space<vmem_shared>>
      %dma_start3A_140 = arith.constant 0 : i32
      %dma_start3A_141 = tpu.memref_slice %arg15[%add3A_17, %dma_start3A_140] : memref<10112x64xf32, #tpu.memory_space<vmem_shared>> -> memref<120x64xf32, #tpu.memory_space<vmem_shared>>
      %dma_start3A_142 = arith.constant 0 : i32
      %dma_start3A_143 = arith.constant 0 : i32
      %dma_start3A_144 = tpu.memref_slice %arg12[%dma_start3A_142, %dma_start3A_143] : memref<1024x64xf32, #tpu.memory_space<vmem>> -> memref<120x64xf32, #tpu.memory_space<vmem>>
      tpu.enqueue_dma source(%dma_start3A_144 : memref<120x64xf32, #tpu.memory_space<vmem>>) target(%dma_start3A_141 : memref<120x64xf32, #tpu.memory_space<vmem_shared>>) target_semaphore(%run_scoped3A : memref<!tpu.dma_semaphore, #tpu.memory_space<semaphore_mem>>)
      %dma_wait3A_145 = arith.constant 0 : i32
      %dma_wait3A_146 = arith.constant 0 : i32
      %dma_wait3A_147 = tpu.memref_slice %arg12[%dma_wait3A_145, %dma_wait3A_146] : memref<1024x64xf32, #tpu.memory_space<vmem>> -> memref<120x64xf32, #tpu.memory_space<vmem>>
      %dma_wait3A_148 = arith.constant 0 : i32
      %dma_wait3A_149 = tpu.memref_slice %arg15[%add3A_17, %dma_wait3A_148] : memref<10112x64xf32, #tpu.memory_space<vmem_shared>> -> memref<120x64xf32, #tpu.memory_space<vmem_shared>>
      %dma_wait3A_150 = arith.constant 0 : i32
      %dma_wait3A_151 = tpu.memref_slice %arg15[%add3A_17, %dma_wait3A_150] : memref<10112x64xf32, #tpu.memory_space<vmem_shared>> -> memref<120x64xf32, #tpu.memory_space<vmem_shared>>
      %dma_wait3A_152 = arith.constant 0 : i32
      %dma_wait3A_153 = arith.constant 0 : i32
      %dma_wait3A_154 = tpu.memref_slice %arg12[%dma_wait3A_152, %dma_wait3A_153] : memref<1024x64xf32, #tpu.memory_space<vmem>> -> memref<120x64xf32, #tpu.memory_space<vmem>>
      tpu.wait_dma2 semaphore(%run_scoped3A : memref<!tpu.dma_semaphore, #tpu.memory_space<semaphore_mem>>) src(%dma_wait3A_154 : memref<120x64xf32, #tpu.memory_space<vmem>>) dst(%dma_wait3A_151 : memref<120x64xf32, #tpu.memory_space<vmem_shared>>)
      tpu.yield
    }) : () -> ()
    %add3A_18 = arith.constant 512 : i32
    %add3A_19 = arith.addi %mul3A_0, %add3A_18 : i32
    "tpu.region"() ({
      %run_scoped3A = tpu.sem_alloc : memref<!tpu.dma_semaphore, #tpu.memory_space<semaphore_mem>>
      %dma_start3A_135 = arith.constant 0 : i32
      %dma_start3A_136 = arith.constant 0 : i32
      %dma_start3A_137 = tpu.memref_slice %arg14[%dma_start3A_135, %dma_start3A_136] : memref<128x16xf32, #tpu.memory_space<vmem>> -> memref<120x16xf32, #tpu.memory_space<vmem>>
      %dma_start3A_138 = arith.constant 0 : i32
      %dma_start3A_139 = tpu.memref_slice %arg16[%add3A_19, %dma_start3A_138] : memref<10112x16xf32, #tpu.memory_space<vmem_shared>> -> memref<120x16xf32, #tpu.memory_space<vmem_shared>>
      %dma_start3A_140 = arith.constant 0 : i32
      %dma_start3A_141 = tpu.memref_slice %arg16[%add3A_19, %dma_start3A_140] : memref<10112x16xf32, #tpu.memory_space<vmem_shared>> -> memref<120x16xf32, #tpu.memory_space<vmem_shared>>
      %dma_start3A_142 = arith.constant 0 : i32
      %dma_start3A_143 = arith.constant 0 : i32
      %dma_start3A_144 = tpu.memref_slice %arg14[%dma_start3A_142, %dma_start3A_143] : memref<128x16xf32, #tpu.memory_space<vmem>> -> memref<120x16xf32, #tpu.memory_space<vmem>>
      tpu.enqueue_dma source(%dma_start3A_144 : memref<120x16xf32, #tpu.memory_space<vmem>>) target(%dma_start3A_141 : memref<120x16xf32, #tpu.memory_space<vmem_shared>>) target_semaphore(%run_scoped3A : memref<!tpu.dma_semaphore, #tpu.memory_space<semaphore_mem>>)
      %dma_wait3A_145 = arith.constant 0 : i32
      %dma_wait3A_146 = arith.constant 0 : i32
      %dma_wait3A_147 = tpu.memref_slice %arg14[%dma_wait3A_145, %dma_wait3A_146] : memref<128x16xf32, #tpu.memory_space<vmem>> -> memref<120x16xf32, #tpu.memory_space<vmem>>
      %dma_wait3A_148 = arith.constant 0 : i32
      %dma_wait3A_149 = tpu.memref_slice %arg16[%add3A_19, %dma_wait3A_148] : memref<10112x16xf32, #tpu.memory_space<vmem_shared>> -> memref<120x16xf32, #tpu.memory_space<vmem_shared>>
      %dma_wait3A_150 = arith.constant 0 : i32
      %dma_wait3A_151 = tpu.memref_slice %arg16[%add3A_19, %dma_wait3A_150] : memref<10112x16xf32, #tpu.memory_space<vmem_shared>> -> memref<120x16xf32, #tpu.memory_space<vmem_shared>>
      %dma_wait3A_152 = arith.constant 0 : i32
      %dma_wait3A_153 = arith.constant 0 : i32
      %dma_wait3A_154 = tpu.memref_slice %arg14[%dma_wait3A_152, %dma_wait3A_153] : memref<128x16xf32, #tpu.memory_space<vmem>> -> memref<120x16xf32, #tpu.memory_space<vmem>>
      tpu.wait_dma2 semaphore(%run_scoped3A : memref<!tpu.dma_semaphore, #tpu.memory_space<semaphore_mem>>) src(%dma_wait3A_154 : memref<120x16xf32, #tpu.memory_space<vmem>>) dst(%dma_wait3A_151 : memref<120x16xf32, #tpu.memory_space<vmem_shared>>)
      tpu.yield
    }) : () -> ()
    %barrier3A = arith.constant 0 : index
    tpu.barrier barrier_id(%barrier3A)
    %mul3A_20 = arith.constant 40 : i32
    %mul3A_21 = arith.muli %arg1, %mul3A_20 : i32
    %add3A_22 = arith.constant 0 : i32
    %add3A_23 = arith.addi %mul3A_21, %add3A_22 : i32
    %mul3A_24 = arith.constant 512 : i32
    %mul3A_25 = arith.muli %add3A_23, %mul3A_24 : i32
    %mul3A_26 = arith.constant 327680 : i32
    %mul3A_27 = arith.muli %arg0, %mul3A_26 : i32
    %add3A_28 = arith.addi %mul3A_27, %mul3A_25 : i32
    %dma_start3A = arith.constant 0 : i32
    %dma_start3A_29 = tpu.memref_slice %arg10[%dma_start3A] : memref<2048xi32, #tpu.memory_space<vmem>> -> memref<512xi32, #tpu.memory_space<vmem>>
    %dma_start3A_30 = tpu.memref_slice %arg3[%add3A_28] : memref<655360xi32, #tpu.memory_space<hbm>> -> memref<512xi32, #tpu.memory_space<hbm>>
    %dma_start3A_31 = arith.constant 0 : i32
    %dma_start3A_32 = tpu.memref_slice %arg10[%dma_start3A_31] : memref<2048xi32, #tpu.memory_space<vmem>> -> memref<512xi32, #tpu.memory_space<vmem>>
    %dma_start3A_33 = tpu.memref_slice %arg3[%add3A_28] : memref<655360xi32, #tpu.memory_space<hbm>> -> memref<512xi32, #tpu.memory_space<hbm>>
    tpu.enqueue_dma source(%dma_start3A_33 : memref<512xi32, #tpu.memory_space<hbm>>) target(%dma_start3A_32 : memref<512xi32, #tpu.memory_space<vmem>>) target_semaphore(%arg17 : memref<!tpu.dma_semaphore, #tpu.memory_space<semaphore_mem>>)
    %dma_start3A_34 = arith.constant 0 : i32
    %dma_start3A_35 = tpu.memref_slice %arg11[%dma_start3A_34] : memref<2048xi32, #tpu.memory_space<vmem>> -> memref<512xi32, #tpu.memory_space<vmem>>
    %dma_start3A_36 = tpu.memref_slice %arg4[%mul3A_25] : memref<327680xi32, #tpu.memory_space<hbm>> -> memref<512xi32, #tpu.memory_space<hbm>>
    %dma_start3A_37 = arith.constant 0 : i32
    %dma_start3A_38 = tpu.memref_slice %arg11[%dma_start3A_37] : memref<2048xi32, #tpu.memory_space<vmem>> -> memref<512xi32, #tpu.memory_space<vmem>>
    %dma_start3A_39 = tpu.memref_slice %arg4[%mul3A_25] : memref<327680xi32, #tpu.memory_space<hbm>> -> memref<512xi32, #tpu.memory_space<hbm>>
    tpu.enqueue_dma source(%dma_start3A_39 : memref<512xi32, #tpu.memory_space<hbm>>) target(%dma_start3A_38 : memref<512xi32, #tpu.memory_space<vmem>>) target_semaphore(%arg17 : memref<!tpu.dma_semaphore, #tpu.memory_space<semaphore_mem>>)
    %scan3A = arith.constant 0 : i32
    %scan3A_40 = arith.constant 0 : i32
    %scan3A_41 = arith.constant 10 : i32
    %scan3A_42 = arith.addi %scan3A_40, %scan3A_41 : i32
    %scan3A_43 = arith.constant 1 : i32
    scf.for %scan3A_135 = %scan3A_40 to %scan3A_42 step %scan3A_43  : i32 {
      %mul3A_136 = arith.constant 4 : i32
      %mul3A_137 = arith.muli %mul3A_136, %scan3A_135 : i32
      %add3A_138 = arith.constant 0 : i32
      %add3A_139 = arith.addi %mul3A_137, %add3A_138 : i32
      %dma_wait3A_140 = arith.constant 0 : i32
      %dma_wait3A_141 = tpu.memref_slice %arg10[%dma_wait3A_140] : memref<2048xi32, #tpu.memory_space<vmem>> -> memref<512xi32, #tpu.memory_space<vmem>>
      %dma_wait3A_142 = arith.constant 0 : i32
      %dma_wait3A_143 = tpu.memref_slice %arg3[%dma_wait3A_142] : memref<655360xi32, #tpu.memory_space<hbm>> -> memref<512xi32, #tpu.memory_space<hbm>>
      %dma_wait3A_144 = arith.constant 0 : i32
      %dma_wait3A_145 = tpu.memref_slice %arg10[%dma_wait3A_144] : memref<2048xi32, #tpu.memory_space<vmem>> -> memref<512xi32, #tpu.memory_space<vmem>>
      %dma_wait3A_146 = arith.constant 0 : i32
      %dma_wait3A_147 = tpu.memref_slice %arg3[%dma_wait3A_146] : memref<655360xi32, #tpu.memory_space<hbm>> -> memref<512xi32, #tpu.memory_space<hbm>>
      tpu.wait_dma2 semaphore(%arg17 : memref<!tpu.dma_semaphore, #tpu.memory_space<semaphore_mem>>) src(%dma_wait3A_147 : memref<512xi32, #tpu.memory_space<hbm>>) dst(%dma_wait3A_145 : memref<512xi32, #tpu.memory_space<vmem>>)
      %dma_wait3A_148 = arith.constant 0 : i32
      %dma_wait3A_149 = tpu.memref_slice %arg11[%dma_wait3A_148] : memref<2048xi32, #tpu.memory_space<vmem>> -> memref<512xi32, #tpu.memory_space<vmem>>
      %dma_wait3A_150 = arith.constant 0 : i32
      %dma_wait3A_151 = tpu.memref_slice %arg4[%dma_wait3A_150] : memref<327680xi32, #tpu.memory_space<hbm>> -> memref<512xi32, #tpu.memory_space<hbm>>
      %dma_wait3A_152 = arith.constant 0 : i32
      %dma_wait3A_153 = tpu.memref_slice %arg11[%dma_wait3A_152] : memref<2048xi32, #tpu.memory_space<vmem>> -> memref<512xi32, #tpu.memory_space<vmem>>
      %dma_wait3A_154 = arith.constant 0 : i32
      %dma_wait3A_155 = tpu.memref_slice %arg4[%dma_wait3A_154] : memref<327680xi32, #tpu.memory_space<hbm>> -> memref<512xi32, #tpu.memory_space<hbm>>
      tpu.wait_dma2 semaphore(%arg17 : memref<!tpu.dma_semaphore, #tpu.memory_space<semaphore_mem>>) src(%dma_wait3A_155 : memref<512xi32, #tpu.memory_space<hbm>>) dst(%dma_wait3A_153 : memref<512xi32, #tpu.memory_space<vmem>>)
      %add3A_156 = arith.constant 1 : i32
      %add3A_157 = arith.addi %add3A_139, %add3A_156 : i32
      %min3A = arith.constant 39 : i32
      %min3A_158 = arith.minsi %add3A_157, %min3A : i32
      %mul3A_159 = arith.constant 40 : i32
      %mul3A_160 = arith.muli %arg1, %mul3A_159 : i32
      %add3A_161 = arith.addi %mul3A_160, %min3A_158 : i32
      %mul3A_162 = arith.constant 512 : i32
      %mul3A_163 = arith.muli %add3A_161, %mul3A_162 : i32
      %mul3A_164 = arith.constant 327680 : i32
      %mul3A_165 = arith.muli %arg0, %mul3A_164 : i32
      %add3A_166 = arith.addi %mul3A_165, %mul3A_163 : i32
      %dma_start3A_167 = arith.constant 512 : i32
      %dma_start3A_168 = tpu.memref_slice %arg10[%dma_start3A_167] : memref<2048xi32, #tpu.memory_space<vmem>> -> memref<512xi32, #tpu.memory_space<vmem>>
      %dma_start3A_169 = tpu.memref_slice %arg3[%add3A_166] : memref<655360xi32, #tpu.memory_space<hbm>> -> memref<512xi32, #tpu.memory_space<hbm>>
      %dma_start3A_170 = arith.constant 512 : i32
      %dma_start3A_171 = tpu.memref_slice %arg10[%dma_start3A_170] : memref<2048xi32, #tpu.memory_space<vmem>> -> memref<512xi32, #tpu.memory_space<vmem>>
      %dma_start3A_172 = tpu.memref_slice %arg3[%add3A_166] : memref<655360xi32, #tpu.memory_space<hbm>> -> memref<512xi32, #tpu.memory_space<hbm>>
      tpu.enqueue_dma source(%dma_start3A_172 : memref<512xi32, #tpu.memory_space<hbm>>) target(%dma_start3A_171 : memref<512xi32, #tpu.memory_space<vmem>>) target_semaphore(%arg17 : memref<!tpu.dma_semaphore, #tpu.memory_space<semaphore_mem>>)
      %dma_start3A_173 = arith.constant 512 : i32
      %dma_start3A_174 = tpu.memref_slice %arg11[%dma_start3A_173] : memref<2048xi32, #tpu.memory_space<vmem>> -> memref<512xi32, #tpu.memory_space<vmem>>
      %dma_start3A_175 = tpu.memref_slice %arg4[%mul3A_163] : memref<327680xi32, #tpu.memory_space<hbm>> -> memref<512xi32, #tpu.memory_space<hbm>>
      %dma_start3A_176 = arith.constant 512 : i32
      %dma_start3A_177 = tpu.memref_slice %arg11[%dma_start3A_176] : memref<2048xi32, #tpu.memory_space<vmem>> -> memref<512xi32, #tpu.memory_space<vmem>>
      %dma_start3A_178 = tpu.memref_slice %arg4[%mul3A_163] : memref<327680xi32, #tpu.memory_space<hbm>> -> memref<512xi32, #tpu.memory_space<hbm>>
      tpu.enqueue_dma source(%dma_start3A_178 : memref<512xi32, #tpu.memory_space<hbm>>) target(%dma_start3A_177 : memref<512xi32, #tpu.memory_space<vmem>>) target_semaphore(%arg17 : memref<!tpu.dma_semaphore, #tpu.memory_space<semaphore_mem>>)
      %ge3A = arith.constant 1 : i32
      %ge3A_179 = arith.cmpi sge, %scan3A_135, %ge3A : i32
      %convert_element_type3A_180 = arith.extui %ge3A_179 : i1 to i32
      %cond3A_181 = arith.constant 0 : i32
      %cond3A_182 = arith.cmpi ne, %convert_element_type3A_180, %cond3A_181 : i32
      scf.if %cond3A_182 {
        %dma_wait3A_470 = arith.constant 0 : i32
        %dma_wait3A_471 = arith.constant 0 : i32
        %dma_wait3A_472 = tpu.memref_slice %arg12[%dma_wait3A_470, %dma_wait3A_471] : memref<1024x64xf32, #tpu.memory_space<vmem>> -> memref<512x64xf32, #tpu.memory_space<vmem>>
        %dma_wait3A_473 = arith.constant 0 : i32
        %dma_wait3A_474 = arith.constant 0 : i32
        %dma_wait3A_475 = tpu.memref_slice %arg15[%dma_wait3A_473, %dma_wait3A_474] : memref<10112x64xf32, #tpu.memory_space<vmem_shared>> -> memref<512x64xf32, #tpu.memory_space<vmem_shared>>
        %dma_wait3A_476 = arith.constant 0 : i32
        %dma_wait3A_477 = arith.constant 0 : i32
        %dma_wait3A_478 = tpu.memref_slice %arg15[%dma_wait3A_476, %dma_wait3A_477] : memref<10112x64xf32, #tpu.memory_space<vmem_shared>> -> memref<512x64xf32, #tpu.memory_space<vmem_shared>>
        %dma_wait3A_479 = arith.constant 0 : i32
        %dma_wait3A_480 = arith.constant 0 : i32
        %dma_wait3A_481 = tpu.memref_slice %arg12[%dma_wait3A_479, %dma_wait3A_480] : memref<1024x64xf32, #tpu.memory_space<vmem>> -> memref<512x64xf32, #tpu.memory_space<vmem>>
        tpu.wait_dma2 semaphore(%arg19 : memref<!tpu.dma_semaphore, #tpu.memory_space<semaphore_mem>>) src(%dma_wait3A_481 : memref<512x64xf32, #tpu.memory_space<vmem>>) dst(%dma_wait3A_478 : memref<512x64xf32, #tpu.memory_space<vmem_shared>>)
        %eq3A_482 = arith.constant 0 : i32
        %eq3A_483 = arith.cmpi eq, %arg0, %eq3A_482 : i32
        %convert_element_type3A_484 = arith.extui %eq3A_483 : i1 to i32
        %cond3A_485 = arith.constant 0 : i32
        %cond3A_486 = arith.cmpi ne, %convert_element_type3A_484, %cond3A_485 : i32
        scf.if %cond3A_486 {
          %dma_wait3A_487 = arith.constant 0 : i32
          %dma_wait3A_488 = arith.constant 0 : i32
          %dma_wait3A_489 = tpu.memref_slice %arg16[%dma_wait3A_487, %dma_wait3A_488] : memref<10112x16xf32, #tpu.memory_space<vmem_shared>> -> memref<512x16xf32, #tpu.memory_space<vmem_shared>>
          %dma_wait3A_490 = arith.constant 0 : i32
          %dma_wait3A_491 = arith.constant 0 : i32
          %dma_wait3A_492 = tpu.memref_slice %arg16[%dma_wait3A_490, %dma_wait3A_491] : memref<10112x16xf32, #tpu.memory_space<vmem_shared>> -> memref<512x16xf32, #tpu.memory_space<vmem_shared>>
          tpu.wait_dma2 semaphore(%arg19 : memref<!tpu.dma_semaphore, #tpu.memory_space<semaphore_mem>>) src(%arg13 : memref<512x16xf32, #tpu.memory_space<vmem>>) dst(%dma_wait3A_492 : memref<512x16xf32, #tpu.memory_space<vmem_shared>>)
        } else {
        }
      } else {
      }
      %dma_start3A_183 = arith.constant 0 : i32
      %dma_start3A_184 = arith.constant 0 : i32
      %dma_start3A_185 = tpu.memref_slice %arg12[%dma_start3A_183, %dma_start3A_184] : memref<1024x64xf32, #tpu.memory_space<vmem>> -> memref<512x64xf32, #tpu.memory_space<vmem>>
      %dma_start3A_186 = arith.constant 0 : i32
      %dma_start3A_187 = tpu.memref_slice %arg10[%dma_start3A_186] : memref<2048xi32, #tpu.memory_space<vmem>> -> memref<512xi32, #tpu.memory_space<vmem>>
      %dma_start3A_188 = arith.constant 0 : i32
      %dma_start3A_189 = arith.constant 0 : i32
      %dma_start3A_190 = tpu.memref_slice %arg2[%dma_start3A_188, %dma_start3A_189] : memref<20224x64xf32, #tpu.memory_space<hbm>> -> memref<20224x64xf32, #tpu.memory_space<hbm>>
      tpu.enqueue_indirect_dma source(%dma_start3A_190 : memref<20224x64xf32, #tpu.memory_space<hbm>>) target(%dma_start3A_185 : memref<512x64xf32, #tpu.memory_space<vmem>>) offsets(%dma_start3A_187 : memref<512xi32, #tpu.memory_space<vmem>>) semaphore(%arg18 : memref<!tpu.dma_semaphore, #tpu.memory_space<semaphore_mem>>)
      %dma_wait3A_191 = arith.constant 0 : i32
      %dma_wait3A_192 = arith.constant 0 : i32
      %dma_wait3A_193 = tpu.memref_slice %arg12[%dma_wait3A_191, %dma_wait3A_192] : memref<1024x64xf32, #tpu.memory_space<vmem>> -> memref<512x64xf32, #tpu.memory_space<vmem>>
      %dma_wait3A_194 = arith.constant 0 : i32
      %dma_wait3A_195 = tpu.memref_slice %arg10[%dma_wait3A_194] : memref<2048xi32, #tpu.memory_space<vmem>> -> memref<512xi32, #tpu.memory_space<vmem>>
      %dma_wait3A_196 = arith.constant 0 : i32
      %dma_wait3A_197 = arith.constant 0 : i32
      %dma_wait3A_198 = tpu.memref_slice %arg2[%dma_wait3A_196, %dma_wait3A_197] : memref<20224x64xf32, #tpu.memory_space<hbm>> -> memref<20224x64xf32, #tpu.memory_space<hbm>>
      tpu.wait_indirect_dma semaphore(%arg18 : memref<!tpu.dma_semaphore, #tpu.memory_space<semaphore_mem>>) src(%dma_wait3A_198 : memref<20224x64xf32, #tpu.memory_space<hbm>>) dst(%dma_wait3A_193 : memref<512x64xf32, #tpu.memory_space<vmem>>)
      %dma_start3A_199 = arith.constant 0 : i32
      %dma_start3A_200 = arith.constant 0 : i32
      %dma_start3A_201 = tpu.memref_slice %arg12[%dma_start3A_199, %dma_start3A_200] : memref<1024x64xf32, #tpu.memory_space<vmem>> -> memref<512x64xf32, #tpu.memory_space<vmem>>
      %dma_start3A_202 = arith.constant 0 : i32
      %dma_start3A_203 = tpu.memref_slice %arg11[%dma_start3A_202] : memref<2048xi32, #tpu.memory_space<vmem>> -> memref<512xi32, #tpu.memory_space<vmem>>
      %dma_start3A_204 = arith.constant 0 : i32
      %dma_start3A_205 = arith.constant 0 : i32
      %dma_start3A_206 = tpu.memref_slice %arg15[%dma_start3A_204, %dma_start3A_205] : memref<10112x64xf32, #tpu.memory_space<vmem_shared>> -> memref<10112x64xf32, #tpu.memory_space<vmem_shared>>
      tpu.enqueue_indirect_dma source(%dma_start3A_201 : memref<512x64xf32, #tpu.memory_space<vmem>>) target(%dma_start3A_206 : memref<10112x64xf32, #tpu.memory_space<vmem_shared>>) offsets(%dma_start3A_203 : memref<512xi32, #tpu.memory_space<vmem>>) semaphore(%arg19 : memref<!tpu.dma_semaphore, #tpu.memory_space<semaphore_mem>>) {add = true}
      %eq3A_207 = arith.constant 0 : i32
      %eq3A_208 = arith.cmpi eq, %arg0, %eq3A_207 : i32
      %convert_element_type3A_209 = arith.extui %eq3A_208 : i1 to i32
      %cond3A_210 = arith.constant 0 : i32
      %cond3A_211 = arith.cmpi ne, %convert_element_type3A_209, %cond3A_210 : i32
      scf.if %cond3A_211 {
        %dma_start3A_470 = arith.constant 0 : i32
        %dma_start3A_471 = tpu.memref_slice %arg11[%dma_start3A_470] : memref<2048xi32, #tpu.memory_space<vmem>> -> memref<512xi32, #tpu.memory_space<vmem>>
        %dma_start3A_472 = arith.constant 0 : i32
        %dma_start3A_473 = arith.constant 0 : i32
        %dma_start3A_474 = tpu.memref_slice %arg16[%dma_start3A_472, %dma_start3A_473] : memref<10112x16xf32, #tpu.memory_space<vmem_shared>> -> memref<10112x16xf32, #tpu.memory_space<vmem_shared>>
        tpu.enqueue_indirect_dma source(%arg13 : memref<512x16xf32, #tpu.memory_space<vmem>>) target(%dma_start3A_474 : memref<10112x16xf32, #tpu.memory_space<vmem_shared>>) offsets(%dma_start3A_471 : memref<512xi32, #tpu.memory_space<vmem>>) semaphore(%arg19 : memref<!tpu.dma_semaphore, #tpu.memory_space<semaphore_mem>>) {add = true}
      } else {
      }
      %mul3A_212 = arith.constant 4 : i32
      %mul3A_213 = arith.muli %mul3A_212, %scan3A_135 : i32
      %add3A_214 = arith.constant 1 : i32
      %add3A_215 = arith.addi %mul3A_213, %add3A_214 : i32
      %dma_wait3A_216 = arith.constant 512 : i32
      %dma_wait3A_217 = tpu.memref_slice %arg10[%dma_wait3A_216] : memref<2048xi32, #tpu.memory_space<vmem>> -> memref<512xi32, #tpu.memory_space<vmem>>
      %dma_wait3A_218 = arith.constant 0 : i32
      %dma_wait3A_219 = tpu.memref_slice %arg3[%dma_wait3A_218] : memref<655360xi32, #tpu.memory_space<hbm>> -> memref<512xi32, #tpu.memory_space<hbm>>
      %dma_wait3A_220 = arith.constant 512 : i32
      %dma_wait3A_221 = tpu.memref_slice %arg10[%dma_wait3A_220] : memref<2048xi32, #tpu.memory_space<vmem>> -> memref<512xi32, #tpu.memory_space<vmem>>
      %dma_wait3A_222 = arith.constant 0 : i32
      %dma_wait3A_223 = tpu.memref_slice %arg3[%dma_wait3A_222] : memref<655360xi32, #tpu.memory_space<hbm>> -> memref<512xi32, #tpu.memory_space<hbm>>
      tpu.wait_dma2 semaphore(%arg17 : memref<!tpu.dma_semaphore, #tpu.memory_space<semaphore_mem>>) src(%dma_wait3A_223 : memref<512xi32, #tpu.memory_space<hbm>>) dst(%dma_wait3A_221 : memref<512xi32, #tpu.memory_space<vmem>>)
      %dma_wait3A_224 = arith.constant 512 : i32
      %dma_wait3A_225 = tpu.memref_slice %arg11[%dma_wait3A_224] : memref<2048xi32, #tpu.memory_space<vmem>> -> memref<512xi32, #tpu.memory_space<vmem>>
      %dma_wait3A_226 = arith.constant 0 : i32
      %dma_wait3A_227 = tpu.memref_slice %arg4[%dma_wait3A_226] : memref<327680xi32, #tpu.memory_space<hbm>> -> memref<512xi32, #tpu.memory_space<hbm>>
      %dma_wait3A_228 = arith.constant 512 : i32
      %dma_wait3A_229 = tpu.memref_slice %arg11[%dma_wait3A_228] : memref<2048xi32, #tpu.memory_space<vmem>> -> memref<512xi32, #tpu.memory_space<vmem>>
      %dma_wait3A_230 = arith.constant 0 : i32
      %dma_wait3A_231 = tpu.memref_slice %arg4[%dma_wait3A_230] : memref<327680xi32, #tpu.memory_space<hbm>> -> memref<512xi32, #tpu.memory_space<hbm>>
      tpu.wait_dma2 semaphore(%arg17 : memref<!tpu.dma_semaphore, #tpu.memory_space<semaphore_mem>>) src(%dma_wait3A_231 : memref<512xi32, #tpu.memory_space<hbm>>) dst(%dma_wait3A_229 : memref<512xi32, #tpu.memory_space<vmem>>)
      %add3A_232 = arith.constant 1 : i32
      %add3A_233 = arith.addi %add3A_215, %add3A_232 : i32
      %min3A_234 = arith.constant 39 : i32
      %min3A_235 = arith.minsi %add3A_233, %min3A_234 : i32
      %mul3A_236 = arith.constant 40 : i32
      %mul3A_237 = arith.muli %arg1, %mul3A_236 : i32
      %add3A_238 = arith.addi %mul3A_237, %min3A_235 : i32
      %mul3A_239 = arith.constant 512 : i32
      %mul3A_240 = arith.muli %add3A_238, %mul3A_239 : i32
      %mul3A_241 = arith.constant 327680 : i32
      %mul3A_242 = arith.muli %arg0, %mul3A_241 : i32
      %add3A_243 = arith.addi %mul3A_242, %mul3A_240 : i32
      %dma_start3A_244 = arith.constant 1024 : i32
      %dma_start3A_245 = tpu.memref_slice %arg10[%dma_start3A_244] : memref<2048xi32, #tpu.memory_space<vmem>> -> memref<512xi32, #tpu.memory_space<vmem>>
      %dma_start3A_246 = tpu.memref_slice %arg3[%add3A_243] : memref<655360xi32, #tpu.memory_space<hbm>> -> memref<512xi32, #tpu.memory_space<hbm>>
      %dma_start3A_247 = arith.constant 1024 : i32
      %dma_start3A_248 = tpu.memref_slice %arg10[%dma_start3A_247] : memref<2048xi32, #tpu.memory_space<vmem>> -> memref<512xi32, #tpu.memory_space<vmem>>
      %dma_start3A_249 = tpu.memref_slice %arg3[%add3A_243] : memref<655360xi32, #tpu.memory_space<hbm>> -> memref<512xi32, #tpu.memory_space<hbm>>
      tpu.enqueue_dma source(%dma_start3A_249 : memref<512xi32, #tpu.memory_space<hbm>>) target(%dma_start3A_248 : memref<512xi32, #tpu.memory_space<vmem>>) target_semaphore(%arg17 : memref<!tpu.dma_semaphore, #tpu.memory_space<semaphore_mem>>)
      %dma_start3A_250 = arith.constant 1024 : i32
      %dma_start3A_251 = tpu.memref_slice %arg11[%dma_start3A_250] : memref<2048xi32, #tpu.memory_space<vmem>> -> memref<512xi32, #tpu.memory_space<vmem>>
      %dma_start3A_252 = tpu.memref_slice %arg4[%mul3A_240] : memref<327680xi32, #tpu.memory_space<hbm>> -> memref<512xi32, #tpu.memory_space<hbm>>
      %dma_start3A_253 = arith.constant 1024 : i32
      %dma_start3A_254 = tpu.memref_slice %arg11[%dma_start3A_253] : memref<2048xi32, #tpu.memory_space<vmem>> -> memref<512xi32, #tpu.memory_space<vmem>>
      %dma_start3A_255 = tpu.memref_slice %arg4[%mul3A_240] : memref<327680xi32, #tpu.memory_space<hbm>> -> memref<512xi32, #tpu.memory_space<hbm>>
      tpu.enqueue_dma source(%dma_start3A_255 : memref<512xi32, #tpu.memory_space<hbm>>) target(%dma_start3A_254 : memref<512xi32, #tpu.memory_space<vmem>>) target_semaphore(%arg17 : memref<!tpu.dma_semaphore, #tpu.memory_space<semaphore_mem>>)
      %ge3A_256 = arith.constant 1 : i32
      %ge3A_257 = arith.cmpi sge, %scan3A_135, %ge3A_256 : i32
      %convert_element_type3A_258 = arith.extui %ge3A_257 : i1 to i32
      %cond3A_259 = arith.constant 0 : i32
      %cond3A_260 = arith.cmpi ne, %convert_element_type3A_258, %cond3A_259 : i32
      scf.if %cond3A_260 {
        %dma_wait3A_470 = arith.constant 512 : i32
        %dma_wait3A_471 = arith.constant 0 : i32
        %dma_wait3A_472 = tpu.memref_slice %arg12[%dma_wait3A_470, %dma_wait3A_471] : memref<1024x64xf32, #tpu.memory_space<vmem>> -> memref<512x64xf32, #tpu.memory_space<vmem>>
        %dma_wait3A_473 = arith.constant 0 : i32
        %dma_wait3A_474 = arith.constant 0 : i32
        %dma_wait3A_475 = tpu.memref_slice %arg15[%dma_wait3A_473, %dma_wait3A_474] : memref<10112x64xf32, #tpu.memory_space<vmem_shared>> -> memref<512x64xf32, #tpu.memory_space<vmem_shared>>
        %dma_wait3A_476 = arith.constant 0 : i32
        %dma_wait3A_477 = arith.constant 0 : i32
        %dma_wait3A_478 = tpu.memref_slice %arg15[%dma_wait3A_476, %dma_wait3A_477] : memref<10112x64xf32, #tpu.memory_space<vmem_shared>> -> memref<512x64xf32, #tpu.memory_space<vmem_shared>>
        %dma_wait3A_479 = arith.constant 512 : i32
        %dma_wait3A_480 = arith.constant 0 : i32
        %dma_wait3A_481 = tpu.memref_slice %arg12[%dma_wait3A_479, %dma_wait3A_480] : memref<1024x64xf32, #tpu.memory_space<vmem>> -> memref<512x64xf32, #tpu.memory_space<vmem>>
        tpu.wait_dma2 semaphore(%arg20 : memref<!tpu.dma_semaphore, #tpu.memory_space<semaphore_mem>>) src(%dma_wait3A_481 : memref<512x64xf32, #tpu.memory_space<vmem>>) dst(%dma_wait3A_478 : memref<512x64xf32, #tpu.memory_space<vmem_shared>>)
        %eq3A_482 = arith.constant 0 : i32
        %eq3A_483 = arith.cmpi eq, %arg0, %eq3A_482 : i32
        %convert_element_type3A_484 = arith.extui %eq3A_483 : i1 to i32
        %cond3A_485 = arith.constant 0 : i32
        %cond3A_486 = arith.cmpi ne, %convert_element_type3A_484, %cond3A_485 : i32
        scf.if %cond3A_486 {
          %dma_wait3A_487 = arith.constant 0 : i32
          %dma_wait3A_488 = arith.constant 0 : i32
          %dma_wait3A_489 = tpu.memref_slice %arg16[%dma_wait3A_487, %dma_wait3A_488] : memref<10112x16xf32, #tpu.memory_space<vmem_shared>> -> memref<512x16xf32, #tpu.memory_space<vmem_shared>>
          %dma_wait3A_490 = arith.constant 0 : i32
          %dma_wait3A_491 = arith.constant 0 : i32
          %dma_wait3A_492 = tpu.memref_slice %arg16[%dma_wait3A_490, %dma_wait3A_491] : memref<10112x16xf32, #tpu.memory_space<vmem_shared>> -> memref<512x16xf32, #tpu.memory_space<vmem_shared>>
          tpu.wait_dma2 semaphore(%arg20 : memref<!tpu.dma_semaphore, #tpu.memory_space<semaphore_mem>>) src(%arg13 : memref<512x16xf32, #tpu.memory_space<vmem>>) dst(%dma_wait3A_492 : memref<512x16xf32, #tpu.memory_space<vmem_shared>>)
        } else {
        }
      } else {
      }
      %dma_start3A_261 = arith.constant 512 : i32
      %dma_start3A_262 = arith.constant 0 : i32
      %dma_start3A_263 = tpu.memref_slice %arg12[%dma_start3A_261, %dma_start3A_262] : memref<1024x64xf32, #tpu.memory_space<vmem>> -> memref<512x64xf32, #tpu.memory_space<vmem>>
      %dma_start3A_264 = arith.constant 512 : i32
      %dma_start3A_265 = tpu.memref_slice %arg10[%dma_start3A_264] : memref<2048xi32, #tpu.memory_space<vmem>> -> memref<512xi32, #tpu.memory_space<vmem>>
      %dma_start3A_266 = arith.constant 0 : i32
      %dma_start3A_267 = arith.constant 0 : i32
      %dma_start3A_268 = tpu.memref_slice %arg2[%dma_start3A_266, %dma_start3A_267] : memref<20224x64xf32, #tpu.memory_space<hbm>> -> memref<20224x64xf32, #tpu.memory_space<hbm>>
      tpu.enqueue_indirect_dma source(%dma_start3A_268 : memref<20224x64xf32, #tpu.memory_space<hbm>>) target(%dma_start3A_263 : memref<512x64xf32, #tpu.memory_space<vmem>>) offsets(%dma_start3A_265 : memref<512xi32, #tpu.memory_space<vmem>>) semaphore(%arg18 : memref<!tpu.dma_semaphore, #tpu.memory_space<semaphore_mem>>)
      %dma_wait3A_269 = arith.constant 512 : i32
      %dma_wait3A_270 = arith.constant 0 : i32
      %dma_wait3A_271 = tpu.memref_slice %arg12[%dma_wait3A_269, %dma_wait3A_270] : memref<1024x64xf32, #tpu.memory_space<vmem>> -> memref<512x64xf32, #tpu.memory_space<vmem>>
      %dma_wait3A_272 = arith.constant 512 : i32
      %dma_wait3A_273 = tpu.memref_slice %arg10[%dma_wait3A_272] : memref<2048xi32, #tpu.memory_space<vmem>> -> memref<512xi32, #tpu.memory_space<vmem>>
      %dma_wait3A_274 = arith.constant 0 : i32
      %dma_wait3A_275 = arith.constant 0 : i32
      %dma_wait3A_276 = tpu.memref_slice %arg2[%dma_wait3A_274, %dma_wait3A_275] : memref<20224x64xf32, #tpu.memory_space<hbm>> -> memref<20224x64xf32, #tpu.memory_space<hbm>>
      tpu.wait_indirect_dma semaphore(%arg18 : memref<!tpu.dma_semaphore, #tpu.memory_space<semaphore_mem>>) src(%dma_wait3A_276 : memref<20224x64xf32, #tpu.memory_space<hbm>>) dst(%dma_wait3A_271 : memref<512x64xf32, #tpu.memory_space<vmem>>)
      %dma_start3A_277 = arith.constant 512 : i32
      %dma_start3A_278 = arith.constant 0 : i32
      %dma_start3A_279 = tpu.memref_slice %arg12[%dma_start3A_277, %dma_start3A_278] : memref<1024x64xf32, #tpu.memory_space<vmem>> -> memref<512x64xf32, #tpu.memory_space<vmem>>
      %dma_start3A_280 = arith.constant 512 : i32
      %dma_start3A_281 = tpu.memref_slice %arg11[%dma_start3A_280] : memref<2048xi32, #tpu.memory_space<vmem>> -> memref<512xi32, #tpu.memory_space<vmem>>
      %dma_start3A_282 = arith.constant 0 : i32
      %dma_start3A_283 = arith.constant 0 : i32
      %dma_start3A_284 = tpu.memref_slice %arg15[%dma_start3A_282, %dma_start3A_283] : memref<10112x64xf32, #tpu.memory_space<vmem_shared>> -> memref<10112x64xf32, #tpu.memory_space<vmem_shared>>
      tpu.enqueue_indirect_dma source(%dma_start3A_279 : memref<512x64xf32, #tpu.memory_space<vmem>>) target(%dma_start3A_284 : memref<10112x64xf32, #tpu.memory_space<vmem_shared>>) offsets(%dma_start3A_281 : memref<512xi32, #tpu.memory_space<vmem>>) semaphore(%arg20 : memref<!tpu.dma_semaphore, #tpu.memory_space<semaphore_mem>>) {add = true}
      %eq3A_285 = arith.constant 0 : i32
      %eq3A_286 = arith.cmpi eq, %arg0, %eq3A_285 : i32
      %convert_element_type3A_287 = arith.extui %eq3A_286 : i1 to i32
      %cond3A_288 = arith.constant 0 : i32
      %cond3A_289 = arith.cmpi ne, %convert_element_type3A_287, %cond3A_288 : i32
      scf.if %cond3A_289 {
        %dma_start3A_470 = arith.constant 512 : i32
        %dma_start3A_471 = tpu.memref_slice %arg11[%dma_start3A_470] : memref<2048xi32, #tpu.memory_space<vmem>> -> memref<512xi32, #tpu.memory_space<vmem>>
        %dma_start3A_472 = arith.constant 0 : i32
        %dma_start3A_473 = arith.constant 0 : i32
        %dma_start3A_474 = tpu.memref_slice %arg16[%dma_start3A_472, %dma_start3A_473] : memref<10112x16xf32, #tpu.memory_space<vmem_shared>> -> memref<10112x16xf32, #tpu.memory_space<vmem_shared>>
        tpu.enqueue_indirect_dma source(%arg13 : memref<512x16xf32, #tpu.memory_space<vmem>>) target(%dma_start3A_474 : memref<10112x16xf32, #tpu.memory_space<vmem_shared>>) offsets(%dma_start3A_471 : memref<512xi32, #tpu.memory_space<vmem>>) semaphore(%arg20 : memref<!tpu.dma_semaphore, #tpu.memory_space<semaphore_mem>>) {add = true}
      } else {
      }
      %mul3A_290 = arith.constant 4 : i32
      %mul3A_291 = arith.muli %mul3A_290, %scan3A_135 : i32
      %add3A_292 = arith.constant 2 : i32
      %add3A_293 = arith.addi %mul3A_291, %add3A_292 : i32
      %dma_wait3A_294 = arith.constant 1024 : i32
      %dma_wait3A_295 = tpu.memref_slice %arg10[%dma_wait3A_294] : memref<2048xi32, #tpu.memory_space<vmem>> -> memref<512xi32, #tpu.memory_space<vmem>>
      %dma_wait3A_296 = arith.constant 0 : i32
      %dma_wait3A_297 = tpu.memref_slice %arg3[%dma_wait3A_296] : memref<655360xi32, #tpu.memory_space<hbm>> -> memref<512xi32, #tpu.memory_space<hbm>>
      %dma_wait3A_298 = arith.constant 1024 : i32
      %dma_wait3A_299 = tpu.memref_slice %arg10[%dma_wait3A_298] : memref<2048xi32, #tpu.memory_space<vmem>> -> memref<512xi32, #tpu.memory_space<vmem>>
      %dma_wait3A_300 = arith.constant 0 : i32
      %dma_wait3A_301 = tpu.memref_slice %arg3[%dma_wait3A_300] : memref<655360xi32, #tpu.memory_space<hbm>> -> memref<512xi32, #tpu.memory_space<hbm>>
      tpu.wait_dma2 semaphore(%arg17 : memref<!tpu.dma_semaphore, #tpu.memory_space<semaphore_mem>>) src(%dma_wait3A_301 : memref<512xi32, #tpu.memory_space<hbm>>) dst(%dma_wait3A_299 : memref<512xi32, #tpu.memory_space<vmem>>)
      %dma_wait3A_302 = arith.constant 1024 : i32
      %dma_wait3A_303 = tpu.memref_slice %arg11[%dma_wait3A_302] : memref<2048xi32, #tpu.memory_space<vmem>> -> memref<512xi32, #tpu.memory_space<vmem>>
      %dma_wait3A_304 = arith.constant 0 : i32
      %dma_wait3A_305 = tpu.memref_slice %arg4[%dma_wait3A_304] : memref<327680xi32, #tpu.memory_space<hbm>> -> memref<512xi32, #tpu.memory_space<hbm>>
      %dma_wait3A_306 = arith.constant 1024 : i32
      %dma_wait3A_307 = tpu.memref_slice %arg11[%dma_wait3A_306] : memref<2048xi32, #tpu.memory_space<vmem>> -> memref<512xi32, #tpu.memory_space<vmem>>
      %dma_wait3A_308 = arith.constant 0 : i32
      %dma_wait3A_309 = tpu.memref_slice %arg4[%dma_wait3A_308] : memref<327680xi32, #tpu.memory_space<hbm>> -> memref<512xi32, #tpu.memory_space<hbm>>
      tpu.wait_dma2 semaphore(%arg17 : memref<!tpu.dma_semaphore, #tpu.memory_space<semaphore_mem>>) src(%dma_wait3A_309 : memref<512xi32, #tpu.memory_space<hbm>>) dst(%dma_wait3A_307 : memref<512xi32, #tpu.memory_space<vmem>>)
      %add3A_310 = arith.constant 1 : i32
      %add3A_311 = arith.addi %add3A_293, %add3A_310 : i32
      %min3A_312 = arith.constant 39 : i32
      %min3A_313 = arith.minsi %add3A_311, %min3A_312 : i32
      %mul3A_314 = arith.constant 40 : i32
      %mul3A_315 = arith.muli %arg1, %mul3A_314 : i32
      %add3A_316 = arith.addi %mul3A_315, %min3A_313 : i32
      %mul3A_317 = arith.constant 512 : i32
      %mul3A_318 = arith.muli %add3A_316, %mul3A_317 : i32
      %mul3A_319 = arith.constant 327680 : i32
      %mul3A_320 = arith.muli %arg0, %mul3A_319 : i32
      %add3A_321 = arith.addi %mul3A_320, %mul3A_318 : i32
      %dma_start3A_322 = arith.constant 1536 : i32
      %dma_start3A_323 = tpu.memref_slice %arg10[%dma_start3A_322] : memref<2048xi32, #tpu.memory_space<vmem>> -> memref<512xi32, #tpu.memory_space<vmem>>
      %dma_start3A_324 = tpu.memref_slice %arg3[%add3A_321] : memref<655360xi32, #tpu.memory_space<hbm>> -> memref<512xi32, #tpu.memory_space<hbm>>
      %dma_start3A_325 = arith.constant 1536 : i32
      %dma_start3A_326 = tpu.memref_slice %arg10[%dma_start3A_325] : memref<2048xi32, #tpu.memory_space<vmem>> -> memref<512xi32, #tpu.memory_space<vmem>>
      %dma_start3A_327 = tpu.memref_slice %arg3[%add3A_321] : memref<655360xi32, #tpu.memory_space<hbm>> -> memref<512xi32, #tpu.memory_space<hbm>>
      tpu.enqueue_dma source(%dma_start3A_327 : memref<512xi32, #tpu.memory_space<hbm>>) target(%dma_start3A_326 : memref<512xi32, #tpu.memory_space<vmem>>) target_semaphore(%arg17 : memref<!tpu.dma_semaphore, #tpu.memory_space<semaphore_mem>>)
      %dma_start3A_328 = arith.constant 1536 : i32
      %dma_start3A_329 = tpu.memref_slice %arg11[%dma_start3A_328] : memref<2048xi32, #tpu.memory_space<vmem>> -> memref<512xi32, #tpu.memory_space<vmem>>
      %dma_start3A_330 = tpu.memref_slice %arg4[%mul3A_318] : memref<327680xi32, #tpu.memory_space<hbm>> -> memref<512xi32, #tpu.memory_space<hbm>>
      %dma_start3A_331 = arith.constant 1536 : i32
      %dma_start3A_332 = tpu.memref_slice %arg11[%dma_start3A_331] : memref<2048xi32, #tpu.memory_space<vmem>> -> memref<512xi32, #tpu.memory_space<vmem>>
      %dma_start3A_333 = tpu.memref_slice %arg4[%mul3A_318] : memref<327680xi32, #tpu.memory_space<hbm>> -> memref<512xi32, #tpu.memory_space<hbm>>
      tpu.enqueue_dma source(%dma_start3A_333 : memref<512xi32, #tpu.memory_space<hbm>>) target(%dma_start3A_332 : memref<512xi32, #tpu.memory_space<vmem>>) target_semaphore(%arg17 : memref<!tpu.dma_semaphore, #tpu.memory_space<semaphore_mem>>)
      %dma_wait3A_334 = arith.constant 0 : i32
      %dma_wait3A_335 = arith.constant 0 : i32
      %dma_wait3A_336 = tpu.memref_slice %arg12[%dma_wait3A_334, %dma_wait3A_335] : memref<1024x64xf32, #tpu.memory_space<vmem>> -> memref<512x64xf32, #tpu.memory_space<vmem>>
      %dma_wait3A_337 = arith.constant 0 : i32
      %dma_wait3A_338 = arith.constant 0 : i32
      %dma_wait3A_339 = tpu.memref_slice %arg15[%dma_wait3A_337, %dma_wait3A_338] : memref<10112x64xf32, #tpu.memory_space<vmem_shared>> -> memref<512x64xf32, #tpu.memory_space<vmem_shared>>
      %dma_wait3A_340 = arith.constant 0 : i32
      %dma_wait3A_341 = arith.constant 0 : i32
      %dma_wait3A_342 = tpu.memref_slice %arg15[%dma_wait3A_340, %dma_wait3A_341] : memref<10112x64xf32, #tpu.memory_space<vmem_shared>> -> memref<512x64xf32, #tpu.memory_space<vmem_shared>>
      %dma_wait3A_343 = arith.constant 0 : i32
      %dma_wait3A_344 = arith.constant 0 : i32
      %dma_wait3A_345 = tpu.memref_slice %arg12[%dma_wait3A_343, %dma_wait3A_344] : memref<1024x64xf32, #tpu.memory_space<vmem>> -> memref<512x64xf32, #tpu.memory_space<vmem>>
      tpu.wait_dma2 semaphore(%arg19 : memref<!tpu.dma_semaphore, #tpu.memory_space<semaphore_mem>>) src(%dma_wait3A_345 : memref<512x64xf32, #tpu.memory_space<vmem>>) dst(%dma_wait3A_342 : memref<512x64xf32, #tpu.memory_space<vmem_shared>>)
      %eq3A_346 = arith.constant 0 : i32
      %eq3A_347 = arith.cmpi eq, %arg0, %eq3A_346 : i32
      %convert_element_type3A_348 = arith.extui %eq3A_347 : i1 to i32
      %cond3A_349 = arith.constant 0 : i32
      %cond3A_350 = arith.cmpi ne, %convert_element_type3A_348, %cond3A_349 : i32
      scf.if %cond3A_350 {
        %dma_wait3A_470 = arith.constant 0 : i32
        %dma_wait3A_471 = arith.constant 0 : i32
        %dma_wait3A_472 = tpu.memref_slice %arg16[%dma_wait3A_470, %dma_wait3A_471] : memref<10112x16xf32, #tpu.memory_space<vmem_shared>> -> memref<512x16xf32, #tpu.memory_space<vmem_shared>>
        %dma_wait3A_473 = arith.constant 0 : i32
        %dma_wait3A_474 = arith.constant 0 : i32
        %dma_wait3A_475 = tpu.memref_slice %arg16[%dma_wait3A_473, %dma_wait3A_474] : memref<10112x16xf32, #tpu.memory_space<vmem_shared>> -> memref<512x16xf32, #tpu.memory_space<vmem_shared>>
        tpu.wait_dma2 semaphore(%arg19 : memref<!tpu.dma_semaphore, #tpu.memory_space<semaphore_mem>>) src(%arg13 : memref<512x16xf32, #tpu.memory_space<vmem>>) dst(%dma_wait3A_475 : memref<512x16xf32, #tpu.memory_space<vmem_shared>>)
      } else {
      }
      %dma_start3A_351 = arith.constant 0 : i32
      %dma_start3A_352 = arith.constant 0 : i32
      %dma_start3A_353 = tpu.memref_slice %arg12[%dma_start3A_351, %dma_start3A_352] : memref<1024x64xf32, #tpu.memory_space<vmem>> -> memref<512x64xf32, #tpu.memory_space<vmem>>
      %dma_start3A_354 = arith.constant 1024 : i32
      %dma_start3A_355 = tpu.memref_slice %arg10[%dma_start3A_354] : memref<2048xi32, #tpu.memory_space<vmem>> -> memref<512xi32, #tpu.memory_space<vmem>>
      %dma_start3A_356 = arith.constant 0 : i32
      %dma_start3A_357 = arith.constant 0 : i32
      %dma_start3A_358 = tpu.memref_slice %arg2[%dma_start3A_356, %dma_start3A_357] : memref<20224x64xf32, #tpu.memory_space<hbm>> -> memref<20224x64xf32, #tpu.memory_space<hbm>>
      tpu.enqueue_indirect_dma source(%dma_start3A_358 : memref<20224x64xf32, #tpu.memory_space<hbm>>) target(%dma_start3A_353 : memref<512x64xf32, #tpu.memory_space<vmem>>) offsets(%dma_start3A_355 : memref<512xi32, #tpu.memory_space<vmem>>) semaphore(%arg18 : memref<!tpu.dma_semaphore, #tpu.memory_space<semaphore_mem>>)
      %dma_wait3A_359 = arith.constant 0 : i32
      %dma_wait3A_360 = arith.constant 0 : i32
      %dma_wait3A_361 = tpu.memref_slice %arg12[%dma_wait3A_359, %dma_wait3A_360] : memref<1024x64xf32, #tpu.memory_space<vmem>> -> memref<512x64xf32, #tpu.memory_space<vmem>>
      %dma_wait3A_362 = arith.constant 1024 : i32
      %dma_wait3A_363 = tpu.memref_slice %arg10[%dma_wait3A_362] : memref<2048xi32, #tpu.memory_space<vmem>> -> memref<512xi32, #tpu.memory_space<vmem>>
      %dma_wait3A_364 = arith.constant 0 : i32
      %dma_wait3A_365 = arith.constant 0 : i32
      %dma_wait3A_366 = tpu.memref_slice %arg2[%dma_wait3A_364, %dma_wait3A_365] : memref<20224x64xf32, #tpu.memory_space<hbm>> -> memref<20224x64xf32, #tpu.memory_space<hbm>>
      tpu.wait_indirect_dma semaphore(%arg18 : memref<!tpu.dma_semaphore, #tpu.memory_space<semaphore_mem>>) src(%dma_wait3A_366 : memref<20224x64xf32, #tpu.memory_space<hbm>>) dst(%dma_wait3A_361 : memref<512x64xf32, #tpu.memory_space<vmem>>)
      %dma_start3A_367 = arith.constant 0 : i32
      %dma_start3A_368 = arith.constant 0 : i32
      %dma_start3A_369 = tpu.memref_slice %arg12[%dma_start3A_367, %dma_start3A_368] : memref<1024x64xf32, #tpu.memory_space<vmem>> -> memref<512x64xf32, #tpu.memory_space<vmem>>
      %dma_start3A_370 = arith.constant 1024 : i32
      %dma_start3A_371 = tpu.memref_slice %arg11[%dma_start3A_370] : memref<2048xi32, #tpu.memory_space<vmem>> -> memref<512xi32, #tpu.memory_space<vmem>>
      %dma_start3A_372 = arith.constant 0 : i32
      %dma_start3A_373 = arith.constant 0 : i32
      %dma_start3A_374 = tpu.memref_slice %arg15[%dma_start3A_372, %dma_start3A_373] : memref<10112x64xf32, #tpu.memory_space<vmem_shared>> -> memref<10112x64xf32, #tpu.memory_space<vmem_shared>>
      tpu.enqueue_indirect_dma source(%dma_start3A_369 : memref<512x64xf32, #tpu.memory_space<vmem>>) target(%dma_start3A_374 : memref<10112x64xf32, #tpu.memory_space<vmem_shared>>) offsets(%dma_start3A_371 : memref<512xi32, #tpu.memory_space<vmem>>) semaphore(%arg19 : memref<!tpu.dma_semaphore, #tpu.memory_space<semaphore_mem>>) {add = true}
      %eq3A_375 = arith.constant 0 : i32
      %eq3A_376 = arith.cmpi eq, %arg0, %eq3A_375 : i32
      %convert_element_type3A_377 = arith.extui %eq3A_376 : i1 to i32
      %cond3A_378 = arith.constant 0 : i32
      %cond3A_379 = arith.cmpi ne, %convert_element_type3A_377, %cond3A_378 : i32
      scf.if %cond3A_379 {
        %dma_start3A_470 = arith.constant 1024 : i32
        %dma_start3A_471 = tpu.memref_slice %arg11[%dma_start3A_470] : memref<2048xi32, #tpu.memory_space<vmem>> -> memref<512xi32, #tpu.memory_space<vmem>>
        %dma_start3A_472 = arith.constant 0 : i32
        %dma_start3A_473 = arith.constant 0 : i32
        %dma_start3A_474 = tpu.memref_slice %arg16[%dma_start3A_472, %dma_start3A_473] : memref<10112x16xf32, #tpu.memory_space<vmem_shared>> -> memref<10112x16xf32, #tpu.memory_space<vmem_shared>>
        tpu.enqueue_indirect_dma source(%arg13 : memref<512x16xf32, #tpu.memory_space<vmem>>) target(%dma_start3A_474 : memref<10112x16xf32, #tpu.memory_space<vmem_shared>>) offsets(%dma_start3A_471 : memref<512xi32, #tpu.memory_space<vmem>>) semaphore(%arg19 : memref<!tpu.dma_semaphore, #tpu.memory_space<semaphore_mem>>) {add = true}
      } else {
      }
      %mul3A_380 = arith.constant 4 : i32
      %mul3A_381 = arith.muli %mul3A_380, %scan3A_135 : i32
      %add3A_382 = arith.constant 3 : i32
      %add3A_383 = arith.addi %mul3A_381, %add3A_382 : i32
      %dma_wait3A_384 = arith.constant 1536 : i32
      %dma_wait3A_385 = tpu.memref_slice %arg10[%dma_wait3A_384] : memref<2048xi32, #tpu.memory_space<vmem>> -> memref<512xi32, #tpu.memory_space<vmem>>
      %dma_wait3A_386 = arith.constant 0 : i32
      %dma_wait3A_387 = tpu.memref_slice %arg3[%dma_wait3A_386] : memref<655360xi32, #tpu.memory_space<hbm>> -> memref<512xi32, #tpu.memory_space<hbm>>
      %dma_wait3A_388 = arith.constant 1536 : i32
      %dma_wait3A_389 = tpu.memref_slice %arg10[%dma_wait3A_388] : memref<2048xi32, #tpu.memory_space<vmem>> -> memref<512xi32, #tpu.memory_space<vmem>>
      %dma_wait3A_390 = arith.constant 0 : i32
      %dma_wait3A_391 = tpu.memref_slice %arg3[%dma_wait3A_390] : memref<655360xi32, #tpu.memory_space<hbm>> -> memref<512xi32, #tpu.memory_space<hbm>>
      tpu.wait_dma2 semaphore(%arg17 : memref<!tpu.dma_semaphore, #tpu.memory_space<semaphore_mem>>) src(%dma_wait3A_391 : memref<512xi32, #tpu.memory_space<hbm>>) dst(%dma_wait3A_389 : memref<512xi32, #tpu.memory_space<vmem>>)
      %dma_wait3A_392 = arith.constant 1536 : i32
      %dma_wait3A_393 = tpu.memref_slice %arg11[%dma_wait3A_392] : memref<2048xi32, #tpu.memory_space<vmem>> -> memref<512xi32, #tpu.memory_space<vmem>>
      %dma_wait3A_394 = arith.constant 0 : i32
      %dma_wait3A_395 = tpu.memref_slice %arg4[%dma_wait3A_394] : memref<327680xi32, #tpu.memory_space<hbm>> -> memref<512xi32, #tpu.memory_space<hbm>>
      %dma_wait3A_396 = arith.constant 1536 : i32
      %dma_wait3A_397 = tpu.memref_slice %arg11[%dma_wait3A_396] : memref<2048xi32, #tpu.memory_space<vmem>> -> memref<512xi32, #tpu.memory_space<vmem>>
      %dma_wait3A_398 = arith.constant 0 : i32
      %dma_wait3A_399 = tpu.memref_slice %arg4[%dma_wait3A_398] : memref<327680xi32, #tpu.memory_space<hbm>> -> memref<512xi32, #tpu.memory_space<hbm>>
      tpu.wait_dma2 semaphore(%arg17 : memref<!tpu.dma_semaphore, #tpu.memory_space<semaphore_mem>>) src(%dma_wait3A_399 : memref<512xi32, #tpu.memory_space<hbm>>) dst(%dma_wait3A_397 : memref<512xi32, #tpu.memory_space<vmem>>)
      %add3A_400 = arith.constant 1 : i32
      %add3A_401 = arith.addi %add3A_383, %add3A_400 : i32
      %min3A_402 = arith.constant 39 : i32
      %min3A_403 = arith.minsi %add3A_401, %min3A_402 : i32
      %mul3A_404 = arith.constant 40 : i32
      %mul3A_405 = arith.muli %arg1, %mul3A_404 : i32
      %add3A_406 = arith.addi %mul3A_405, %min3A_403 : i32
      %mul3A_407 = arith.constant 512 : i32
      %mul3A_408 = arith.muli %add3A_406, %mul3A_407 : i32
      %mul3A_409 = arith.constant 327680 : i32
      %mul3A_410 = arith.muli %arg0, %mul3A_409 : i32
      %add3A_411 = arith.addi %mul3A_410, %mul3A_408 : i32
      %dma_start3A_412 = arith.constant 0 : i32
      %dma_start3A_413 = tpu.memref_slice %arg10[%dma_start3A_412] : memref<2048xi32, #tpu.memory_space<vmem>> -> memref<512xi32, #tpu.memory_space<vmem>>
      %dma_start3A_414 = tpu.memref_slice %arg3[%add3A_411] : memref<655360xi32, #tpu.memory_space<hbm>> -> memref<512xi32, #tpu.memory_space<hbm>>
      %dma_start3A_415 = arith.constant 0 : i32
      %dma_start3A_416 = tpu.memref_slice %arg10[%dma_start3A_415] : memref<2048xi32, #tpu.memory_space<vmem>> -> memref<512xi32, #tpu.memory_space<vmem>>
      %dma_start3A_417 = tpu.memref_slice %arg3[%add3A_411] : memref<655360xi32, #tpu.memory_space<hbm>> -> memref<512xi32, #tpu.memory_space<hbm>>
      tpu.enqueue_dma source(%dma_start3A_417 : memref<512xi32, #tpu.memory_space<hbm>>) target(%dma_start3A_416 : memref<512xi32, #tpu.memory_space<vmem>>) target_semaphore(%arg17 : memref<!tpu.dma_semaphore, #tpu.memory_space<semaphore_mem>>)
      %dma_start3A_418 = arith.constant 0 : i32
      %dma_start3A_419 = tpu.memref_slice %arg11[%dma_start3A_418] : memref<2048xi32, #tpu.memory_space<vmem>> -> memref<512xi32, #tpu.memory_space<vmem>>
      %dma_start3A_420 = tpu.memref_slice %arg4[%mul3A_408] : memref<327680xi32, #tpu.memory_space<hbm>> -> memref<512xi32, #tpu.memory_space<hbm>>
      %dma_start3A_421 = arith.constant 0 : i32
      %dma_start3A_422 = tpu.memref_slice %arg11[%dma_start3A_421] : memref<2048xi32, #tpu.memory_space<vmem>> -> memref<512xi32, #tpu.memory_space<vmem>>
      %dma_start3A_423 = tpu.memref_slice %arg4[%mul3A_408] : memref<327680xi32, #tpu.memory_space<hbm>> -> memref<512xi32, #tpu.memory_space<hbm>>
      tpu.enqueue_dma source(%dma_start3A_423 : memref<512xi32, #tpu.memory_space<hbm>>) target(%dma_start3A_422 : memref<512xi32, #tpu.memory_space<vmem>>) target_semaphore(%arg17 : memref<!tpu.dma_semaphore, #tpu.memory_space<semaphore_mem>>)
      %dma_wait3A_424 = arith.constant 512 : i32
      %dma_wait3A_425 = arith.constant 0 : i32
      %dma_wait3A_426 = tpu.memref_slice %arg12[%dma_wait3A_424, %dma_wait3A_425] : memref<1024x64xf32, #tpu.memory_space<vmem>> -> memref<512x64xf32, #tpu.memory_space<vmem>>
      %dma_wait3A_427 = arith.constant 0 : i32
      %dma_wait3A_428 = arith.constant 0 : i32
      %dma_wait3A_429 = tpu.memref_slice %arg15[%dma_wait3A_427, %dma_wait3A_428] : memref<10112x64xf32, #tpu.memory_space<vmem_shared>> -> memref<512x64xf32, #tpu.memory_space<vmem_shared>>
      %dma_wait3A_430 = arith.constant 0 : i32
      %dma_wait3A_431 = arith.constant 0 : i32
      %dma_wait3A_432 = tpu.memref_slice %arg15[%dma_wait3A_430, %dma_wait3A_431] : memref<10112x64xf32, #tpu.memory_space<vmem_shared>> -> memref<512x64xf32, #tpu.memory_space<vmem_shared>>
      %dma_wait3A_433 = arith.constant 512 : i32
      %dma_wait3A_434 = arith.constant 0 : i32
      %dma_wait3A_435 = tpu.memref_slice %arg12[%dma_wait3A_433, %dma_wait3A_434] : memref<1024x64xf32, #tpu.memory_space<vmem>> -> memref<512x64xf32, #tpu.memory_space<vmem>>
      tpu.wait_dma2 semaphore(%arg20 : memref<!tpu.dma_semaphore, #tpu.memory_space<semaphore_mem>>) src(%dma_wait3A_435 : memref<512x64xf32, #tpu.memory_space<vmem>>) dst(%dma_wait3A_432 : memref<512x64xf32, #tpu.memory_space<vmem_shared>>)
      %eq3A_436 = arith.constant 0 : i32
      %eq3A_437 = arith.cmpi eq, %arg0, %eq3A_436 : i32
      %convert_element_type3A_438 = arith.extui %eq3A_437 : i1 to i32
      %cond3A_439 = arith.constant 0 : i32
      %cond3A_440 = arith.cmpi ne, %convert_element_type3A_438, %cond3A_439 : i32
      scf.if %cond3A_440 {
        %dma_wait3A_470 = arith.constant 0 : i32
        %dma_wait3A_471 = arith.constant 0 : i32
        %dma_wait3A_472 = tpu.memref_slice %arg16[%dma_wait3A_470, %dma_wait3A_471] : memref<10112x16xf32, #tpu.memory_space<vmem_shared>> -> memref<512x16xf32, #tpu.memory_space<vmem_shared>>
        %dma_wait3A_473 = arith.constant 0 : i32
        %dma_wait3A_474 = arith.constant 0 : i32
        %dma_wait3A_475 = tpu.memref_slice %arg16[%dma_wait3A_473, %dma_wait3A_474] : memref<10112x16xf32, #tpu.memory_space<vmem_shared>> -> memref<512x16xf32, #tpu.memory_space<vmem_shared>>
        tpu.wait_dma2 semaphore(%arg20 : memref<!tpu.dma_semaphore, #tpu.memory_space<semaphore_mem>>) src(%arg13 : memref<512x16xf32, #tpu.memory_space<vmem>>) dst(%dma_wait3A_475 : memref<512x16xf32, #tpu.memory_space<vmem_shared>>)
      } else {
      }
      %dma_start3A_441 = arith.constant 512 : i32
      %dma_start3A_442 = arith.constant 0 : i32
      %dma_start3A_443 = tpu.memref_slice %arg12[%dma_start3A_441, %dma_start3A_442] : memref<1024x64xf32, #tpu.memory_space<vmem>> -> memref<512x64xf32, #tpu.memory_space<vmem>>
      %dma_start3A_444 = arith.constant 1536 : i32
      %dma_start3A_445 = tpu.memref_slice %arg10[%dma_start3A_444] : memref<2048xi32, #tpu.memory_space<vmem>> -> memref<512xi32, #tpu.memory_space<vmem>>
      %dma_start3A_446 = arith.constant 0 : i32
      %dma_start3A_447 = arith.constant 0 : i32
      %dma_start3A_448 = tpu.memref_slice %arg2[%dma_start3A_446, %dma_start3A_447] : memref<20224x64xf32, #tpu.memory_space<hbm>> -> memref<20224x64xf32, #tpu.memory_space<hbm>>
      tpu.enqueue_indirect_dma source(%dma_start3A_448 : memref<20224x64xf32, #tpu.memory_space<hbm>>) target(%dma_start3A_443 : memref<512x64xf32, #tpu.memory_space<vmem>>) offsets(%dma_start3A_445 : memref<512xi32, #tpu.memory_space<vmem>>) semaphore(%arg18 : memref<!tpu.dma_semaphore, #tpu.memory_space<semaphore_mem>>)
      %dma_wait3A_449 = arith.constant 512 : i32
      %dma_wait3A_450 = arith.constant 0 : i32
      %dma_wait3A_451 = tpu.memref_slice %arg12[%dma_wait3A_449, %dma_wait3A_450] : memref<1024x64xf32, #tpu.memory_space<vmem>> -> memref<512x64xf32, #tpu.memory_space<vmem>>
      %dma_wait3A_452 = arith.constant 1536 : i32
      %dma_wait3A_453 = tpu.memref_slice %arg10[%dma_wait3A_452] : memref<2048xi32, #tpu.memory_space<vmem>> -> memref<512xi32, #tpu.memory_space<vmem>>
      %dma_wait3A_454 = arith.constant 0 : i32
      %dma_wait3A_455 = arith.constant 0 : i32
      %dma_wait3A_456 = tpu.memref_slice %arg2[%dma_wait3A_454, %dma_wait3A_455] : memref<20224x64xf32, #tpu.memory_space<hbm>> -> memref<20224x64xf32, #tpu.memory_space<hbm>>
      tpu.wait_indirect_dma semaphore(%arg18 : memref<!tpu.dma_semaphore, #tpu.memory_space<semaphore_mem>>) src(%dma_wait3A_456 : memref<20224x64xf32, #tpu.memory_space<hbm>>) dst(%dma_wait3A_451 : memref<512x64xf32, #tpu.memory_space<vmem>>)
      %dma_start3A_457 = arith.constant 512 : i32
      %dma_start3A_458 = arith.constant 0 : i32
      %dma_start3A_459 = tpu.memref_slice %arg12[%dma_start3A_457, %dma_start3A_458] : memref<1024x64xf32, #tpu.memory_space<vmem>> -> memref<512x64xf32, #tpu.memory_space<vmem>>
      %dma_start3A_460 = arith.constant 1536 : i32
      %dma_start3A_461 = tpu.memref_slice %arg11[%dma_start3A_460] : memref<2048xi32, #tpu.memory_space<vmem>> -> memref<512xi32, #tpu.memory_space<vmem>>
      %dma_start3A_462 = arith.constant 0 : i32
      %dma_start3A_463 = arith.constant 0 : i32
      %dma_start3A_464 = tpu.memref_slice %arg15[%dma_start3A_462, %dma_start3A_463] : memref<10112x64xf32, #tpu.memory_space<vmem_shared>> -> memref<10112x64xf32, #tpu.memory_space<vmem_shared>>
      tpu.enqueue_indirect_dma source(%dma_start3A_459 : memref<512x64xf32, #tpu.memory_space<vmem>>) target(%dma_start3A_464 : memref<10112x64xf32, #tpu.memory_space<vmem_shared>>) offsets(%dma_start3A_461 : memref<512xi32, #tpu.memory_space<vmem>>) semaphore(%arg20 : memref<!tpu.dma_semaphore, #tpu.memory_space<semaphore_mem>>) {add = true}
      %eq3A_465 = arith.constant 0 : i32
      %eq3A_466 = arith.cmpi eq, %arg0, %eq3A_465 : i32
      %convert_element_type3A_467 = arith.extui %eq3A_466 : i1 to i32
      %cond3A_468 = arith.constant 0 : i32
      %cond3A_469 = arith.cmpi ne, %convert_element_type3A_467, %cond3A_468 : i32
      scf.if %cond3A_469 {
        %dma_start3A_470 = arith.constant 1536 : i32
        %dma_start3A_471 = tpu.memref_slice %arg11[%dma_start3A_470] : memref<2048xi32, #tpu.memory_space<vmem>> -> memref<512xi32, #tpu.memory_space<vmem>>
        %dma_start3A_472 = arith.constant 0 : i32
        %dma_start3A_473 = arith.constant 0 : i32
        %dma_start3A_474 = tpu.memref_slice %arg16[%dma_start3A_472, %dma_start3A_473] : memref<10112x16xf32, #tpu.memory_space<vmem_shared>> -> memref<10112x16xf32, #tpu.memory_space<vmem_shared>>
        tpu.enqueue_indirect_dma source(%arg13 : memref<512x16xf32, #tpu.memory_space<vmem>>) target(%dma_start3A_474 : memref<10112x16xf32, #tpu.memory_space<vmem_shared>>) offsets(%dma_start3A_471 : memref<512xi32, #tpu.memory_space<vmem>>) semaphore(%arg20 : memref<!tpu.dma_semaphore, #tpu.memory_space<semaphore_mem>>) {add = true}
      } else {
      }
    }
    %scan3A_44 = arith.constant 10 : i32
    %dma_wait3A = arith.constant 0 : i32
    %dma_wait3A_45 = arith.constant 0 : i32
    %dma_wait3A_46 = tpu.memref_slice %arg12[%dma_wait3A, %dma_wait3A_45] : memref<1024x64xf32, #tpu.memory_space<vmem>> -> memref<512x64xf32, #tpu.memory_space<vmem>>
    %dma_wait3A_47 = arith.constant 0 : i32
    %dma_wait3A_48 = arith.constant 0 : i32
    %dma_wait3A_49 = tpu.memref_slice %arg15[%dma_wait3A_47, %dma_wait3A_48] : memref<10112x64xf32, #tpu.memory_space<vmem_shared>> -> memref<512x64xf32, #tpu.memory_space<vmem_shared>>
    %dma_wait3A_50 = arith.constant 0 : i32
    %dma_wait3A_51 = arith.constant 0 : i32
    %dma_wait3A_52 = tpu.memref_slice %arg15[%dma_wait3A_50, %dma_wait3A_51] : memref<10112x64xf32, #tpu.memory_space<vmem_shared>> -> memref<512x64xf32, #tpu.memory_space<vmem_shared>>
    %dma_wait3A_53 = arith.constant 0 : i32
    %dma_wait3A_54 = arith.constant 0 : i32
    %dma_wait3A_55 = tpu.memref_slice %arg12[%dma_wait3A_53, %dma_wait3A_54] : memref<1024x64xf32, #tpu.memory_space<vmem>> -> memref<512x64xf32, #tpu.memory_space<vmem>>
    tpu.wait_dma2 semaphore(%arg19 : memref<!tpu.dma_semaphore, #tpu.memory_space<semaphore_mem>>) src(%dma_wait3A_55 : memref<512x64xf32, #tpu.memory_space<vmem>>) dst(%dma_wait3A_52 : memref<512x64xf32, #tpu.memory_space<vmem_shared>>)
    %eq3A = arith.constant 0 : i32
    %eq3A_56 = arith.cmpi eq, %arg0, %eq3A : i32
    %convert_element_type3A = arith.extui %eq3A_56 : i1 to i32
    %cond3A = arith.constant 0 : i32
    %cond3A_57 = arith.cmpi ne, %convert_element_type3A, %cond3A : i32
    scf.if %cond3A_57 {
      %dma_wait3A_135 = arith.constant 0 : i32
      %dma_wait3A_136 = arith.constant 0 : i32
      %dma_wait3A_137 = tpu.memref_slice %arg16[%dma_wait3A_135, %dma_wait3A_136] : memref<10112x16xf32, #tpu.memory_space<vmem_shared>> -> memref<512x16xf32, #tpu.memory_space<vmem_shared>>
      %dma_wait3A_138 = arith.constant 0 : i32
      %dma_wait3A_139 = arith.constant 0 : i32
      %dma_wait3A_140 = tpu.memref_slice %arg16[%dma_wait3A_138, %dma_wait3A_139] : memref<10112x16xf32, #tpu.memory_space<vmem_shared>> -> memref<512x16xf32, #tpu.memory_space<vmem_shared>>
      tpu.wait_dma2 semaphore(%arg19 : memref<!tpu.dma_semaphore, #tpu.memory_space<semaphore_mem>>) src(%arg13 : memref<512x16xf32, #tpu.memory_space<vmem>>) dst(%dma_wait3A_140 : memref<512x16xf32, #tpu.memory_space<vmem_shared>>)
    } else {
    }
    %dma_wait3A_58 = arith.constant 512 : i32
    %dma_wait3A_59 = arith.constant 0 : i32
    %dma_wait3A_60 = tpu.memref_slice %arg12[%dma_wait3A_58, %dma_wait3A_59] : memref<1024x64xf32, #tpu.memory_space<vmem>> -> memref<512x64xf32, #tpu.memory_space<vmem>>
    %dma_wait3A_61 = arith.constant 0 : i32
    %dma_wait3A_62 = arith.constant 0 : i32
    %dma_wait3A_63 = tpu.memref_slice %arg15[%dma_wait3A_61, %dma_wait3A_62] : memref<10112x64xf32, #tpu.memory_space<vmem_shared>> -> memref<512x64xf32, #tpu.memory_space<vmem_shared>>
    %dma_wait3A_64 = arith.constant 0 : i32
    %dma_wait3A_65 = arith.constant 0 : i32
    %dma_wait3A_66 = tpu.memref_slice %arg15[%dma_wait3A_64, %dma_wait3A_65] : memref<10112x64xf32, #tpu.memory_space<vmem_shared>> -> memref<512x64xf32, #tpu.memory_space<vmem_shared>>
    %dma_wait3A_67 = arith.constant 512 : i32
    %dma_wait3A_68 = arith.constant 0 : i32
    %dma_wait3A_69 = tpu.memref_slice %arg12[%dma_wait3A_67, %dma_wait3A_68] : memref<1024x64xf32, #tpu.memory_space<vmem>> -> memref<512x64xf32, #tpu.memory_space<vmem>>
    tpu.wait_dma2 semaphore(%arg20 : memref<!tpu.dma_semaphore, #tpu.memory_space<semaphore_mem>>) src(%dma_wait3A_69 : memref<512x64xf32, #tpu.memory_space<vmem>>) dst(%dma_wait3A_66 : memref<512x64xf32, #tpu.memory_space<vmem_shared>>)
    %eq3A_70 = arith.constant 0 : i32
    %eq3A_71 = arith.cmpi eq, %arg0, %eq3A_70 : i32
    %convert_element_type3A_72 = arith.extui %eq3A_71 : i1 to i32
    %cond3A_73 = arith.constant 0 : i32
    %cond3A_74 = arith.cmpi ne, %convert_element_type3A_72, %cond3A_73 : i32
    scf.if %cond3A_74 {
      %dma_wait3A_135 = arith.constant 0 : i32
      %dma_wait3A_136 = arith.constant 0 : i32
      %dma_wait3A_137 = tpu.memref_slice %arg16[%dma_wait3A_135, %dma_wait3A_136] : memref<10112x16xf32, #tpu.memory_space<vmem_shared>> -> memref<512x16xf32, #tpu.memory_space<vmem_shared>>
      %dma_wait3A_138 = arith.constant 0 : i32
      %dma_wait3A_139 = arith.constant 0 : i32
      %dma_wait3A_140 = tpu.memref_slice %arg16[%dma_wait3A_138, %dma_wait3A_139] : memref<10112x16xf32, #tpu.memory_space<vmem_shared>> -> memref<512x16xf32, #tpu.memory_space<vmem_shared>>
      tpu.wait_dma2 semaphore(%arg20 : memref<!tpu.dma_semaphore, #tpu.memory_space<semaphore_mem>>) src(%arg13 : memref<512x16xf32, #tpu.memory_space<vmem>>) dst(%dma_wait3A_140 : memref<512x16xf32, #tpu.memory_space<vmem_shared>>)
    } else {
    }
    %dma_wait3A_75 = arith.constant 0 : i32
    %dma_wait3A_76 = tpu.memref_slice %arg10[%dma_wait3A_75] : memref<2048xi32, #tpu.memory_space<vmem>> -> memref<512xi32, #tpu.memory_space<vmem>>
    %dma_wait3A_77 = arith.constant 0 : i32
    %dma_wait3A_78 = tpu.memref_slice %arg3[%dma_wait3A_77] : memref<655360xi32, #tpu.memory_space<hbm>> -> memref<512xi32, #tpu.memory_space<hbm>>
    %dma_wait3A_79 = arith.constant 0 : i32
    %dma_wait3A_80 = tpu.memref_slice %arg10[%dma_wait3A_79] : memref<2048xi32, #tpu.memory_space<vmem>> -> memref<512xi32, #tpu.memory_space<vmem>>
    %dma_wait3A_81 = arith.constant 0 : i32
    %dma_wait3A_82 = tpu.memref_slice %arg3[%dma_wait3A_81] : memref<655360xi32, #tpu.memory_space<hbm>> -> memref<512xi32, #tpu.memory_space<hbm>>
    tpu.wait_dma2 semaphore(%arg17 : memref<!tpu.dma_semaphore, #tpu.memory_space<semaphore_mem>>) src(%dma_wait3A_82 : memref<512xi32, #tpu.memory_space<hbm>>) dst(%dma_wait3A_80 : memref<512xi32, #tpu.memory_space<vmem>>)
    %dma_wait3A_83 = arith.constant 0 : i32
    %dma_wait3A_84 = tpu.memref_slice %arg11[%dma_wait3A_83] : memref<2048xi32, #tpu.memory_space<vmem>> -> memref<512xi32, #tpu.memory_space<vmem>>
    %dma_wait3A_85 = arith.constant 0 : i32
    %dma_wait3A_86 = tpu.memref_slice %arg4[%dma_wait3A_85] : memref<327680xi32, #tpu.memory_space<hbm>> -> memref<512xi32, #tpu.memory_space<hbm>>
    %dma_wait3A_87 = arith.constant 0 : i32
    %dma_wait3A_88 = tpu.memref_slice %arg11[%dma_wait3A_87] : memref<2048xi32, #tpu.memory_space<vmem>> -> memref<512xi32, #tpu.memory_space<vmem>>
    %dma_wait3A_89 = arith.constant 0 : i32
    %dma_wait3A_90 = tpu.memref_slice %arg4[%dma_wait3A_89] : memref<327680xi32, #tpu.memory_space<hbm>> -> memref<512xi32, #tpu.memory_space<hbm>>
    tpu.wait_dma2 semaphore(%arg17 : memref<!tpu.dma_semaphore, #tpu.memory_space<semaphore_mem>>) src(%dma_wait3A_90 : memref<512xi32, #tpu.memory_space<hbm>>) dst(%dma_wait3A_88 : memref<512xi32, #tpu.memory_space<vmem>>)
    %barrier3A_91 = arith.constant 0 : index
    tpu.barrier barrier_id(%barrier3A_91)
    %mul3A_92 = arith.constant 10112 : i32
    %mul3A_93 = arith.muli %arg0, %mul3A_92 : i32
    %add3A_94 = arith.addi %mul3A_93, %mul3A_0 : i32
    %add3A_95 = arith.constant 0 : i32
    %add3A_96 = arith.addi %mul3A_0, %add3A_95 : i32
    "tpu.region"() ({
      %run_scoped3A = tpu.sem_alloc : memref<!tpu.dma_semaphore, #tpu.memory_space<semaphore_mem>>
      %dma_start3A_135 = arith.constant 0 : i32
      %dma_start3A_136 = arith.constant 0 : i32
      %dma_start3A_137 = tpu.memref_slice %arg12[%dma_start3A_135, %dma_start3A_136] : memref<1024x64xf32, #tpu.memory_space<vmem>> -> memref<128x64xf32, #tpu.memory_space<vmem>>
      %dma_start3A_138 = arith.constant 0 : i32
      %dma_start3A_139 = tpu.memref_slice %arg15[%add3A_96, %dma_start3A_138] : memref<10112x64xf32, #tpu.memory_space<vmem_shared>> -> memref<128x64xf32, #tpu.memory_space<vmem_shared>>
      %dma_start3A_140 = arith.constant 0 : i32
      %dma_start3A_141 = arith.constant 0 : i32
      %dma_start3A_142 = tpu.memref_slice %arg12[%dma_start3A_140, %dma_start3A_141] : memref<1024x64xf32, #tpu.memory_space<vmem>> -> memref<128x64xf32, #tpu.memory_space<vmem>>
      %dma_start3A_143 = arith.constant 0 : i32
      %dma_start3A_144 = tpu.memref_slice %arg15[%add3A_96, %dma_start3A_143] : memref<10112x64xf32, #tpu.memory_space<vmem_shared>> -> memref<128x64xf32, #tpu.memory_space<vmem_shared>>
      tpu.enqueue_dma source(%dma_start3A_144 : memref<128x64xf32, #tpu.memory_space<vmem_shared>>) target(%dma_start3A_142 : memref<128x64xf32, #tpu.memory_space<vmem>>) target_semaphore(%run_scoped3A : memref<!tpu.dma_semaphore, #tpu.memory_space<semaphore_mem>>)
      %dma_wait3A_145 = arith.constant 0 : i32
      %dma_wait3A_146 = arith.constant 0 : i32
      %dma_wait3A_147 = tpu.memref_slice %arg12[%dma_wait3A_145, %dma_wait3A_146] : memref<1024x64xf32, #tpu.memory_space<vmem>> -> memref<128x64xf32, #tpu.memory_space<vmem>>
      %dma_wait3A_148 = arith.constant 0 : i32
      %dma_wait3A_149 = tpu.memref_slice %arg15[%add3A_96, %dma_wait3A_148] : memref<10112x64xf32, #tpu.memory_space<vmem_shared>> -> memref<128x64xf32, #tpu.memory_space<vmem_shared>>
      %dma_wait3A_150 = arith.constant 0 : i32
      %dma_wait3A_151 = arith.constant 0 : i32
      %dma_wait3A_152 = tpu.memref_slice %arg12[%dma_wait3A_150, %dma_wait3A_151] : memref<1024x64xf32, #tpu.memory_space<vmem>> -> memref<128x64xf32, #tpu.memory_space<vmem>>
      %dma_wait3A_153 = arith.constant 0 : i32
      %dma_wait3A_154 = tpu.memref_slice %arg15[%add3A_96, %dma_wait3A_153] : memref<10112x64xf32, #tpu.memory_space<vmem_shared>> -> memref<128x64xf32, #tpu.memory_space<vmem_shared>>
      tpu.wait_dma2 semaphore(%run_scoped3A : memref<!tpu.dma_semaphore, #tpu.memory_space<semaphore_mem>>) src(%dma_wait3A_154 : memref<128x64xf32, #tpu.memory_space<vmem_shared>>) dst(%dma_wait3A_152 : memref<128x64xf32, #tpu.memory_space<vmem>>)
      tpu.yield
    }) : () -> ()
    %add3A_97 = arith.constant 0 : i32
    %add3A_98 = arith.addi %add3A_94, %add3A_97 : i32
    "tpu.region"() ({
      %run_scoped3A = tpu.sem_alloc : memref<!tpu.dma_semaphore, #tpu.memory_space<semaphore_mem>>
      %dma_start3A_135 = arith.constant 0 : i32
      %dma_start3A_136 = arith.constant 0 : i32
      %dma_start3A_137 = tpu.memref_slice %arg12[%dma_start3A_135, %dma_start3A_136] : memref<1024x64xf32, #tpu.memory_space<vmem>> -> memref<128x64xf32, #tpu.memory_space<vmem>>
      %dma_start3A_138 = arith.constant 0 : i32
      %dma_start3A_139 = tpu.memref_slice %arg8[%add3A_98, %dma_start3A_138] : memref<20224x64xf32, #tpu.memory_space<hbm>> -> memref<128x64xf32, #tpu.memory_space<hbm>>
      %dma_start3A_140 = arith.constant 0 : i32
      %dma_start3A_141 = tpu.memref_slice %arg8[%add3A_98, %dma_start3A_140] : memref<20224x64xf32, #tpu.memory_space<hbm>> -> memref<128x64xf32, #tpu.memory_space<hbm>>
      %dma_start3A_142 = arith.constant 0 : i32
      %dma_start3A_143 = arith.constant 0 : i32
      %dma_start3A_144 = tpu.memref_slice %arg12[%dma_start3A_142, %dma_start3A_143] : memref<1024x64xf32, #tpu.memory_space<vmem>> -> memref<128x64xf32, #tpu.memory_space<vmem>>
      tpu.enqueue_dma source(%dma_start3A_144 : memref<128x64xf32, #tpu.memory_space<vmem>>) target(%dma_start3A_141 : memref<128x64xf32, #tpu.memory_space<hbm>>) target_semaphore(%run_scoped3A : memref<!tpu.dma_semaphore, #tpu.memory_space<semaphore_mem>>)
      %dma_wait3A_145 = arith.constant 0 : i32
      %dma_wait3A_146 = arith.constant 0 : i32
      %dma_wait3A_147 = tpu.memref_slice %arg12[%dma_wait3A_145, %dma_wait3A_146] : memref<1024x64xf32, #tpu.memory_space<vmem>> -> memref<128x64xf32, #tpu.memory_space<vmem>>
      %dma_wait3A_148 = arith.constant 0 : i32
      %dma_wait3A_149 = tpu.memref_slice %arg8[%add3A_98, %dma_wait3A_148] : memref<20224x64xf32, #tpu.memory_space<hbm>> -> memref<128x64xf32, #tpu.memory_space<hbm>>
      %dma_wait3A_150 = arith.constant 0 : i32
      %dma_wait3A_151 = tpu.memref_slice %arg8[%add3A_98, %dma_wait3A_150] : memref<20224x64xf32, #tpu.memory_space<hbm>> -> memref<128x64xf32, #tpu.memory_space<hbm>>
      %dma_wait3A_152 = arith.constant 0 : i32
      %dma_wait3A_153 = arith.constant 0 : i32
      %dma_wait3A_154 = tpu.memref_slice %arg12[%dma_wait3A_152, %dma_wait3A_153] : memref<1024x64xf32, #tpu.memory_space<vmem>> -> memref<128x64xf32, #tpu.memory_space<vmem>>
      tpu.wait_dma2 semaphore(%run_scoped3A : memref<!tpu.dma_semaphore, #tpu.memory_space<semaphore_mem>>) src(%dma_wait3A_154 : memref<128x64xf32, #tpu.memory_space<vmem>>) dst(%dma_wait3A_151 : memref<128x64xf32, #tpu.memory_space<hbm>>)
      tpu.yield
    }) : () -> ()
    %add3A_99 = arith.constant 0 : i32
    %add3A_100 = arith.addi %mul3A_0, %add3A_99 : i32
    "tpu.region"() ({
      %run_scoped3A = tpu.sem_alloc : memref<!tpu.dma_semaphore, #tpu.memory_space<semaphore_mem>>
      %dma_start3A_135 = arith.constant 0 : i32
      %dma_start3A_136 = arith.constant 0 : i32
      %dma_start3A_137 = tpu.memref_slice %arg14[%dma_start3A_135, %dma_start3A_136] : memref<128x16xf32, #tpu.memory_space<vmem>> -> memref<128x16xf32, #tpu.memory_space<vmem>>
      %dma_start3A_138 = arith.constant 0 : i32
      %dma_start3A_139 = tpu.memref_slice %arg16[%add3A_100, %dma_start3A_138] : memref<10112x16xf32, #tpu.memory_space<vmem_shared>> -> memref<128x16xf32, #tpu.memory_space<vmem_shared>>
      %dma_start3A_140 = arith.constant 0 : i32
      %dma_start3A_141 = arith.constant 0 : i32
      %dma_start3A_142 = tpu.memref_slice %arg14[%dma_start3A_140, %dma_start3A_141] : memref<128x16xf32, #tpu.memory_space<vmem>> -> memref<128x16xf32, #tpu.memory_space<vmem>>
      %dma_start3A_143 = arith.constant 0 : i32
      %dma_start3A_144 = tpu.memref_slice %arg16[%add3A_100, %dma_start3A_143] : memref<10112x16xf32, #tpu.memory_space<vmem_shared>> -> memref<128x16xf32, #tpu.memory_space<vmem_shared>>
      tpu.enqueue_dma source(%dma_start3A_144 : memref<128x16xf32, #tpu.memory_space<vmem_shared>>) target(%dma_start3A_142 : memref<128x16xf32, #tpu.memory_space<vmem>>) target_semaphore(%run_scoped3A : memref<!tpu.dma_semaphore, #tpu.memory_space<semaphore_mem>>)
      %dma_wait3A_145 = arith.constant 0 : i32
      %dma_wait3A_146 = arith.constant 0 : i32
      %dma_wait3A_147 = tpu.memref_slice %arg14[%dma_wait3A_145, %dma_wait3A_146] : memref<128x16xf32, #tpu.memory_space<vmem>> -> memref<128x16xf32, #tpu.memory_space<vmem>>
      %dma_wait3A_148 = arith.constant 0 : i32
      %dma_wait3A_149 = tpu.memref_slice %arg16[%add3A_100, %dma_wait3A_148] : memref<10112x16xf32, #tpu.memory_space<vmem_shared>> -> memref<128x16xf32, #tpu.memory_space<vmem_shared>>
      %dma_wait3A_150 = arith.constant 0 : i32
      %dma_wait3A_151 = arith.constant 0 : i32
      %dma_wait3A_152 = tpu.memref_slice %arg14[%dma_wait3A_150, %dma_wait3A_151] : memref<128x16xf32, #tpu.memory_space<vmem>> -> memref<128x16xf32, #tpu.memory_space<vmem>>
      %dma_wait3A_153 = arith.constant 0 : i32
      %dma_wait3A_154 = tpu.memref_slice %arg16[%add3A_100, %dma_wait3A_153] : memref<10112x16xf32, #tpu.memory_space<vmem_shared>> -> memref<128x16xf32, #tpu.memory_space<vmem_shared>>
      tpu.wait_dma2 semaphore(%run_scoped3A : memref<!tpu.dma_semaphore, #tpu.memory_space<semaphore_mem>>) src(%dma_wait3A_154 : memref<128x16xf32, #tpu.memory_space<vmem_shared>>) dst(%dma_wait3A_152 : memref<128x16xf32, #tpu.memory_space<vmem>>)
      tpu.yield
    }) : () -> ()
    %add3A_101 = arith.constant 0 : i32
    %add3A_102 = arith.addi %add3A_94, %add3A_101 : i32
    "tpu.region"() ({
      %run_scoped3A = tpu.sem_alloc : memref<!tpu.dma_semaphore, #tpu.memory_space<semaphore_mem>>
      %dma_start3A_135 = arith.constant 0 : i32
      %dma_start3A_136 = arith.constant 0 : i32
      %dma_start3A_137 = tpu.memref_slice %arg14[%dma_start3A_135, %dma_start3A_136] : memref<128x16xf32, #tpu.memory_space<vmem>> -> memref<128x16xf32, #tpu.memory_space<vmem>>
      %dma_start3A_138 = arith.constant 0 : i32
      %dma_start3A_139 = tpu.memref_slice %arg9[%add3A_102, %dma_start3A_138] : memref<20224x16xf32, #tpu.memory_space<hbm>> -> memref<128x16xf32, #tpu.memory_space<hbm>>
      %dma_start3A_140 = arith.constant 0 : i32
      %dma_start3A_141 = tpu.memref_slice %arg9[%add3A_102, %dma_start3A_140] : memref<20224x16xf32, #tpu.memory_space<hbm>> -> memref<128x16xf32, #tpu.memory_space<hbm>>
      %dma_start3A_142 = arith.constant 0 : i32
      %dma_start3A_143 = arith.constant 0 : i32
      %dma_start3A_144 = tpu.memref_slice %arg14[%dma_start3A_142, %dma_start3A_143] : memref<128x16xf32, #tpu.memory_space<vmem>> -> memref<128x16xf32, #tpu.memory_space<vmem>>
      tpu.enqueue_dma source(%dma_start3A_144 : memref<128x16xf32, #tpu.memory_space<vmem>>) target(%dma_start3A_141 : memref<128x16xf32, #tpu.memory_space<hbm>>) target_semaphore(%run_scoped3A : memref<!tpu.dma_semaphore, #tpu.memory_space<semaphore_mem>>)
      %dma_wait3A_145 = arith.constant 0 : i32
      %dma_wait3A_146 = arith.constant 0 : i32
      %dma_wait3A_147 = tpu.memref_slice %arg14[%dma_wait3A_145, %dma_wait3A_146] : memref<128x16xf32, #tpu.memory_space<vmem>> -> memref<128x16xf32, #tpu.memory_space<vmem>>
      %dma_wait3A_148 = arith.constant 0 : i32
      %dma_wait3A_149 = tpu.memref_slice %arg9[%add3A_102, %dma_wait3A_148] : memref<20224x16xf32, #tpu.memory_space<hbm>> -> memref<128x16xf32, #tpu.memory_space<hbm>>
      %dma_wait3A_150 = arith.constant 0 : i32
      %dma_wait3A_151 = tpu.memref_slice %arg9[%add3A_102, %dma_wait3A_150] : memref<20224x16xf32, #tpu.memory_space<hbm>> -> memref<128x16xf32, #tpu.memory_space<hbm>>
      %dma_wait3A_152 = arith.constant 0 : i32
      %dma_wait3A_153 = arith.constant 0 : i32
      %dma_wait3A_154 = tpu.memref_slice %arg14[%dma_wait3A_152, %dma_wait3A_153] : memref<128x16xf32, #tpu.memory_space<vmem>> -> memref<128x16xf32, #tpu.memory_space<vmem>>
      tpu.wait_dma2 semaphore(%run_scoped3A : memref<!tpu.dma_semaphore, #tpu.memory_space<semaphore_mem>>) src(%dma_wait3A_154 : memref<128x16xf32, #tpu.memory_space<vmem>>) dst(%dma_wait3A_151 : memref<128x16xf32, #tpu.memory_space<hbm>>)
      tpu.yield
    }) : () -> ()
    %add3A_103 = arith.constant 128 : i32
    %add3A_104 = arith.addi %mul3A_0, %add3A_103 : i32
    "tpu.region"() ({
      %run_scoped3A = tpu.sem_alloc : memref<!tpu.dma_semaphore, #tpu.memory_space<semaphore_mem>>
      %dma_start3A_135 = arith.constant 0 : i32
      %dma_start3A_136 = arith.constant 0 : i32
      %dma_start3A_137 = tpu.memref_slice %arg12[%dma_start3A_135, %dma_start3A_136] : memref<1024x64xf32, #tpu.memory_space<vmem>> -> memref<128x64xf32, #tpu.memory_space<vmem>>
      %dma_start3A_138 = arith.constant 0 : i32
      %dma_start3A_139 = tpu.memref_slice %arg15[%add3A_104, %dma_start3A_138] : memref<10112x64xf32, #tpu.memory_space<vmem_shared>> -> memref<128x64xf32, #tpu.memory_space<vmem_shared>>
      %dma_start3A_140 = arith.constant 0 : i32
      %dma_start3A_141 = arith.constant 0 : i32
      %dma_start3A_142 = tpu.memref_slice %arg12[%dma_start3A_140, %dma_start3A_141] : memref<1024x64xf32, #tpu.memory_space<vmem>> -> memref<128x64xf32, #tpu.memory_space<vmem>>
      %dma_start3A_143 = arith.constant 0 : i32
      %dma_start3A_144 = tpu.memref_slice %arg15[%add3A_104, %dma_start3A_143] : memref<10112x64xf32, #tpu.memory_space<vmem_shared>> -> memref<128x64xf32, #tpu.memory_space<vmem_shared>>
      tpu.enqueue_dma source(%dma_start3A_144 : memref<128x64xf32, #tpu.memory_space<vmem_shared>>) target(%dma_start3A_142 : memref<128x64xf32, #tpu.memory_space<vmem>>) target_semaphore(%run_scoped3A : memref<!tpu.dma_semaphore, #tpu.memory_space<semaphore_mem>>)
      %dma_wait3A_145 = arith.constant 0 : i32
      %dma_wait3A_146 = arith.constant 0 : i32
      %dma_wait3A_147 = tpu.memref_slice %arg12[%dma_wait3A_145, %dma_wait3A_146] : memref<1024x64xf32, #tpu.memory_space<vmem>> -> memref<128x64xf32, #tpu.memory_space<vmem>>
      %dma_wait3A_148 = arith.constant 0 : i32
      %dma_wait3A_149 = tpu.memref_slice %arg15[%add3A_104, %dma_wait3A_148] : memref<10112x64xf32, #tpu.memory_space<vmem_shared>> -> memref<128x64xf32, #tpu.memory_space<vmem_shared>>
      %dma_wait3A_150 = arith.constant 0 : i32
      %dma_wait3A_151 = arith.constant 0 : i32
      %dma_wait3A_152 = tpu.memref_slice %arg12[%dma_wait3A_150, %dma_wait3A_151] : memref<1024x64xf32, #tpu.memory_space<vmem>> -> memref<128x64xf32, #tpu.memory_space<vmem>>
      %dma_wait3A_153 = arith.constant 0 : i32
      %dma_wait3A_154 = tpu.memref_slice %arg15[%add3A_104, %dma_wait3A_153] : memref<10112x64xf32, #tpu.memory_space<vmem_shared>> -> memref<128x64xf32, #tpu.memory_space<vmem_shared>>
      tpu.wait_dma2 semaphore(%run_scoped3A : memref<!tpu.dma_semaphore, #tpu.memory_space<semaphore_mem>>) src(%dma_wait3A_154 : memref<128x64xf32, #tpu.memory_space<vmem_shared>>) dst(%dma_wait3A_152 : memref<128x64xf32, #tpu.memory_space<vmem>>)
      tpu.yield
    }) : () -> ()
    %add3A_105 = arith.constant 128 : i32
    %add3A_106 = arith.addi %add3A_94, %add3A_105 : i32
    "tpu.region"() ({
      %run_scoped3A = tpu.sem_alloc : memref<!tpu.dma_semaphore, #tpu.memory_space<semaphore_mem>>
      %dma_start3A_135 = arith.constant 0 : i32
      %dma_start3A_136 = arith.constant 0 : i32
      %dma_start3A_137 = tpu.memref_slice %arg12[%dma_start3A_135, %dma_start3A_136] : memref<1024x64xf32, #tpu.memory_space<vmem>> -> memref<128x64xf32, #tpu.memory_space<vmem>>
      %dma_start3A_138 = arith.constant 0 : i32
      %dma_start3A_139 = tpu.memref_slice %arg8[%add3A_106, %dma_start3A_138] : memref<20224x64xf32, #tpu.memory_space<hbm>> -> memref<128x64xf32, #tpu.memory_space<hbm>>
      %dma_start3A_140 = arith.constant 0 : i32
      %dma_start3A_141 = tpu.memref_slice %arg8[%add3A_106, %dma_start3A_140] : memref<20224x64xf32, #tpu.memory_space<hbm>> -> memref<128x64xf32, #tpu.memory_space<hbm>>
      %dma_start3A_142 = arith.constant 0 : i32
      %dma_start3A_143 = arith.constant 0 : i32
      %dma_start3A_144 = tpu.memref_slice %arg12[%dma_start3A_142, %dma_start3A_143] : memref<1024x64xf32, #tpu.memory_space<vmem>> -> memref<128x64xf32, #tpu.memory_space<vmem>>
      tpu.enqueue_dma source(%dma_start3A_144 : memref<128x64xf32, #tpu.memory_space<vmem>>) target(%dma_start3A_141 : memref<128x64xf32, #tpu.memory_space<hbm>>) target_semaphore(%run_scoped3A : memref<!tpu.dma_semaphore, #tpu.memory_space<semaphore_mem>>)
      %dma_wait3A_145 = arith.constant 0 : i32
      %dma_wait3A_146 = arith.constant 0 : i32
      %dma_wait3A_147 = tpu.memref_slice %arg12[%dma_wait3A_145, %dma_wait3A_146] : memref<1024x64xf32, #tpu.memory_space<vmem>> -> memref<128x64xf32, #tpu.memory_space<vmem>>
      %dma_wait3A_148 = arith.constant 0 : i32
      %dma_wait3A_149 = tpu.memref_slice %arg8[%add3A_106, %dma_wait3A_148] : memref<20224x64xf32, #tpu.memory_space<hbm>> -> memref<128x64xf32, #tpu.memory_space<hbm>>
      %dma_wait3A_150 = arith.constant 0 : i32
      %dma_wait3A_151 = tpu.memref_slice %arg8[%add3A_106, %dma_wait3A_150] : memref<20224x64xf32, #tpu.memory_space<hbm>> -> memref<128x64xf32, #tpu.memory_space<hbm>>
      %dma_wait3A_152 = arith.constant 0 : i32
      %dma_wait3A_153 = arith.constant 0 : i32
      %dma_wait3A_154 = tpu.memref_slice %arg12[%dma_wait3A_152, %dma_wait3A_153] : memref<1024x64xf32, #tpu.memory_space<vmem>> -> memref<128x64xf32, #tpu.memory_space<vmem>>
      tpu.wait_dma2 semaphore(%run_scoped3A : memref<!tpu.dma_semaphore, #tpu.memory_space<semaphore_mem>>) src(%dma_wait3A_154 : memref<128x64xf32, #tpu.memory_space<vmem>>) dst(%dma_wait3A_151 : memref<128x64xf32, #tpu.memory_space<hbm>>)
      tpu.yield
    }) : () -> ()
    %add3A_107 = arith.constant 128 : i32
    %add3A_108 = arith.addi %mul3A_0, %add3A_107 : i32
    "tpu.region"() ({
      %run_scoped3A = tpu.sem_alloc : memref<!tpu.dma_semaphore, #tpu.memory_space<semaphore_mem>>
      %dma_start3A_135 = arith.constant 0 : i32
      %dma_start3A_136 = arith.constant 0 : i32
      %dma_start3A_137 = tpu.memref_slice %arg14[%dma_start3A_135, %dma_start3A_136] : memref<128x16xf32, #tpu.memory_space<vmem>> -> memref<128x16xf32, #tpu.memory_space<vmem>>
      %dma_start3A_138 = arith.constant 0 : i32
      %dma_start3A_139 = tpu.memref_slice %arg16[%add3A_108, %dma_start3A_138] : memref<10112x16xf32, #tpu.memory_space<vmem_shared>> -> memref<128x16xf32, #tpu.memory_space<vmem_shared>>
      %dma_start3A_140 = arith.constant 0 : i32
      %dma_start3A_141 = arith.constant 0 : i32
      %dma_start3A_142 = tpu.memref_slice %arg14[%dma_start3A_140, %dma_start3A_141] : memref<128x16xf32, #tpu.memory_space<vmem>> -> memref<128x16xf32, #tpu.memory_space<vmem>>
      %dma_start3A_143 = arith.constant 0 : i32
      %dma_start3A_144 = tpu.memref_slice %arg16[%add3A_108, %dma_start3A_143] : memref<10112x16xf32, #tpu.memory_space<vmem_shared>> -> memref<128x16xf32, #tpu.memory_space<vmem_shared>>
      tpu.enqueue_dma source(%dma_start3A_144 : memref<128x16xf32, #tpu.memory_space<vmem_shared>>) target(%dma_start3A_142 : memref<128x16xf32, #tpu.memory_space<vmem>>) target_semaphore(%run_scoped3A : memref<!tpu.dma_semaphore, #tpu.memory_space<semaphore_mem>>)
      %dma_wait3A_145 = arith.constant 0 : i32
      %dma_wait3A_146 = arith.constant 0 : i32
      %dma_wait3A_147 = tpu.memref_slice %arg14[%dma_wait3A_145, %dma_wait3A_146] : memref<128x16xf32, #tpu.memory_space<vmem>> -> memref<128x16xf32, #tpu.memory_space<vmem>>
      %dma_wait3A_148 = arith.constant 0 : i32
      %dma_wait3A_149 = tpu.memref_slice %arg16[%add3A_108, %dma_wait3A_148] : memref<10112x16xf32, #tpu.memory_space<vmem_shared>> -> memref<128x16xf32, #tpu.memory_space<vmem_shared>>
      %dma_wait3A_150 = arith.constant 0 : i32
      %dma_wait3A_151 = arith.constant 0 : i32
      %dma_wait3A_152 = tpu.memref_slice %arg14[%dma_wait3A_150, %dma_wait3A_151] : memref<128x16xf32, #tpu.memory_space<vmem>> -> memref<128x16xf32, #tpu.memory_space<vmem>>
      %dma_wait3A_153 = arith.constant 0 : i32
      %dma_wait3A_154 = tpu.memref_slice %arg16[%add3A_108, %dma_wait3A_153] : memref<10112x16xf32, #tpu.memory_space<vmem_shared>> -> memref<128x16xf32, #tpu.memory_space<vmem_shared>>
      tpu.wait_dma2 semaphore(%run_scoped3A : memref<!tpu.dma_semaphore, #tpu.memory_space<semaphore_mem>>) src(%dma_wait3A_154 : memref<128x16xf32, #tpu.memory_space<vmem_shared>>) dst(%dma_wait3A_152 : memref<128x16xf32, #tpu.memory_space<vmem>>)
      tpu.yield
    }) : () -> ()
    %add3A_109 = arith.constant 128 : i32
    %add3A_110 = arith.addi %add3A_94, %add3A_109 : i32
    "tpu.region"() ({
      %run_scoped3A = tpu.sem_alloc : memref<!tpu.dma_semaphore, #tpu.memory_space<semaphore_mem>>
      %dma_start3A_135 = arith.constant 0 : i32
      %dma_start3A_136 = arith.constant 0 : i32
      %dma_start3A_137 = tpu.memref_slice %arg14[%dma_start3A_135, %dma_start3A_136] : memref<128x16xf32, #tpu.memory_space<vmem>> -> memref<128x16xf32, #tpu.memory_space<vmem>>
      %dma_start3A_138 = arith.constant 0 : i32
      %dma_start3A_139 = tpu.memref_slice %arg9[%add3A_110, %dma_start3A_138] : memref<20224x16xf32, #tpu.memory_space<hbm>> -> memref<128x16xf32, #tpu.memory_space<hbm>>
      %dma_start3A_140 = arith.constant 0 : i32
      %dma_start3A_141 = tpu.memref_slice %arg9[%add3A_110, %dma_start3A_140] : memref<20224x16xf32, #tpu.memory_space<hbm>> -> memref<128x16xf32, #tpu.memory_space<hbm>>
      %dma_start3A_142 = arith.constant 0 : i32
      %dma_start3A_143 = arith.constant 0 : i32
      %dma_start3A_144 = tpu.memref_slice %arg14[%dma_start3A_142, %dma_start3A_143] : memref<128x16xf32, #tpu.memory_space<vmem>> -> memref<128x16xf32, #tpu.memory_space<vmem>>
      tpu.enqueue_dma source(%dma_start3A_144 : memref<128x16xf32, #tpu.memory_space<vmem>>) target(%dma_start3A_141 : memref<128x16xf32, #tpu.memory_space<hbm>>) target_semaphore(%run_scoped3A : memref<!tpu.dma_semaphore, #tpu.memory_space<semaphore_mem>>)
      %dma_wait3A_145 = arith.constant 0 : i32
      %dma_wait3A_146 = arith.constant 0 : i32
      %dma_wait3A_147 = tpu.memref_slice %arg14[%dma_wait3A_145, %dma_wait3A_146] : memref<128x16xf32, #tpu.memory_space<vmem>> -> memref<128x16xf32, #tpu.memory_space<vmem>>
      %dma_wait3A_148 = arith.constant 0 : i32
      %dma_wait3A_149 = tpu.memref_slice %arg9[%add3A_110, %dma_wait3A_148] : memref<20224x16xf32, #tpu.memory_space<hbm>> -> memref<128x16xf32, #tpu.memory_space<hbm>>
      %dma_wait3A_150 = arith.constant 0 : i32
      %dma_wait3A_151 = tpu.memref_slice %arg9[%add3A_110, %dma_wait3A_150] : memref<20224x16xf32, #tpu.memory_space<hbm>> -> memref<128x16xf32, #tpu.memory_space<hbm>>
      %dma_wait3A_152 = arith.constant 0 : i32
      %dma_wait3A_153 = arith.constant 0 : i32
      %dma_wait3A_154 = tpu.memref_slice %arg14[%dma_wait3A_152, %dma_wait3A_153] : memref<128x16xf32, #tpu.memory_space<vmem>> -> memref<128x16xf32, #tpu.memory_space<vmem>>
      tpu.wait_dma2 semaphore(%run_scoped3A : memref<!tpu.dma_semaphore, #tpu.memory_space<semaphore_mem>>) src(%dma_wait3A_154 : memref<128x16xf32, #tpu.memory_space<vmem>>) dst(%dma_wait3A_151 : memref<128x16xf32, #tpu.memory_space<hbm>>)
      tpu.yield
    }) : () -> ()
    %add3A_111 = arith.constant 256 : i32
    %add3A_112 = arith.addi %mul3A_0, %add3A_111 : i32
    "tpu.region"() ({
      %run_scoped3A = tpu.sem_alloc : memref<!tpu.dma_semaphore, #tpu.memory_space<semaphore_mem>>
      %dma_start3A_135 = arith.constant 0 : i32
      %dma_start3A_136 = arith.constant 0 : i32
      %dma_start3A_137 = tpu.memref_slice %arg12[%dma_start3A_135, %dma_start3A_136] : memref<1024x64xf32, #tpu.memory_space<vmem>> -> memref<128x64xf32, #tpu.memory_space<vmem>>
      %dma_start3A_138 = arith.constant 0 : i32
      %dma_start3A_139 = tpu.memref_slice %arg15[%add3A_112, %dma_start3A_138] : memref<10112x64xf32, #tpu.memory_space<vmem_shared>> -> memref<128x64xf32, #tpu.memory_space<vmem_shared>>
      %dma_start3A_140 = arith.constant 0 : i32
      %dma_start3A_141 = arith.constant 0 : i32
      %dma_start3A_142 = tpu.memref_slice %arg12[%dma_start3A_140, %dma_start3A_141] : memref<1024x64xf32, #tpu.memory_space<vmem>> -> memref<128x64xf32, #tpu.memory_space<vmem>>
      %dma_start3A_143 = arith.constant 0 : i32
      %dma_start3A_144 = tpu.memref_slice %arg15[%add3A_112, %dma_start3A_143] : memref<10112x64xf32, #tpu.memory_space<vmem_shared>> -> memref<128x64xf32, #tpu.memory_space<vmem_shared>>
      tpu.enqueue_dma source(%dma_start3A_144 : memref<128x64xf32, #tpu.memory_space<vmem_shared>>) target(%dma_start3A_142 : memref<128x64xf32, #tpu.memory_space<vmem>>) target_semaphore(%run_scoped3A : memref<!tpu.dma_semaphore, #tpu.memory_space<semaphore_mem>>)
      %dma_wait3A_145 = arith.constant 0 : i32
      %dma_wait3A_146 = arith.constant 0 : i32
      %dma_wait3A_147 = tpu.memref_slice %arg12[%dma_wait3A_145, %dma_wait3A_146] : memref<1024x64xf32, #tpu.memory_space<vmem>> -> memref<128x64xf32, #tpu.memory_space<vmem>>
      %dma_wait3A_148 = arith.constant 0 : i32
      %dma_wait3A_149 = tpu.memref_slice %arg15[%add3A_112, %dma_wait3A_148] : memref<10112x64xf32, #tpu.memory_space<vmem_shared>> -> memref<128x64xf32, #tpu.memory_space<vmem_shared>>
      %dma_wait3A_150 = arith.constant 0 : i32
      %dma_wait3A_151 = arith.constant 0 : i32
      %dma_wait3A_152 = tpu.memref_slice %arg12[%dma_wait3A_150, %dma_wait3A_151] : memref<1024x64xf32, #tpu.memory_space<vmem>> -> memref<128x64xf32, #tpu.memory_space<vmem>>
      %dma_wait3A_153 = arith.constant 0 : i32
      %dma_wait3A_154 = tpu.memref_slice %arg15[%add3A_112, %dma_wait3A_153] : memref<10112x64xf32, #tpu.memory_space<vmem_shared>> -> memref<128x64xf32, #tpu.memory_space<vmem_shared>>
      tpu.wait_dma2 semaphore(%run_scoped3A : memref<!tpu.dma_semaphore, #tpu.memory_space<semaphore_mem>>) src(%dma_wait3A_154 : memref<128x64xf32, #tpu.memory_space<vmem_shared>>) dst(%dma_wait3A_152 : memref<128x64xf32, #tpu.memory_space<vmem>>)
      tpu.yield
    }) : () -> ()
    %add3A_113 = arith.constant 256 : i32
    %add3A_114 = arith.addi %add3A_94, %add3A_113 : i32
    "tpu.region"() ({
      %run_scoped3A = tpu.sem_alloc : memref<!tpu.dma_semaphore, #tpu.memory_space<semaphore_mem>>
      %dma_start3A_135 = arith.constant 0 : i32
      %dma_start3A_136 = arith.constant 0 : i32
      %dma_start3A_137 = tpu.memref_slice %arg12[%dma_start3A_135, %dma_start3A_136] : memref<1024x64xf32, #tpu.memory_space<vmem>> -> memref<128x64xf32, #tpu.memory_space<vmem>>
      %dma_start3A_138 = arith.constant 0 : i32
      %dma_start3A_139 = tpu.memref_slice %arg8[%add3A_114, %dma_start3A_138] : memref<20224x64xf32, #tpu.memory_space<hbm>> -> memref<128x64xf32, #tpu.memory_space<hbm>>
      %dma_start3A_140 = arith.constant 0 : i32
      %dma_start3A_141 = tpu.memref_slice %arg8[%add3A_114, %dma_start3A_140] : memref<20224x64xf32, #tpu.memory_space<hbm>> -> memref<128x64xf32, #tpu.memory_space<hbm>>
      %dma_start3A_142 = arith.constant 0 : i32
      %dma_start3A_143 = arith.constant 0 : i32
      %dma_start3A_144 = tpu.memref_slice %arg12[%dma_start3A_142, %dma_start3A_143] : memref<1024x64xf32, #tpu.memory_space<vmem>> -> memref<128x64xf32, #tpu.memory_space<vmem>>
      tpu.enqueue_dma source(%dma_start3A_144 : memref<128x64xf32, #tpu.memory_space<vmem>>) target(%dma_start3A_141 : memref<128x64xf32, #tpu.memory_space<hbm>>) target_semaphore(%run_scoped3A : memref<!tpu.dma_semaphore, #tpu.memory_space<semaphore_mem>>)
      %dma_wait3A_145 = arith.constant 0 : i32
      %dma_wait3A_146 = arith.constant 0 : i32
      %dma_wait3A_147 = tpu.memref_slice %arg12[%dma_wait3A_145, %dma_wait3A_146] : memref<1024x64xf32, #tpu.memory_space<vmem>> -> memref<128x64xf32, #tpu.memory_space<vmem>>
      %dma_wait3A_148 = arith.constant 0 : i32
      %dma_wait3A_149 = tpu.memref_slice %arg8[%add3A_114, %dma_wait3A_148] : memref<20224x64xf32, #tpu.memory_space<hbm>> -> memref<128x64xf32, #tpu.memory_space<hbm>>
      %dma_wait3A_150 = arith.constant 0 : i32
      %dma_wait3A_151 = tpu.memref_slice %arg8[%add3A_114, %dma_wait3A_150] : memref<20224x64xf32, #tpu.memory_space<hbm>> -> memref<128x64xf32, #tpu.memory_space<hbm>>
      %dma_wait3A_152 = arith.constant 0 : i32
      %dma_wait3A_153 = arith.constant 0 : i32
      %dma_wait3A_154 = tpu.memref_slice %arg12[%dma_wait3A_152, %dma_wait3A_153] : memref<1024x64xf32, #tpu.memory_space<vmem>> -> memref<128x64xf32, #tpu.memory_space<vmem>>
      tpu.wait_dma2 semaphore(%run_scoped3A : memref<!tpu.dma_semaphore, #tpu.memory_space<semaphore_mem>>) src(%dma_wait3A_154 : memref<128x64xf32, #tpu.memory_space<vmem>>) dst(%dma_wait3A_151 : memref<128x64xf32, #tpu.memory_space<hbm>>)
      tpu.yield
    }) : () -> ()
    %add3A_115 = arith.constant 256 : i32
    %add3A_116 = arith.addi %mul3A_0, %add3A_115 : i32
    "tpu.region"() ({
      %run_scoped3A = tpu.sem_alloc : memref<!tpu.dma_semaphore, #tpu.memory_space<semaphore_mem>>
      %dma_start3A_135 = arith.constant 0 : i32
      %dma_start3A_136 = arith.constant 0 : i32
      %dma_start3A_137 = tpu.memref_slice %arg14[%dma_start3A_135, %dma_start3A_136] : memref<128x16xf32, #tpu.memory_space<vmem>> -> memref<128x16xf32, #tpu.memory_space<vmem>>
      %dma_start3A_138 = arith.constant 0 : i32
      %dma_start3A_139 = tpu.memref_slice %arg16[%add3A_116, %dma_start3A_138] : memref<10112x16xf32, #tpu.memory_space<vmem_shared>> -> memref<128x16xf32, #tpu.memory_space<vmem_shared>>
      %dma_start3A_140 = arith.constant 0 : i32
      %dma_start3A_141 = arith.constant 0 : i32
      %dma_start3A_142 = tpu.memref_slice %arg14[%dma_start3A_140, %dma_start3A_141] : memref<128x16xf32, #tpu.memory_space<vmem>> -> memref<128x16xf32, #tpu.memory_space<vmem>>
      %dma_start3A_143 = arith.constant 0 : i32
      %dma_start3A_144 = tpu.memref_slice %arg16[%add3A_116, %dma_start3A_143] : memref<10112x16xf32, #tpu.memory_space<vmem_shared>> -> memref<128x16xf32, #tpu.memory_space<vmem_shared>>
      tpu.enqueue_dma source(%dma_start3A_144 : memref<128x16xf32, #tpu.memory_space<vmem_shared>>) target(%dma_start3A_142 : memref<128x16xf32, #tpu.memory_space<vmem>>) target_semaphore(%run_scoped3A : memref<!tpu.dma_semaphore, #tpu.memory_space<semaphore_mem>>)
      %dma_wait3A_145 = arith.constant 0 : i32
      %dma_wait3A_146 = arith.constant 0 : i32
      %dma_wait3A_147 = tpu.memref_slice %arg14[%dma_wait3A_145, %dma_wait3A_146] : memref<128x16xf32, #tpu.memory_space<vmem>> -> memref<128x16xf32, #tpu.memory_space<vmem>>
      %dma_wait3A_148 = arith.constant 0 : i32
      %dma_wait3A_149 = tpu.memref_slice %arg16[%add3A_116, %dma_wait3A_148] : memref<10112x16xf32, #tpu.memory_space<vmem_shared>> -> memref<128x16xf32, #tpu.memory_space<vmem_shared>>
      %dma_wait3A_150 = arith.constant 0 : i32
      %dma_wait3A_151 = arith.constant 0 : i32
      %dma_wait3A_152 = tpu.memref_slice %arg14[%dma_wait3A_150, %dma_wait3A_151] : memref<128x16xf32, #tpu.memory_space<vmem>> -> memref<128x16xf32, #tpu.memory_space<vmem>>
      %dma_wait3A_153 = arith.constant 0 : i32
      %dma_wait3A_154 = tpu.memref_slice %arg16[%add3A_116, %dma_wait3A_153] : memref<10112x16xf32, #tpu.memory_space<vmem_shared>> -> memref<128x16xf32, #tpu.memory_space<vmem_shared>>
      tpu.wait_dma2 semaphore(%run_scoped3A : memref<!tpu.dma_semaphore, #tpu.memory_space<semaphore_mem>>) src(%dma_wait3A_154 : memref<128x16xf32, #tpu.memory_space<vmem_shared>>) dst(%dma_wait3A_152 : memref<128x16xf32, #tpu.memory_space<vmem>>)
      tpu.yield
    }) : () -> ()
    %add3A_117 = arith.constant 256 : i32
    %add3A_118 = arith.addi %add3A_94, %add3A_117 : i32
    "tpu.region"() ({
      %run_scoped3A = tpu.sem_alloc : memref<!tpu.dma_semaphore, #tpu.memory_space<semaphore_mem>>
      %dma_start3A_135 = arith.constant 0 : i32
      %dma_start3A_136 = arith.constant 0 : i32
      %dma_start3A_137 = tpu.memref_slice %arg14[%dma_start3A_135, %dma_start3A_136] : memref<128x16xf32, #tpu.memory_space<vmem>> -> memref<128x16xf32, #tpu.memory_space<vmem>>
      %dma_start3A_138 = arith.constant 0 : i32
      %dma_start3A_139 = tpu.memref_slice %arg9[%add3A_118, %dma_start3A_138] : memref<20224x16xf32, #tpu.memory_space<hbm>> -> memref<128x16xf32, #tpu.memory_space<hbm>>
      %dma_start3A_140 = arith.constant 0 : i32
      %dma_start3A_141 = tpu.memref_slice %arg9[%add3A_118, %dma_start3A_140] : memref<20224x16xf32, #tpu.memory_space<hbm>> -> memref<128x16xf32, #tpu.memory_space<hbm>>
      %dma_start3A_142 = arith.constant 0 : i32
      %dma_start3A_143 = arith.constant 0 : i32
      %dma_start3A_144 = tpu.memref_slice %arg14[%dma_start3A_142, %dma_start3A_143] : memref<128x16xf32, #tpu.memory_space<vmem>> -> memref<128x16xf32, #tpu.memory_space<vmem>>
      tpu.enqueue_dma source(%dma_start3A_144 : memref<128x16xf32, #tpu.memory_space<vmem>>) target(%dma_start3A_141 : memref<128x16xf32, #tpu.memory_space<hbm>>) target_semaphore(%run_scoped3A : memref<!tpu.dma_semaphore, #tpu.memory_space<semaphore_mem>>)
      %dma_wait3A_145 = arith.constant 0 : i32
      %dma_wait3A_146 = arith.constant 0 : i32
      %dma_wait3A_147 = tpu.memref_slice %arg14[%dma_wait3A_145, %dma_wait3A_146] : memref<128x16xf32, #tpu.memory_space<vmem>> -> memref<128x16xf32, #tpu.memory_space<vmem>>
      %dma_wait3A_148 = arith.constant 0 : i32
      %dma_wait3A_149 = tpu.memref_slice %arg9[%add3A_118, %dma_wait3A_148] : memref<20224x16xf32, #tpu.memory_space<hbm>> -> memref<128x16xf32, #tpu.memory_space<hbm>>
      %dma_wait3A_150 = arith.constant 0 : i32
      %dma_wait3A_151 = tpu.memref_slice %arg9[%add3A_118, %dma_wait3A_150] : memref<20224x16xf32, #tpu.memory_space<hbm>> -> memref<128x16xf32, #tpu.memory_space<hbm>>
      %dma_wait3A_152 = arith.constant 0 : i32
      %dma_wait3A_153 = arith.constant 0 : i32
      %dma_wait3A_154 = tpu.memref_slice %arg14[%dma_wait3A_152, %dma_wait3A_153] : memref<128x16xf32, #tpu.memory_space<vmem>> -> memref<128x16xf32, #tpu.memory_space<vmem>>
      tpu.wait_dma2 semaphore(%run_scoped3A : memref<!tpu.dma_semaphore, #tpu.memory_space<semaphore_mem>>) src(%dma_wait3A_154 : memref<128x16xf32, #tpu.memory_space<vmem>>) dst(%dma_wait3A_151 : memref<128x16xf32, #tpu.memory_space<hbm>>)
      tpu.yield
    }) : () -> ()
    %add3A_119 = arith.constant 384 : i32
    %add3A_120 = arith.addi %mul3A_0, %add3A_119 : i32
    "tpu.region"() ({
      %run_scoped3A = tpu.sem_alloc : memref<!tpu.dma_semaphore, #tpu.memory_space<semaphore_mem>>
      %dma_start3A_135 = arith.constant 0 : i32
      %dma_start3A_136 = arith.constant 0 : i32
      %dma_start3A_137 = tpu.memref_slice %arg12[%dma_start3A_135, %dma_start3A_136] : memref<1024x64xf32, #tpu.memory_space<vmem>> -> memref<128x64xf32, #tpu.memory_space<vmem>>
      %dma_start3A_138 = arith.constant 0 : i32
      %dma_start3A_139 = tpu.memref_slice %arg15[%add3A_120, %dma_start3A_138] : memref<10112x64xf32, #tpu.memory_space<vmem_shared>> -> memref<128x64xf32, #tpu.memory_space<vmem_shared>>
      %dma_start3A_140 = arith.constant 0 : i32
      %dma_start3A_141 = arith.constant 0 : i32
      %dma_start3A_142 = tpu.memref_slice %arg12[%dma_start3A_140, %dma_start3A_141] : memref<1024x64xf32, #tpu.memory_space<vmem>> -> memref<128x64xf32, #tpu.memory_space<vmem>>
      %dma_start3A_143 = arith.constant 0 : i32
      %dma_start3A_144 = tpu.memref_slice %arg15[%add3A_120, %dma_start3A_143] : memref<10112x64xf32, #tpu.memory_space<vmem_shared>> -> memref<128x64xf32, #tpu.memory_space<vmem_shared>>
      tpu.enqueue_dma source(%dma_start3A_144 : memref<128x64xf32, #tpu.memory_space<vmem_shared>>) target(%dma_start3A_142 : memref<128x64xf32, #tpu.memory_space<vmem>>) target_semaphore(%run_scoped3A : memref<!tpu.dma_semaphore, #tpu.memory_space<semaphore_mem>>)
      %dma_wait3A_145 = arith.constant 0 : i32
      %dma_wait3A_146 = arith.constant 0 : i32
      %dma_wait3A_147 = tpu.memref_slice %arg12[%dma_wait3A_145, %dma_wait3A_146] : memref<1024x64xf32, #tpu.memory_space<vmem>> -> memref<128x64xf32, #tpu.memory_space<vmem>>
      %dma_wait3A_148 = arith.constant 0 : i32
      %dma_wait3A_149 = tpu.memref_slice %arg15[%add3A_120, %dma_wait3A_148] : memref<10112x64xf32, #tpu.memory_space<vmem_shared>> -> memref<128x64xf32, #tpu.memory_space<vmem_shared>>
      %dma_wait3A_150 = arith.constant 0 : i32
      %dma_wait3A_151 = arith.constant 0 : i32
      %dma_wait3A_152 = tpu.memref_slice %arg12[%dma_wait3A_150, %dma_wait3A_151] : memref<1024x64xf32, #tpu.memory_space<vmem>> -> memref<128x64xf32, #tpu.memory_space<vmem>>
      %dma_wait3A_153 = arith.constant 0 : i32
      %dma_wait3A_154 = tpu.memref_slice %arg15[%add3A_120, %dma_wait3A_153] : memref<10112x64xf32, #tpu.memory_space<vmem_shared>> -> memref<128x64xf32, #tpu.memory_space<vmem_shared>>
      tpu.wait_dma2 semaphore(%run_scoped3A : memref<!tpu.dma_semaphore, #tpu.memory_space<semaphore_mem>>) src(%dma_wait3A_154 : memref<128x64xf32, #tpu.memory_space<vmem_shared>>) dst(%dma_wait3A_152 : memref<128x64xf32, #tpu.memory_space<vmem>>)
      tpu.yield
    }) : () -> ()
    %add3A_121 = arith.constant 384 : i32
    %add3A_122 = arith.addi %add3A_94, %add3A_121 : i32
    "tpu.region"() ({
      %run_scoped3A = tpu.sem_alloc : memref<!tpu.dma_semaphore, #tpu.memory_space<semaphore_mem>>
      %dma_start3A_135 = arith.constant 0 : i32
      %dma_start3A_136 = arith.constant 0 : i32
      %dma_start3A_137 = tpu.memref_slice %arg12[%dma_start3A_135, %dma_start3A_136] : memref<1024x64xf32, #tpu.memory_space<vmem>> -> memref<128x64xf32, #tpu.memory_space<vmem>>
      %dma_start3A_138 = arith.constant 0 : i32
      %dma_start3A_139 = tpu.memref_slice %arg8[%add3A_122, %dma_start3A_138] : memref<20224x64xf32, #tpu.memory_space<hbm>> -> memref<128x64xf32, #tpu.memory_space<hbm>>
      %dma_start3A_140 = arith.constant 0 : i32
      %dma_start3A_141 = tpu.memref_slice %arg8[%add3A_122, %dma_start3A_140] : memref<20224x64xf32, #tpu.memory_space<hbm>> -> memref<128x64xf32, #tpu.memory_space<hbm>>
      %dma_start3A_142 = arith.constant 0 : i32
      %dma_start3A_143 = arith.constant 0 : i32
      %dma_start3A_144 = tpu.memref_slice %arg12[%dma_start3A_142, %dma_start3A_143] : memref<1024x64xf32, #tpu.memory_space<vmem>> -> memref<128x64xf32, #tpu.memory_space<vmem>>
      tpu.enqueue_dma source(%dma_start3A_144 : memref<128x64xf32, #tpu.memory_space<vmem>>) target(%dma_start3A_141 : memref<128x64xf32, #tpu.memory_space<hbm>>) target_semaphore(%run_scoped3A : memref<!tpu.dma_semaphore, #tpu.memory_space<semaphore_mem>>)
      %dma_wait3A_145 = arith.constant 0 : i32
      %dma_wait3A_146 = arith.constant 0 : i32
      %dma_wait3A_147 = tpu.memref_slice %arg12[%dma_wait3A_145, %dma_wait3A_146] : memref<1024x64xf32, #tpu.memory_space<vmem>> -> memref<128x64xf32, #tpu.memory_space<vmem>>
      %dma_wait3A_148 = arith.constant 0 : i32
      %dma_wait3A_149 = tpu.memref_slice %arg8[%add3A_122, %dma_wait3A_148] : memref<20224x64xf32, #tpu.memory_space<hbm>> -> memref<128x64xf32, #tpu.memory_space<hbm>>
      %dma_wait3A_150 = arith.constant 0 : i32
      %dma_wait3A_151 = tpu.memref_slice %arg8[%add3A_122, %dma_wait3A_150] : memref<20224x64xf32, #tpu.memory_space<hbm>> -> memref<128x64xf32, #tpu.memory_space<hbm>>
      %dma_wait3A_152 = arith.constant 0 : i32
      %dma_wait3A_153 = arith.constant 0 : i32
      %dma_wait3A_154 = tpu.memref_slice %arg12[%dma_wait3A_152, %dma_wait3A_153] : memref<1024x64xf32, #tpu.memory_space<vmem>> -> memref<128x64xf32, #tpu.memory_space<vmem>>
      tpu.wait_dma2 semaphore(%run_scoped3A : memref<!tpu.dma_semaphore, #tpu.memory_space<semaphore_mem>>) src(%dma_wait3A_154 : memref<128x64xf32, #tpu.memory_space<vmem>>) dst(%dma_wait3A_151 : memref<128x64xf32, #tpu.memory_space<hbm>>)
      tpu.yield
    }) : () -> ()
    %add3A_123 = arith.constant 384 : i32
    %add3A_124 = arith.addi %mul3A_0, %add3A_123 : i32
    "tpu.region"() ({
      %run_scoped3A = tpu.sem_alloc : memref<!tpu.dma_semaphore, #tpu.memory_space<semaphore_mem>>
      %dma_start3A_135 = arith.constant 0 : i32
      %dma_start3A_136 = arith.constant 0 : i32
      %dma_start3A_137 = tpu.memref_slice %arg14[%dma_start3A_135, %dma_start3A_136] : memref<128x16xf32, #tpu.memory_space<vmem>> -> memref<128x16xf32, #tpu.memory_space<vmem>>
      %dma_start3A_138 = arith.constant 0 : i32
      %dma_start3A_139 = tpu.memref_slice %arg16[%add3A_124, %dma_start3A_138] : memref<10112x16xf32, #tpu.memory_space<vmem_shared>> -> memref<128x16xf32, #tpu.memory_space<vmem_shared>>
      %dma_start3A_140 = arith.constant 0 : i32
      %dma_start3A_141 = arith.constant 0 : i32
      %dma_start3A_142 = tpu.memref_slice %arg14[%dma_start3A_140, %dma_start3A_141] : memref<128x16xf32, #tpu.memory_space<vmem>> -> memref<128x16xf32, #tpu.memory_space<vmem>>
      %dma_start3A_143 = arith.constant 0 : i32
      %dma_start3A_144 = tpu.memref_slice %arg16[%add3A_124, %dma_start3A_143] : memref<10112x16xf32, #tpu.memory_space<vmem_shared>> -> memref<128x16xf32, #tpu.memory_space<vmem_shared>>
      tpu.enqueue_dma source(%dma_start3A_144 : memref<128x16xf32, #tpu.memory_space<vmem_shared>>) target(%dma_start3A_142 : memref<128x16xf32, #tpu.memory_space<vmem>>) target_semaphore(%run_scoped3A : memref<!tpu.dma_semaphore, #tpu.memory_space<semaphore_mem>>)
      %dma_wait3A_145 = arith.constant 0 : i32
      %dma_wait3A_146 = arith.constant 0 : i32
      %dma_wait3A_147 = tpu.memref_slice %arg14[%dma_wait3A_145, %dma_wait3A_146] : memref<128x16xf32, #tpu.memory_space<vmem>> -> memref<128x16xf32, #tpu.memory_space<vmem>>
      %dma_wait3A_148 = arith.constant 0 : i32
      %dma_wait3A_149 = tpu.memref_slice %arg16[%add3A_124, %dma_wait3A_148] : memref<10112x16xf32, #tpu.memory_space<vmem_shared>> -> memref<128x16xf32, #tpu.memory_space<vmem_shared>>
      %dma_wait3A_150 = arith.constant 0 : i32
      %dma_wait3A_151 = arith.constant 0 : i32
      %dma_wait3A_152 = tpu.memref_slice %arg14[%dma_wait3A_150, %dma_wait3A_151] : memref<128x16xf32, #tpu.memory_space<vmem>> -> memref<128x16xf32, #tpu.memory_space<vmem>>
      %dma_wait3A_153 = arith.constant 0 : i32
      %dma_wait3A_154 = tpu.memref_slice %arg16[%add3A_124, %dma_wait3A_153] : memref<10112x16xf32, #tpu.memory_space<vmem_shared>> -> memref<128x16xf32, #tpu.memory_space<vmem_shared>>
      tpu.wait_dma2 semaphore(%run_scoped3A : memref<!tpu.dma_semaphore, #tpu.memory_space<semaphore_mem>>) src(%dma_wait3A_154 : memref<128x16xf32, #tpu.memory_space<vmem_shared>>) dst(%dma_wait3A_152 : memref<128x16xf32, #tpu.memory_space<vmem>>)
      tpu.yield
    }) : () -> ()
    %add3A_125 = arith.constant 384 : i32
    %add3A_126 = arith.addi %add3A_94, %add3A_125 : i32
    "tpu.region"() ({
      %run_scoped3A = tpu.sem_alloc : memref<!tpu.dma_semaphore, #tpu.memory_space<semaphore_mem>>
      %dma_start3A_135 = arith.constant 0 : i32
      %dma_start3A_136 = arith.constant 0 : i32
      %dma_start3A_137 = tpu.memref_slice %arg14[%dma_start3A_135, %dma_start3A_136] : memref<128x16xf32, #tpu.memory_space<vmem>> -> memref<128x16xf32, #tpu.memory_space<vmem>>
      %dma_start3A_138 = arith.constant 0 : i32
      %dma_start3A_139 = tpu.memref_slice %arg9[%add3A_126, %dma_start3A_138] : memref<20224x16xf32, #tpu.memory_space<hbm>> -> memref<128x16xf32, #tpu.memory_space<hbm>>
      %dma_start3A_140 = arith.constant 0 : i32
      %dma_start3A_141 = tpu.memref_slice %arg9[%add3A_126, %dma_start3A_140] : memref<20224x16xf32, #tpu.memory_space<hbm>> -> memref<128x16xf32, #tpu.memory_space<hbm>>
      %dma_start3A_142 = arith.constant 0 : i32
      %dma_start3A_143 = arith.constant 0 : i32
      %dma_start3A_144 = tpu.memref_slice %arg14[%dma_start3A_142, %dma_start3A_143] : memref<128x16xf32, #tpu.memory_space<vmem>> -> memref<128x16xf32, #tpu.memory_space<vmem>>
      tpu.enqueue_dma source(%dma_start3A_144 : memref<128x16xf32, #tpu.memory_space<vmem>>) target(%dma_start3A_141 : memref<128x16xf32, #tpu.memory_space<hbm>>) target_semaphore(%run_scoped3A : memref<!tpu.dma_semaphore, #tpu.memory_space<semaphore_mem>>)
      %dma_wait3A_145 = arith.constant 0 : i32
      %dma_wait3A_146 = arith.constant 0 : i32
      %dma_wait3A_147 = tpu.memref_slice %arg14[%dma_wait3A_145, %dma_wait3A_146] : memref<128x16xf32, #tpu.memory_space<vmem>> -> memref<128x16xf32, #tpu.memory_space<vmem>>
      %dma_wait3A_148 = arith.constant 0 : i32
      %dma_wait3A_149 = tpu.memref_slice %arg9[%add3A_126, %dma_wait3A_148] : memref<20224x16xf32, #tpu.memory_space<hbm>> -> memref<128x16xf32, #tpu.memory_space<hbm>>
      %dma_wait3A_150 = arith.constant 0 : i32
      %dma_wait3A_151 = tpu.memref_slice %arg9[%add3A_126, %dma_wait3A_150] : memref<20224x16xf32, #tpu.memory_space<hbm>> -> memref<128x16xf32, #tpu.memory_space<hbm>>
      %dma_wait3A_152 = arith.constant 0 : i32
      %dma_wait3A_153 = arith.constant 0 : i32
      %dma_wait3A_154 = tpu.memref_slice %arg14[%dma_wait3A_152, %dma_wait3A_153] : memref<128x16xf32, #tpu.memory_space<vmem>> -> memref<128x16xf32, #tpu.memory_space<vmem>>
      tpu.wait_dma2 semaphore(%run_scoped3A : memref<!tpu.dma_semaphore, #tpu.memory_space<semaphore_mem>>) src(%dma_wait3A_154 : memref<128x16xf32, #tpu.memory_space<vmem>>) dst(%dma_wait3A_151 : memref<128x16xf32, #tpu.memory_space<hbm>>)
      tpu.yield
    }) : () -> ()
    %add3A_127 = arith.constant 512 : i32
    %add3A_128 = arith.addi %mul3A_0, %add3A_127 : i32
    "tpu.region"() ({
      %run_scoped3A = tpu.sem_alloc : memref<!tpu.dma_semaphore, #tpu.memory_space<semaphore_mem>>
      %dma_start3A_135 = arith.constant 0 : i32
      %dma_start3A_136 = arith.constant 0 : i32
      %dma_start3A_137 = tpu.memref_slice %arg12[%dma_start3A_135, %dma_start3A_136] : memref<1024x64xf32, #tpu.memory_space<vmem>> -> memref<120x64xf32, #tpu.memory_space<vmem>>
      %dma_start3A_138 = arith.constant 0 : i32
      %dma_start3A_139 = tpu.memref_slice %arg15[%add3A_128, %dma_start3A_138] : memref<10112x64xf32, #tpu.memory_space<vmem_shared>> -> memref<120x64xf32, #tpu.memory_space<vmem_shared>>
      %dma_start3A_140 = arith.constant 0 : i32
      %dma_start3A_141 = arith.constant 0 : i32
      %dma_start3A_142 = tpu.memref_slice %arg12[%dma_start3A_140, %dma_start3A_141] : memref<1024x64xf32, #tpu.memory_space<vmem>> -> memref<120x64xf32, #tpu.memory_space<vmem>>
      %dma_start3A_143 = arith.constant 0 : i32
      %dma_start3A_144 = tpu.memref_slice %arg15[%add3A_128, %dma_start3A_143] : memref<10112x64xf32, #tpu.memory_space<vmem_shared>> -> memref<120x64xf32, #tpu.memory_space<vmem_shared>>
      tpu.enqueue_dma source(%dma_start3A_144 : memref<120x64xf32, #tpu.memory_space<vmem_shared>>) target(%dma_start3A_142 : memref<120x64xf32, #tpu.memory_space<vmem>>) target_semaphore(%run_scoped3A : memref<!tpu.dma_semaphore, #tpu.memory_space<semaphore_mem>>)
      %dma_wait3A_145 = arith.constant 0 : i32
      %dma_wait3A_146 = arith.constant 0 : i32
      %dma_wait3A_147 = tpu.memref_slice %arg12[%dma_wait3A_145, %dma_wait3A_146] : memref<1024x64xf32, #tpu.memory_space<vmem>> -> memref<120x64xf32, #tpu.memory_space<vmem>>
      %dma_wait3A_148 = arith.constant 0 : i32
      %dma_wait3A_149 = tpu.memref_slice %arg15[%add3A_128, %dma_wait3A_148] : memref<10112x64xf32, #tpu.memory_space<vmem_shared>> -> memref<120x64xf32, #tpu.memory_space<vmem_shared>>
      %dma_wait3A_150 = arith.constant 0 : i32
      %dma_wait3A_151 = arith.constant 0 : i32
      %dma_wait3A_152 = tpu.memref_slice %arg12[%dma_wait3A_150, %dma_wait3A_151] : memref<1024x64xf32, #tpu.memory_space<vmem>> -> memref<120x64xf32, #tpu.memory_space<vmem>>
      %dma_wait3A_153 = arith.constant 0 : i32
      %dma_wait3A_154 = tpu.memref_slice %arg15[%add3A_128, %dma_wait3A_153] : memref<10112x64xf32, #tpu.memory_space<vmem_shared>> -> memref<120x64xf32, #tpu.memory_space<vmem_shared>>
      tpu.wait_dma2 semaphore(%run_scoped3A : memref<!tpu.dma_semaphore, #tpu.memory_space<semaphore_mem>>) src(%dma_wait3A_154 : memref<120x64xf32, #tpu.memory_space<vmem_shared>>) dst(%dma_wait3A_152 : memref<120x64xf32, #tpu.memory_space<vmem>>)
      tpu.yield
    }) : () -> ()
    %add3A_129 = arith.constant 512 : i32
    %add3A_130 = arith.addi %add3A_94, %add3A_129 : i32
    "tpu.region"() ({
      %run_scoped3A = tpu.sem_alloc : memref<!tpu.dma_semaphore, #tpu.memory_space<semaphore_mem>>
      %dma_start3A_135 = arith.constant 0 : i32
      %dma_start3A_136 = arith.constant 0 : i32
      %dma_start3A_137 = tpu.memref_slice %arg12[%dma_start3A_135, %dma_start3A_136] : memref<1024x64xf32, #tpu.memory_space<vmem>> -> memref<120x64xf32, #tpu.memory_space<vmem>>
      %dma_start3A_138 = arith.constant 0 : i32
      %dma_start3A_139 = tpu.memref_slice %arg8[%add3A_130, %dma_start3A_138] : memref<20224x64xf32, #tpu.memory_space<hbm>> -> memref<120x64xf32, #tpu.memory_space<hbm>>
      %dma_start3A_140 = arith.constant 0 : i32
      %dma_start3A_141 = tpu.memref_slice %arg8[%add3A_130, %dma_start3A_140] : memref<20224x64xf32, #tpu.memory_space<hbm>> -> memref<120x64xf32, #tpu.memory_space<hbm>>
      %dma_start3A_142 = arith.constant 0 : i32
      %dma_start3A_143 = arith.constant 0 : i32
      %dma_start3A_144 = tpu.memref_slice %arg12[%dma_start3A_142, %dma_start3A_143] : memref<1024x64xf32, #tpu.memory_space<vmem>> -> memref<120x64xf32, #tpu.memory_space<vmem>>
      tpu.enqueue_dma source(%dma_start3A_144 : memref<120x64xf32, #tpu.memory_space<vmem>>) target(%dma_start3A_141 : memref<120x64xf32, #tpu.memory_space<hbm>>) target_semaphore(%run_scoped3A : memref<!tpu.dma_semaphore, #tpu.memory_space<semaphore_mem>>)
      %dma_wait3A_145 = arith.constant 0 : i32
      %dma_wait3A_146 = arith.constant 0 : i32
      %dma_wait3A_147 = tpu.memref_slice %arg12[%dma_wait3A_145, %dma_wait3A_146] : memref<1024x64xf32, #tpu.memory_space<vmem>> -> memref<120x64xf32, #tpu.memory_space<vmem>>
      %dma_wait3A_148 = arith.constant 0 : i32
      %dma_wait3A_149 = tpu.memref_slice %arg8[%add3A_130, %dma_wait3A_148] : memref<20224x64xf32, #tpu.memory_space<hbm>> -> memref<120x64xf32, #tpu.memory_space<hbm>>
      %dma_wait3A_150 = arith.constant 0 : i32
      %dma_wait3A_151 = tpu.memref_slice %arg8[%add3A_130, %dma_wait3A_150] : memref<20224x64xf32, #tpu.memory_space<hbm>> -> memref<120x64xf32, #tpu.memory_space<hbm>>
      %dma_wait3A_152 = arith.constant 0 : i32
      %dma_wait3A_153 = arith.constant 0 : i32
      %dma_wait3A_154 = tpu.memref_slice %arg12[%dma_wait3A_152, %dma_wait3A_153] : memref<1024x64xf32, #tpu.memory_space<vmem>> -> memref<120x64xf32, #tpu.memory_space<vmem>>
      tpu.wait_dma2 semaphore(%run_scoped3A : memref<!tpu.dma_semaphore, #tpu.memory_space<semaphore_mem>>) src(%dma_wait3A_154 : memref<120x64xf32, #tpu.memory_space<vmem>>) dst(%dma_wait3A_151 : memref<120x64xf32, #tpu.memory_space<hbm>>)
      tpu.yield
    }) : () -> ()
    %add3A_131 = arith.constant 512 : i32
    %add3A_132 = arith.addi %mul3A_0, %add3A_131 : i32
    "tpu.region"() ({
      %run_scoped3A = tpu.sem_alloc : memref<!tpu.dma_semaphore, #tpu.memory_space<semaphore_mem>>
      %dma_start3A_135 = arith.constant 0 : i32
      %dma_start3A_136 = arith.constant 0 : i32
      %dma_start3A_137 = tpu.memref_slice %arg14[%dma_start3A_135, %dma_start3A_136] : memref<128x16xf32, #tpu.memory_space<vmem>> -> memref<120x16xf32, #tpu.memory_space<vmem>>
      %dma_start3A_138 = arith.constant 0 : i32
      %dma_start3A_139 = tpu.memref_slice %arg16[%add3A_132, %dma_start3A_138] : memref<10112x16xf32, #tpu.memory_space<vmem_shared>> -> memref<120x16xf32, #tpu.memory_space<vmem_shared>>
      %dma_start3A_140 = arith.constant 0 : i32
      %dma_start3A_141 = arith.constant 0 : i32
      %dma_start3A_142 = tpu.memref_slice %arg14[%dma_start3A_140, %dma_start3A_141] : memref<128x16xf32, #tpu.memory_space<vmem>> -> memref<120x16xf32, #tpu.memory_space<vmem>>
      %dma_start3A_143 = arith.constant 0 : i32
      %dma_start3A_144 = tpu.memref_slice %arg16[%add3A_132, %dma_start3A_143] : memref<10112x16xf32, #tpu.memory_space<vmem_shared>> -> memref<120x16xf32, #tpu.memory_space<vmem_shared>>
      tpu.enqueue_dma source(%dma_start3A_144 : memref<120x16xf32, #tpu.memory_space<vmem_shared>>) target(%dma_start3A_142 : memref<120x16xf32, #tpu.memory_space<vmem>>) target_semaphore(%run_scoped3A : memref<!tpu.dma_semaphore, #tpu.memory_space<semaphore_mem>>)
      %dma_wait3A_145 = arith.constant 0 : i32
      %dma_wait3A_146 = arith.constant 0 : i32
      %dma_wait3A_147 = tpu.memref_slice %arg14[%dma_wait3A_145, %dma_wait3A_146] : memref<128x16xf32, #tpu.memory_space<vmem>> -> memref<120x16xf32, #tpu.memory_space<vmem>>
      %dma_wait3A_148 = arith.constant 0 : i32
      %dma_wait3A_149 = tpu.memref_slice %arg16[%add3A_132, %dma_wait3A_148] : memref<10112x16xf32, #tpu.memory_space<vmem_shared>> -> memref<120x16xf32, #tpu.memory_space<vmem_shared>>
      %dma_wait3A_150 = arith.constant 0 : i32
      %dma_wait3A_151 = arith.constant 0 : i32
      %dma_wait3A_152 = tpu.memref_slice %arg14[%dma_wait3A_150, %dma_wait3A_151] : memref<128x16xf32, #tpu.memory_space<vmem>> -> memref<120x16xf32, #tpu.memory_space<vmem>>
      %dma_wait3A_153 = arith.constant 0 : i32
      %dma_wait3A_154 = tpu.memref_slice %arg16[%add3A_132, %dma_wait3A_153] : memref<10112x16xf32, #tpu.memory_space<vmem_shared>> -> memref<120x16xf32, #tpu.memory_space<vmem_shared>>
      tpu.wait_dma2 semaphore(%run_scoped3A : memref<!tpu.dma_semaphore, #tpu.memory_space<semaphore_mem>>) src(%dma_wait3A_154 : memref<120x16xf32, #tpu.memory_space<vmem_shared>>) dst(%dma_wait3A_152 : memref<120x16xf32, #tpu.memory_space<vmem>>)
      tpu.yield
    }) : () -> ()
    %add3A_133 = arith.constant 512 : i32
    %add3A_134 = arith.addi %add3A_94, %add3A_133 : i32
    "tpu.region"() ({
      %run_scoped3A = tpu.sem_alloc : memref<!tpu.dma_semaphore, #tpu.memory_space<semaphore_mem>>
      %dma_start3A_135 = arith.constant 0 : i32
      %dma_start3A_136 = arith.constant 0 : i32
      %dma_start3A_137 = tpu.memref_slice %arg14[%dma_start3A_135, %dma_start3A_136] : memref<128x16xf32, #tpu.memory_space<vmem>> -> memref<120x16xf32, #tpu.memory_space<vmem>>
      %dma_start3A_138 = arith.constant 0 : i32
      %dma_start3A_139 = tpu.memref_slice %arg9[%add3A_134, %dma_start3A_138] : memref<20224x16xf32, #tpu.memory_space<hbm>> -> memref<120x16xf32, #tpu.memory_space<hbm>>
      %dma_start3A_140 = arith.constant 0 : i32
      %dma_start3A_141 = tpu.memref_slice %arg9[%add3A_134, %dma_start3A_140] : memref<20224x16xf32, #tpu.memory_space<hbm>> -> memref<120x16xf32, #tpu.memory_space<hbm>>
      %dma_start3A_142 = arith.constant 0 : i32
      %dma_start3A_143 = arith.constant 0 : i32
      %dma_start3A_144 = tpu.memref_slice %arg14[%dma_start3A_142, %dma_start3A_143] : memref<128x16xf32, #tpu.memory_space<vmem>> -> memref<120x16xf32, #tpu.memory_space<vmem>>
      tpu.enqueue_dma source(%dma_start3A_144 : memref<120x16xf32, #tpu.memory_space<vmem>>) target(%dma_start3A_141 : memref<120x16xf32, #tpu.memory_space<hbm>>) target_semaphore(%run_scoped3A : memref<!tpu.dma_semaphore, #tpu.memory_space<semaphore_mem>>)
      %dma_wait3A_145 = arith.constant 0 : i32
      %dma_wait3A_146 = arith.constant 0 : i32
      %dma_wait3A_147 = tpu.memref_slice %arg14[%dma_wait3A_145, %dma_wait3A_146] : memref<128x16xf32, #tpu.memory_space<vmem>> -> memref<120x16xf32, #tpu.memory_space<vmem>>
      %dma_wait3A_148 = arith.constant 0 : i32
      %dma_wait3A_149 = tpu.memref_slice %arg9[%add3A_134, %dma_wait3A_148] : memref<20224x16xf32, #tpu.memory_space<hbm>> -> memref<120x16xf32, #tpu.memory_space<hbm>>
      %dma_wait3A_150 = arith.constant 0 : i32
      %dma_wait3A_151 = tpu.memref_slice %arg9[%add3A_134, %dma_wait3A_150] : memref<20224x16xf32, #tpu.memory_space<hbm>> -> memref<120x16xf32, #tpu.memory_space<hbm>>
      %dma_wait3A_152 = arith.constant 0 : i32
      %dma_wait3A_153 = arith.constant 0 : i32
      %dma_wait3A_154 = tpu.memref_slice %arg14[%dma_wait3A_152, %dma_wait3A_153] : memref<128x16xf32, #tpu.memory_space<vmem>> -> memref<120x16xf32, #tpu.memory_space<vmem>>
      tpu.wait_dma2 semaphore(%run_scoped3A : memref<!tpu.dma_semaphore, #tpu.memory_space<semaphore_mem>>) src(%dma_wait3A_154 : memref<120x16xf32, #tpu.memory_space<vmem>>) dst(%dma_wait3A_151 : memref<120x16xf32, #tpu.memory_space<hbm>>)
      tpu.yield
    }) : () -> ()
    return
  }
}

#map = affine_map<(d0, d1) -> (0, 0)>
#map1 = affine_map<(d0, d1) -> (0)>
module attributes {stable_mosaic.version = 14 : i64} {
  func.func @k(%arg0: i32, %arg1: i32, %arg2: memref<20224x64xf32, #tpu.memory_space<hbm>>, %arg3: memref<655360xi32, #tpu.memory_space<hbm>>, %arg4: memref<327680xi32, #tpu.memory_space<hbm>>, %arg5: memref<20224x64xf32, #tpu.memory_space<hbm>>, %arg6: memref<10112x16xf32, #tpu.memory_space<hbm>>, %arg7: memref<512x16xf32, #tpu.memory_space<hbm>>, %arg8: memref<20224x64xf32, #tpu.memory_space<hbm>>, %arg9: memref<2048xi32, #tpu.memory_space<vmem>>, %arg10: memref<2048xi32, #tpu.memory_space<vmem>>, %arg11: memref<1024x64xf32, #tpu.memory_space<vmem>>, %arg12: memref<512x16xf32, #tpu.memory_space<vmem>>, %arg13: memref<128x16xf32, #tpu.memory_space<vmem>>, %arg14: memref<10112x64xf32, #tpu.memory_space<vmem_shared>>, %arg15: memref<10112x16xf32, #tpu.memory_space<vmem_shared>>, %arg16: memref<!tpu.dma_semaphore, #tpu.memory_space<semaphore_mem>>, %arg17: memref<!tpu.dma_semaphore, #tpu.memory_space<semaphore_mem>>, %arg18: memref<!tpu.dma_semaphore, #tpu.memory_space<semaphore_mem>>, %arg19: memref<!tpu.dma_semaphore, #tpu.memory_space<semaphore_mem>>) attributes {dimension_semantics = [#tpu.dimension_semantics<core_parallel>, #tpu.dimension_semantics<subcore_parallel>], iteration_bounds = array<i64: 2, 16>, scalar_prefetch = 0 : i64, scratch_operands = 11 : i64, tpu.core_type = #tpu.core_type<sc_vector_subcore>, window_params = [{transform_indices = #map}, {transform_indices = #map1}, {transform_indices = #map1}, {transform_indices = #map}, {transform_indices = #map}, {transform_indices = #map}, {transform_indices = #map}]} {
    %mul3A = arith.constant 632 : i32
    %mul3A_0 = arith.muli %arg1, %mul3A : i32
    "tpu.region"() ({
      %run_scoped3A = tpu.sem_alloc : memref<!tpu.dma_semaphore, #tpu.memory_space<semaphore_mem>>
      %dma_start3A_98 = arith.constant 0 : i32
      %dma_start3A_99 = arith.constant 0 : i32
      %dma_start3A_100 = tpu.memref_slice %arg11[%dma_start3A_98, %dma_start3A_99] : memref<1024x64xf32, #tpu.memory_space<vmem>> -> memref<128x64xf32, #tpu.memory_space<vmem>>
      %dma_start3A_101 = arith.constant 0 : i32
      %dma_start3A_102 = arith.constant 0 : i32
      %dma_start3A_103 = tpu.memref_slice %arg5[%dma_start3A_101, %dma_start3A_102] : memref<20224x64xf32, #tpu.memory_space<hbm>> -> memref<128x64xf32, #tpu.memory_space<hbm>>
      %dma_start3A_104 = arith.constant 0 : i32
      %dma_start3A_105 = arith.constant 0 : i32
      %dma_start3A_106 = tpu.memref_slice %arg11[%dma_start3A_104, %dma_start3A_105] : memref<1024x64xf32, #tpu.memory_space<vmem>> -> memref<128x64xf32, #tpu.memory_space<vmem>>
      %dma_start3A_107 = arith.constant 0 : i32
      %dma_start3A_108 = arith.constant 0 : i32
      %dma_start3A_109 = tpu.memref_slice %arg5[%dma_start3A_107, %dma_start3A_108] : memref<20224x64xf32, #tpu.memory_space<hbm>> -> memref<128x64xf32, #tpu.memory_space<hbm>>
      tpu.enqueue_dma source(%dma_start3A_109 : memref<128x64xf32, #tpu.memory_space<hbm>>) target(%dma_start3A_106 : memref<128x64xf32, #tpu.memory_space<vmem>>) target_semaphore(%run_scoped3A : memref<!tpu.dma_semaphore, #tpu.memory_space<semaphore_mem>>)
      %dma_wait3A_110 = arith.constant 0 : i32
      %dma_wait3A_111 = arith.constant 0 : i32
      %dma_wait3A_112 = tpu.memref_slice %arg11[%dma_wait3A_110, %dma_wait3A_111] : memref<1024x64xf32, #tpu.memory_space<vmem>> -> memref<128x64xf32, #tpu.memory_space<vmem>>
      %dma_wait3A_113 = arith.constant 0 : i32
      %dma_wait3A_114 = arith.constant 0 : i32
      %dma_wait3A_115 = tpu.memref_slice %arg5[%dma_wait3A_113, %dma_wait3A_114] : memref<20224x64xf32, #tpu.memory_space<hbm>> -> memref<128x64xf32, #tpu.memory_space<hbm>>
      %dma_wait3A_116 = arith.constant 0 : i32
      %dma_wait3A_117 = arith.constant 0 : i32
      %dma_wait3A_118 = tpu.memref_slice %arg11[%dma_wait3A_116, %dma_wait3A_117] : memref<1024x64xf32, #tpu.memory_space<vmem>> -> memref<128x64xf32, #tpu.memory_space<vmem>>
      %dma_wait3A_119 = arith.constant 0 : i32
      %dma_wait3A_120 = arith.constant 0 : i32
      %dma_wait3A_121 = tpu.memref_slice %arg5[%dma_wait3A_119, %dma_wait3A_120] : memref<20224x64xf32, #tpu.memory_space<hbm>> -> memref<128x64xf32, #tpu.memory_space<hbm>>
      tpu.wait_dma2 semaphore(%run_scoped3A : memref<!tpu.dma_semaphore, #tpu.memory_space<semaphore_mem>>) src(%dma_wait3A_121 : memref<128x64xf32, #tpu.memory_space<hbm>>) dst(%dma_wait3A_118 : memref<128x64xf32, #tpu.memory_space<vmem>>)
      tpu.yield
    }) : () -> ()
    %add3A = arith.constant 0 : i32
    %add3A_1 = arith.addi %mul3A_0, %add3A : i32
    "tpu.region"() ({
      %run_scoped3A = tpu.sem_alloc : memref<!tpu.dma_semaphore, #tpu.memory_space<semaphore_mem>>
      %dma_start3A_98 = arith.constant 0 : i32
      %dma_start3A_99 = arith.constant 0 : i32
      %dma_start3A_100 = tpu.memref_slice %arg11[%dma_start3A_98, %dma_start3A_99] : memref<1024x64xf32, #tpu.memory_space<vmem>> -> memref<128x64xf32, #tpu.memory_space<vmem>>
      %dma_start3A_101 = arith.constant 0 : i32
      %dma_start3A_102 = tpu.memref_slice %arg14[%add3A_1, %dma_start3A_101] : memref<10112x64xf32, #tpu.memory_space<vmem_shared>> -> memref<128x64xf32, #tpu.memory_space<vmem_shared>>
      %dma_start3A_103 = arith.constant 0 : i32
      %dma_start3A_104 = tpu.memref_slice %arg14[%add3A_1, %dma_start3A_103] : memref<10112x64xf32, #tpu.memory_space<vmem_shared>> -> memref<128x64xf32, #tpu.memory_space<vmem_shared>>
      %dma_start3A_105 = arith.constant 0 : i32
      %dma_start3A_106 = arith.constant 0 : i32
      %dma_start3A_107 = tpu.memref_slice %arg11[%dma_start3A_105, %dma_start3A_106] : memref<1024x64xf32, #tpu.memory_space<vmem>> -> memref<128x64xf32, #tpu.memory_space<vmem>>
      tpu.enqueue_dma source(%dma_start3A_107 : memref<128x64xf32, #tpu.memory_space<vmem>>) target(%dma_start3A_104 : memref<128x64xf32, #tpu.memory_space<vmem_shared>>) target_semaphore(%run_scoped3A : memref<!tpu.dma_semaphore, #tpu.memory_space<semaphore_mem>>)
      %dma_wait3A_108 = arith.constant 0 : i32
      %dma_wait3A_109 = arith.constant 0 : i32
      %dma_wait3A_110 = tpu.memref_slice %arg11[%dma_wait3A_108, %dma_wait3A_109] : memref<1024x64xf32, #tpu.memory_space<vmem>> -> memref<128x64xf32, #tpu.memory_space<vmem>>
      %dma_wait3A_111 = arith.constant 0 : i32
      %dma_wait3A_112 = tpu.memref_slice %arg14[%add3A_1, %dma_wait3A_111] : memref<10112x64xf32, #tpu.memory_space<vmem_shared>> -> memref<128x64xf32, #tpu.memory_space<vmem_shared>>
      %dma_wait3A_113 = arith.constant 0 : i32
      %dma_wait3A_114 = tpu.memref_slice %arg14[%add3A_1, %dma_wait3A_113] : memref<10112x64xf32, #tpu.memory_space<vmem_shared>> -> memref<128x64xf32, #tpu.memory_space<vmem_shared>>
      %dma_wait3A_115 = arith.constant 0 : i32
      %dma_wait3A_116 = arith.constant 0 : i32
      %dma_wait3A_117 = tpu.memref_slice %arg11[%dma_wait3A_115, %dma_wait3A_116] : memref<1024x64xf32, #tpu.memory_space<vmem>> -> memref<128x64xf32, #tpu.memory_space<vmem>>
      tpu.wait_dma2 semaphore(%run_scoped3A : memref<!tpu.dma_semaphore, #tpu.memory_space<semaphore_mem>>) src(%dma_wait3A_117 : memref<128x64xf32, #tpu.memory_space<vmem>>) dst(%dma_wait3A_114 : memref<128x64xf32, #tpu.memory_space<vmem_shared>>)
      tpu.yield
    }) : () -> ()
    %add3A_2 = arith.constant 128 : i32
    %add3A_3 = arith.addi %mul3A_0, %add3A_2 : i32
    "tpu.region"() ({
      %run_scoped3A = tpu.sem_alloc : memref<!tpu.dma_semaphore, #tpu.memory_space<semaphore_mem>>
      %dma_start3A_98 = arith.constant 0 : i32
      %dma_start3A_99 = arith.constant 0 : i32
      %dma_start3A_100 = tpu.memref_slice %arg11[%dma_start3A_98, %dma_start3A_99] : memref<1024x64xf32, #tpu.memory_space<vmem>> -> memref<128x64xf32, #tpu.memory_space<vmem>>
      %dma_start3A_101 = arith.constant 0 : i32
      %dma_start3A_102 = tpu.memref_slice %arg14[%add3A_3, %dma_start3A_101] : memref<10112x64xf32, #tpu.memory_space<vmem_shared>> -> memref<128x64xf32, #tpu.memory_space<vmem_shared>>
      %dma_start3A_103 = arith.constant 0 : i32
      %dma_start3A_104 = tpu.memref_slice %arg14[%add3A_3, %dma_start3A_103] : memref<10112x64xf32, #tpu.memory_space<vmem_shared>> -> memref<128x64xf32, #tpu.memory_space<vmem_shared>>
      %dma_start3A_105 = arith.constant 0 : i32
      %dma_start3A_106 = arith.constant 0 : i32
      %dma_start3A_107 = tpu.memref_slice %arg11[%dma_start3A_105, %dma_start3A_106] : memref<1024x64xf32, #tpu.memory_space<vmem>> -> memref<128x64xf32, #tpu.memory_space<vmem>>
      tpu.enqueue_dma source(%dma_start3A_107 : memref<128x64xf32, #tpu.memory_space<vmem>>) target(%dma_start3A_104 : memref<128x64xf32, #tpu.memory_space<vmem_shared>>) target_semaphore(%run_scoped3A : memref<!tpu.dma_semaphore, #tpu.memory_space<semaphore_mem>>)
      %dma_wait3A_108 = arith.constant 0 : i32
      %dma_wait3A_109 = arith.constant 0 : i32
      %dma_wait3A_110 = tpu.memref_slice %arg11[%dma_wait3A_108, %dma_wait3A_109] : memref<1024x64xf32, #tpu.memory_space<vmem>> -> memref<128x64xf32, #tpu.memory_space<vmem>>
      %dma_wait3A_111 = arith.constant 0 : i32
      %dma_wait3A_112 = tpu.memref_slice %arg14[%add3A_3, %dma_wait3A_111] : memref<10112x64xf32, #tpu.memory_space<vmem_shared>> -> memref<128x64xf32, #tpu.memory_space<vmem_shared>>
      %dma_wait3A_113 = arith.constant 0 : i32
      %dma_wait3A_114 = tpu.memref_slice %arg14[%add3A_3, %dma_wait3A_113] : memref<10112x64xf32, #tpu.memory_space<vmem_shared>> -> memref<128x64xf32, #tpu.memory_space<vmem_shared>>
      %dma_wait3A_115 = arith.constant 0 : i32
      %dma_wait3A_116 = arith.constant 0 : i32
      %dma_wait3A_117 = tpu.memref_slice %arg11[%dma_wait3A_115, %dma_wait3A_116] : memref<1024x64xf32, #tpu.memory_space<vmem>> -> memref<128x64xf32, #tpu.memory_space<vmem>>
      tpu.wait_dma2 semaphore(%run_scoped3A : memref<!tpu.dma_semaphore, #tpu.memory_space<semaphore_mem>>) src(%dma_wait3A_117 : memref<128x64xf32, #tpu.memory_space<vmem>>) dst(%dma_wait3A_114 : memref<128x64xf32, #tpu.memory_space<vmem_shared>>)
      tpu.yield
    }) : () -> ()
    %add3A_4 = arith.constant 256 : i32
    %add3A_5 = arith.addi %mul3A_0, %add3A_4 : i32
    "tpu.region"() ({
      %run_scoped3A = tpu.sem_alloc : memref<!tpu.dma_semaphore, #tpu.memory_space<semaphore_mem>>
      %dma_start3A_98 = arith.constant 0 : i32
      %dma_start3A_99 = arith.constant 0 : i32
      %dma_start3A_100 = tpu.memref_slice %arg11[%dma_start3A_98, %dma_start3A_99] : memref<1024x64xf32, #tpu.memory_space<vmem>> -> memref<128x64xf32, #tpu.memory_space<vmem>>
      %dma_start3A_101 = arith.constant 0 : i32
      %dma_start3A_102 = tpu.memref_slice %arg14[%add3A_5, %dma_start3A_101] : memref<10112x64xf32, #tpu.memory_space<vmem_shared>> -> memref<128x64xf32, #tpu.memory_space<vmem_shared>>
      %dma_start3A_103 = arith.constant 0 : i32
      %dma_start3A_104 = tpu.memref_slice %arg14[%add3A_5, %dma_start3A_103] : memref<10112x64xf32, #tpu.memory_space<vmem_shared>> -> memref<128x64xf32, #tpu.memory_space<vmem_shared>>
      %dma_start3A_105 = arith.constant 0 : i32
      %dma_start3A_106 = arith.constant 0 : i32
      %dma_start3A_107 = tpu.memref_slice %arg11[%dma_start3A_105, %dma_start3A_106] : memref<1024x64xf32, #tpu.memory_space<vmem>> -> memref<128x64xf32, #tpu.memory_space<vmem>>
      tpu.enqueue_dma source(%dma_start3A_107 : memref<128x64xf32, #tpu.memory_space<vmem>>) target(%dma_start3A_104 : memref<128x64xf32, #tpu.memory_space<vmem_shared>>) target_semaphore(%run_scoped3A : memref<!tpu.dma_semaphore, #tpu.memory_space<semaphore_mem>>)
      %dma_wait3A_108 = arith.constant 0 : i32
      %dma_wait3A_109 = arith.constant 0 : i32
      %dma_wait3A_110 = tpu.memref_slice %arg11[%dma_wait3A_108, %dma_wait3A_109] : memref<1024x64xf32, #tpu.memory_space<vmem>> -> memref<128x64xf32, #tpu.memory_space<vmem>>
      %dma_wait3A_111 = arith.constant 0 : i32
      %dma_wait3A_112 = tpu.memref_slice %arg14[%add3A_5, %dma_wait3A_111] : memref<10112x64xf32, #tpu.memory_space<vmem_shared>> -> memref<128x64xf32, #tpu.memory_space<vmem_shared>>
      %dma_wait3A_113 = arith.constant 0 : i32
      %dma_wait3A_114 = tpu.memref_slice %arg14[%add3A_5, %dma_wait3A_113] : memref<10112x64xf32, #tpu.memory_space<vmem_shared>> -> memref<128x64xf32, #tpu.memory_space<vmem_shared>>
      %dma_wait3A_115 = arith.constant 0 : i32
      %dma_wait3A_116 = arith.constant 0 : i32
      %dma_wait3A_117 = tpu.memref_slice %arg11[%dma_wait3A_115, %dma_wait3A_116] : memref<1024x64xf32, #tpu.memory_space<vmem>> -> memref<128x64xf32, #tpu.memory_space<vmem>>
      tpu.wait_dma2 semaphore(%run_scoped3A : memref<!tpu.dma_semaphore, #tpu.memory_space<semaphore_mem>>) src(%dma_wait3A_117 : memref<128x64xf32, #tpu.memory_space<vmem>>) dst(%dma_wait3A_114 : memref<128x64xf32, #tpu.memory_space<vmem_shared>>)
      tpu.yield
    }) : () -> ()
    %add3A_6 = arith.constant 384 : i32
    %add3A_7 = arith.addi %mul3A_0, %add3A_6 : i32
    "tpu.region"() ({
      %run_scoped3A = tpu.sem_alloc : memref<!tpu.dma_semaphore, #tpu.memory_space<semaphore_mem>>
      %dma_start3A_98 = arith.constant 0 : i32
      %dma_start3A_99 = arith.constant 0 : i32
      %dma_start3A_100 = tpu.memref_slice %arg11[%dma_start3A_98, %dma_start3A_99] : memref<1024x64xf32, #tpu.memory_space<vmem>> -> memref<128x64xf32, #tpu.memory_space<vmem>>
      %dma_start3A_101 = arith.constant 0 : i32
      %dma_start3A_102 = tpu.memref_slice %arg14[%add3A_7, %dma_start3A_101] : memref<10112x64xf32, #tpu.memory_space<vmem_shared>> -> memref<128x64xf32, #tpu.memory_space<vmem_shared>>
      %dma_start3A_103 = arith.constant 0 : i32
      %dma_start3A_104 = tpu.memref_slice %arg14[%add3A_7, %dma_start3A_103] : memref<10112x64xf32, #tpu.memory_space<vmem_shared>> -> memref<128x64xf32, #tpu.memory_space<vmem_shared>>
      %dma_start3A_105 = arith.constant 0 : i32
      %dma_start3A_106 = arith.constant 0 : i32
      %dma_start3A_107 = tpu.memref_slice %arg11[%dma_start3A_105, %dma_start3A_106] : memref<1024x64xf32, #tpu.memory_space<vmem>> -> memref<128x64xf32, #tpu.memory_space<vmem>>
      tpu.enqueue_dma source(%dma_start3A_107 : memref<128x64xf32, #tpu.memory_space<vmem>>) target(%dma_start3A_104 : memref<128x64xf32, #tpu.memory_space<vmem_shared>>) target_semaphore(%run_scoped3A : memref<!tpu.dma_semaphore, #tpu.memory_space<semaphore_mem>>)
      %dma_wait3A_108 = arith.constant 0 : i32
      %dma_wait3A_109 = arith.constant 0 : i32
      %dma_wait3A_110 = tpu.memref_slice %arg11[%dma_wait3A_108, %dma_wait3A_109] : memref<1024x64xf32, #tpu.memory_space<vmem>> -> memref<128x64xf32, #tpu.memory_space<vmem>>
      %dma_wait3A_111 = arith.constant 0 : i32
      %dma_wait3A_112 = tpu.memref_slice %arg14[%add3A_7, %dma_wait3A_111] : memref<10112x64xf32, #tpu.memory_space<vmem_shared>> -> memref<128x64xf32, #tpu.memory_space<vmem_shared>>
      %dma_wait3A_113 = arith.constant 0 : i32
      %dma_wait3A_114 = tpu.memref_slice %arg14[%add3A_7, %dma_wait3A_113] : memref<10112x64xf32, #tpu.memory_space<vmem_shared>> -> memref<128x64xf32, #tpu.memory_space<vmem_shared>>
      %dma_wait3A_115 = arith.constant 0 : i32
      %dma_wait3A_116 = arith.constant 0 : i32
      %dma_wait3A_117 = tpu.memref_slice %arg11[%dma_wait3A_115, %dma_wait3A_116] : memref<1024x64xf32, #tpu.memory_space<vmem>> -> memref<128x64xf32, #tpu.memory_space<vmem>>
      tpu.wait_dma2 semaphore(%run_scoped3A : memref<!tpu.dma_semaphore, #tpu.memory_space<semaphore_mem>>) src(%dma_wait3A_117 : memref<128x64xf32, #tpu.memory_space<vmem>>) dst(%dma_wait3A_114 : memref<128x64xf32, #tpu.memory_space<vmem_shared>>)
      tpu.yield
    }) : () -> ()
    %add3A_8 = arith.constant 512 : i32
    %add3A_9 = arith.addi %mul3A_0, %add3A_8 : i32
    "tpu.region"() ({
      %run_scoped3A = tpu.sem_alloc : memref<!tpu.dma_semaphore, #tpu.memory_space<semaphore_mem>>
      %dma_start3A_98 = arith.constant 0 : i32
      %dma_start3A_99 = arith.constant 0 : i32
      %dma_start3A_100 = tpu.memref_slice %arg11[%dma_start3A_98, %dma_start3A_99] : memref<1024x64xf32, #tpu.memory_space<vmem>> -> memref<120x64xf32, #tpu.memory_space<vmem>>
      %dma_start3A_101 = arith.constant 0 : i32
      %dma_start3A_102 = tpu.memref_slice %arg14[%add3A_9, %dma_start3A_101] : memref<10112x64xf32, #tpu.memory_space<vmem_shared>> -> memref<120x64xf32, #tpu.memory_space<vmem_shared>>
      %dma_start3A_103 = arith.constant 0 : i32
      %dma_start3A_104 = tpu.memref_slice %arg14[%add3A_9, %dma_start3A_103] : memref<10112x64xf32, #tpu.memory_space<vmem_shared>> -> memref<120x64xf32, #tpu.memory_space<vmem_shared>>
      %dma_start3A_105 = arith.constant 0 : i32
      %dma_start3A_106 = arith.constant 0 : i32
      %dma_start3A_107 = tpu.memref_slice %arg11[%dma_start3A_105, %dma_start3A_106] : memref<1024x64xf32, #tpu.memory_space<vmem>> -> memref<120x64xf32, #tpu.memory_space<vmem>>
      tpu.enqueue_dma source(%dma_start3A_107 : memref<120x64xf32, #tpu.memory_space<vmem>>) target(%dma_start3A_104 : memref<120x64xf32, #tpu.memory_space<vmem_shared>>) target_semaphore(%run_scoped3A : memref<!tpu.dma_semaphore, #tpu.memory_space<semaphore_mem>>)
      %dma_wait3A_108 = arith.constant 0 : i32
      %dma_wait3A_109 = arith.constant 0 : i32
      %dma_wait3A_110 = tpu.memref_slice %arg11[%dma_wait3A_108, %dma_wait3A_109] : memref<1024x64xf32, #tpu.memory_space<vmem>> -> memref<120x64xf32, #tpu.memory_space<vmem>>
      %dma_wait3A_111 = arith.constant 0 : i32
      %dma_wait3A_112 = tpu.memref_slice %arg14[%add3A_9, %dma_wait3A_111] : memref<10112x64xf32, #tpu.memory_space<vmem_shared>> -> memref<120x64xf32, #tpu.memory_space<vmem_shared>>
      %dma_wait3A_113 = arith.constant 0 : i32
      %dma_wait3A_114 = tpu.memref_slice %arg14[%add3A_9, %dma_wait3A_113] : memref<10112x64xf32, #tpu.memory_space<vmem_shared>> -> memref<120x64xf32, #tpu.memory_space<vmem_shared>>
      %dma_wait3A_115 = arith.constant 0 : i32
      %dma_wait3A_116 = arith.constant 0 : i32
      %dma_wait3A_117 = tpu.memref_slice %arg11[%dma_wait3A_115, %dma_wait3A_116] : memref<1024x64xf32, #tpu.memory_space<vmem>> -> memref<120x64xf32, #tpu.memory_space<vmem>>
      tpu.wait_dma2 semaphore(%run_scoped3A : memref<!tpu.dma_semaphore, #tpu.memory_space<semaphore_mem>>) src(%dma_wait3A_117 : memref<120x64xf32, #tpu.memory_space<vmem>>) dst(%dma_wait3A_114 : memref<120x64xf32, #tpu.memory_space<vmem_shared>>)
      tpu.yield
    }) : () -> ()
    %barrier3A = arith.constant 0 : index
    tpu.barrier barrier_id(%barrier3A)
    %mul3A_10 = arith.constant 40 : i32
    %mul3A_11 = arith.muli %arg1, %mul3A_10 : i32
    %add3A_12 = arith.constant 0 : i32
    %add3A_13 = arith.addi %mul3A_11, %add3A_12 : i32
    %mul3A_14 = arith.constant 512 : i32
    %mul3A_15 = arith.muli %add3A_13, %mul3A_14 : i32
    %mul3A_16 = arith.constant 327680 : i32
    %mul3A_17 = arith.muli %arg0, %mul3A_16 : i32
    %add3A_18 = arith.addi %mul3A_17, %mul3A_15 : i32
    %dma_start3A = arith.constant 0 : i32
    %dma_start3A_19 = tpu.memref_slice %arg9[%dma_start3A] : memref<2048xi32, #tpu.memory_space<vmem>> -> memref<512xi32, #tpu.memory_space<vmem>>
    %dma_start3A_20 = tpu.memref_slice %arg3[%add3A_18] : memref<655360xi32, #tpu.memory_space<hbm>> -> memref<512xi32, #tpu.memory_space<hbm>>
    %dma_start3A_21 = arith.constant 0 : i32
    %dma_start3A_22 = tpu.memref_slice %arg9[%dma_start3A_21] : memref<2048xi32, #tpu.memory_space<vmem>> -> memref<512xi32, #tpu.memory_space<vmem>>
    %dma_start3A_23 = tpu.memref_slice %arg3[%add3A_18] : memref<655360xi32, #tpu.memory_space<hbm>> -> memref<512xi32, #tpu.memory_space<hbm>>
    tpu.enqueue_dma source(%dma_start3A_23 : memref<512xi32, #tpu.memory_space<hbm>>) target(%dma_start3A_22 : memref<512xi32, #tpu.memory_space<vmem>>) target_semaphore(%arg16 : memref<!tpu.dma_semaphore, #tpu.memory_space<semaphore_mem>>)
    %dma_start3A_24 = arith.constant 0 : i32
    %dma_start3A_25 = tpu.memref_slice %arg10[%dma_start3A_24] : memref<2048xi32, #tpu.memory_space<vmem>> -> memref<512xi32, #tpu.memory_space<vmem>>
    %dma_start3A_26 = tpu.memref_slice %arg4[%mul3A_15] : memref<327680xi32, #tpu.memory_space<hbm>> -> memref<512xi32, #tpu.memory_space<hbm>>
    %dma_start3A_27 = arith.constant 0 : i32
    %dma_start3A_28 = tpu.memref_slice %arg10[%dma_start3A_27] : memref<2048xi32, #tpu.memory_space<vmem>> -> memref<512xi32, #tpu.memory_space<vmem>>
    %dma_start3A_29 = tpu.memref_slice %arg4[%mul3A_15] : memref<327680xi32, #tpu.memory_space<hbm>> -> memref<512xi32, #tpu.memory_space<hbm>>
    tpu.enqueue_dma source(%dma_start3A_29 : memref<512xi32, #tpu.memory_space<hbm>>) target(%dma_start3A_28 : memref<512xi32, #tpu.memory_space<vmem>>) target_semaphore(%arg16 : memref<!tpu.dma_semaphore, #tpu.memory_space<semaphore_mem>>)
    %scan3A = arith.constant 0 : i32
    %scan3A_30 = arith.constant 0 : i32
    %scan3A_31 = arith.constant 10 : i32
    %scan3A_32 = arith.addi %scan3A_30, %scan3A_31 : i32
    %scan3A_33 = arith.constant 1 : i32
    scf.for %scan3A_98 = %scan3A_30 to %scan3A_32 step %scan3A_33  : i32 {
      %mul3A_99 = arith.constant 4 : i32
      %mul3A_100 = arith.muli %mul3A_99, %scan3A_98 : i32
      %add3A_101 = arith.constant 0 : i32
      %add3A_102 = arith.addi %mul3A_100, %add3A_101 : i32
      %dma_wait3A_103 = arith.constant 0 : i32
      %dma_wait3A_104 = tpu.memref_slice %arg9[%dma_wait3A_103] : memref<2048xi32, #tpu.memory_space<vmem>> -> memref<512xi32, #tpu.memory_space<vmem>>
      %dma_wait3A_105 = arith.constant 0 : i32
      %dma_wait3A_106 = tpu.memref_slice %arg3[%dma_wait3A_105] : memref<655360xi32, #tpu.memory_space<hbm>> -> memref<512xi32, #tpu.memory_space<hbm>>
      %dma_wait3A_107 = arith.constant 0 : i32
      %dma_wait3A_108 = tpu.memref_slice %arg9[%dma_wait3A_107] : memref<2048xi32, #tpu.memory_space<vmem>> -> memref<512xi32, #tpu.memory_space<vmem>>
      %dma_wait3A_109 = arith.constant 0 : i32
      %dma_wait3A_110 = tpu.memref_slice %arg3[%dma_wait3A_109] : memref<655360xi32, #tpu.memory_space<hbm>> -> memref<512xi32, #tpu.memory_space<hbm>>
      tpu.wait_dma2 semaphore(%arg16 : memref<!tpu.dma_semaphore, #tpu.memory_space<semaphore_mem>>) src(%dma_wait3A_110 : memref<512xi32, #tpu.memory_space<hbm>>) dst(%dma_wait3A_108 : memref<512xi32, #tpu.memory_space<vmem>>)
      %dma_wait3A_111 = arith.constant 0 : i32
      %dma_wait3A_112 = tpu.memref_slice %arg10[%dma_wait3A_111] : memref<2048xi32, #tpu.memory_space<vmem>> -> memref<512xi32, #tpu.memory_space<vmem>>
      %dma_wait3A_113 = arith.constant 0 : i32
      %dma_wait3A_114 = tpu.memref_slice %arg4[%dma_wait3A_113] : memref<327680xi32, #tpu.memory_space<hbm>> -> memref<512xi32, #tpu.memory_space<hbm>>
      %dma_wait3A_115 = arith.constant 0 : i32
      %dma_wait3A_116 = tpu.memref_slice %arg10[%dma_wait3A_115] : memref<2048xi32, #tpu.memory_space<vmem>> -> memref<512xi32, #tpu.memory_space<vmem>>
      %dma_wait3A_117 = arith.constant 0 : i32
      %dma_wait3A_118 = tpu.memref_slice %arg4[%dma_wait3A_117] : memref<327680xi32, #tpu.memory_space<hbm>> -> memref<512xi32, #tpu.memory_space<hbm>>
      tpu.wait_dma2 semaphore(%arg16 : memref<!tpu.dma_semaphore, #tpu.memory_space<semaphore_mem>>) src(%dma_wait3A_118 : memref<512xi32, #tpu.memory_space<hbm>>) dst(%dma_wait3A_116 : memref<512xi32, #tpu.memory_space<vmem>>)
      %add3A_119 = arith.constant 1 : i32
      %add3A_120 = arith.addi %add3A_102, %add3A_119 : i32
      %min3A = arith.constant 39 : i32
      %min3A_121 = arith.minsi %add3A_120, %min3A : i32
      %mul3A_122 = arith.constant 40 : i32
      %mul3A_123 = arith.muli %arg1, %mul3A_122 : i32
      %add3A_124 = arith.addi %mul3A_123, %min3A_121 : i32
      %mul3A_125 = arith.constant 512 : i32
      %mul3A_126 = arith.muli %add3A_124, %mul3A_125 : i32
      %mul3A_127 = arith.constant 327680 : i32
      %mul3A_128 = arith.muli %arg0, %mul3A_127 : i32
      %add3A_129 = arith.addi %mul3A_128, %mul3A_126 : i32
      %dma_start3A_130 = arith.constant 512 : i32
      %dma_start3A_131 = tpu.memref_slice %arg9[%dma_start3A_130] : memref<2048xi32, #tpu.memory_space<vmem>> -> memref<512xi32, #tpu.memory_space<vmem>>
      %dma_start3A_132 = tpu.memref_slice %arg3[%add3A_129] : memref<655360xi32, #tpu.memory_space<hbm>> -> memref<512xi32, #tpu.memory_space<hbm>>
      %dma_start3A_133 = arith.constant 512 : i32
      %dma_start3A_134 = tpu.memref_slice %arg9[%dma_start3A_133] : memref<2048xi32, #tpu.memory_space<vmem>> -> memref<512xi32, #tpu.memory_space<vmem>>
      %dma_start3A_135 = tpu.memref_slice %arg3[%add3A_129] : memref<655360xi32, #tpu.memory_space<hbm>> -> memref<512xi32, #tpu.memory_space<hbm>>
      tpu.enqueue_dma source(%dma_start3A_135 : memref<512xi32, #tpu.memory_space<hbm>>) target(%dma_start3A_134 : memref<512xi32, #tpu.memory_space<vmem>>) target_semaphore(%arg16 : memref<!tpu.dma_semaphore, #tpu.memory_space<semaphore_mem>>)
      %dma_start3A_136 = arith.constant 512 : i32
      %dma_start3A_137 = tpu.memref_slice %arg10[%dma_start3A_136] : memref<2048xi32, #tpu.memory_space<vmem>> -> memref<512xi32, #tpu.memory_space<vmem>>
      %dma_start3A_138 = tpu.memref_slice %arg4[%mul3A_126] : memref<327680xi32, #tpu.memory_space<hbm>> -> memref<512xi32, #tpu.memory_space<hbm>>
      %dma_start3A_139 = arith.constant 512 : i32
      %dma_start3A_140 = tpu.memref_slice %arg10[%dma_start3A_139] : memref<2048xi32, #tpu.memory_space<vmem>> -> memref<512xi32, #tpu.memory_space<vmem>>
      %dma_start3A_141 = tpu.memref_slice %arg4[%mul3A_126] : memref<327680xi32, #tpu.memory_space<hbm>> -> memref<512xi32, #tpu.memory_space<hbm>>
      tpu.enqueue_dma source(%dma_start3A_141 : memref<512xi32, #tpu.memory_space<hbm>>) target(%dma_start3A_140 : memref<512xi32, #tpu.memory_space<vmem>>) target_semaphore(%arg16 : memref<!tpu.dma_semaphore, #tpu.memory_space<semaphore_mem>>)
      %ge3A = arith.constant 1 : i32
      %ge3A_142 = arith.cmpi sge, %scan3A_98, %ge3A : i32
      %convert_element_type3A = arith.extui %ge3A_142 : i1 to i32
      %cond3A = arith.constant 0 : i32
      %cond3A_143 = arith.cmpi ne, %convert_element_type3A, %cond3A : i32
      scf.if %cond3A_143 {
        %dma_wait3A_401 = arith.constant 0 : i32
        %dma_wait3A_402 = arith.constant 0 : i32
        %dma_wait3A_403 = tpu.memref_slice %arg11[%dma_wait3A_401, %dma_wait3A_402] : memref<1024x64xf32, #tpu.memory_space<vmem>> -> memref<512x64xf32, #tpu.memory_space<vmem>>
        %dma_wait3A_404 = arith.constant 0 : i32
        %dma_wait3A_405 = arith.constant 0 : i32
        %dma_wait3A_406 = tpu.memref_slice %arg14[%dma_wait3A_404, %dma_wait3A_405] : memref<10112x64xf32, #tpu.memory_space<vmem_shared>> -> memref<512x64xf32, #tpu.memory_space<vmem_shared>>
        %dma_wait3A_407 = arith.constant 0 : i32
        %dma_wait3A_408 = arith.constant 0 : i32
        %dma_wait3A_409 = tpu.memref_slice %arg14[%dma_wait3A_407, %dma_wait3A_408] : memref<10112x64xf32, #tpu.memory_space<vmem_shared>> -> memref<512x64xf32, #tpu.memory_space<vmem_shared>>
        %dma_wait3A_410 = arith.constant 0 : i32
        %dma_wait3A_411 = arith.constant 0 : i32
        %dma_wait3A_412 = tpu.memref_slice %arg11[%dma_wait3A_410, %dma_wait3A_411] : memref<1024x64xf32, #tpu.memory_space<vmem>> -> memref<512x64xf32, #tpu.memory_space<vmem>>
        tpu.wait_dma2 semaphore(%arg18 : memref<!tpu.dma_semaphore, #tpu.memory_space<semaphore_mem>>) src(%dma_wait3A_412 : memref<512x64xf32, #tpu.memory_space<vmem>>) dst(%dma_wait3A_409 : memref<512x64xf32, #tpu.memory_space<vmem_shared>>)
      } else {
      }
      %dma_start3A_144 = arith.constant 0 : i32
      %dma_start3A_145 = arith.constant 0 : i32
      %dma_start3A_146 = tpu.memref_slice %arg11[%dma_start3A_144, %dma_start3A_145] : memref<1024x64xf32, #tpu.memory_space<vmem>> -> memref<512x64xf32, #tpu.memory_space<vmem>>
      %dma_start3A_147 = arith.constant 0 : i32
      %dma_start3A_148 = tpu.memref_slice %arg9[%dma_start3A_147] : memref<2048xi32, #tpu.memory_space<vmem>> -> memref<512xi32, #tpu.memory_space<vmem>>
      %dma_start3A_149 = arith.constant 0 : i32
      %dma_start3A_150 = arith.constant 0 : i32
      %dma_start3A_151 = tpu.memref_slice %arg2[%dma_start3A_149, %dma_start3A_150] : memref<20224x64xf32, #tpu.memory_space<hbm>> -> memref<20224x64xf32, #tpu.memory_space<hbm>>
      tpu.enqueue_indirect_dma source(%dma_start3A_151 : memref<20224x64xf32, #tpu.memory_space<hbm>>) target(%dma_start3A_146 : memref<512x64xf32, #tpu.memory_space<vmem>>) offsets(%dma_start3A_148 : memref<512xi32, #tpu.memory_space<vmem>>) semaphore(%arg17 : memref<!tpu.dma_semaphore, #tpu.memory_space<semaphore_mem>>)
      %dma_wait3A_152 = arith.constant 0 : i32
      %dma_wait3A_153 = arith.constant 0 : i32
      %dma_wait3A_154 = tpu.memref_slice %arg11[%dma_wait3A_152, %dma_wait3A_153] : memref<1024x64xf32, #tpu.memory_space<vmem>> -> memref<512x64xf32, #tpu.memory_space<vmem>>
      %dma_wait3A_155 = arith.constant 0 : i32
      %dma_wait3A_156 = tpu.memref_slice %arg9[%dma_wait3A_155] : memref<2048xi32, #tpu.memory_space<vmem>> -> memref<512xi32, #tpu.memory_space<vmem>>
      %dma_wait3A_157 = arith.constant 0 : i32
      %dma_wait3A_158 = arith.constant 0 : i32
      %dma_wait3A_159 = tpu.memref_slice %arg2[%dma_wait3A_157, %dma_wait3A_158] : memref<20224x64xf32, #tpu.memory_space<hbm>> -> memref<20224x64xf32, #tpu.memory_space<hbm>>
      tpu.wait_indirect_dma semaphore(%arg17 : memref<!tpu.dma_semaphore, #tpu.memory_space<semaphore_mem>>) src(%dma_wait3A_159 : memref<20224x64xf32, #tpu.memory_space<hbm>>) dst(%dma_wait3A_154 : memref<512x64xf32, #tpu.memory_space<vmem>>)
      %dma_start3A_160 = arith.constant 0 : i32
      %dma_start3A_161 = arith.constant 0 : i32
      %dma_start3A_162 = tpu.memref_slice %arg11[%dma_start3A_160, %dma_start3A_161] : memref<1024x64xf32, #tpu.memory_space<vmem>> -> memref<512x64xf32, #tpu.memory_space<vmem>>
      %dma_start3A_163 = arith.constant 0 : i32
      %dma_start3A_164 = tpu.memref_slice %arg10[%dma_start3A_163] : memref<2048xi32, #tpu.memory_space<vmem>> -> memref<512xi32, #tpu.memory_space<vmem>>
      %dma_start3A_165 = arith.constant 0 : i32
      %dma_start3A_166 = arith.constant 0 : i32
      %dma_start3A_167 = tpu.memref_slice %arg14[%dma_start3A_165, %dma_start3A_166] : memref<10112x64xf32, #tpu.memory_space<vmem_shared>> -> memref<10112x64xf32, #tpu.memory_space<vmem_shared>>
      tpu.enqueue_indirect_dma source(%dma_start3A_162 : memref<512x64xf32, #tpu.memory_space<vmem>>) target(%dma_start3A_167 : memref<10112x64xf32, #tpu.memory_space<vmem_shared>>) offsets(%dma_start3A_164 : memref<512xi32, #tpu.memory_space<vmem>>) semaphore(%arg18 : memref<!tpu.dma_semaphore, #tpu.memory_space<semaphore_mem>>) {add = true}
      %mul3A_168 = arith.constant 4 : i32
      %mul3A_169 = arith.muli %mul3A_168, %scan3A_98 : i32
      %add3A_170 = arith.constant 1 : i32
      %add3A_171 = arith.addi %mul3A_169, %add3A_170 : i32
      %dma_wait3A_172 = arith.constant 512 : i32
      %dma_wait3A_173 = tpu.memref_slice %arg9[%dma_wait3A_172] : memref<2048xi32, #tpu.memory_space<vmem>> -> memref<512xi32, #tpu.memory_space<vmem>>
      %dma_wait3A_174 = arith.constant 0 : i32
      %dma_wait3A_175 = tpu.memref_slice %arg3[%dma_wait3A_174] : memref<655360xi32, #tpu.memory_space<hbm>> -> memref<512xi32, #tpu.memory_space<hbm>>
      %dma_wait3A_176 = arith.constant 512 : i32
      %dma_wait3A_177 = tpu.memref_slice %arg9[%dma_wait3A_176] : memref<2048xi32, #tpu.memory_space<vmem>> -> memref<512xi32, #tpu.memory_space<vmem>>
      %dma_wait3A_178 = arith.constant 0 : i32
      %dma_wait3A_179 = tpu.memref_slice %arg3[%dma_wait3A_178] : memref<655360xi32, #tpu.memory_space<hbm>> -> memref<512xi32, #tpu.memory_space<hbm>>
      tpu.wait_dma2 semaphore(%arg16 : memref<!tpu.dma_semaphore, #tpu.memory_space<semaphore_mem>>) src(%dma_wait3A_179 : memref<512xi32, #tpu.memory_space<hbm>>) dst(%dma_wait3A_177 : memref<512xi32, #tpu.memory_space<vmem>>)
      %dma_wait3A_180 = arith.constant 512 : i32
      %dma_wait3A_181 = tpu.memref_slice %arg10[%dma_wait3A_180] : memref<2048xi32, #tpu.memory_space<vmem>> -> memref<512xi32, #tpu.memory_space<vmem>>
      %dma_wait3A_182 = arith.constant 0 : i32
      %dma_wait3A_183 = tpu.memref_slice %arg4[%dma_wait3A_182] : memref<327680xi32, #tpu.memory_space<hbm>> -> memref<512xi32, #tpu.memory_space<hbm>>
      %dma_wait3A_184 = arith.constant 512 : i32
      %dma_wait3A_185 = tpu.memref_slice %arg10[%dma_wait3A_184] : memref<2048xi32, #tpu.memory_space<vmem>> -> memref<512xi32, #tpu.memory_space<vmem>>
      %dma_wait3A_186 = arith.constant 0 : i32
      %dma_wait3A_187 = tpu.memref_slice %arg4[%dma_wait3A_186] : memref<327680xi32, #tpu.memory_space<hbm>> -> memref<512xi32, #tpu.memory_space<hbm>>
      tpu.wait_dma2 semaphore(%arg16 : memref<!tpu.dma_semaphore, #tpu.memory_space<semaphore_mem>>) src(%dma_wait3A_187 : memref<512xi32, #tpu.memory_space<hbm>>) dst(%dma_wait3A_185 : memref<512xi32, #tpu.memory_space<vmem>>)
      %add3A_188 = arith.constant 1 : i32
      %add3A_189 = arith.addi %add3A_171, %add3A_188 : i32
      %min3A_190 = arith.constant 39 : i32
      %min3A_191 = arith.minsi %add3A_189, %min3A_190 : i32
      %mul3A_192 = arith.constant 40 : i32
      %mul3A_193 = arith.muli %arg1, %mul3A_192 : i32
      %add3A_194 = arith.addi %mul3A_193, %min3A_191 : i32
      %mul3A_195 = arith.constant 512 : i32
      %mul3A_196 = arith.muli %add3A_194, %mul3A_195 : i32
      %mul3A_197 = arith.constant 327680 : i32
      %mul3A_198 = arith.muli %arg0, %mul3A_197 : i32
      %add3A_199 = arith.addi %mul3A_198, %mul3A_196 : i32
      %dma_start3A_200 = arith.constant 1024 : i32
      %dma_start3A_201 = tpu.memref_slice %arg9[%dma_start3A_200] : memref<2048xi32, #tpu.memory_space<vmem>> -> memref<512xi32, #tpu.memory_space<vmem>>
      %dma_start3A_202 = tpu.memref_slice %arg3[%add3A_199] : memref<655360xi32, #tpu.memory_space<hbm>> -> memref<512xi32, #tpu.memory_space<hbm>>
      %dma_start3A_203 = arith.constant 1024 : i32
      %dma_start3A_204 = tpu.memref_slice %arg9[%dma_start3A_203] : memref<2048xi32, #tpu.memory_space<vmem>> -> memref<512xi32, #tpu.memory_space<vmem>>
      %dma_start3A_205 = tpu.memref_slice %arg3[%add3A_199] : memref<655360xi32, #tpu.memory_space<hbm>> -> memref<512xi32, #tpu.memory_space<hbm>>
      tpu.enqueue_dma source(%dma_start3A_205 : memref<512xi32, #tpu.memory_space<hbm>>) target(%dma_start3A_204 : memref<512xi32, #tpu.memory_space<vmem>>) target_semaphore(%arg16 : memref<!tpu.dma_semaphore, #tpu.memory_space<semaphore_mem>>)
      %dma_start3A_206 = arith.constant 1024 : i32
      %dma_start3A_207 = tpu.memref_slice %arg10[%dma_start3A_206] : memref<2048xi32, #tpu.memory_space<vmem>> -> memref<512xi32, #tpu.memory_space<vmem>>
      %dma_start3A_208 = tpu.memref_slice %arg4[%mul3A_196] : memref<327680xi32, #tpu.memory_space<hbm>> -> memref<512xi32, #tpu.memory_space<hbm>>
      %dma_start3A_209 = arith.constant 1024 : i32
      %dma_start3A_210 = tpu.memref_slice %arg10[%dma_start3A_209] : memref<2048xi32, #tpu.memory_space<vmem>> -> memref<512xi32, #tpu.memory_space<vmem>>
      %dma_start3A_211 = tpu.memref_slice %arg4[%mul3A_196] : memref<327680xi32, #tpu.memory_space<hbm>> -> memref<512xi32, #tpu.memory_space<hbm>>
      tpu.enqueue_dma source(%dma_start3A_211 : memref<512xi32, #tpu.memory_space<hbm>>) target(%dma_start3A_210 : memref<512xi32, #tpu.memory_space<vmem>>) target_semaphore(%arg16 : memref<!tpu.dma_semaphore, #tpu.memory_space<semaphore_mem>>)
      %ge3A_212 = arith.constant 1 : i32
      %ge3A_213 = arith.cmpi sge, %scan3A_98, %ge3A_212 : i32
      %convert_element_type3A_214 = arith.extui %ge3A_213 : i1 to i32
      %cond3A_215 = arith.constant 0 : i32
      %cond3A_216 = arith.cmpi ne, %convert_element_type3A_214, %cond3A_215 : i32
      scf.if %cond3A_216 {
        %dma_wait3A_401 = arith.constant 512 : i32
        %dma_wait3A_402 = arith.constant 0 : i32
        %dma_wait3A_403 = tpu.memref_slice %arg11[%dma_wait3A_401, %dma_wait3A_402] : memref<1024x64xf32, #tpu.memory_space<vmem>> -> memref<512x64xf32, #tpu.memory_space<vmem>>
        %dma_wait3A_404 = arith.constant 0 : i32
        %dma_wait3A_405 = arith.constant 0 : i32
        %dma_wait3A_406 = tpu.memref_slice %arg14[%dma_wait3A_404, %dma_wait3A_405] : memref<10112x64xf32, #tpu.memory_space<vmem_shared>> -> memref<512x64xf32, #tpu.memory_space<vmem_shared>>
        %dma_wait3A_407 = arith.constant 0 : i32
        %dma_wait3A_408 = arith.constant 0 : i32
        %dma_wait3A_409 = tpu.memref_slice %arg14[%dma_wait3A_407, %dma_wait3A_408] : memref<10112x64xf32, #tpu.memory_space<vmem_shared>> -> memref<512x64xf32, #tpu.memory_space<vmem_shared>>
        %dma_wait3A_410 = arith.constant 512 : i32
        %dma_wait3A_411 = arith.constant 0 : i32
        %dma_wait3A_412 = tpu.memref_slice %arg11[%dma_wait3A_410, %dma_wait3A_411] : memref<1024x64xf32, #tpu.memory_space<vmem>> -> memref<512x64xf32, #tpu.memory_space<vmem>>
        tpu.wait_dma2 semaphore(%arg19 : memref<!tpu.dma_semaphore, #tpu.memory_space<semaphore_mem>>) src(%dma_wait3A_412 : memref<512x64xf32, #tpu.memory_space<vmem>>) dst(%dma_wait3A_409 : memref<512x64xf32, #tpu.memory_space<vmem_shared>>)
      } else {
      }
      %dma_start3A_217 = arith.constant 512 : i32
      %dma_start3A_218 = arith.constant 0 : i32
      %dma_start3A_219 = tpu.memref_slice %arg11[%dma_start3A_217, %dma_start3A_218] : memref<1024x64xf32, #tpu.memory_space<vmem>> -> memref<512x64xf32, #tpu.memory_space<vmem>>
      %dma_start3A_220 = arith.constant 512 : i32
      %dma_start3A_221 = tpu.memref_slice %arg9[%dma_start3A_220] : memref<2048xi32, #tpu.memory_space<vmem>> -> memref<512xi32, #tpu.memory_space<vmem>>
      %dma_start3A_222 = arith.constant 0 : i32
      %dma_start3A_223 = arith.constant 0 : i32
      %dma_start3A_224 = tpu.memref_slice %arg2[%dma_start3A_222, %dma_start3A_223] : memref<20224x64xf32, #tpu.memory_space<hbm>> -> memref<20224x64xf32, #tpu.memory_space<hbm>>
      tpu.enqueue_indirect_dma source(%dma_start3A_224 : memref<20224x64xf32, #tpu.memory_space<hbm>>) target(%dma_start3A_219 : memref<512x64xf32, #tpu.memory_space<vmem>>) offsets(%dma_start3A_221 : memref<512xi32, #tpu.memory_space<vmem>>) semaphore(%arg17 : memref<!tpu.dma_semaphore, #tpu.memory_space<semaphore_mem>>)
      %dma_wait3A_225 = arith.constant 512 : i32
      %dma_wait3A_226 = arith.constant 0 : i32
      %dma_wait3A_227 = tpu.memref_slice %arg11[%dma_wait3A_225, %dma_wait3A_226] : memref<1024x64xf32, #tpu.memory_space<vmem>> -> memref<512x64xf32, #tpu.memory_space<vmem>>
      %dma_wait3A_228 = arith.constant 512 : i32
      %dma_wait3A_229 = tpu.memref_slice %arg9[%dma_wait3A_228] : memref<2048xi32, #tpu.memory_space<vmem>> -> memref<512xi32, #tpu.memory_space<vmem>>
      %dma_wait3A_230 = arith.constant 0 : i32
      %dma_wait3A_231 = arith.constant 0 : i32
      %dma_wait3A_232 = tpu.memref_slice %arg2[%dma_wait3A_230, %dma_wait3A_231] : memref<20224x64xf32, #tpu.memory_space<hbm>> -> memref<20224x64xf32, #tpu.memory_space<hbm>>
      tpu.wait_indirect_dma semaphore(%arg17 : memref<!tpu.dma_semaphore, #tpu.memory_space<semaphore_mem>>) src(%dma_wait3A_232 : memref<20224x64xf32, #tpu.memory_space<hbm>>) dst(%dma_wait3A_227 : memref<512x64xf32, #tpu.memory_space<vmem>>)
      %dma_start3A_233 = arith.constant 512 : i32
      %dma_start3A_234 = arith.constant 0 : i32
      %dma_start3A_235 = tpu.memref_slice %arg11[%dma_start3A_233, %dma_start3A_234] : memref<1024x64xf32, #tpu.memory_space<vmem>> -> memref<512x64xf32, #tpu.memory_space<vmem>>
      %dma_start3A_236 = arith.constant 512 : i32
      %dma_start3A_237 = tpu.memref_slice %arg10[%dma_start3A_236] : memref<2048xi32, #tpu.memory_space<vmem>> -> memref<512xi32, #tpu.memory_space<vmem>>
      %dma_start3A_238 = arith.constant 0 : i32
      %dma_start3A_239 = arith.constant 0 : i32
      %dma_start3A_240 = tpu.memref_slice %arg14[%dma_start3A_238, %dma_start3A_239] : memref<10112x64xf32, #tpu.memory_space<vmem_shared>> -> memref<10112x64xf32, #tpu.memory_space<vmem_shared>>
      tpu.enqueue_indirect_dma source(%dma_start3A_235 : memref<512x64xf32, #tpu.memory_space<vmem>>) target(%dma_start3A_240 : memref<10112x64xf32, #tpu.memory_space<vmem_shared>>) offsets(%dma_start3A_237 : memref<512xi32, #tpu.memory_space<vmem>>) semaphore(%arg19 : memref<!tpu.dma_semaphore, #tpu.memory_space<semaphore_mem>>) {add = true}
      %mul3A_241 = arith.constant 4 : i32
      %mul3A_242 = arith.muli %mul3A_241, %scan3A_98 : i32
      %add3A_243 = arith.constant 2 : i32
      %add3A_244 = arith.addi %mul3A_242, %add3A_243 : i32
      %dma_wait3A_245 = arith.constant 1024 : i32
      %dma_wait3A_246 = tpu.memref_slice %arg9[%dma_wait3A_245] : memref<2048xi32, #tpu.memory_space<vmem>> -> memref<512xi32, #tpu.memory_space<vmem>>
      %dma_wait3A_247 = arith.constant 0 : i32
      %dma_wait3A_248 = tpu.memref_slice %arg3[%dma_wait3A_247] : memref<655360xi32, #tpu.memory_space<hbm>> -> memref<512xi32, #tpu.memory_space<hbm>>
      %dma_wait3A_249 = arith.constant 1024 : i32
      %dma_wait3A_250 = tpu.memref_slice %arg9[%dma_wait3A_249] : memref<2048xi32, #tpu.memory_space<vmem>> -> memref<512xi32, #tpu.memory_space<vmem>>
      %dma_wait3A_251 = arith.constant 0 : i32
      %dma_wait3A_252 = tpu.memref_slice %arg3[%dma_wait3A_251] : memref<655360xi32, #tpu.memory_space<hbm>> -> memref<512xi32, #tpu.memory_space<hbm>>
      tpu.wait_dma2 semaphore(%arg16 : memref<!tpu.dma_semaphore, #tpu.memory_space<semaphore_mem>>) src(%dma_wait3A_252 : memref<512xi32, #tpu.memory_space<hbm>>) dst(%dma_wait3A_250 : memref<512xi32, #tpu.memory_space<vmem>>)
      %dma_wait3A_253 = arith.constant 1024 : i32
      %dma_wait3A_254 = tpu.memref_slice %arg10[%dma_wait3A_253] : memref<2048xi32, #tpu.memory_space<vmem>> -> memref<512xi32, #tpu.memory_space<vmem>>
      %dma_wait3A_255 = arith.constant 0 : i32
      %dma_wait3A_256 = tpu.memref_slice %arg4[%dma_wait3A_255] : memref<327680xi32, #tpu.memory_space<hbm>> -> memref<512xi32, #tpu.memory_space<hbm>>
      %dma_wait3A_257 = arith.constant 1024 : i32
      %dma_wait3A_258 = tpu.memref_slice %arg10[%dma_wait3A_257] : memref<2048xi32, #tpu.memory_space<vmem>> -> memref<512xi32, #tpu.memory_space<vmem>>
      %dma_wait3A_259 = arith.constant 0 : i32
      %dma_wait3A_260 = tpu.memref_slice %arg4[%dma_wait3A_259] : memref<327680xi32, #tpu.memory_space<hbm>> -> memref<512xi32, #tpu.memory_space<hbm>>
      tpu.wait_dma2 semaphore(%arg16 : memref<!tpu.dma_semaphore, #tpu.memory_space<semaphore_mem>>) src(%dma_wait3A_260 : memref<512xi32, #tpu.memory_space<hbm>>) dst(%dma_wait3A_258 : memref<512xi32, #tpu.memory_space<vmem>>)
      %add3A_261 = arith.constant 1 : i32
      %add3A_262 = arith.addi %add3A_244, %add3A_261 : i32
      %min3A_263 = arith.constant 39 : i32
      %min3A_264 = arith.minsi %add3A_262, %min3A_263 : i32
      %mul3A_265 = arith.constant 40 : i32
      %mul3A_266 = arith.muli %arg1, %mul3A_265 : i32
      %add3A_267 = arith.addi %mul3A_266, %min3A_264 : i32
      %mul3A_268 = arith.constant 512 : i32
      %mul3A_269 = arith.muli %add3A_267, %mul3A_268 : i32
      %mul3A_270 = arith.constant 327680 : i32
      %mul3A_271 = arith.muli %arg0, %mul3A_270 : i32
      %add3A_272 = arith.addi %mul3A_271, %mul3A_269 : i32
      %dma_start3A_273 = arith.constant 1536 : i32
      %dma_start3A_274 = tpu.memref_slice %arg9[%dma_start3A_273] : memref<2048xi32, #tpu.memory_space<vmem>> -> memref<512xi32, #tpu.memory_space<vmem>>
      %dma_start3A_275 = tpu.memref_slice %arg3[%add3A_272] : memref<655360xi32, #tpu.memory_space<hbm>> -> memref<512xi32, #tpu.memory_space<hbm>>
      %dma_start3A_276 = arith.constant 1536 : i32
      %dma_start3A_277 = tpu.memref_slice %arg9[%dma_start3A_276] : memref<2048xi32, #tpu.memory_space<vmem>> -> memref<512xi32, #tpu.memory_space<vmem>>
      %dma_start3A_278 = tpu.memref_slice %arg3[%add3A_272] : memref<655360xi32, #tpu.memory_space<hbm>> -> memref<512xi32, #tpu.memory_space<hbm>>
      tpu.enqueue_dma source(%dma_start3A_278 : memref<512xi32, #tpu.memory_space<hbm>>) target(%dma_start3A_277 : memref<512xi32, #tpu.memory_space<vmem>>) target_semaphore(%arg16 : memref<!tpu.dma_semaphore, #tpu.memory_space<semaphore_mem>>)
      %dma_start3A_279 = arith.constant 1536 : i32
      %dma_start3A_280 = tpu.memref_slice %arg10[%dma_start3A_279] : memref<2048xi32, #tpu.memory_space<vmem>> -> memref<512xi32, #tpu.memory_space<vmem>>
      %dma_start3A_281 = tpu.memref_slice %arg4[%mul3A_269] : memref<327680xi32, #tpu.memory_space<hbm>> -> memref<512xi32, #tpu.memory_space<hbm>>
      %dma_start3A_282 = arith.constant 1536 : i32
      %dma_start3A_283 = tpu.memref_slice %arg10[%dma_start3A_282] : memref<2048xi32, #tpu.memory_space<vmem>> -> memref<512xi32, #tpu.memory_space<vmem>>
      %dma_start3A_284 = tpu.memref_slice %arg4[%mul3A_269] : memref<327680xi32, #tpu.memory_space<hbm>> -> memref<512xi32, #tpu.memory_space<hbm>>
      tpu.enqueue_dma source(%dma_start3A_284 : memref<512xi32, #tpu.memory_space<hbm>>) target(%dma_start3A_283 : memref<512xi32, #tpu.memory_space<vmem>>) target_semaphore(%arg16 : memref<!tpu.dma_semaphore, #tpu.memory_space<semaphore_mem>>)
      %dma_wait3A_285 = arith.constant 0 : i32
      %dma_wait3A_286 = arith.constant 0 : i32
      %dma_wait3A_287 = tpu.memref_slice %arg11[%dma_wait3A_285, %dma_wait3A_286] : memref<1024x64xf32, #tpu.memory_space<vmem>> -> memref<512x64xf32, #tpu.memory_space<vmem>>
      %dma_wait3A_288 = arith.constant 0 : i32
      %dma_wait3A_289 = arith.constant 0 : i32
      %dma_wait3A_290 = tpu.memref_slice %arg14[%dma_wait3A_288, %dma_wait3A_289] : memref<10112x64xf32, #tpu.memory_space<vmem_shared>> -> memref<512x64xf32, #tpu.memory_space<vmem_shared>>
      %dma_wait3A_291 = arith.constant 0 : i32
      %dma_wait3A_292 = arith.constant 0 : i32
      %dma_wait3A_293 = tpu.memref_slice %arg14[%dma_wait3A_291, %dma_wait3A_292] : memref<10112x64xf32, #tpu.memory_space<vmem_shared>> -> memref<512x64xf32, #tpu.memory_space<vmem_shared>>
      %dma_wait3A_294 = arith.constant 0 : i32
      %dma_wait3A_295 = arith.constant 0 : i32
      %dma_wait3A_296 = tpu.memref_slice %arg11[%dma_wait3A_294, %dma_wait3A_295] : memref<1024x64xf32, #tpu.memory_space<vmem>> -> memref<512x64xf32, #tpu.memory_space<vmem>>
      tpu.wait_dma2 semaphore(%arg18 : memref<!tpu.dma_semaphore, #tpu.memory_space<semaphore_mem>>) src(%dma_wait3A_296 : memref<512x64xf32, #tpu.memory_space<vmem>>) dst(%dma_wait3A_293 : memref<512x64xf32, #tpu.memory_space<vmem_shared>>)
      %dma_start3A_297 = arith.constant 0 : i32
      %dma_start3A_298 = arith.constant 0 : i32
      %dma_start3A_299 = tpu.memref_slice %arg11[%dma_start3A_297, %dma_start3A_298] : memref<1024x64xf32, #tpu.memory_space<vmem>> -> memref<512x64xf32, #tpu.memory_space<vmem>>
      %dma_start3A_300 = arith.constant 1024 : i32
      %dma_start3A_301 = tpu.memref_slice %arg9[%dma_start3A_300] : memref<2048xi32, #tpu.memory_space<vmem>> -> memref<512xi32, #tpu.memory_space<vmem>>
      %dma_start3A_302 = arith.constant 0 : i32
      %dma_start3A_303 = arith.constant 0 : i32
      %dma_start3A_304 = tpu.memref_slice %arg2[%dma_start3A_302, %dma_start3A_303] : memref<20224x64xf32, #tpu.memory_space<hbm>> -> memref<20224x64xf32, #tpu.memory_space<hbm>>
      tpu.enqueue_indirect_dma source(%dma_start3A_304 : memref<20224x64xf32, #tpu.memory_space<hbm>>) target(%dma_start3A_299 : memref<512x64xf32, #tpu.memory_space<vmem>>) offsets(%dma_start3A_301 : memref<512xi32, #tpu.memory_space<vmem>>) semaphore(%arg17 : memref<!tpu.dma_semaphore, #tpu.memory_space<semaphore_mem>>)
      %dma_wait3A_305 = arith.constant 0 : i32
      %dma_wait3A_306 = arith.constant 0 : i32
      %dma_wait3A_307 = tpu.memref_slice %arg11[%dma_wait3A_305, %dma_wait3A_306] : memref<1024x64xf32, #tpu.memory_space<vmem>> -> memref<512x64xf32, #tpu.memory_space<vmem>>
      %dma_wait3A_308 = arith.constant 1024 : i32
      %dma_wait3A_309 = tpu.memref_slice %arg9[%dma_wait3A_308] : memref<2048xi32, #tpu.memory_space<vmem>> -> memref<512xi32, #tpu.memory_space<vmem>>
      %dma_wait3A_310 = arith.constant 0 : i32
      %dma_wait3A_311 = arith.constant 0 : i32
      %dma_wait3A_312 = tpu.memref_slice %arg2[%dma_wait3A_310, %dma_wait3A_311] : memref<20224x64xf32, #tpu.memory_space<hbm>> -> memref<20224x64xf32, #tpu.memory_space<hbm>>
      tpu.wait_indirect_dma semaphore(%arg17 : memref<!tpu.dma_semaphore, #tpu.memory_space<semaphore_mem>>) src(%dma_wait3A_312 : memref<20224x64xf32, #tpu.memory_space<hbm>>) dst(%dma_wait3A_307 : memref<512x64xf32, #tpu.memory_space<vmem>>)
      %dma_start3A_313 = arith.constant 0 : i32
      %dma_start3A_314 = arith.constant 0 : i32
      %dma_start3A_315 = tpu.memref_slice %arg11[%dma_start3A_313, %dma_start3A_314] : memref<1024x64xf32, #tpu.memory_space<vmem>> -> memref<512x64xf32, #tpu.memory_space<vmem>>
      %dma_start3A_316 = arith.constant 1024 : i32
      %dma_start3A_317 = tpu.memref_slice %arg10[%dma_start3A_316] : memref<2048xi32, #tpu.memory_space<vmem>> -> memref<512xi32, #tpu.memory_space<vmem>>
      %dma_start3A_318 = arith.constant 0 : i32
      %dma_start3A_319 = arith.constant 0 : i32
      %dma_start3A_320 = tpu.memref_slice %arg14[%dma_start3A_318, %dma_start3A_319] : memref<10112x64xf32, #tpu.memory_space<vmem_shared>> -> memref<10112x64xf32, #tpu.memory_space<vmem_shared>>
      tpu.enqueue_indirect_dma source(%dma_start3A_315 : memref<512x64xf32, #tpu.memory_space<vmem>>) target(%dma_start3A_320 : memref<10112x64xf32, #tpu.memory_space<vmem_shared>>) offsets(%dma_start3A_317 : memref<512xi32, #tpu.memory_space<vmem>>) semaphore(%arg18 : memref<!tpu.dma_semaphore, #tpu.memory_space<semaphore_mem>>) {add = true}
      %mul3A_321 = arith.constant 4 : i32
      %mul3A_322 = arith.muli %mul3A_321, %scan3A_98 : i32
      %add3A_323 = arith.constant 3 : i32
      %add3A_324 = arith.addi %mul3A_322, %add3A_323 : i32
      %dma_wait3A_325 = arith.constant 1536 : i32
      %dma_wait3A_326 = tpu.memref_slice %arg9[%dma_wait3A_325] : memref<2048xi32, #tpu.memory_space<vmem>> -> memref<512xi32, #tpu.memory_space<vmem>>
      %dma_wait3A_327 = arith.constant 0 : i32
      %dma_wait3A_328 = tpu.memref_slice %arg3[%dma_wait3A_327] : memref<655360xi32, #tpu.memory_space<hbm>> -> memref<512xi32, #tpu.memory_space<hbm>>
      %dma_wait3A_329 = arith.constant 1536 : i32
      %dma_wait3A_330 = tpu.memref_slice %arg9[%dma_wait3A_329] : memref<2048xi32, #tpu.memory_space<vmem>> -> memref<512xi32, #tpu.memory_space<vmem>>
      %dma_wait3A_331 = arith.constant 0 : i32
      %dma_wait3A_332 = tpu.memref_slice %arg3[%dma_wait3A_331] : memref<655360xi32, #tpu.memory_space<hbm>> -> memref<512xi32, #tpu.memory_space<hbm>>
      tpu.wait_dma2 semaphore(%arg16 : memref<!tpu.dma_semaphore, #tpu.memory_space<semaphore_mem>>) src(%dma_wait3A_332 : memref<512xi32, #tpu.memory_space<hbm>>) dst(%dma_wait3A_330 : memref<512xi32, #tpu.memory_space<vmem>>)
      %dma_wait3A_333 = arith.constant 1536 : i32
      %dma_wait3A_334 = tpu.memref_slice %arg10[%dma_wait3A_333] : memref<2048xi32, #tpu.memory_space<vmem>> -> memref<512xi32, #tpu.memory_space<vmem>>
      %dma_wait3A_335 = arith.constant 0 : i32
      %dma_wait3A_336 = tpu.memref_slice %arg4[%dma_wait3A_335] : memref<327680xi32, #tpu.memory_space<hbm>> -> memref<512xi32, #tpu.memory_space<hbm>>
      %dma_wait3A_337 = arith.constant 1536 : i32
      %dma_wait3A_338 = tpu.memref_slice %arg10[%dma_wait3A_337] : memref<2048xi32, #tpu.memory_space<vmem>> -> memref<512xi32, #tpu.memory_space<vmem>>
      %dma_wait3A_339 = arith.constant 0 : i32
      %dma_wait3A_340 = tpu.memref_slice %arg4[%dma_wait3A_339] : memref<327680xi32, #tpu.memory_space<hbm>> -> memref<512xi32, #tpu.memory_space<hbm>>
      tpu.wait_dma2 semaphore(%arg16 : memref<!tpu.dma_semaphore, #tpu.memory_space<semaphore_mem>>) src(%dma_wait3A_340 : memref<512xi32, #tpu.memory_space<hbm>>) dst(%dma_wait3A_338 : memref<512xi32, #tpu.memory_space<vmem>>)
      %add3A_341 = arith.constant 1 : i32
      %add3A_342 = arith.addi %add3A_324, %add3A_341 : i32
      %min3A_343 = arith.constant 39 : i32
      %min3A_344 = arith.minsi %add3A_342, %min3A_343 : i32
      %mul3A_345 = arith.constant 40 : i32
      %mul3A_346 = arith.muli %arg1, %mul3A_345 : i32
      %add3A_347 = arith.addi %mul3A_346, %min3A_344 : i32
      %mul3A_348 = arith.constant 512 : i32
      %mul3A_349 = arith.muli %add3A_347, %mul3A_348 : i32
      %mul3A_350 = arith.constant 327680 : i32
      %mul3A_351 = arith.muli %arg0, %mul3A_350 : i32
      %add3A_352 = arith.addi %mul3A_351, %mul3A_349 : i32
      %dma_start3A_353 = arith.constant 0 : i32
      %dma_start3A_354 = tpu.memref_slice %arg9[%dma_start3A_353] : memref<2048xi32, #tpu.memory_space<vmem>> -> memref<512xi32, #tpu.memory_space<vmem>>
      %dma_start3A_355 = tpu.memref_slice %arg3[%add3A_352] : memref<655360xi32, #tpu.memory_space<hbm>> -> memref<512xi32, #tpu.memory_space<hbm>>
      %dma_start3A_356 = arith.constant 0 : i32
      %dma_start3A_357 = tpu.memref_slice %arg9[%dma_start3A_356] : memref<2048xi32, #tpu.memory_space<vmem>> -> memref<512xi32, #tpu.memory_space<vmem>>
      %dma_start3A_358 = tpu.memref_slice %arg3[%add3A_352] : memref<655360xi32, #tpu.memory_space<hbm>> -> memref<512xi32, #tpu.memory_space<hbm>>
      tpu.enqueue_dma source(%dma_start3A_358 : memref<512xi32, #tpu.memory_space<hbm>>) target(%dma_start3A_357 : memref<512xi32, #tpu.memory_space<vmem>>) target_semaphore(%arg16 : memref<!tpu.dma_semaphore, #tpu.memory_space<semaphore_mem>>)
      %dma_start3A_359 = arith.constant 0 : i32
      %dma_start3A_360 = tpu.memref_slice %arg10[%dma_start3A_359] : memref<2048xi32, #tpu.memory_space<vmem>> -> memref<512xi32, #tpu.memory_space<vmem>>
      %dma_start3A_361 = tpu.memref_slice %arg4[%mul3A_349] : memref<327680xi32, #tpu.memory_space<hbm>> -> memref<512xi32, #tpu.memory_space<hbm>>
      %dma_start3A_362 = arith.constant 0 : i32
      %dma_start3A_363 = tpu.memref_slice %arg10[%dma_start3A_362] : memref<2048xi32, #tpu.memory_space<vmem>> -> memref<512xi32, #tpu.memory_space<vmem>>
      %dma_start3A_364 = tpu.memref_slice %arg4[%mul3A_349] : memref<327680xi32, #tpu.memory_space<hbm>> -> memref<512xi32, #tpu.memory_space<hbm>>
      tpu.enqueue_dma source(%dma_start3A_364 : memref<512xi32, #tpu.memory_space<hbm>>) target(%dma_start3A_363 : memref<512xi32, #tpu.memory_space<vmem>>) target_semaphore(%arg16 : memref<!tpu.dma_semaphore, #tpu.memory_space<semaphore_mem>>)
      %dma_wait3A_365 = arith.constant 512 : i32
      %dma_wait3A_366 = arith.constant 0 : i32
      %dma_wait3A_367 = tpu.memref_slice %arg11[%dma_wait3A_365, %dma_wait3A_366] : memref<1024x64xf32, #tpu.memory_space<vmem>> -> memref<512x64xf32, #tpu.memory_space<vmem>>
      %dma_wait3A_368 = arith.constant 0 : i32
      %dma_wait3A_369 = arith.constant 0 : i32
      %dma_wait3A_370 = tpu.memref_slice %arg14[%dma_wait3A_368, %dma_wait3A_369] : memref<10112x64xf32, #tpu.memory_space<vmem_shared>> -> memref<512x64xf32, #tpu.memory_space<vmem_shared>>
      %dma_wait3A_371 = arith.constant 0 : i32
      %dma_wait3A_372 = arith.constant 0 : i32
      %dma_wait3A_373 = tpu.memref_slice %arg14[%dma_wait3A_371, %dma_wait3A_372] : memref<10112x64xf32, #tpu.memory_space<vmem_shared>> -> memref<512x64xf32, #tpu.memory_space<vmem_shared>>
      %dma_wait3A_374 = arith.constant 512 : i32
      %dma_wait3A_375 = arith.constant 0 : i32
      %dma_wait3A_376 = tpu.memref_slice %arg11[%dma_wait3A_374, %dma_wait3A_375] : memref<1024x64xf32, #tpu.memory_space<vmem>> -> memref<512x64xf32, #tpu.memory_space<vmem>>
      tpu.wait_dma2 semaphore(%arg19 : memref<!tpu.dma_semaphore, #tpu.memory_space<semaphore_mem>>) src(%dma_wait3A_376 : memref<512x64xf32, #tpu.memory_space<vmem>>) dst(%dma_wait3A_373 : memref<512x64xf32, #tpu.memory_space<vmem_shared>>)
      %dma_start3A_377 = arith.constant 512 : i32
      %dma_start3A_378 = arith.constant 0 : i32
      %dma_start3A_379 = tpu.memref_slice %arg11[%dma_start3A_377, %dma_start3A_378] : memref<1024x64xf32, #tpu.memory_space<vmem>> -> memref<512x64xf32, #tpu.memory_space<vmem>>
      %dma_start3A_380 = arith.constant 1536 : i32
      %dma_start3A_381 = tpu.memref_slice %arg9[%dma_start3A_380] : memref<2048xi32, #tpu.memory_space<vmem>> -> memref<512xi32, #tpu.memory_space<vmem>>
      %dma_start3A_382 = arith.constant 0 : i32
      %dma_start3A_383 = arith.constant 0 : i32
      %dma_start3A_384 = tpu.memref_slice %arg2[%dma_start3A_382, %dma_start3A_383] : memref<20224x64xf32, #tpu.memory_space<hbm>> -> memref<20224x64xf32, #tpu.memory_space<hbm>>
      tpu.enqueue_indirect_dma source(%dma_start3A_384 : memref<20224x64xf32, #tpu.memory_space<hbm>>) target(%dma_start3A_379 : memref<512x64xf32, #tpu.memory_space<vmem>>) offsets(%dma_start3A_381 : memref<512xi32, #tpu.memory_space<vmem>>) semaphore(%arg17 : memref<!tpu.dma_semaphore, #tpu.memory_space<semaphore_mem>>)
      %dma_wait3A_385 = arith.constant 512 : i32
      %dma_wait3A_386 = arith.constant 0 : i32
      %dma_wait3A_387 = tpu.memref_slice %arg11[%dma_wait3A_385, %dma_wait3A_386] : memref<1024x64xf32, #tpu.memory_space<vmem>> -> memref<512x64xf32, #tpu.memory_space<vmem>>
      %dma_wait3A_388 = arith.constant 1536 : i32
      %dma_wait3A_389 = tpu.memref_slice %arg9[%dma_wait3A_388] : memref<2048xi32, #tpu.memory_space<vmem>> -> memref<512xi32, #tpu.memory_space<vmem>>
      %dma_wait3A_390 = arith.constant 0 : i32
      %dma_wait3A_391 = arith.constant 0 : i32
      %dma_wait3A_392 = tpu.memref_slice %arg2[%dma_wait3A_390, %dma_wait3A_391] : memref<20224x64xf32, #tpu.memory_space<hbm>> -> memref<20224x64xf32, #tpu.memory_space<hbm>>
      tpu.wait_indirect_dma semaphore(%arg17 : memref<!tpu.dma_semaphore, #tpu.memory_space<semaphore_mem>>) src(%dma_wait3A_392 : memref<20224x64xf32, #tpu.memory_space<hbm>>) dst(%dma_wait3A_387 : memref<512x64xf32, #tpu.memory_space<vmem>>)
      %dma_start3A_393 = arith.constant 512 : i32
      %dma_start3A_394 = arith.constant 0 : i32
      %dma_start3A_395 = tpu.memref_slice %arg11[%dma_start3A_393, %dma_start3A_394] : memref<1024x64xf32, #tpu.memory_space<vmem>> -> memref<512x64xf32, #tpu.memory_space<vmem>>
      %dma_start3A_396 = arith.constant 1536 : i32
      %dma_start3A_397 = tpu.memref_slice %arg10[%dma_start3A_396] : memref<2048xi32, #tpu.memory_space<vmem>> -> memref<512xi32, #tpu.memory_space<vmem>>
      %dma_start3A_398 = arith.constant 0 : i32
      %dma_start3A_399 = arith.constant 0 : i32
      %dma_start3A_400 = tpu.memref_slice %arg14[%dma_start3A_398, %dma_start3A_399] : memref<10112x64xf32, #tpu.memory_space<vmem_shared>> -> memref<10112x64xf32, #tpu.memory_space<vmem_shared>>
      tpu.enqueue_indirect_dma source(%dma_start3A_395 : memref<512x64xf32, #tpu.memory_space<vmem>>) target(%dma_start3A_400 : memref<10112x64xf32, #tpu.memory_space<vmem_shared>>) offsets(%dma_start3A_397 : memref<512xi32, #tpu.memory_space<vmem>>) semaphore(%arg19 : memref<!tpu.dma_semaphore, #tpu.memory_space<semaphore_mem>>) {add = true}
    }
    %scan3A_34 = arith.constant 10 : i32
    %dma_wait3A = arith.constant 0 : i32
    %dma_wait3A_35 = arith.constant 0 : i32
    %dma_wait3A_36 = tpu.memref_slice %arg11[%dma_wait3A, %dma_wait3A_35] : memref<1024x64xf32, #tpu.memory_space<vmem>> -> memref<512x64xf32, #tpu.memory_space<vmem>>
    %dma_wait3A_37 = arith.constant 0 : i32
    %dma_wait3A_38 = arith.constant 0 : i32
    %dma_wait3A_39 = tpu.memref_slice %arg14[%dma_wait3A_37, %dma_wait3A_38] : memref<10112x64xf32, #tpu.memory_space<vmem_shared>> -> memref<512x64xf32, #tpu.memory_space<vmem_shared>>
    %dma_wait3A_40 = arith.constant 0 : i32
    %dma_wait3A_41 = arith.constant 0 : i32
    %dma_wait3A_42 = tpu.memref_slice %arg14[%dma_wait3A_40, %dma_wait3A_41] : memref<10112x64xf32, #tpu.memory_space<vmem_shared>> -> memref<512x64xf32, #tpu.memory_space<vmem_shared>>
    %dma_wait3A_43 = arith.constant 0 : i32
    %dma_wait3A_44 = arith.constant 0 : i32
    %dma_wait3A_45 = tpu.memref_slice %arg11[%dma_wait3A_43, %dma_wait3A_44] : memref<1024x64xf32, #tpu.memory_space<vmem>> -> memref<512x64xf32, #tpu.memory_space<vmem>>
    tpu.wait_dma2 semaphore(%arg18 : memref<!tpu.dma_semaphore, #tpu.memory_space<semaphore_mem>>) src(%dma_wait3A_45 : memref<512x64xf32, #tpu.memory_space<vmem>>) dst(%dma_wait3A_42 : memref<512x64xf32, #tpu.memory_space<vmem_shared>>)
    %dma_wait3A_46 = arith.constant 512 : i32
    %dma_wait3A_47 = arith.constant 0 : i32
    %dma_wait3A_48 = tpu.memref_slice %arg11[%dma_wait3A_46, %dma_wait3A_47] : memref<1024x64xf32, #tpu.memory_space<vmem>> -> memref<512x64xf32, #tpu.memory_space<vmem>>
    %dma_wait3A_49 = arith.constant 0 : i32
    %dma_wait3A_50 = arith.constant 0 : i32
    %dma_wait3A_51 = tpu.memref_slice %arg14[%dma_wait3A_49, %dma_wait3A_50] : memref<10112x64xf32, #tpu.memory_space<vmem_shared>> -> memref<512x64xf32, #tpu.memory_space<vmem_shared>>
    %dma_wait3A_52 = arith.constant 0 : i32
    %dma_wait3A_53 = arith.constant 0 : i32
    %dma_wait3A_54 = tpu.memref_slice %arg14[%dma_wait3A_52, %dma_wait3A_53] : memref<10112x64xf32, #tpu.memory_space<vmem_shared>> -> memref<512x64xf32, #tpu.memory_space<vmem_shared>>
    %dma_wait3A_55 = arith.constant 512 : i32
    %dma_wait3A_56 = arith.constant 0 : i32
    %dma_wait3A_57 = tpu.memref_slice %arg11[%dma_wait3A_55, %dma_wait3A_56] : memref<1024x64xf32, #tpu.memory_space<vmem>> -> memref<512x64xf32, #tpu.memory_space<vmem>>
    tpu.wait_dma2 semaphore(%arg19 : memref<!tpu.dma_semaphore, #tpu.memory_space<semaphore_mem>>) src(%dma_wait3A_57 : memref<512x64xf32, #tpu.memory_space<vmem>>) dst(%dma_wait3A_54 : memref<512x64xf32, #tpu.memory_space<vmem_shared>>)
    %dma_wait3A_58 = arith.constant 0 : i32
    %dma_wait3A_59 = tpu.memref_slice %arg9[%dma_wait3A_58] : memref<2048xi32, #tpu.memory_space<vmem>> -> memref<512xi32, #tpu.memory_space<vmem>>
    %dma_wait3A_60 = arith.constant 0 : i32
    %dma_wait3A_61 = tpu.memref_slice %arg3[%dma_wait3A_60] : memref<655360xi32, #tpu.memory_space<hbm>> -> memref<512xi32, #tpu.memory_space<hbm>>
    %dma_wait3A_62 = arith.constant 0 : i32
    %dma_wait3A_63 = tpu.memref_slice %arg9[%dma_wait3A_62] : memref<2048xi32, #tpu.memory_space<vmem>> -> memref<512xi32, #tpu.memory_space<vmem>>
    %dma_wait3A_64 = arith.constant 0 : i32
    %dma_wait3A_65 = tpu.memref_slice %arg3[%dma_wait3A_64] : memref<655360xi32, #tpu.memory_space<hbm>> -> memref<512xi32, #tpu.memory_space<hbm>>
    tpu.wait_dma2 semaphore(%arg16 : memref<!tpu.dma_semaphore, #tpu.memory_space<semaphore_mem>>) src(%dma_wait3A_65 : memref<512xi32, #tpu.memory_space<hbm>>) dst(%dma_wait3A_63 : memref<512xi32, #tpu.memory_space<vmem>>)
    %dma_wait3A_66 = arith.constant 0 : i32
    %dma_wait3A_67 = tpu.memref_slice %arg10[%dma_wait3A_66] : memref<2048xi32, #tpu.memory_space<vmem>> -> memref<512xi32, #tpu.memory_space<vmem>>
    %dma_wait3A_68 = arith.constant 0 : i32
    %dma_wait3A_69 = tpu.memref_slice %arg4[%dma_wait3A_68] : memref<327680xi32, #tpu.memory_space<hbm>> -> memref<512xi32, #tpu.memory_space<hbm>>
    %dma_wait3A_70 = arith.constant 0 : i32
    %dma_wait3A_71 = tpu.memref_slice %arg10[%dma_wait3A_70] : memref<2048xi32, #tpu.memory_space<vmem>> -> memref<512xi32, #tpu.memory_space<vmem>>
    %dma_wait3A_72 = arith.constant 0 : i32
    %dma_wait3A_73 = tpu.memref_slice %arg4[%dma_wait3A_72] : memref<327680xi32, #tpu.memory_space<hbm>> -> memref<512xi32, #tpu.memory_space<hbm>>
    tpu.wait_dma2 semaphore(%arg16 : memref<!tpu.dma_semaphore, #tpu.memory_space<semaphore_mem>>) src(%dma_wait3A_73 : memref<512xi32, #tpu.memory_space<hbm>>) dst(%dma_wait3A_71 : memref<512xi32, #tpu.memory_space<vmem>>)
    %barrier3A_74 = arith.constant 0 : index
    tpu.barrier barrier_id(%barrier3A_74)
    %mul3A_75 = arith.constant 10112 : i32
    %mul3A_76 = arith.muli %arg0, %mul3A_75 : i32
    %add3A_77 = arith.addi %mul3A_76, %mul3A_0 : i32
    %add3A_78 = arith.constant 0 : i32
    %add3A_79 = arith.addi %mul3A_0, %add3A_78 : i32
    "tpu.region"() ({
      %run_scoped3A = tpu.sem_alloc : memref<!tpu.dma_semaphore, #tpu.memory_space<semaphore_mem>>
      %dma_start3A_98 = arith.constant 0 : i32
      %dma_start3A_99 = arith.constant 0 : i32
      %dma_start3A_100 = tpu.memref_slice %arg11[%dma_start3A_98, %dma_start3A_99] : memref<1024x64xf32, #tpu.memory_space<vmem>> -> memref<128x64xf32, #tpu.memory_space<vmem>>
      %dma_start3A_101 = arith.constant 0 : i32
      %dma_start3A_102 = tpu.memref_slice %arg14[%add3A_79, %dma_start3A_101] : memref<10112x64xf32, #tpu.memory_space<vmem_shared>> -> memref<128x64xf32, #tpu.memory_space<vmem_shared>>
      %dma_start3A_103 = arith.constant 0 : i32
      %dma_start3A_104 = arith.constant 0 : i32
      %dma_start3A_105 = tpu.memref_slice %arg11[%dma_start3A_103, %dma_start3A_104] : memref<1024x64xf32, #tpu.memory_space<vmem>> -> memref<128x64xf32, #tpu.memory_space<vmem>>
      %dma_start3A_106 = arith.constant 0 : i32
      %dma_start3A_107 = tpu.memref_slice %arg14[%add3A_79, %dma_start3A_106] : memref<10112x64xf32, #tpu.memory_space<vmem_shared>> -> memref<128x64xf32, #tpu.memory_space<vmem_shared>>
      tpu.enqueue_dma source(%dma_start3A_107 : memref<128x64xf32, #tpu.memory_space<vmem_shared>>) target(%dma_start3A_105 : memref<128x64xf32, #tpu.memory_space<vmem>>) target_semaphore(%run_scoped3A : memref<!tpu.dma_semaphore, #tpu.memory_space<semaphore_mem>>)
      %dma_wait3A_108 = arith.constant 0 : i32
      %dma_wait3A_109 = arith.constant 0 : i32
      %dma_wait3A_110 = tpu.memref_slice %arg11[%dma_wait3A_108, %dma_wait3A_109] : memref<1024x64xf32, #tpu.memory_space<vmem>> -> memref<128x64xf32, #tpu.memory_space<vmem>>
      %dma_wait3A_111 = arith.constant 0 : i32
      %dma_wait3A_112 = tpu.memref_slice %arg14[%add3A_79, %dma_wait3A_111] : memref<10112x64xf32, #tpu.memory_space<vmem_shared>> -> memref<128x64xf32, #tpu.memory_space<vmem_shared>>
      %dma_wait3A_113 = arith.constant 0 : i32
      %dma_wait3A_114 = arith.constant 0 : i32
      %dma_wait3A_115 = tpu.memref_slice %arg11[%dma_wait3A_113, %dma_wait3A_114] : memref<1024x64xf32, #tpu.memory_space<vmem>> -> memref<128x64xf32, #tpu.memory_space<vmem>>
      %dma_wait3A_116 = arith.constant 0 : i32
      %dma_wait3A_117 = tpu.memref_slice %arg14[%add3A_79, %dma_wait3A_116] : memref<10112x64xf32, #tpu.memory_space<vmem_shared>> -> memref<128x64xf32, #tpu.memory_space<vmem_shared>>
      tpu.wait_dma2 semaphore(%run_scoped3A : memref<!tpu.dma_semaphore, #tpu.memory_space<semaphore_mem>>) src(%dma_wait3A_117 : memref<128x64xf32, #tpu.memory_space<vmem_shared>>) dst(%dma_wait3A_115 : memref<128x64xf32, #tpu.memory_space<vmem>>)
      tpu.yield
    }) : () -> ()
    %add3A_80 = arith.constant 0 : i32
    %add3A_81 = arith.addi %add3A_77, %add3A_80 : i32
    "tpu.region"() ({
      %run_scoped3A = tpu.sem_alloc : memref<!tpu.dma_semaphore, #tpu.memory_space<semaphore_mem>>
      %dma_start3A_98 = arith.constant 0 : i32
      %dma_start3A_99 = arith.constant 0 : i32
      %dma_start3A_100 = tpu.memref_slice %arg11[%dma_start3A_98, %dma_start3A_99] : memref<1024x64xf32, #tpu.memory_space<vmem>> -> memref<128x64xf32, #tpu.memory_space<vmem>>
      %dma_start3A_101 = arith.constant 0 : i32
      %dma_start3A_102 = tpu.memref_slice %arg8[%add3A_81, %dma_start3A_101] : memref<20224x64xf32, #tpu.memory_space<hbm>> -> memref<128x64xf32, #tpu.memory_space<hbm>>
      %dma_start3A_103 = arith.constant 0 : i32
      %dma_start3A_104 = tpu.memref_slice %arg8[%add3A_81, %dma_start3A_103] : memref<20224x64xf32, #tpu.memory_space<hbm>> -> memref<128x64xf32, #tpu.memory_space<hbm>>
      %dma_start3A_105 = arith.constant 0 : i32
      %dma_start3A_106 = arith.constant 0 : i32
      %dma_start3A_107 = tpu.memref_slice %arg11[%dma_start3A_105, %dma_start3A_106] : memref<1024x64xf32, #tpu.memory_space<vmem>> -> memref<128x64xf32, #tpu.memory_space<vmem>>
      tpu.enqueue_dma source(%dma_start3A_107 : memref<128x64xf32, #tpu.memory_space<vmem>>) target(%dma_start3A_104 : memref<128x64xf32, #tpu.memory_space<hbm>>) target_semaphore(%run_scoped3A : memref<!tpu.dma_semaphore, #tpu.memory_space<semaphore_mem>>)
      %dma_wait3A_108 = arith.constant 0 : i32
      %dma_wait3A_109 = arith.constant 0 : i32
      %dma_wait3A_110 = tpu.memref_slice %arg11[%dma_wait3A_108, %dma_wait3A_109] : memref<1024x64xf32, #tpu.memory_space<vmem>> -> memref<128x64xf32, #tpu.memory_space<vmem>>
      %dma_wait3A_111 = arith.constant 0 : i32
      %dma_wait3A_112 = tpu.memref_slice %arg8[%add3A_81, %dma_wait3A_111] : memref<20224x64xf32, #tpu.memory_space<hbm>> -> memref<128x64xf32, #tpu.memory_space<hbm>>
      %dma_wait3A_113 = arith.constant 0 : i32
      %dma_wait3A_114 = tpu.memref_slice %arg8[%add3A_81, %dma_wait3A_113] : memref<20224x64xf32, #tpu.memory_space<hbm>> -> memref<128x64xf32, #tpu.memory_space<hbm>>
      %dma_wait3A_115 = arith.constant 0 : i32
      %dma_wait3A_116 = arith.constant 0 : i32
      %dma_wait3A_117 = tpu.memref_slice %arg11[%dma_wait3A_115, %dma_wait3A_116] : memref<1024x64xf32, #tpu.memory_space<vmem>> -> memref<128x64xf32, #tpu.memory_space<vmem>>
      tpu.wait_dma2 semaphore(%run_scoped3A : memref<!tpu.dma_semaphore, #tpu.memory_space<semaphore_mem>>) src(%dma_wait3A_117 : memref<128x64xf32, #tpu.memory_space<vmem>>) dst(%dma_wait3A_114 : memref<128x64xf32, #tpu.memory_space<hbm>>)
      tpu.yield
    }) : () -> ()
    %add3A_82 = arith.constant 128 : i32
    %add3A_83 = arith.addi %mul3A_0, %add3A_82 : i32
    "tpu.region"() ({
      %run_scoped3A = tpu.sem_alloc : memref<!tpu.dma_semaphore, #tpu.memory_space<semaphore_mem>>
      %dma_start3A_98 = arith.constant 0 : i32
      %dma_start3A_99 = arith.constant 0 : i32
      %dma_start3A_100 = tpu.memref_slice %arg11[%dma_start3A_98, %dma_start3A_99] : memref<1024x64xf32, #tpu.memory_space<vmem>> -> memref<128x64xf32, #tpu.memory_space<vmem>>
      %dma_start3A_101 = arith.constant 0 : i32
      %dma_start3A_102 = tpu.memref_slice %arg14[%add3A_83, %dma_start3A_101] : memref<10112x64xf32, #tpu.memory_space<vmem_shared>> -> memref<128x64xf32, #tpu.memory_space<vmem_shared>>
      %dma_start3A_103 = arith.constant 0 : i32
      %dma_start3A_104 = arith.constant 0 : i32
      %dma_start3A_105 = tpu.memref_slice %arg11[%dma_start3A_103, %dma_start3A_104] : memref<1024x64xf32, #tpu.memory_space<vmem>> -> memref<128x64xf32, #tpu.memory_space<vmem>>
      %dma_start3A_106 = arith.constant 0 : i32
      %dma_start3A_107 = tpu.memref_slice %arg14[%add3A_83, %dma_start3A_106] : memref<10112x64xf32, #tpu.memory_space<vmem_shared>> -> memref<128x64xf32, #tpu.memory_space<vmem_shared>>
      tpu.enqueue_dma source(%dma_start3A_107 : memref<128x64xf32, #tpu.memory_space<vmem_shared>>) target(%dma_start3A_105 : memref<128x64xf32, #tpu.memory_space<vmem>>) target_semaphore(%run_scoped3A : memref<!tpu.dma_semaphore, #tpu.memory_space<semaphore_mem>>)
      %dma_wait3A_108 = arith.constant 0 : i32
      %dma_wait3A_109 = arith.constant 0 : i32
      %dma_wait3A_110 = tpu.memref_slice %arg11[%dma_wait3A_108, %dma_wait3A_109] : memref<1024x64xf32, #tpu.memory_space<vmem>> -> memref<128x64xf32, #tpu.memory_space<vmem>>
      %dma_wait3A_111 = arith.constant 0 : i32
      %dma_wait3A_112 = tpu.memref_slice %arg14[%add3A_83, %dma_wait3A_111] : memref<10112x64xf32, #tpu.memory_space<vmem_shared>> -> memref<128x64xf32, #tpu.memory_space<vmem_shared>>
      %dma_wait3A_113 = arith.constant 0 : i32
      %dma_wait3A_114 = arith.constant 0 : i32
      %dma_wait3A_115 = tpu.memref_slice %arg11[%dma_wait3A_113, %dma_wait3A_114] : memref<1024x64xf32, #tpu.memory_space<vmem>> -> memref<128x64xf32, #tpu.memory_space<vmem>>
      %dma_wait3A_116 = arith.constant 0 : i32
      %dma_wait3A_117 = tpu.memref_slice %arg14[%add3A_83, %dma_wait3A_116] : memref<10112x64xf32, #tpu.memory_space<vmem_shared>> -> memref<128x64xf32, #tpu.memory_space<vmem_shared>>
      tpu.wait_dma2 semaphore(%run_scoped3A : memref<!tpu.dma_semaphore, #tpu.memory_space<semaphore_mem>>) src(%dma_wait3A_117 : memref<128x64xf32, #tpu.memory_space<vmem_shared>>) dst(%dma_wait3A_115 : memref<128x64xf32, #tpu.memory_space<vmem>>)
      tpu.yield
    }) : () -> ()
    %add3A_84 = arith.constant 128 : i32
    %add3A_85 = arith.addi %add3A_77, %add3A_84 : i32
    "tpu.region"() ({
      %run_scoped3A = tpu.sem_alloc : memref<!tpu.dma_semaphore, #tpu.memory_space<semaphore_mem>>
      %dma_start3A_98 = arith.constant 0 : i32
      %dma_start3A_99 = arith.constant 0 : i32
      %dma_start3A_100 = tpu.memref_slice %arg11[%dma_start3A_98, %dma_start3A_99] : memref<1024x64xf32, #tpu.memory_space<vmem>> -> memref<128x64xf32, #tpu.memory_space<vmem>>
      %dma_start3A_101 = arith.constant 0 : i32
      %dma_start3A_102 = tpu.memref_slice %arg8[%add3A_85, %dma_start3A_101] : memref<20224x64xf32, #tpu.memory_space<hbm>> -> memref<128x64xf32, #tpu.memory_space<hbm>>
      %dma_start3A_103 = arith.constant 0 : i32
      %dma_start3A_104 = tpu.memref_slice %arg8[%add3A_85, %dma_start3A_103] : memref<20224x64xf32, #tpu.memory_space<hbm>> -> memref<128x64xf32, #tpu.memory_space<hbm>>
      %dma_start3A_105 = arith.constant 0 : i32
      %dma_start3A_106 = arith.constant 0 : i32
      %dma_start3A_107 = tpu.memref_slice %arg11[%dma_start3A_105, %dma_start3A_106] : memref<1024x64xf32, #tpu.memory_space<vmem>> -> memref<128x64xf32, #tpu.memory_space<vmem>>
      tpu.enqueue_dma source(%dma_start3A_107 : memref<128x64xf32, #tpu.memory_space<vmem>>) target(%dma_start3A_104 : memref<128x64xf32, #tpu.memory_space<hbm>>) target_semaphore(%run_scoped3A : memref<!tpu.dma_semaphore, #tpu.memory_space<semaphore_mem>>)
      %dma_wait3A_108 = arith.constant 0 : i32
      %dma_wait3A_109 = arith.constant 0 : i32
      %dma_wait3A_110 = tpu.memref_slice %arg11[%dma_wait3A_108, %dma_wait3A_109] : memref<1024x64xf32, #tpu.memory_space<vmem>> -> memref<128x64xf32, #tpu.memory_space<vmem>>
      %dma_wait3A_111 = arith.constant 0 : i32
      %dma_wait3A_112 = tpu.memref_slice %arg8[%add3A_85, %dma_wait3A_111] : memref<20224x64xf32, #tpu.memory_space<hbm>> -> memref<128x64xf32, #tpu.memory_space<hbm>>
      %dma_wait3A_113 = arith.constant 0 : i32
      %dma_wait3A_114 = tpu.memref_slice %arg8[%add3A_85, %dma_wait3A_113] : memref<20224x64xf32, #tpu.memory_space<hbm>> -> memref<128x64xf32, #tpu.memory_space<hbm>>
      %dma_wait3A_115 = arith.constant 0 : i32
      %dma_wait3A_116 = arith.constant 0 : i32
      %dma_wait3A_117 = tpu.memref_slice %arg11[%dma_wait3A_115, %dma_wait3A_116] : memref<1024x64xf32, #tpu.memory_space<vmem>> -> memref<128x64xf32, #tpu.memory_space<vmem>>
      tpu.wait_dma2 semaphore(%run_scoped3A : memref<!tpu.dma_semaphore, #tpu.memory_space<semaphore_mem>>) src(%dma_wait3A_117 : memref<128x64xf32, #tpu.memory_space<vmem>>) dst(%dma_wait3A_114 : memref<128x64xf32, #tpu.memory_space<hbm>>)
      tpu.yield
    }) : () -> ()
    %add3A_86 = arith.constant 256 : i32
    %add3A_87 = arith.addi %mul3A_0, %add3A_86 : i32
    "tpu.region"() ({
      %run_scoped3A = tpu.sem_alloc : memref<!tpu.dma_semaphore, #tpu.memory_space<semaphore_mem>>
      %dma_start3A_98 = arith.constant 0 : i32
      %dma_start3A_99 = arith.constant 0 : i32
      %dma_start3A_100 = tpu.memref_slice %arg11[%dma_start3A_98, %dma_start3A_99] : memref<1024x64xf32, #tpu.memory_space<vmem>> -> memref<128x64xf32, #tpu.memory_space<vmem>>
      %dma_start3A_101 = arith.constant 0 : i32
      %dma_start3A_102 = tpu.memref_slice %arg14[%add3A_87, %dma_start3A_101] : memref<10112x64xf32, #tpu.memory_space<vmem_shared>> -> memref<128x64xf32, #tpu.memory_space<vmem_shared>>
      %dma_start3A_103 = arith.constant 0 : i32
      %dma_start3A_104 = arith.constant 0 : i32
      %dma_start3A_105 = tpu.memref_slice %arg11[%dma_start3A_103, %dma_start3A_104] : memref<1024x64xf32, #tpu.memory_space<vmem>> -> memref<128x64xf32, #tpu.memory_space<vmem>>
      %dma_start3A_106 = arith.constant 0 : i32
      %dma_start3A_107 = tpu.memref_slice %arg14[%add3A_87, %dma_start3A_106] : memref<10112x64xf32, #tpu.memory_space<vmem_shared>> -> memref<128x64xf32, #tpu.memory_space<vmem_shared>>
      tpu.enqueue_dma source(%dma_start3A_107 : memref<128x64xf32, #tpu.memory_space<vmem_shared>>) target(%dma_start3A_105 : memref<128x64xf32, #tpu.memory_space<vmem>>) target_semaphore(%run_scoped3A : memref<!tpu.dma_semaphore, #tpu.memory_space<semaphore_mem>>)
      %dma_wait3A_108 = arith.constant 0 : i32
      %dma_wait3A_109 = arith.constant 0 : i32
      %dma_wait3A_110 = tpu.memref_slice %arg11[%dma_wait3A_108, %dma_wait3A_109] : memref<1024x64xf32, #tpu.memory_space<vmem>> -> memref<128x64xf32, #tpu.memory_space<vmem>>
      %dma_wait3A_111 = arith.constant 0 : i32
      %dma_wait3A_112 = tpu.memref_slice %arg14[%add3A_87, %dma_wait3A_111] : memref<10112x64xf32, #tpu.memory_space<vmem_shared>> -> memref<128x64xf32, #tpu.memory_space<vmem_shared>>
      %dma_wait3A_113 = arith.constant 0 : i32
      %dma_wait3A_114 = arith.constant 0 : i32
      %dma_wait3A_115 = tpu.memref_slice %arg11[%dma_wait3A_113, %dma_wait3A_114] : memref<1024x64xf32, #tpu.memory_space<vmem>> -> memref<128x64xf32, #tpu.memory_space<vmem>>
      %dma_wait3A_116 = arith.constant 0 : i32
      %dma_wait3A_117 = tpu.memref_slice %arg14[%add3A_87, %dma_wait3A_116] : memref<10112x64xf32, #tpu.memory_space<vmem_shared>> -> memref<128x64xf32, #tpu.memory_space<vmem_shared>>
      tpu.wait_dma2 semaphore(%run_scoped3A : memref<!tpu.dma_semaphore, #tpu.memory_space<semaphore_mem>>) src(%dma_wait3A_117 : memref<128x64xf32, #tpu.memory_space<vmem_shared>>) dst(%dma_wait3A_115 : memref<128x64xf32, #tpu.memory_space<vmem>>)
      tpu.yield
    }) : () -> ()
    %add3A_88 = arith.constant 256 : i32
    %add3A_89 = arith.addi %add3A_77, %add3A_88 : i32
    "tpu.region"() ({
      %run_scoped3A = tpu.sem_alloc : memref<!tpu.dma_semaphore, #tpu.memory_space<semaphore_mem>>
      %dma_start3A_98 = arith.constant 0 : i32
      %dma_start3A_99 = arith.constant 0 : i32
      %dma_start3A_100 = tpu.memref_slice %arg11[%dma_start3A_98, %dma_start3A_99] : memref<1024x64xf32, #tpu.memory_space<vmem>> -> memref<128x64xf32, #tpu.memory_space<vmem>>
      %dma_start3A_101 = arith.constant 0 : i32
      %dma_start3A_102 = tpu.memref_slice %arg8[%add3A_89, %dma_start3A_101] : memref<20224x64xf32, #tpu.memory_space<hbm>> -> memref<128x64xf32, #tpu.memory_space<hbm>>
      %dma_start3A_103 = arith.constant 0 : i32
      %dma_start3A_104 = tpu.memref_slice %arg8[%add3A_89, %dma_start3A_103] : memref<20224x64xf32, #tpu.memory_space<hbm>> -> memref<128x64xf32, #tpu.memory_space<hbm>>
      %dma_start3A_105 = arith.constant 0 : i32
      %dma_start3A_106 = arith.constant 0 : i32
      %dma_start3A_107 = tpu.memref_slice %arg11[%dma_start3A_105, %dma_start3A_106] : memref<1024x64xf32, #tpu.memory_space<vmem>> -> memref<128x64xf32, #tpu.memory_space<vmem>>
      tpu.enqueue_dma source(%dma_start3A_107 : memref<128x64xf32, #tpu.memory_space<vmem>>) target(%dma_start3A_104 : memref<128x64xf32, #tpu.memory_space<hbm>>) target_semaphore(%run_scoped3A : memref<!tpu.dma_semaphore, #tpu.memory_space<semaphore_mem>>)
      %dma_wait3A_108 = arith.constant 0 : i32
      %dma_wait3A_109 = arith.constant 0 : i32
      %dma_wait3A_110 = tpu.memref_slice %arg11[%dma_wait3A_108, %dma_wait3A_109] : memref<1024x64xf32, #tpu.memory_space<vmem>> -> memref<128x64xf32, #tpu.memory_space<vmem>>
      %dma_wait3A_111 = arith.constant 0 : i32
      %dma_wait3A_112 = tpu.memref_slice %arg8[%add3A_89, %dma_wait3A_111] : memref<20224x64xf32, #tpu.memory_space<hbm>> -> memref<128x64xf32, #tpu.memory_space<hbm>>
      %dma_wait3A_113 = arith.constant 0 : i32
      %dma_wait3A_114 = tpu.memref_slice %arg8[%add3A_89, %dma_wait3A_113] : memref<20224x64xf32, #tpu.memory_space<hbm>> -> memref<128x64xf32, #tpu.memory_space<hbm>>
      %dma_wait3A_115 = arith.constant 0 : i32
      %dma_wait3A_116 = arith.constant 0 : i32
      %dma_wait3A_117 = tpu.memref_slice %arg11[%dma_wait3A_115, %dma_wait3A_116] : memref<1024x64xf32, #tpu.memory_space<vmem>> -> memref<128x64xf32, #tpu.memory_space<vmem>>
      tpu.wait_dma2 semaphore(%run_scoped3A : memref<!tpu.dma_semaphore, #tpu.memory_space<semaphore_mem>>) src(%dma_wait3A_117 : memref<128x64xf32, #tpu.memory_space<vmem>>) dst(%dma_wait3A_114 : memref<128x64xf32, #tpu.memory_space<hbm>>)
      tpu.yield
    }) : () -> ()
    %add3A_90 = arith.constant 384 : i32
    %add3A_91 = arith.addi %mul3A_0, %add3A_90 : i32
    "tpu.region"() ({
      %run_scoped3A = tpu.sem_alloc : memref<!tpu.dma_semaphore, #tpu.memory_space<semaphore_mem>>
      %dma_start3A_98 = arith.constant 0 : i32
      %dma_start3A_99 = arith.constant 0 : i32
      %dma_start3A_100 = tpu.memref_slice %arg11[%dma_start3A_98, %dma_start3A_99] : memref<1024x64xf32, #tpu.memory_space<vmem>> -> memref<128x64xf32, #tpu.memory_space<vmem>>
      %dma_start3A_101 = arith.constant 0 : i32
      %dma_start3A_102 = tpu.memref_slice %arg14[%add3A_91, %dma_start3A_101] : memref<10112x64xf32, #tpu.memory_space<vmem_shared>> -> memref<128x64xf32, #tpu.memory_space<vmem_shared>>
      %dma_start3A_103 = arith.constant 0 : i32
      %dma_start3A_104 = arith.constant 0 : i32
      %dma_start3A_105 = tpu.memref_slice %arg11[%dma_start3A_103, %dma_start3A_104] : memref<1024x64xf32, #tpu.memory_space<vmem>> -> memref<128x64xf32, #tpu.memory_space<vmem>>
      %dma_start3A_106 = arith.constant 0 : i32
      %dma_start3A_107 = tpu.memref_slice %arg14[%add3A_91, %dma_start3A_106] : memref<10112x64xf32, #tpu.memory_space<vmem_shared>> -> memref<128x64xf32, #tpu.memory_space<vmem_shared>>
      tpu.enqueue_dma source(%dma_start3A_107 : memref<128x64xf32, #tpu.memory_space<vmem_shared>>) target(%dma_start3A_105 : memref<128x64xf32, #tpu.memory_space<vmem>>) target_semaphore(%run_scoped3A : memref<!tpu.dma_semaphore, #tpu.memory_space<semaphore_mem>>)
      %dma_wait3A_108 = arith.constant 0 : i32
      %dma_wait3A_109 = arith.constant 0 : i32
      %dma_wait3A_110 = tpu.memref_slice %arg11[%dma_wait3A_108, %dma_wait3A_109] : memref<1024x64xf32, #tpu.memory_space<vmem>> -> memref<128x64xf32, #tpu.memory_space<vmem>>
      %dma_wait3A_111 = arith.constant 0 : i32
      %dma_wait3A_112 = tpu.memref_slice %arg14[%add3A_91, %dma_wait3A_111] : memref<10112x64xf32, #tpu.memory_space<vmem_shared>> -> memref<128x64xf32, #tpu.memory_space<vmem_shared>>
      %dma_wait3A_113 = arith.constant 0 : i32
      %dma_wait3A_114 = arith.constant 0 : i32
      %dma_wait3A_115 = tpu.memref_slice %arg11[%dma_wait3A_113, %dma_wait3A_114] : memref<1024x64xf32, #tpu.memory_space<vmem>> -> memref<128x64xf32, #tpu.memory_space<vmem>>
      %dma_wait3A_116 = arith.constant 0 : i32
      %dma_wait3A_117 = tpu.memref_slice %arg14[%add3A_91, %dma_wait3A_116] : memref<10112x64xf32, #tpu.memory_space<vmem_shared>> -> memref<128x64xf32, #tpu.memory_space<vmem_shared>>
      tpu.wait_dma2 semaphore(%run_scoped3A : memref<!tpu.dma_semaphore, #tpu.memory_space<semaphore_mem>>) src(%dma_wait3A_117 : memref<128x64xf32, #tpu.memory_space<vmem_shared>>) dst(%dma_wait3A_115 : memref<128x64xf32, #tpu.memory_space<vmem>>)
      tpu.yield
    }) : () -> ()
    %add3A_92 = arith.constant 384 : i32
    %add3A_93 = arith.addi %add3A_77, %add3A_92 : i32
    "tpu.region"() ({
      %run_scoped3A = tpu.sem_alloc : memref<!tpu.dma_semaphore, #tpu.memory_space<semaphore_mem>>
      %dma_start3A_98 = arith.constant 0 : i32
      %dma_start3A_99 = arith.constant 0 : i32
      %dma_start3A_100 = tpu.memref_slice %arg11[%dma_start3A_98, %dma_start3A_99] : memref<1024x64xf32, #tpu.memory_space<vmem>> -> memref<128x64xf32, #tpu.memory_space<vmem>>
      %dma_start3A_101 = arith.constant 0 : i32
      %dma_start3A_102 = tpu.memref_slice %arg8[%add3A_93, %dma_start3A_101] : memref<20224x64xf32, #tpu.memory_space<hbm>> -> memref<128x64xf32, #tpu.memory_space<hbm>>
      %dma_start3A_103 = arith.constant 0 : i32
      %dma_start3A_104 = tpu.memref_slice %arg8[%add3A_93, %dma_start3A_103] : memref<20224x64xf32, #tpu.memory_space<hbm>> -> memref<128x64xf32, #tpu.memory_space<hbm>>
      %dma_start3A_105 = arith.constant 0 : i32
      %dma_start3A_106 = arith.constant 0 : i32
      %dma_start3A_107 = tpu.memref_slice %arg11[%dma_start3A_105, %dma_start3A_106] : memref<1024x64xf32, #tpu.memory_space<vmem>> -> memref<128x64xf32, #tpu.memory_space<vmem>>
      tpu.enqueue_dma source(%dma_start3A_107 : memref<128x64xf32, #tpu.memory_space<vmem>>) target(%dma_start3A_104 : memref<128x64xf32, #tpu.memory_space<hbm>>) target_semaphore(%run_scoped3A : memref<!tpu.dma_semaphore, #tpu.memory_space<semaphore_mem>>)
      %dma_wait3A_108 = arith.constant 0 : i32
      %dma_wait3A_109 = arith.constant 0 : i32
      %dma_wait3A_110 = tpu.memref_slice %arg11[%dma_wait3A_108, %dma_wait3A_109] : memref<1024x64xf32, #tpu.memory_space<vmem>> -> memref<128x64xf32, #tpu.memory_space<vmem>>
      %dma_wait3A_111 = arith.constant 0 : i32
      %dma_wait3A_112 = tpu.memref_slice %arg8[%add3A_93, %dma_wait3A_111] : memref<20224x64xf32, #tpu.memory_space<hbm>> -> memref<128x64xf32, #tpu.memory_space<hbm>>
      %dma_wait3A_113 = arith.constant 0 : i32
      %dma_wait3A_114 = tpu.memref_slice %arg8[%add3A_93, %dma_wait3A_113] : memref<20224x64xf32, #tpu.memory_space<hbm>> -> memref<128x64xf32, #tpu.memory_space<hbm>>
      %dma_wait3A_115 = arith.constant 0 : i32
      %dma_wait3A_116 = arith.constant 0 : i32
      %dma_wait3A_117 = tpu.memref_slice %arg11[%dma_wait3A_115, %dma_wait3A_116] : memref<1024x64xf32, #tpu.memory_space<vmem>> -> memref<128x64xf32, #tpu.memory_space<vmem>>
      tpu.wait_dma2 semaphore(%run_scoped3A : memref<!tpu.dma_semaphore, #tpu.memory_space<semaphore_mem>>) src(%dma_wait3A_117 : memref<128x64xf32, #tpu.memory_space<vmem>>) dst(%dma_wait3A_114 : memref<128x64xf32, #tpu.memory_space<hbm>>)
      tpu.yield
    }) : () -> ()
    %add3A_94 = arith.constant 512 : i32
    %add3A_95 = arith.addi %mul3A_0, %add3A_94 : i32
    "tpu.region"() ({
      %run_scoped3A = tpu.sem_alloc : memref<!tpu.dma_semaphore, #tpu.memory_space<semaphore_mem>>
      %dma_start3A_98 = arith.constant 0 : i32
      %dma_start3A_99 = arith.constant 0 : i32
      %dma_start3A_100 = tpu.memref_slice %arg11[%dma_start3A_98, %dma_start3A_99] : memref<1024x64xf32, #tpu.memory_space<vmem>> -> memref<120x64xf32, #tpu.memory_space<vmem>>
      %dma_start3A_101 = arith.constant 0 : i32
      %dma_start3A_102 = tpu.memref_slice %arg14[%add3A_95, %dma_start3A_101] : memref<10112x64xf32, #tpu.memory_space<vmem_shared>> -> memref<120x64xf32, #tpu.memory_space<vmem_shared>>
      %dma_start3A_103 = arith.constant 0 : i32
      %dma_start3A_104 = arith.constant 0 : i32
      %dma_start3A_105 = tpu.memref_slice %arg11[%dma_start3A_103, %dma_start3A_104] : memref<1024x64xf32, #tpu.memory_space<vmem>> -> memref<120x64xf32, #tpu.memory_space<vmem>>
      %dma_start3A_106 = arith.constant 0 : i32
      %dma_start3A_107 = tpu.memref_slice %arg14[%add3A_95, %dma_start3A_106] : memref<10112x64xf32, #tpu.memory_space<vmem_shared>> -> memref<120x64xf32, #tpu.memory_space<vmem_shared>>
      tpu.enqueue_dma source(%dma_start3A_107 : memref<120x64xf32, #tpu.memory_space<vmem_shared>>) target(%dma_start3A_105 : memref<120x64xf32, #tpu.memory_space<vmem>>) target_semaphore(%run_scoped3A : memref<!tpu.dma_semaphore, #tpu.memory_space<semaphore_mem>>)
      %dma_wait3A_108 = arith.constant 0 : i32
      %dma_wait3A_109 = arith.constant 0 : i32
      %dma_wait3A_110 = tpu.memref_slice %arg11[%dma_wait3A_108, %dma_wait3A_109] : memref<1024x64xf32, #tpu.memory_space<vmem>> -> memref<120x64xf32, #tpu.memory_space<vmem>>
      %dma_wait3A_111 = arith.constant 0 : i32
      %dma_wait3A_112 = tpu.memref_slice %arg14[%add3A_95, %dma_wait3A_111] : memref<10112x64xf32, #tpu.memory_space<vmem_shared>> -> memref<120x64xf32, #tpu.memory_space<vmem_shared>>
      %dma_wait3A_113 = arith.constant 0 : i32
      %dma_wait3A_114 = arith.constant 0 : i32
      %dma_wait3A_115 = tpu.memref_slice %arg11[%dma_wait3A_113, %dma_wait3A_114] : memref<1024x64xf32, #tpu.memory_space<vmem>> -> memref<120x64xf32, #tpu.memory_space<vmem>>
      %dma_wait3A_116 = arith.constant 0 : i32
      %dma_wait3A_117 = tpu.memref_slice %arg14[%add3A_95, %dma_wait3A_116] : memref<10112x64xf32, #tpu.memory_space<vmem_shared>> -> memref<120x64xf32, #tpu.memory_space<vmem_shared>>
      tpu.wait_dma2 semaphore(%run_scoped3A : memref<!tpu.dma_semaphore, #tpu.memory_space<semaphore_mem>>) src(%dma_wait3A_117 : memref<120x64xf32, #tpu.memory_space<vmem_shared>>) dst(%dma_wait3A_115 : memref<120x64xf32, #tpu.memory_space<vmem>>)
      tpu.yield
    }) : () -> ()
    %add3A_96 = arith.constant 512 : i32
    %add3A_97 = arith.addi %add3A_77, %add3A_96 : i32
    "tpu.region"() ({
      %run_scoped3A = tpu.sem_alloc : memref<!tpu.dma_semaphore, #tpu.memory_space<semaphore_mem>>
      %dma_start3A_98 = arith.constant 0 : i32
      %dma_start3A_99 = arith.constant 0 : i32
      %dma_start3A_100 = tpu.memref_slice %arg11[%dma_start3A_98, %dma_start3A_99] : memref<1024x64xf32, #tpu.memory_space<vmem>> -> memref<120x64xf32, #tpu.memory_space<vmem>>
      %dma_start3A_101 = arith.constant 0 : i32
      %dma_start3A_102 = tpu.memref_slice %arg8[%add3A_97, %dma_start3A_101] : memref<20224x64xf32, #tpu.memory_space<hbm>> -> memref<120x64xf32, #tpu.memory_space<hbm>>
      %dma_start3A_103 = arith.constant 0 : i32
      %dma_start3A_104 = tpu.memref_slice %arg8[%add3A_97, %dma_start3A_103] : memref<20224x64xf32, #tpu.memory_space<hbm>> -> memref<120x64xf32, #tpu.memory_space<hbm>>
      %dma_start3A_105 = arith.constant 0 : i32
      %dma_start3A_106 = arith.constant 0 : i32
      %dma_start3A_107 = tpu.memref_slice %arg11[%dma_start3A_105, %dma_start3A_106] : memref<1024x64xf32, #tpu.memory_space<vmem>> -> memref<120x64xf32, #tpu.memory_space<vmem>>
      tpu.enqueue_dma source(%dma_start3A_107 : memref<120x64xf32, #tpu.memory_space<vmem>>) target(%dma_start3A_104 : memref<120x64xf32, #tpu.memory_space<hbm>>) target_semaphore(%run_scoped3A : memref<!tpu.dma_semaphore, #tpu.memory_space<semaphore_mem>>)
      %dma_wait3A_108 = arith.constant 0 : i32
      %dma_wait3A_109 = arith.constant 0 : i32
      %dma_wait3A_110 = tpu.memref_slice %arg11[%dma_wait3A_108, %dma_wait3A_109] : memref<1024x64xf32, #tpu.memory_space<vmem>> -> memref<120x64xf32, #tpu.memory_space<vmem>>
      %dma_wait3A_111 = arith.constant 0 : i32
      %dma_wait3A_112 = tpu.memref_slice %arg8[%add3A_97, %dma_wait3A_111] : memref<20224x64xf32, #tpu.memory_space<hbm>> -> memref<120x64xf32, #tpu.memory_space<hbm>>
      %dma_wait3A_113 = arith.constant 0 : i32
      %dma_wait3A_114 = tpu.memref_slice %arg8[%add3A_97, %dma_wait3A_113] : memref<20224x64xf32, #tpu.memory_space<hbm>> -> memref<120x64xf32, #tpu.memory_space<hbm>>
      %dma_wait3A_115 = arith.constant 0 : i32
      %dma_wait3A_116 = arith.constant 0 : i32
      %dma_wait3A_117 = tpu.memref_slice %arg11[%dma_wait3A_115, %dma_wait3A_116] : memref<1024x64xf32, #tpu.memory_space<vmem>> -> memref<120x64xf32, #tpu.memory_space<vmem>>
      tpu.wait_dma2 semaphore(%run_scoped3A : memref<!tpu.dma_semaphore, #tpu.memory_space<semaphore_mem>>) src(%dma_wait3A_117 : memref<120x64xf32, #tpu.memory_space<vmem>>) dst(%dma_wait3A_114 : memref<120x64xf32, #tpu.memory_space<hbm>>)
      tpu.yield
    }) : () -> ()
    return
  }
}

module attributes {stable_mosaic.version = 14 : i64} {
  func.func @body(%arg0: i32, %arg1: memref<1264x128xf32, #tpu.memory_space<vmem>>, %arg2: memref<1264x64xf32, #tpu.memory_space<vmem>>, %arg3: memref<1264x64xf32, #tpu.memory_space<vmem>>, %arg4: memref<1264x1xf32, #tpu.memory_space<vmem>>, %arg5: memref<128x128xf32, #tpu.memory_space<vmem>>, %arg6: memref<128x128xf32, #tpu.memory_space<vmem>>, %arg7: memref<1x128xf32, #tpu.memory_space<vmem>>, %arg8: memref<128x128xf32, #tpu.memory_space<vmem>>, %arg9: memref<1264x128xf32, #tpu.memory_space<vmem>>, %arg10: memref<1264x1xf32, #tpu.memory_space<vmem>>) attributes {dimension_semantics = [#tpu.dimension_semantics<arbitrary>], iteration_bounds = array<i64: 8>, scalar_prefetch = 0 : i64, scratch_operands = 0 : i64, tpu.core_type = #tpu.core_type<tc>, window_params = [{transform_indices = @transform_0, window_bounds = array<i64: 1264, 128>}, {transform_indices = @transform_1, window_bounds = array<i64: 1264, 64>}, {transform_indices = @transform_2, window_bounds = array<i64: 1264, 64>}, {transform_indices = @transform_3, window_bounds = array<i64: 1264, 1>}, {pipeline_mode = #tpu.pipeline_mode<synchronous>, transform_indices = @transform_4, window_bounds = array<i64: 128, 128>}, {pipeline_mode = #tpu.pipeline_mode<synchronous>, transform_indices = @transform_5, window_bounds = array<i64: 128, 128>}, {pipeline_mode = #tpu.pipeline_mode<synchronous>, transform_indices = @transform_6, window_bounds = array<i64: 1, 128>}, {pipeline_mode = #tpu.pipeline_mode<synchronous>, transform_indices = @transform_7, window_bounds = array<i64: 128, 128>}, {transform_indices = @transform_8, window_bounds = array<i64: 1264, 128>}, {transform_indices = @transform_9, window_bounds = array<i64: 1264, 1>}]} {
    %get3A = arith.constant 0 : index
    %get3A_0 = arith.constant 0 : index
    %get3A_1 = vector.load %arg2[%get3A, %get3A_0] : memref<1264x64xf32, #tpu.memory_space<vmem>>, vector<1264x64xf32>
    %get3A_2 = arith.constant 0 : index
    %get3A_3 = arith.constant 0 : index
    %get3A_4 = vector.load %arg3[%get3A_2, %get3A_3] : memref<1264x64xf32, #tpu.memory_space<vmem>>, vector<1264x64xf32>
    %concatenate3A = tpu.concatenate %get3A_1, %get3A_4 in 1 : vector<1264x64xf32>, vector<1264x64xf32> -> vector<1264x128xf32>
    %get3A_5 = arith.constant 0 : index
    %get3A_6 = arith.constant 0 : index
    %get3A_7 = vector.load %arg5[%get3A_5, %get3A_6] : memref<128x128xf32, #tpu.memory_space<vmem>>, vector<128x128xf32>
    %dot_general3A = arith.constant dense<0.000000e+00> : vector<1264x128xf32>
    %dot_general3A_8 = tpu.matmul %concatenate3A, %get3A_7, %dot_general3A {dimension_numbers = #tpu.dot_dimension_numbers<[1], [0], [0], [1], [0, 0, 1, 1], [], []>, transpose_lhs_hint = false} : vector<1264x128xf32>, vector<128x128xf32>, vector<1264x128xf32> -> vector<1264x128xf32>
    %get3A_9 = arith.constant 0 : index
    %get3A_10 = arith.constant 0 : index
    %get3A_11 = vector.load %arg1[%get3A_9, %get3A_10] : memref<1264x128xf32, #tpu.memory_space<vmem>>, vector<1264x128xf32>
    %get3A_12 = arith.constant 0 : index
    %get3A_13 = arith.constant 0 : index
    %get3A_14 = vector.load %arg6[%get3A_12, %get3A_13] : memref<128x128xf32, #tpu.memory_space<vmem>>, vector<128x128xf32>
    %dot_general3A_15 = arith.constant dense<0.000000e+00> : vector<1264x128xf32>
    %dot_general3A_16 = tpu.matmul %get3A_11, %get3A_14, %dot_general3A_15 {dimension_numbers = #tpu.dot_dimension_numbers<[1], [0], [0], [1], [0, 0, 1, 1], [], []>, transpose_lhs_hint = false} : vector<1264x128xf32>, vector<128x128xf32>, vector<1264x128xf32> -> vector<1264x128xf32>
    %add3A = arith.addf %dot_general3A_8, %dot_general3A_16 : vector<1264x128xf32>
    %get3A_17 = arith.constant 0 : index
    %get3A_18 = arith.constant 0 : index
    %get3A_19 = vector.load %arg7[%get3A_17, %get3A_18] : memref<1x128xf32, #tpu.memory_space<vmem>>, vector<1x128xf32>
    %add3A_20 = vector.broadcast %get3A_19 : vector<1x128xf32> to vector<1264x128xf32>
    %add3A_21 = arith.addf %add3A, %add3A_20 : vector<1264x128xf32>
    %max3A = arith.constant 0.000000e+00 : f32
    %max3A_22 = vector.broadcast %max3A : f32 to vector<1264x128xf32>
    %max3A_23 = arith.maximumf %add3A_21, %max3A_22 : vector<1264x128xf32>
    %get3A_24 = arith.constant 0 : index
    %get3A_25 = arith.constant 0 : index
    %get3A_26 = vector.load %arg8[%get3A_24, %get3A_25] : memref<128x128xf32, #tpu.memory_space<vmem>>, vector<128x128xf32>
    %dot_general3A_27 = arith.constant dense<0.000000e+00> : vector<1264x128xf32>
    %dot_general3A_28 = tpu.matmul %max3A_23, %get3A_26, %dot_general3A_27 {dimension_numbers = #tpu.dot_dimension_numbers<[1], [0], [0], [1], [0, 0, 1, 1], [], []>, transpose_lhs_hint = false} : vector<1264x128xf32>, vector<128x128xf32>, vector<1264x128xf32> -> vector<1264x128xf32>
    %get3A_29 = arith.constant 0 : index
    %get3A_30 = arith.constant 0 : index
    %get3A_31 = vector.load %arg4[%get3A_29, %get3A_30] : memref<1264x1xf32, #tpu.memory_space<vmem>>, vector<1264x1xf32>
    %add3A_32 = arith.constant 1.000000e+00 : f32
    %add3A_33 = vector.broadcast %add3A_32 : f32 to vector<1264x1xf32>
    %add3A_34 = arith.addf %add3A_33, %get3A_31 : vector<1264x1xf32>
    %rsqrt3A = math.rsqrt %add3A_34 : vector<1264x1xf32>
    %swap3A = arith.constant 0 : index
    %swap3A_35 = arith.constant 0 : index
    %swap3A_36 = vector.load %arg10[%swap3A, %swap3A_35] : memref<1264x1xf32, #tpu.memory_space<vmem>>, vector<1264x1xf32>
    tpu.vector_store %arg10[%swap3A, %swap3A_35], %rsqrt3A {strides = array<i32>} : memref<1264x1xf32, #tpu.memory_space<vmem>>, vector<1264x1xf32>,
    %mul3A = vector.broadcast %rsqrt3A : vector<1264x1xf32> to vector<1264x128xf32>
    %mul3A_37 = arith.mulf %mul3A, %dot_general3A_28 : vector<1264x128xf32>
    %swap3A_38 = arith.constant 0 : index
    %swap3A_39 = arith.constant 0 : index
    %swap3A_40 = vector.load %arg9[%swap3A_38, %swap3A_39] : memref<1264x128xf32, #tpu.memory_space<vmem>>, vector<1264x128xf32>
    tpu.vector_store %arg9[%swap3A_38, %swap3A_39], %mul3A_37 {strides = array<i32>} : memref<1264x128xf32, #tpu.memory_space<vmem>>, vector<1264x128xf32>,
    return
  }
  func.func @transform_0(%arg0: i32) -> (i32, i32) {
    %c0_i32 = arith.constant 0 : i32
    %c0_i32_0 = arith.constant 0 : i32
    return %arg0, %c0_i32 : i32, i32
  }
  func.func @transform_1(%arg0: i32) -> (i32, i32) {
    %c0_i32 = arith.constant 0 : i32
    %c0_i32_0 = arith.constant 0 : i32
    return %arg0, %c0_i32 : i32, i32
  }
  func.func @transform_2(%arg0: i32) -> (i32, i32) {
    %c0_i32 = arith.constant 0 : i32
    %c0_i32_0 = arith.constant 0 : i32
    return %arg0, %c0_i32 : i32, i32
  }
  func.func @transform_3(%arg0: i32) -> (i32, i32) {
    %c0_i32 = arith.constant 0 : i32
    %c0_i32_0 = arith.constant 0 : i32
    return %arg0, %c0_i32 : i32, i32
  }
  func.func @transform_4(%arg0: i32) -> (i32, i32) {
    %c0_i32 = arith.constant 0 : i32
    %c0_i32_0 = arith.constant 0 : i32
    %c0_i32_1 = arith.constant 0 : i32
    return %c0_i32, %c0_i32_0 : i32, i32
  }
  func.func @transform_5(%arg0: i32) -> (i32, i32) {
    %c0_i32 = arith.constant 0 : i32
    %c0_i32_0 = arith.constant 0 : i32
    %c0_i32_1 = arith.constant 0 : i32
    return %c0_i32, %c0_i32_0 : i32, i32
  }
  func.func @transform_6(%arg0: i32) -> (i32, i32) {
    %c0_i32 = arith.constant 0 : i32
    %c0_i32_0 = arith.constant 0 : i32
    %c0_i32_1 = arith.constant 0 : i32
    return %c0_i32, %c0_i32_0 : i32, i32
  }
  func.func @transform_7(%arg0: i32) -> (i32, i32) {
    %c0_i32 = arith.constant 0 : i32
    %c0_i32_0 = arith.constant 0 : i32
    %c0_i32_1 = arith.constant 0 : i32
    return %c0_i32, %c0_i32_0 : i32, i32
  }
  func.func @transform_8(%arg0: i32) -> (i32, i32) {
    %c0_i32 = arith.constant 0 : i32
    %c0_i32_0 = arith.constant 0 : i32
    return %arg0, %c0_i32 : i32, i32
  }
  func.func @transform_9(%arg0: i32) -> (i32, i32) {
    %c0_i32 = arith.constant 0 : i32
    %c0_i32_0 = arith.constant 0 : i32
    return %arg0, %c0_i32 : i32, i32
  }
}

module attributes {stable_mosaic.version = 14 : i64} {
  func.func @body(%arg0: i32, %arg1: memref<1264x64xf32, #tpu.memory_space<vmem>>, %arg2: memref<1264x64xf32, #tpu.memory_space<vmem>>, %arg3: memref<1264x128xf32, #tpu.memory_space<vmem>>, %arg4: memref<1264x1xf32, #tpu.memory_space<vmem>>, %arg5: memref<1x128xf32, #tpu.memory_space<vmem>>, %arg6: memref<128x128xf32, #tpu.memory_space<vmem>>, %arg7: memref<1264x128xf32, #tpu.memory_space<vmem>>) attributes {dimension_semantics = [#tpu.dimension_semantics<arbitrary>], iteration_bounds = array<i64: 8>, scalar_prefetch = 0 : i64, scratch_operands = 0 : i64, tpu.core_type = #tpu.core_type<tc>, window_params = [{transform_indices = @transform_0, window_bounds = array<i64: 1264, 64>}, {transform_indices = @transform_1, window_bounds = array<i64: 1264, 64>}, {transform_indices = @transform_2, window_bounds = array<i64: 1264, 128>}, {transform_indices = @transform_3, window_bounds = array<i64: 1264, 1>}, {pipeline_mode = #tpu.pipeline_mode<synchronous>, transform_indices = @transform_4, window_bounds = array<i64: 1, 128>}, {pipeline_mode = #tpu.pipeline_mode<synchronous>, transform_indices = @transform_5, window_bounds = array<i64: 128, 128>}, {transform_indices = @transform_6, window_bounds = array<i64: 1264, 128>}]} {
    %get3A = arith.constant 0 : index
    %get3A_0 = arith.constant 0 : index
    %get3A_1 = vector.load %arg4[%get3A, %get3A_0] : memref<1264x1xf32, #tpu.memory_space<vmem>>, vector<1264x1xf32>
    %get3A_2 = arith.constant 0 : index
    %get3A_3 = arith.constant 0 : index
    %get3A_4 = vector.load %arg1[%get3A_2, %get3A_3] : memref<1264x64xf32, #tpu.memory_space<vmem>>, vector<1264x64xf32>
    %get3A_5 = arith.constant 0 : index
    %get3A_6 = arith.constant 0 : index
    %get3A_7 = vector.load %arg2[%get3A_5, %get3A_6] : memref<1264x64xf32, #tpu.memory_space<vmem>>, vector<1264x64xf32>
    %concatenate3A = tpu.concatenate %get3A_4, %get3A_7 in 1 : vector<1264x64xf32>, vector<1264x64xf32> -> vector<1264x128xf32>
    %get3A_8 = arith.constant 0 : index
    %get3A_9 = arith.constant 0 : index
    %get3A_10 = vector.load %arg3[%get3A_8, %get3A_9] : memref<1264x128xf32, #tpu.memory_space<vmem>>, vector<1264x128xf32>
    %add3A = arith.addf %concatenate3A, %get3A_10 : vector<1264x128xf32>
    %mul3A = vector.broadcast %get3A_1 : vector<1264x1xf32> to vector<1264x128xf32>
    %mul3A_11 = arith.mulf %mul3A, %add3A : vector<1264x128xf32>
    %get3A_12 = arith.constant 0 : index
    %get3A_13 = arith.constant 0 : index
    %get3A_14 = vector.load %arg5[%get3A_12, %get3A_13] : memref<1x128xf32, #tpu.memory_space<vmem>>, vector<1x128xf32>
    %add3A_15 = vector.broadcast %get3A_14 : vector<1x128xf32> to vector<1264x128xf32>
    %add3A_16 = arith.addf %mul3A_11, %add3A_15 : vector<1264x128xf32>
    %max3A = arith.constant 0.000000e+00 : f32
    %max3A_17 = vector.broadcast %max3A : f32 to vector<1264x128xf32>
    %max3A_18 = arith.maximumf %add3A_16, %max3A_17 : vector<1264x128xf32>
    %get3A_19 = arith.constant 0 : index
    %get3A_20 = arith.constant 0 : index
    %get3A_21 = vector.load %arg6[%get3A_19, %get3A_20] : memref<128x128xf32, #tpu.memory_space<vmem>>, vector<128x128xf32>
    %dot_general3A = arith.constant dense<0.000000e+00> : vector<1264x128xf32>
    %dot_general3A_22 = tpu.matmul %max3A_18, %get3A_21, %dot_general3A {dimension_numbers = #tpu.dot_dimension_numbers<[1], [0], [0], [1], [0, 0, 1, 1], [], []>, transpose_lhs_hint = false} : vector<1264x128xf32>, vector<128x128xf32>, vector<1264x128xf32> -> vector<1264x128xf32>
    %mul3A_23 = vector.broadcast %get3A_1 : vector<1264x1xf32> to vector<1264x128xf32>
    %mul3A_24 = arith.mulf %mul3A_23, %dot_general3A_22 : vector<1264x128xf32>
    %swap3A = arith.constant 0 : index
    %swap3A_25 = arith.constant 0 : index
    %swap3A_26 = vector.load %arg7[%swap3A, %swap3A_25] : memref<1264x128xf32, #tpu.memory_space<vmem>>, vector<1264x128xf32>
    tpu.vector_store %arg7[%swap3A, %swap3A_25], %mul3A_24 {strides = array<i32>} : memref<1264x128xf32, #tpu.memory_space<vmem>>, vector<1264x128xf32>,
    return
  }
  func.func @transform_0(%arg0: i32) -> (i32, i32) {
    %c0_i32 = arith.constant 0 : i32
    %c0_i32_0 = arith.constant 0 : i32
    return %arg0, %c0_i32 : i32, i32
  }
  func.func @transform_1(%arg0: i32) -> (i32, i32) {
    %c0_i32 = arith.constant 0 : i32
    %c0_i32_0 = arith.constant 0 : i32
    return %arg0, %c0_i32 : i32, i32
  }
  func.func @transform_2(%arg0: i32) -> (i32, i32) {
    %c0_i32 = arith.constant 0 : i32
    %c0_i32_0 = arith.constant 0 : i32
    return %arg0, %c0_i32 : i32, i32
  }
  func.func @transform_3(%arg0: i32) -> (i32, i32) {
    %c0_i32 = arith.constant 0 : i32
    %c0_i32_0 = arith.constant 0 : i32
    return %arg0, %c0_i32 : i32, i32
  }
  func.func @transform_4(%arg0: i32) -> (i32, i32) {
    %c0_i32 = arith.constant 0 : i32
    %c0_i32_0 = arith.constant 0 : i32
    %c0_i32_1 = arith.constant 0 : i32
    return %c0_i32, %c0_i32_0 : i32, i32
  }
  func.func @transform_5(%arg0: i32) -> (i32, i32) {
    %c0_i32 = arith.constant 0 : i32
    %c0_i32_0 = arith.constant 0 : i32
    %c0_i32_1 = arith.constant 0 : i32
    return %c0_i32, %c0_i32_0 : i32, i32
  }
  func.func @transform_6(%arg0: i32) -> (i32, i32) {
    %c0_i32 = arith.constant 0 : i32
    %c0_i32_0 = arith.constant 0 : i32
    return %arg0, %c0_i32 : i32, i32
  }
}

module attributes {stable_mosaic.version = 14 : i64} {
  func.func @body(%arg0: i32, %arg1: memref<1264x64xf32, #tpu.memory_space<vmem>>, %arg2: memref<1264x64xf32, #tpu.memory_space<vmem>>, %arg3: memref<1264x128xf32, #tpu.memory_space<vmem>>, %arg4: memref<1264x1xf32, #tpu.memory_space<vmem>>, %arg5: memref<1x128xf32, #tpu.memory_space<vmem>>, %arg6: memref<1264x1xi32, #tpu.memory_space<vmem>>, %arg7: memref<10x128xf32, #tpu.memory_space<vmem>>, %arg8: memref<1x10xf32, #tpu.memory_space<vmem>>, %arg9: memref<64x128xf32, #tpu.memory_space<vmem>>, %arg10: memref<64x10xf32, #tpu.memory_space<vmem>>, %arg11: memref<64x128xf32, #tpu.memory_space<vmem>>, %arg12: memref<64x128xf32, #tpu.memory_space<vmem>>) attributes {dimension_semantics = [#tpu.dimension_semantics<arbitrary>], iteration_bounds = array<i64: 8>, scalar_prefetch = 0 : i64, scratch_operands = 2 : i64, tpu.core_type = #tpu.core_type<tc>, window_params = [{transform_indices = @transform_0, window_bounds = array<i64: 1264, 64>}, {transform_indices = @transform_1, window_bounds = array<i64: 1264, 64>}, {transform_indices = @transform_2, window_bounds = array<i64: 1264, 128>}, {transform_indices = @transform_3, window_bounds = array<i64: 1264, 1>}, {pipeline_mode = #tpu.pipeline_mode<synchronous>, transform_indices = @transform_4, window_bounds = array<i64: 1, 128>}, {transform_indices = @transform_5, window_bounds = array<i64: 1264, 1>}, {pipeline_mode = #tpu.pipeline_mode<synchronous>, transform_indices = @transform_6, window_bounds = array<i64: 10, 128>}, {pipeline_mode = #tpu.pipeline_mode<synchronous>, transform_indices = @transform_7, window_bounds = array<i64: 1, 10>}, {pipeline_mode = #tpu.pipeline_mode<synchronous>, transform_indices = @transform_8, window_bounds = array<i64: 64, 128>}, {pipeline_mode = #tpu.pipeline_mode<synchronous>, transform_indices = @transform_9, window_bounds = array<i64: 64, 10>}]} {
    %eq3A = arith.constant 0 : i32
    %eq3A_0 = arith.cmpi eq, %arg0, %eq3A : i32
    %convert_element_type3A = arith.extui %eq3A_0 : i1 to i32
    %cond3A = arith.constant 0 : i32
    %cond3A_1 = arith.cmpi ne, %convert_element_type3A, %cond3A : i32
    scf.if %cond3A_1 {
      %broadcast_in_dim3A_48 = arith.constant 0.000000e+00 : f32
      %broadcast_in_dim3A_49 = vector.broadcast %broadcast_in_dim3A_48 : f32 to vector<64x128xf32>
      %swap3A_50 = arith.constant 0 : index
      %swap3A_51 = arith.constant 0 : index
      %swap3A_52 = vector.load %arg11[%swap3A_50, %swap3A_51] : memref<64x128xf32, #tpu.memory_space<vmem>>, vector<64x128xf32>
      tpu.vector_store %arg11[%swap3A_50, %swap3A_51], %broadcast_in_dim3A_49 {strides = array<i32>} : memref<64x128xf32, #tpu.memory_space<vmem>>, vector<64x128xf32>,
      %broadcast_in_dim3A_53 = arith.constant 0.000000e+00 : f32
      %broadcast_in_dim3A_54 = vector.broadcast %broadcast_in_dim3A_53 : f32 to vector<64x128xf32>
      %swap3A_55 = arith.constant 0 : index
      %swap3A_56 = arith.constant 0 : index
      %swap3A_57 = vector.load %arg12[%swap3A_55, %swap3A_56] : memref<64x128xf32, #tpu.memory_space<vmem>>, vector<64x128xf32>
      tpu.vector_store %arg12[%swap3A_55, %swap3A_56], %broadcast_in_dim3A_54 {strides = array<i32>} : memref<64x128xf32, #tpu.memory_space<vmem>>, vector<64x128xf32>,
    } else {
    }
    %get3A = arith.constant 0 : index
    %get3A_2 = arith.constant 0 : index
    %get3A_3 = vector.load %arg4[%get3A, %get3A_2] : memref<1264x1xf32, #tpu.memory_space<vmem>>, vector<1264x1xf32>
    %get3A_4 = arith.constant 0 : index
    %get3A_5 = arith.constant 0 : index
    %get3A_6 = vector.load %arg1[%get3A_4, %get3A_5] : memref<1264x64xf32, #tpu.memory_space<vmem>>, vector<1264x64xf32>
    %get3A_7 = arith.constant 0 : index
    %get3A_8 = arith.constant 0 : index
    %get3A_9 = vector.load %arg2[%get3A_7, %get3A_8] : memref<1264x64xf32, #tpu.memory_space<vmem>>, vector<1264x64xf32>
    %concatenate3A = tpu.concatenate %get3A_6, %get3A_9 in 1 : vector<1264x64xf32>, vector<1264x64xf32> -> vector<1264x128xf32>
    %get3A_10 = arith.constant 0 : index
    %get3A_11 = arith.constant 0 : index
    %get3A_12 = vector.load %arg3[%get3A_10, %get3A_11] : memref<1264x128xf32, #tpu.memory_space<vmem>>, vector<1264x128xf32>
    %add3A = arith.addf %concatenate3A, %get3A_12 : vector<1264x128xf32>
    %mul3A = vector.broadcast %get3A_3 : vector<1264x1xf32> to vector<1264x128xf32>
    %mul3A_13 = arith.mulf %mul3A, %add3A : vector<1264x128xf32>
    %get3A_14 = arith.constant 0 : index
    %get3A_15 = arith.constant 0 : index
    %get3A_16 = vector.load %arg5[%get3A_14, %get3A_15] : memref<1x128xf32, #tpu.memory_space<vmem>>, vector<1x128xf32>
    %add3A_17 = vector.broadcast %get3A_16 : vector<1x128xf32> to vector<1264x128xf32>
    %add3A_18 = arith.addf %mul3A_13, %add3A_17 : vector<1264x128xf32>
    %iota3A = tpu.iota {dimensions = array<i32: 1>} : vector<1264x64xi32>
    %get3A_19 = arith.constant 0 : index
    %get3A_20 = arith.constant 0 : index
    %get3A_21 = vector.load %arg6[%get3A_19, %get3A_20] : memref<1264x1xi32, #tpu.memory_space<vmem>>, vector<1264x1xi32>
    %eq3A_22 = vector.broadcast %get3A_21 : vector<1264x1xi32> to vector<1264x64xi32>
    %eq3A_23 = arith.cmpi eq, %eq3A_22, %iota3A : vector<1264x64xi32>
    %convert_element_type3A_24 = arith.extui %eq3A_23 : vector<1264x64xi1> to vector<1264x64xi32>
    %convert_element_type3A_25 = arith.sitofp %convert_element_type3A_24 : vector<1264x64xi32> to vector<1264x64xf32>
    %get3A_26 = arith.constant 0 : index
    %get3A_27 = arith.constant 0 : index
    %get3A_28 = vector.load %arg11[%get3A_26, %get3A_27] : memref<64x128xf32, #tpu.memory_space<vmem>>, vector<64x128xf32>
    %dot_general3A = arith.constant dense<0.000000e+00> : vector<64x128xf32>
    %dot_general3A_29 = tpu.matmul %convert_element_type3A_25, %add3A_18, %dot_general3A {dimension_numbers = #tpu.dot_dimension_numbers<[0], [0], [1], [1], [0, 1, 1, 1], [], []>, transpose_lhs_hint = false} : vector<1264x64xf32>, vector<1264x128xf32>, vector<64x128xf32> -> vector<64x128xf32>
    %add3A_30 = arith.addf %get3A_28, %dot_general3A_29 : vector<64x128xf32>
    %swap3A = arith.constant 0 : index
    %swap3A_31 = arith.constant 0 : index
    %swap3A_32 = vector.load %arg11[%swap3A, %swap3A_31] : memref<64x128xf32, #tpu.memory_space<vmem>>, vector<64x128xf32>
    tpu.vector_store %arg11[%swap3A, %swap3A_31], %add3A_30 {strides = array<i32>} : memref<64x128xf32, #tpu.memory_space<vmem>>, vector<64x128xf32>,
    %get3A_33 = arith.constant 0 : index
    %get3A_34 = arith.constant 0 : index
    %get3A_35 = vector.load %arg12[%get3A_33, %get3A_34] : memref<64x128xf32, #tpu.memory_space<vmem>>, vector<64x128xf32>
    %broadcast_in_dim3A = arith.constant 1.000000e+00 : f32
    %broadcast_in_dim3A_36 = vector.broadcast %broadcast_in_dim3A : f32 to vector<1264x128xf32>
    %dot_general3A_37 = arith.constant dense<0.000000e+00> : vector<64x128xf32>
    %dot_general3A_38 = tpu.matmul %convert_element_type3A_25, %broadcast_in_dim3A_36, %dot_general3A_37 {dimension_numbers = #tpu.dot_dimension_numbers<[0], [0], [1], [1], [0, 1, 1, 1], [], []>, transpose_lhs_hint = false} : vector<1264x64xf32>, vector<1264x128xf32>, vector<64x128xf32> -> vector<64x128xf32>
    %add3A_39 = arith.addf %get3A_35, %dot_general3A_38 : vector<64x128xf32>
    %swap3A_40 = arith.constant 0 : index
    %swap3A_41 = arith.constant 0 : index
    %swap3A_42 = vector.load %arg12[%swap3A_40, %swap3A_41] : memref<64x128xf32, #tpu.memory_space<vmem>>, vector<64x128xf32>
    tpu.vector_store %arg12[%swap3A_40, %swap3A_41], %add3A_39 {strides = array<i32>} : memref<64x128xf32, #tpu.memory_space<vmem>>, vector<64x128xf32>,
    %eq3A_43 = arith.constant 7 : i32
    %eq3A_44 = arith.cmpi eq, %arg0, %eq3A_43 : i32
    %convert_element_type3A_45 = arith.extui %eq3A_44 : i1 to i32
    %cond3A_46 = arith.constant 0 : i32
    %cond3A_47 = arith.cmpi ne, %convert_element_type3A_45, %cond3A_46 : i32
    scf.if %cond3A_47 {
      %get3A_48 = arith.constant 0 : index
      %get3A_49 = arith.constant 0 : index
      %get3A_50 = vector.load %arg11[%get3A_48, %get3A_49] : memref<64x128xf32, #tpu.memory_space<vmem>>, vector<64x128xf32>
      %get3A_51 = arith.constant 0 : index
      %get3A_52 = arith.constant 0 : index
      %get3A_53 = vector.load %arg12[%get3A_51, %get3A_52] : memref<64x128xf32, #tpu.memory_space<vmem>>, vector<64x128xf32>
      %max3A = arith.constant 1.000000e+00 : f32
      %max3A_54 = vector.broadcast %max3A : f32 to vector<64x128xf32>
      %max3A_55 = arith.maximumf %get3A_53, %max3A_54 : vector<64x128xf32>
      %div3A = arith.divf %get3A_50, %max3A_55 : vector<64x128xf32>
      %mul3A_56 = arith.mulf %div3A, %div3A : vector<64x128xf32>
      %reduce_sum3A = arith.constant dense<0.000000e+00> : vector<64xf32>
      %reduce_sum3A_57 = vector.multi_reduction <add>, %mul3A_56, %reduce_sum3A [1] : vector<64x128xf32> to vector<64xf32>
      %broadcast_in_dim3A_58 = vector.shape_cast %reduce_sum3A_57 : vector<64xf32> to vector<64x1xf32>
      %sqrt3A = math.sqrt %broadcast_in_dim3A_58 : vector<64x1xf32>
      %max3A_59 = arith.constant 9.99999996E-13 : f32
      %max3A_60 = vector.broadcast %max3A_59 : f32 to vector<64x1xf32>
      %max3A_61 = arith.maximumf %sqrt3A, %max3A_60 : vector<64x1xf32>
      %div3A_62 = vector.broadcast %max3A_61 : vector<64x1xf32> to vector<64x128xf32>
      %div3A_63 = arith.divf %div3A, %div3A_62 : vector<64x128xf32>
      %swap3A_64 = arith.constant 0 : index
      %swap3A_65 = arith.constant 0 : index
      %swap3A_66 = vector.load %arg9[%swap3A_64, %swap3A_65] : memref<64x128xf32, #tpu.memory_space<vmem>>, vector<64x128xf32>
      tpu.vector_store %arg9[%swap3A_64, %swap3A_65], %div3A_63 {strides = array<i32>} : memref<64x128xf32, #tpu.memory_space<vmem>>, vector<64x128xf32>,
      %get3A_67 = arith.constant 0 : index
      %get3A_68 = arith.constant 0 : index
      %get3A_69 = vector.load %arg7[%get3A_67, %get3A_68] : memref<10x128xf32, #tpu.memory_space<vmem>>, vector<10x128xf32>
      %mul3A_70 = arith.mulf %get3A_69, %get3A_69 : vector<10x128xf32>
      %reduce_sum3A_71 = arith.constant dense<0.000000e+00> : vector<10xf32>
      %reduce_sum3A_72 = vector.multi_reduction <add>, %mul3A_70, %reduce_sum3A_71 [1] : vector<10x128xf32> to vector<10xf32>
      %broadcast_in_dim3A_73 = vector.shape_cast %reduce_sum3A_72 : vector<10xf32> to vector<10x1xf32>
      %sqrt3A_74 = math.sqrt %broadcast_in_dim3A_73 : vector<10x1xf32>
      %max3A_75 = arith.constant 9.99999996E-13 : f32
      %max3A_76 = vector.broadcast %max3A_75 : f32 to vector<10x1xf32>
      %max3A_77 = arith.maximumf %sqrt3A_74, %max3A_76 : vector<10x1xf32>
      %div3A_78 = vector.broadcast %max3A_77 : vector<10x1xf32> to vector<10x128xf32>
      %div3A_79 = arith.divf %get3A_69, %div3A_78 : vector<10x128xf32>
      %dot_general3A_80 = arith.constant dense<0.000000e+00> : vector<64x10xf32>
      %dot_general3A_81 = tpu.matmul %div3A_63, %div3A_79, %dot_general3A_80 {dimension_numbers = #tpu.dot_dimension_numbers<[1], [1], [0], [0], [0, 0, 1, 0], [], []>, transpose_lhs_hint = false} : vector<64x128xf32>, vector<10x128xf32>, vector<64x10xf32> -> vector<64x10xf32>
      %get3A_82 = arith.constant 0 : index
      %get3A_83 = arith.constant 0 : index
      %get3A_84 = vector.load %arg8[%get3A_82, %get3A_83] : memref<1x10xf32, #tpu.memory_space<vmem>>, vector<1x10xf32>
      %add3A_85 = vector.broadcast %get3A_84 : vector<1x10xf32> to vector<64x10xf32>
      %add3A_86 = arith.addf %dot_general3A_81, %add3A_85 : vector<64x10xf32>
      %swap3A_87 = arith.constant 0 : index
      %swap3A_88 = arith.constant 0 : index
      %swap3A_89 = vector.load %arg10[%swap3A_87, %swap3A_88] : memref<64x10xf32, #tpu.memory_space<vmem>>, vector<64x10xf32>
      tpu.vector_store %arg10[%swap3A_87, %swap3A_88], %add3A_86 {strides = array<i32>} : memref<64x10xf32, #tpu.memory_space<vmem>>, vector<64x10xf32>,
    } else {
    }
    return
  }
  func.func @transform_0(%arg0: i32) -> (i32, i32) {
    %c0_i32 = arith.constant 0 : i32
    %c0_i32_0 = arith.constant 0 : i32
    return %arg0, %c0_i32 : i32, i32
  }
  func.func @transform_1(%arg0: i32) -> (i32, i32) {
    %c0_i32 = arith.constant 0 : i32
    %c0_i32_0 = arith.constant 0 : i32
    return %arg0, %c0_i32 : i32, i32
  }
  func.func @transform_2(%arg0: i32) -> (i32, i32) {
    %c0_i32 = arith.constant 0 : i32
    %c0_i32_0 = arith.constant 0 : i32
    return %arg0, %c0_i32 : i32, i32
  }
  func.func @transform_3(%arg0: i32) -> (i32, i32) {
    %c0_i32 = arith.constant 0 : i32
    %c0_i32_0 = arith.constant 0 : i32
    return %arg0, %c0_i32 : i32, i32
  }
  func.func @transform_4(%arg0: i32) -> (i32, i32) {
    %c0_i32 = arith.constant 0 : i32
    %c0_i32_0 = arith.constant 0 : i32
    %c0_i32_1 = arith.constant 0 : i32
    return %c0_i32, %c0_i32_0 : i32, i32
  }
  func.func @transform_5(%arg0: i32) -> (i32, i32) {
    %c0_i32 = arith.constant 0 : i32
    %c0_i32_0 = arith.constant 0 : i32
    return %arg0, %c0_i32 : i32, i32
  }
  func.func @transform_6(%arg0: i32) -> (i32, i32) {
    %c0_i32 = arith.constant 0 : i32
    %c0_i32_0 = arith.constant 0 : i32
    %c0_i32_1 = arith.constant 0 : i32
    return %c0_i32, %c0_i32_0 : i32, i32
  }
  func.func @transform_7(%arg0: i32) -> (i32, i32) {
    %c0_i32 = arith.constant 0 : i32
    %c0_i32_0 = arith.constant 0 : i32
    %c0_i32_1 = arith.constant 0 : i32
    return %c0_i32, %c0_i32_0 : i32, i32
  }
  func.func @transform_8(%arg0: i32) -> (i32, i32) {
    %c0_i32 = arith.constant 0 : i32
    %c0_i32_0 = arith.constant 0 : i32
    %c0_i32_1 = arith.constant 0 : i32
    return %c0_i32, %c0_i32_0 : i32, i32
  }
  func.func @transform_9(%arg0: i32) -> (i32, i32) {
    %c0_i32 = arith.constant 0 : i32
    %c0_i32_0 = arith.constant 0 : i32
    %c0_i32_1 = arith.constant 0 : i32
    return %c0_i32, %c0_i32_0 : i32, i32
  }
}

</mosaic_0001>

<sc_bundles>
// kernel: kernel.11.cloned.1.call-start
scs
__scs_entry_jumppad:
0x0: {  	(pc) =	sbr.rel $0x88, $3  }
0x1: {  	(tag) =	ssettag $0x0;
	lr =	simm.s32 $0x1  }
0x2: {  	[smem:$0x3F95] =	sst lr;
	_ =	strace $0xD0000000  }
0x3: {  	_ = 	snop  }
0x4: {  	_ = 	snop  }
0x5: {  	_ = 	snop  }
0x6: {  	_ = 	snop  }
0x7: {  	_ = 	snop  }
__scs_overlays_trampoline_lowered:
0x8: {  	[smem:$0x3FA4] =	sst s0  }
0x9: {  	[smem:$0x3FA5] =	sst s1  }
0xa: {  	[smem:$0x3FA6] =	sst s2  }
0xb: {  	[smem:$0x3FA7] =	sst s3  }
0xc: {  	[smem:$0x3FA8] =	sst s4  }
0xd: {  	[smem:$0x3FA9] =	sst s5  }
0xe: {  	[smem:$0x3FAA] =	sst s6  }
0xf: {  	[smem:$0x3FAB] =	sst s7  }
0x10: {  	[smem:$0x3FAC] =	sst s8  }
0x11: {  	[smem:$0x3FAD] =	sst s9;
	s0 =	simm.s32 @!p0 $0x0  }
0x12: {  	s1 =	sld [smem:$0x3F93];
	s0 =	simm.s32 @p0 $0x1  }
0x13: {  	[smem:$0x3FAE] =	sst s0;
	s0 =	simm.s32 @!p1 $0x0  }
0x14: {  	s2 =	sld [smem:$0x3F92];
	s0 =	simm.s32 @p1 $0x1  }
0x15: {  	[smem:$0x3FAF] =	sst s0;
	s0 =	simm.s32 @!p2 $0x0  }
0x16: {  	s3 =	sld [smem:$0x3FDB];
	s0 =	simm.s32 @p2 $0x1  }
0x17: {  	s4 =	simm.s32 $0x1BF5;
	[smem:$0x3FB1] =	sst s0  }
0x18: {  	s0 =	sld [smem:$0x3F94];
	_ =	swait.ge [sflag:s4], $0x0  }
0x19: {  	s7 =	sld [smem:$0x3F95]  }
0x1a: {  	s8 =	sadd.s32 $0xFFFFE003, lr  }
0x1b: {  	s9 =	sadd.s32 $0xFFFFFEF7, lr;
	s5 =	simm.s32 $0xFFFFFFFF;
	p2 =	slt.u32 s8, $0xFFFFF086  }
0x1c: {  	p1 =	slt.u32 s9, $0xF7A;
	s5 =	simm.s32 @!p2 $0x0  }
0x1d: {  	s5 =	simm.s32 @p1 $0x1;
	p0 =	seq.s32 s7, s2  }
0x1e: {  	s7 =	smul.u32 @!p0 $0xF7A, s2;
	p2 =	seq.s32 @!p0 s5, $0x0  }
0x1f: {  	s9 =	smul.u32 $0xF7A, s1;
	s8 =	simm.s32 @!p0 $0x1BF5;
	p2 =	por !p2, p0  }
0x20: {  	[sflag:s8] =	ssyncset.s32 @!p0 $0xFFFFF086;
	s6 =	sadd.s32 @!p0 s3, s7;
	s7 =	simm.s32 @!p0 $0x108  }
0x21: {  	s3 =	sadd.s32 s3, s9;
	s6 =	sadd.s32 @!p0 $0x88, s6;
	s7 =	simm.s32 @p2 $0x1082  }
0x22: {  	[simem:s7], [sflag:s8] =	dma.local @!p0 [hbm:s6], $0xF7A  }
0x23: {  	s9 =	sor.u32 $0xD0000000, s2;
	s6 =	simm.s32 $0x108;
	_ =	swait.ge @!p0 [sflag:s8], $0x0  }
0x24: {  	s3 =	sadd.s32 $0x88, s3;
	s6 =	simm.s32 @!p1 $0x1082;
	[sflag:s4] =	ssyncset.s32 $0xFFFFF086  }
0x25: {  	[simem:s6], [sflag:s4] =	dma.local [hbm:s3], $0xF7A  }
0x26: {  	[smem:$0x3F95] =	sst s1;
	(tag) =	ssettag s2;
	_ =	strace s9  }
0x27: {  	s1 =	sld [smem:$0x3FA5]  }
0x28: {  	s2 =	sld [smem:$0x3FA6]  }
0x29: {  	s4 =	sld [smem:$0x3FA8]  }
0x2a: {  	p0 =	seq.s32 s5, $0x0;
	s5 =	sld [smem:$0x3FA9]  }
0x2b: {  	s6 =	sld [smem:$0x3FAA]  }
0x2c: {  	s7 =	sld [smem:$0x3FAB]  }
0x2d: {  	s3 =	simm.s32 $0x108;
	s8 =	sld [smem:$0x3FAC]  }
0x2e: {  	s3 =	simm.s32 @!p0 $0x1082;
	s9 =	sld [smem:$0x3FAD]  }
0x2f: {  	lr =	sadd.s32 s0, s3;
	s0 =	sld [smem:$0x3FA4]  }
0x30: {  	s3 =	sld [smem:$0x3FA7]  }
0x31: {  	[smem:$0x3FB0] =	sst s10  }
0x32: {  	s10 =	sld [smem:$0x3FAE];
	_ =	sdelay $0x3  }
0x33: {  	p0 =	seq.s32 s10, $0x1;
	s10 =	sld [smem:$0x3FB0];
	_ =	sdelay $0x3  }
0x34: {  	[smem:$0x3FB0] =	sst s10  }
0x35: {  	s10 =	sld [smem:$0x3FAF];
	_ =	sdelay $0x3  }
0x36: {  	p1 =	seq.s32 s10, $0x1;
	s10 =	sld [smem:$0x3FB0];
	_ =	sdelay $0x3  }
0x37: {  	[smem:$0x3FB0] =	sst s10  }
0x38: {  	s10 =	sld [smem:$0x3FB1]  }
0x39: {  	_ = 	snop;
	(pc) =	sbr.ind lr, $3  }
0x3a: {  	_ = 	snop  }
0x3b: {  	_ = 	snop  }
0x3c: {  	p2 =	seq.s32 s10, $0x1;
	s10 =	sld [smem:$0x3FB0]  }
0x3d: {  	_ =	shalt  }
0x3e: {  	_ =	shalt  }
0x3f: {  	_ =	shalt  }
0x40: {  	_ =	shalt  }
0x41: {  	_ =	shalt  }
0x42: {  	_ =	shalt  }
0x43: {  	_ =	shalt  }
0x44: {  	_ =	shalt  }
0x45: {  	_ =	shalt  }
0x46: {  	_ =	shalt  }
0x47: {  	_ =	shalt  }
0x48: {  	_ =	shalt  }
0x49: {  	_ =	shalt  }
0x4a: {  	_ =	shalt  }
0x4b: {  	_ =	shalt  }
0x4c: {  	_ =	shalt  }
0x4d: {  	_ =	shalt  }
0x4e: {  	_ =	shalt  }
0x4f: {  	_ =	shalt  }
0x50: {  	_ =	shalt  }
0x51: {  	_ =	shalt  }
0x52: {  	_ =	shalt  }
0x53: {  	_ =	shalt  }
0x54: {  	_ =	shalt  }
0x55: {  	_ =	shalt  }
0x56: {  	_ =	shalt  }
0x57: {  	_ =	shalt  }
0x58: {  	_ =	shalt  }
0x59: {  	_ =	shalt  }
0x5a: {  	_ =	shalt  }
0x5b: {  	_ =	shalt  }
0x5c: {  	_ =	shalt  }
0x5d: {  	_ =	shalt  }
0x5e: {  	_ =	shalt  }
0x5f: {  	_ =	shalt  }
0x60: {  	_ =	shalt  }
0x61: {  	_ =	shalt  }
0x62: {  	_ =	shalt  }
0x63: {  	_ =	shalt  }
0x64: {  	_ =	shalt  }
0x65: {  	_ =	shalt  }
0x66: {  	_ =	shalt  }
0x67: {  	_ =	shalt  }
0x68: {  	_ =	shalt  }
0x69: {  	_ =	shalt  }
0x6a: {  	_ =	shalt  }
0x6b: {  	_ =	shalt  }
0x6c: {  	_ =	shalt  }
0x6d: {  	_ =	shalt  }
0x6e: {  	_ =	shalt  }
0x6f: {  	_ =	shalt  }
0x70: {  	_ =	shalt  }
0x71: {  	_ =	shalt  }
0x72: {  	_ =	shalt  }
0x73: {  	_ =	shalt  }
0x74: {  	_ =	shalt  }
0x75: {  	_ =	shalt  }
0x76: {  	_ =	shalt  }
0x77: {  	_ =	shalt  }
0x78: {  	_ =	shalt  }
0x79: {  	_ =	shalt  }
0x7a: {  	_ =	shalt  }
0x7b: {  	_ =	shalt  }
0x7c: {  	_ =	shalt  }
0x7d: {  	_ =	shalt  }
0x7e: {  	_ =	shalt  }
0x7f: {  	_ =	shalt  }
0x80: {  	_ =	shalt  }
0x81: {  	_ =	shalt  }
0x82: {  	_ =	shalt  }
0x83: {  	_ =	shalt  }
0x84: {  	_ =	shalt  }
0x85: {  	_ =	shalt  }
0x86: {  	_ =	shalt  }
0x87: {  	_ =	shalt  }
.Lfunc_end0:
.L_simem_size_0:
called_computation.1_lowered:
.L_overlay_start_0:
0x88: {  	s2 =	sld [smem:$0x3FD9]  }
0x89: {  	s3 =	sld [smem:$0x3FFE];
	_ =	sdelay $0x1  }
0x8a: {  	s1 =	srdreg.scid  }
0x8b: {  	s0 =	sand.u32 $0x1, s1  }
0x8c: {  	s16 =	sshll.u32 s0, $0xA;
	s2 =	sadd.s32 s3, s2  }
0x8d: {  	s2 =	sadd.s32 s2, s16  }
0x8e: {  	[smem:$0x3FBC] =	sst s2  }
0x8f: {  	_ = 	snop  }
0x90: {  	(tm) =	ssettm $0x1  }
0x91: {  	s17 =	sld [smem:$0x3FFB];
	_ =	sdelay $0x3  }
0x92: {  	_ =	strace s17  }
0x93: {  	s2 =	sld [smem:$0x3FFC];
	_ =	sdelay $0x3  }
0x94: {  	_ =	strace s2  }
0x95: {  	s2 =	sld [smem:$0x3FFD];
	_ =	sdelay $0x3  }
0x96: {  	_ =	strace s2  }
0x97: {  	_ =	strace $0x8FFFFFFF  }
0x98: {  	s18 =	sld [smem:$0x3FDB];
	_ =	sdelay $0x1  }
0x99: {  	s19 =	simm.s32 $_scs_section_size  }
0x9a: {  	s4 =	simm.s32 $_size__tile_overlayer_lowered;
	s5 =	simm.s32 $_tile_overlayer_lowered  }
0x9b: {  	s22 =	simm.s32 $0x1BFF;
	s21 =	sshll.u32 s5, $0x1;
	s2 =	sadd.s32 s19, s18  }
0x9c: {  	s6 =	simm.s32 $0x0;
	s20 =	sshll.u32 s4, $0x1;
	s4 =	sadd.s32 s21, s2  }
0x9d: {  	[timem:s6], [sflag:s22] =	dma.local [hbm:s4], s20  }
0x9e: {  	_ =	swait.ge [sflag:s22], s20  }
0x9f: {  	s3 =	ssub.s32 $0x0, s20;
	[sflag:s22] =	ssyncset.done $0x0  }
0xa0: {  	[sflag:s22] =	ssyncadd.s32 s3;
	_ =	sdelay $0x1  }
0xa1: {  	s23 =	simm.s32 $0x1B8B  }
0xa2: {  	_ =	swait.ge [sflag:s23], $0x1  }
0xa3: {  	[sflag:s23] =	ssyncset.done $0x0  }
0xa4: {  	s25 =	simm.s32 $0x1B8E;
	s24 =	sld [smem:$0x3FFE];
	[sflag:s23] =	ssyncadd.s32 $0xFFFFFFFF  }
0xa5: {  	s26 =	simm.s32 $execute0_lowered;
	[smem:$0x3FD2] =	sst s25  }
0xa6: {  	s4 =	sshll.u32 s26, $0x1;
	_ =	strace $0x80000049;
	[dreg:$0x1] =	wrdreg $0xFFFFFFFF  }
0xa7: {  	s28 =	simm.s32 $_size_execute0_lowered;
	s2 =	sadd.s32 s2, s4;
	[dreg:$0x0] =	wrdreg $0x0  }
0xa8: {  	s4 =	sshll.u32 s28, $0x1;
	[dreg:$0x2] =	wrdreg s2  }
0xa9: {  	[dreg:$0x3] =	wrdreg s4  }
0xaa: {  	[dreg:$0x4] =	wrdreg $0xC0  }
0xab: {  	_ =	task [dreg:s6], $0x5FFFF  }
0xac: {  	[dreg:$0x1] =	wrdreg $0xFFFFFFFF  }
0xad: {  	[dreg:$0x0] =	wrdreg $0x60  }
0xae: {  	[dreg:$0x2] =	wrdreg s24  }
0xaf: {  	[dreg:$0x3] =	wrdreg $0x110000  }
0xb0: {  	[dreg:$0x4] =	wrdreg $0x9  }
0xb1: {  	_ =	task.clear_ibuf [dreg:s6], $0x5FFFF;
	_ =	strace $0x90000049  }
0xb2: {  	s29 =	simm.s32 $0x9;
	_ =	strace $0x8000004B  }
0xb3: {  	_ =	swait.ge [sflag:s29], $0x1  }
0xb4: {  	[sflag:s29] =	ssyncadd.s32 $0xFFFFFFFF  }
0xb5: {  	_ =	strace $0x9000004B  }
0xb6: {  	_ =	sfence  }
0xb7: {  	s30 =	sld [smem:$0x0];
	_ =	sdelay $0x2  }
0xb8: {  	s31 =	sshll.u32 s1, $0xD;
	s1 =	sshrl.u32 s1, $0x2  }
0xb9: {  	s3 =	sand.u32 $0x4000, s31;
	s1 =	sadd.s32 s1, s30  }
0xba: {  	s0 =	sor.u32 s3, s0;
	s1 =	sshll.u32 s1, $0x11  }
0xbb: {  	s0 =	sor.u32 s1, s0  }
0xbc: {  	s0 =	sadd.s32 $0x8F2B, s0  }
0xbd: {  	[sflag:s0] =	ssyncadd.remote.s32 $0x1  }
0xbe: {  	_ =	sfence.sel $0xFFFF  }
0xbf: {  	[dreg:$0x0] =	wrdreg $0xFFFFFFFF;
	(pc) =	sbr.abs _section_cstart, $3  }
0xc0: {  	[dreg:$0x1] =	wrdreg $0xFFFFFFFF  }
0xc1: {  	_ =	task.clear_ibuf [dreg:s6], $0x2FFFF;
	_ =	strace $0x9FFFFFFF  }
0xc2: {  	(tm) =	ssettm $0x7FFFFFFF  }
0xc3: {  	_ =	shalt  }
tec
execute0_lowered:
.L_overlay_start_1:
0x0: {  	(tag) =	ssettag $0x1  }
0x1: {  	s0 =	rddreg [dreg:$0x0]  }
0x2: {  	s2 =	rddreg [dreg:$0x1];
	s3 =	simm.s32 $0x0  }
0x3: {  	s1 =	srdreg.scid;
	s17 =	stileid.u32;
	s28 =	simm.s32 $0xA00  }
0x4: {  	s29 =	simm.s32 $0x2;
	s30 =	simm.s32 $0x400;
	s7 =	smul.u32 $0x278, s17  }
0x5: {  	s31 =	simm.s32 $0xC00;
	[smem:$0x7FF] =	sst s3;
	s21 =	smul.u32 $0x27800, s17  }
0x6: {  	s1 =	sand.u32 $0x1, s1;
	s4 =	sadd.s32 $0x23800, s0;
	s14 =	smul.u32 $0x5000, s17  }
0x7: {  	s5 =	sadd.s32 $0x5800, s0;
	s6 =	sadd.s32 $0x19800, s0;
	s16 =	smul.u32 $0x28, s17  }
0x8: {  	s9 =	sadd.s32 $0x4B000, s0;
	s8 =	smul.u32 $0x2780, s1;
	s22 =	ssub.s32 $0x2, s1  }
0x9: {  	_ =	strace $0x8000004A;
	[dreg:$0x8] =	wrdreg s9;
	s10 =	sshrl.u32 s22, $0x1  }
0xa: {  	s11 =	sshrl.u32 s21, $0x2;
	s7 =	sadd.s32 s7, s8;
	s8 =	smul.u32 $0x50000, s1  }
0xb: {  	s1 =	ssub.s32 s22, s10;
	s23 =	sadd.s32 s11, s2;
	s10 =	sor.u32 $0x4, s16  }
0xc: {  	s11 =	smul.u32 $0xA00, s17;
	s7 =	sshll.u32 s7, $0x3;
	s18 =	sadd.s32 $0x2000, s23  }
0xd: {  	s19 =	sadd.s32 $0x4000, s23;
	s20 =	sadd.s32 $0x6000, s23;
	s21 =	sadd.s32 $0x8000, s23  }
0xe: {  	s17 =	smov.u32 s23;
	[dreg:$0x3] =	wrdreg s10;
	s0 =	sadd.s32 s7, s0  }
0xf: {  	s24 =	sadd.s32 s14, s8;
	s14 =	sshrl.u32 s14, $0x3;
	[dreg:$0x9] =	wrdreg s21  }
0x10: {  	s15 =	sshrl.u32 s24, $0x3;
	s26 =	sadd.s32 s6, s14;
	s12 =	sadd.s32 $0x9F000, s0  }
0x11: {  	s13 =	sadd.s32 $0x9F400, s0;
	s14 =	sadd.s32 $0x9F800, s0;
	[dreg:$0xb] =	wrdreg s26  }
0x12: {  	s16 =	sor.u32 $0x600, s24;
	s23 =	sor.u32 $0x400, s24;
	[dreg:$0xc] =	wrdreg s12  }
0x13: {  	s7 =	sor.u32 $0x200, s24;
	s25 =	sadd.s32 s5, s15;
	[dreg:$0xd] =	wrdreg s13  }
0x14: {  	[dreg:$0xe] =	wrdreg s14;
	s15 =	sadd.s32 s11, s6;
	s22 =	sshrl.u32 s16, $0x3  }
0x15: {  	s7 =	sshrl.u32 s7, $0x3;
	s26 =	smax.u32 s1, $0x1;
	[dreg:$0xa] =	wrdreg s25  }
0x16: {  	s1 =	simm.s32 $0x600;
	s16 =	simm.s32 $0x0;
	[dreg:$0x4] =	wrdreg s15  }
0x17: {  	s14 =	sadd.s32 s22, s5;
	s15 =	sshrl.u32 s23, $0x3;
	[dreg:$0x11] =	wrdreg s26  }
0x18: {  	s25 =	sadd.s32 $0x9FC00, s0;
	s7 =	sadd.s32 s7, s5;
	[dreg:$0x5] =	wrdreg s14  }
0x19: {  	s0 =	sadd.s32 $0xA0000, s0;
	s22 =	simm.s32 $0x1000;
	[dreg:$0xf] =	wrdreg s25  }
0x1a: {  	s23 =	simm.s32 $0x5;
	s26 =	simm.s32 $0x200;
	[dreg:$0x10] =	wrdreg s0  }
0x1b: {  	s24 =	sadd.s32 s15, s5;
	[dreg:$0x7] =	wrdreg s7;
	s25 =	simm.s32 $0x1  }
0x1c: {  	s0 =	simm.s32 $0x9000;
	s7 =	simm.s32 $0xE00;
	s14 =	simm.s32 $0x3  }
0x1d: {  	s15 =	simm.s32 $0x4;
	[dreg:$0x6] =	wrdreg s24;
	s24 =	simm.s32 $0x800  }
.LBB2_1:
0x1e: {  	s10 =	rddreg [dreg:$0x8]  }
0x1f: {  	[tilespmem:s22], [sflag:$0x5] =	stream.linear.gather [hbm4b:s10+s3], $0x2000, $0x38;
	[tilespmem:$0x1AE00] =	vst v63  }
0x20: {  	_ =	swait.ge [sflag:s23], $0x2000  }
0x21: {  	[sflag:s23] =	ssyncset.done $0x0  }
0x22: {  	[sflag:s23] =	ssyncadd.s32 $0xFFFFE000  }
0x23: {  	[spmem:s17] =	stream.linear.scatter [tilespmem:s22], [sflag:$0x5], $0x2000, $0x38;
	[tilespmem:$0x1AE00] =	vst v63  }
0x24: {  	_ =	swait.ge [sflag:s23], $0x2000  }
0x25: {  	[sflag:s23] =	ssyncset.done $0x0  }
0x26: {  	[sflag:s23] =	ssyncadd.s32 $0xFFFFE000  }
0x27: {  	[spmem:s18] =	stream.linear.scatter [tilespmem:s22], [sflag:$0x5], $0x2000, $0x38;
	[tilespmem:$0x1AE00] =	vst v63  }
0x28: {  	_ =	swait.ge [sflag:s23], $0x2000  }
0x29: {  	[sflag:s23] =	ssyncset.done $0x0  }
0x2a: {  	[sflag:s23] =	ssyncadd.s32 $0xFFFFE000  }
0x2b: {  	[spmem:s19] =	stream.linear.scatter [tilespmem:s22], [sflag:$0x5], $0x2000, $0x38;
	[tilespmem:$0x1AE00] =	vst v63  }
0x2c: {  	_ =	swait.ge [sflag:s23], $0x2000  }
0x2d: {  	[sflag:s23] =	ssyncset.done $0x0  }
0x2e: {  	[sflag:s23] =	ssyncadd.s32 $0xFFFFE000  }
0x2f: {  	[spmem:s20] =	stream.linear.scatter [tilespmem:s22], [sflag:$0x5], $0x2000, $0x38;
	[tilespmem:$0x1AE00] =	vst v63  }
0x30: {  	_ =	swait.ge [sflag:s23], $0x2000  }
0x31: {  	[sflag:s23] =	ssyncset.done $0x0  }
0x32: {  	[sflag:s23] =	ssyncadd.s32 $0xFFFFE000  }
0x33: {  	[spmem:s21] =	stream.linear.scatter [tilespmem:s22], [sflag:$0x5], $0x1E00, $0x38;
	[tilespmem:$0x1AE00] =	vst v63  }
0x34: {  	_ =	swait.ge [sflag:s23], $0x1E00  }
0x35: {  	[sflag:s23] =	ssyncset.done $0x0  }
0x36: {  	[sflag:s23] =	ssyncadd.s32 $0xFFFFE200  }
0x37: {  	[bflag:$0x0] =	sbarrier.arrive $0xFFFF  }
0x38: {  	s21 =	rddreg [dreg:$0xa]  }
0x39: {  	[tilespmem:s3], [sflag:$0x1] =	stream.linear.gather [hbm4b:s21+s3], $0x200, $0x38;
	[tilespmem:$0x1AE00] =	vst v63  }
0x3a: {  	s9 =	smov.u32 s17;
	s17 =	rddreg [dreg:$0xb]  }
0x3b: {  	[tilespmem:s24], [sflag:$0x1] =	stream.linear.gather [hbm4b:s17+s3], $0x200, $0x38;
	[tilespmem:$0x1AE00] =	vst v63  }
0x3c: {  	_ =	swait.ge [sflag:s25], $0x200  }
0x3d: {  	[sflag:s25] =	ssyncset.done $0x0  }
0x3e: {  	[sflag:s25] =	ssyncadd.s32 $0xFFFFFE00  }
0x3f: {  	_ =	swait.ge [sflag:s25], $0x200  }
0x40: {  	s11 =	smov.u32 s18;
	s12 =	smov.u32 s19;
	s18 =	rddreg [dreg:$0x7]  }
0x41: {  	s13 =	smov.u32 s20;
	s19 =	rddreg [dreg:$0x4];
	[sflag:s25] =	ssyncset.done $0x0  }
0x42: {  	[sflag:s25] =	ssyncadd.s32 $0xFFFFFE00;
	s17 =	sadd.s32 $0x0, s18;
	s20 =	sadd.s32 $0x0, s19  }
0x43: {  	[tilespmem:s26], [sflag:$0x1] =	stream.linear.gather [hbm4b:s17+s3], $0x200, $0x38;
	[tilespmem:$0x1AE00] =	vst v63  }
0x44: {  	p0 =	por $0x1, $0x1;
	s18 =	sadd.s32 $0x40, s20  }
0x45: {  	[tilespmem:s28], [sflag:$0x1] =	stream.linear.gather [hbm4b:s18+s3], $0x200, $0x38;
	[tilespmem:$0x1AE00] =	vst v63  }
0x46: {  	s18 =	simm.s32 @!p0 $0x3  }
0x47: {  	_ =	swait.ge @!p0 [sflag:s18], $0x8000  }
0x48: {  	[sflag:s18] =	ssyncset.done @!p0 $0x0  }
0x49: {  	[sflag:s18] =	ssyncadd.s32 @!p0 $0xFFFF8000  }
0x4a: {  	[tilespmem:s22], [sflag:$0x2] =	stream.indirect.gather [hbm4b:s4+s26], $0x40, s3, s26, $0xb8;
	[tilespmem:$0x1AE00] =	vst v63  }
0x4b: {  	_ =	swait.ge [sflag:s29], $0x8000  }
0x4c: {  	[sflag:s29] =	ssyncset.done $0x0  }
0x4d: {  	[sflag:s29] =	ssyncadd.s32 $0xFFFF8000  }
0x4e: {  	[spmem:s2] =	stream.indirect.scatter.add.f32 [tilespmem:s22], [sflag:$0x3], $0x40, s24, s26, $0xb8;
	[tilespmem:$0x1AE00] =	vst v63  }
0x4f: {  	_ =	swait.ge [sflag:s25], $0x200  }
0x50: {  	[sflag:s25] =	ssyncset.done $0x0  }
0x51: {  	[sflag:s25] =	ssyncadd.s32 $0xFFFFFE00  }
0x52: {  	_ =	swait.ge [sflag:s25], $0x200  }
0x53: {  	s21 =	rddreg [dreg:$0x6];
	[sflag:s25] =	ssyncset.done $0x0  }
0x54: {  	[sflag:s25] =	ssyncadd.s32 $0xFFFFFE00;
	s18 =	sadd.s32 $0x0, s21  }
0x55: {  	[tilespmem:s30], [sflag:$0x1] =	stream.linear.gather [hbm4b:s18+s3], $0x200, $0x38;
	[tilespmem:$0x1AE00] =	vst v63  }
0x56: {  	s10 =	sadd.s32 $0x80, s20;
	s18 =	simm.s32 @!p0 $0x4  }
0x57: {  	[tilespmem:s31], [sflag:$0x1] =	stream.linear.gather [hbm4b:s10+s3], $0x200, $0x38;
	[tilespmem:$0x1AE00] =	vst v63  }
0x58: {  	_ =	swait.ge @!p0 [sflag:s18], $0x8000  }
0x59: {  	[sflag:s18] =	ssyncset.done @!p0 $0x0  }
0x5a: {  	[sflag:s18] =	ssyncadd.s32 @!p0 $0xFFFF8000  }
0x5b: {  	[tilespmem:s0], [sflag:$0x2] =	stream.indirect.gather [hbm4b:s4+s26], $0x40, s26, s26, $0xb8;
	[tilespmem:$0x1AE00] =	vst v63  }
0x5c: {  	_ =	swait.ge [sflag:s29], $0x8000  }
0x5d: {  	[sflag:s29] =	ssyncset.done $0x0  }
0x5e: {  	[sflag:s29] =	ssyncadd.s32 $0xFFFF8000  }
0x5f: {  	[spmem:s2] =	stream.indirect.scatter.add.f32 [tilespmem:s0], [sflag:$0x4], $0x40, s28, s26, $0xb8;
	[tilespmem:$0x1AE00] =	vst v63  }
0x60: {  	_ =	swait.ge [sflag:s25], $0x200  }
0x61: {  	[sflag:s25] =	ssyncset.done $0x0  }
0x62: {  	[sflag:s25] =	ssyncadd.s32 $0xFFFFFE00  }
0x63: {  	_ =	swait.ge [sflag:s25], $0x200  }
0x64: {  	s19 =	rddreg [dreg:$0x5];
	[sflag:s25] =	ssyncset.done $0x0  }
0x65: {  	[sflag:s25] =	ssyncadd.s32 $0xFFFFFE00;
	s18 =	sadd.s32 $0x0, s19  }
0x66: {  	[tilespmem:s1], [sflag:$0x1] =	stream.linear.gather [hbm4b:s18+s3], $0x200, $0x38;
	[tilespmem:$0x1AE00] =	vst v63  }
0x67: {  	s17 =	sadd.s32 $0xC0, s20  }
0x68: {  	[tilespmem:s7], [sflag:$0x1] =	stream.linear.gather [hbm4b:s17+s3], $0x200, $0x38;
	[tilespmem:$0x1AE00] =	vst v63  }
0x69: {  	_ =	swait.ge [sflag:s14], $0x8000  }
0x6a: {  	[sflag:s14] =	ssyncset.done $0x0  }
0x6b: {  	[sflag:s14] =	ssyncadd.s32 $0xFFFF8000  }
0x6c: {  	[tilespmem:s22], [sflag:$0x2] =	stream.indirect.gather [hbm4b:s4+s26], $0x40, s30, s26, $0xb8;
	[tilespmem:$0x1AE00] =	vst v63  }
0x6d: {  	_ =	swait.ge [sflag:s29], $0x8000  }
0x6e: {  	[sflag:s29] =	ssyncset.done $0x0  }
0x6f: {  	[sflag:s29] =	ssyncadd.s32 $0xFFFF8000  }
0x70: {  	[spmem:s2] =	stream.indirect.scatter.add.f32 [tilespmem:s22], [sflag:$0x3], $0x40, s31, s26, $0xb8;
	[tilespmem:$0x1AE00] =	vst v63  }
0x71: {  	_ =	swait.ge [sflag:s25], $0x200  }
0x72: {  	[sflag:s25] =	ssyncset.done $0x0  }
0x73: {  	[sflag:s25] =	ssyncadd.s32 $0xFFFFFE00  }
0x74: {  	_ =	swait.ge [sflag:s25], $0x200  }
0x75: {  	s21 =	smin.u32 s3, $0x23;
	s20 =	rddreg [dreg:$0x3]  }
0x76: {  	s17 =	sadd.s32 s21, s20  }
0x77: {  	s18 =	sshll.u32 s17, $0x9  }
0x78: {  	s18 =	sadd.s32 s8, s18  }
0x79: {  	[sflag:s25] =	ssyncset.done $0x0;
	s18 =	sshrl.u32 s18, $0x3  }
0x7a: {  	[sflag:s25] =	ssyncadd.s32 $0xFFFFFE00;
	s17 =	sshll.u32 s17, $0x6;
	s18 =	sadd.s32 s5, s18  }
0x7b: {  	[tilespmem:s3], [sflag:$0x1] =	stream.linear.gather [hbm4b:s18+s3], $0x200, $0x38;
	[tilespmem:$0x1AE00] =	vst v63  }
0x7c: {  	s17 =	sadd.s32 s6, s17  }
0x7d: {  	[tilespmem:s24], [sflag:$0x1] =	stream.linear.gather [hbm4b:s17+s3], $0x200, $0x38;
	[tilespmem:$0x1AE00] =	vst v63  }
0x7e: {  	_ =	swait.ge [sflag:s15], $0x8000  }
0x7f: {  	[sflag:s15] =	ssyncset.done $0x0  }
0x80: {  	[sflag:s15] =	ssyncadd.s32 $0xFFFF8000  }
0x81: {  	[tilespmem:s0], [sflag:$0x2] =	stream.indirect.gather [hbm4b:s4+s26], $0x40, s1, s26, $0xb8;
	[tilespmem:$0x1AE00] =	vst v63  }
0x82: {  	_ =	swait.ge [sflag:s29], $0x8000  }
0x83: {  	s18 =	simm.s32 $0x0;
	s17 =	simm.s32 $0x100;
	[sflag:s29] =	ssyncset.done $0x0  }
.LBB2_2:
0x84: {  	[sflag:s29] =	ssyncadd.s32 $0xFFFF8000  }
0x85: {  	[spmem:s2] =	stream.indirect.scatter.add.f32 [tilespmem:s0], [sflag:$0x4], $0x40, s7, s26, $0xb8;
	[tilespmem:$0x1AE00] =	vst v63  }
0x86: {  	_ =	swait.ge [sflag:s25], $0x200  }
0x87: {  	[sflag:s25] =	ssyncset.done $0x0  }
0x88: {  	[sflag:s25] =	ssyncadd.s32 $0xFFFFFE00  }
0x89: {  	_ =	swait.ge [sflag:s25], $0x200  }
0x8a: {  	s19 =	smov.u32 s17;
	s20 =	rddreg [dreg:$0x7];
	[sflag:s25] =	ssyncset.done $0x0  }
0x8b: {  	s21 =	rddreg [dreg:$0x4];
	[sflag:s25] =	ssyncadd.s32 $0xFFFFFE00;
	s20 =	sadd.s32 s19, s20  }
0x8c: {  	[tilespmem:s26], [sflag:$0x1] =	stream.linear.gather [hbm4b:s20+s3], $0x200, $0x38;
	[tilespmem:$0x1AE00] =	vst v63  }
0x8d: {  	p1 =	seq.s32 s19, $0x0;
	s20 =	sadd.s32 s19, s21  }
0x8e: {  	s10 =	simm.s32 @!p1 $0x3;
	s21 =	sadd.s32 $0x40, s20  }
0x8f: {  	[tilespmem:s28], [sflag:$0x1] =	stream.linear.gather [hbm4b:s21+s3], $0x200, $0x38;
	[tilespmem:$0x1AE00] =	vst v63  }
0x90: {  	_ =	swait.ge @!p1 [sflag:s10], $0x8000  }
0x91: {  	[sflag:s10] =	ssyncset.done @!p1 $0x0  }
0x92: {  	[sflag:s10] =	ssyncadd.s32 @!p1 $0xFFFF8000  }
0x93: {  	[tilespmem:s22], [sflag:$0x2] =	stream.indirect.gather [hbm4b:s4+s26], $0x40, s3, s26, $0xb8;
	[tilespmem:$0x1AE00] =	vst v63  }
0x94: {  	_ =	swait.ge [sflag:s29], $0x8000  }
0x95: {  	[sflag:s29] =	ssyncset.done $0x0  }
0x96: {  	[sflag:s29] =	ssyncadd.s32 $0xFFFF8000  }
0x97: {  	[spmem:s2] =	stream.indirect.scatter.add.f32 [tilespmem:s22], [sflag:$0x3], $0x40, s24, s26, $0xb8;
	[tilespmem:$0x1AE00] =	vst v63  }
0x98: {  	_ =	swait.ge [sflag:s25], $0x200  }
0x99: {  	[sflag:s25] =	ssyncset.done $0x0  }
0x9a: {  	[sflag:s25] =	ssyncadd.s32 $0xFFFFFE00  }
0x9b: {  	_ =	swait.ge [sflag:s25], $0x200  }
0x9c: {  	s21 =	rddreg [dreg:$0x6];
	[sflag:s25] =	ssyncset.done $0x0  }
0x9d: {  	[sflag:s25] =	ssyncadd.s32 $0xFFFFFE00;
	s10 =	sadd.s32 s19, s21  }
0x9e: {  	[tilespmem:s30], [sflag:$0x1] =	stream.linear.gather [hbm4b:s10+s3], $0x200, $0x38;
	[tilespmem:$0x1AE00] =	vst v63  }
0x9f: {  	s21 =	sadd.s32 $0x80, s20;
	s10 =	simm.s32 @!p1 $0x4  }
0xa0: {  	[tilespmem:s31], [sflag:$0x1] =	stream.linear.gather [hbm4b:s21+s3], $0x200, $0x38;
	[tilespmem:$0x1AE00] =	vst v63  }
0xa1: {  	_ =	swait.ge @!p1 [sflag:s10], $0x8000  }
0xa2: {  	[sflag:s10] =	ssyncset.done @!p1 $0x0  }
0xa3: {  	[sflag:s10] =	ssyncadd.s32 @!p1 $0xFFFF8000  }
0xa4: {  	[tilespmem:s0], [sflag:$0x2] =	stream.indirect.gather [hbm4b:s4+s26], $0x40, s26, s26, $0xb8;
	[tilespmem:$0x1AE00] =	vst v63  }
0xa5: {  	_ =	swait.ge [sflag:s29], $0x8000  }
0xa6: {  	[sflag:s29] =	ssyncset.done $0x0  }
0xa7: {  	[sflag:s29] =	ssyncadd.s32 $0xFFFF8000  }
0xa8: {  	[spmem:s2] =	stream.indirect.scatter.add.f32 [tilespmem:s0], [sflag:$0x4], $0x40, s28, s26, $0xb8;
	[tilespmem:$0x1AE00] =	vst v63  }
0xa9: {  	_ =	swait.ge [sflag:s25], $0x200  }
0xaa: {  	[sflag:s25] =	ssyncset.done $0x0  }
0xab: {  	[sflag:s25] =	ssyncadd.s32 $0xFFFFFE00  }
0xac: {  	_ =	swait.ge [sflag:s25], $0x200  }
0xad: {  	s21 =	rddreg [dreg:$0x5];
	[sflag:s25] =	ssyncset.done $0x0  }
0xae: {  	[sflag:s25] =	ssyncadd.s32 $0xFFFFFE00;
	s10 =	sadd.s32 s19, s21  }
0xaf: {  	[tilespmem:s1], [sflag:$0x1] =	stream.linear.gather [hbm4b:s10+s3], $0x200, $0x38;
	[tilespmem:$0x1AE00] =	vst v63  }
0xb0: {  	s21 =	sadd.s32 $0xC0, s20  }
0xb1: {  	[tilespmem:s7], [sflag:$0x1] =	stream.linear.gather [hbm4b:s21+s3], $0x200, $0x38;
	[tilespmem:$0x1AE00] =	vst v63  }
0xb2: {  	_ =	swait.ge [sflag:s14], $0x8000  }
0xb3: {  	[sflag:s14] =	ssyncset.done $0x0  }
0xb4: {  	[sflag:s14] =	ssyncadd.s32 $0xFFFF8000  }
0xb5: {  	[tilespmem:s22], [sflag:$0x2] =	stream.indirect.gather [hbm4b:s4+s26], $0x40, s30, s26, $0xb8;
	[tilespmem:$0x1AE00] =	vst v63  }
0xb6: {  	_ =	swait.ge [sflag:s29], $0x8000  }
0xb7: {  	[sflag:s29] =	ssyncset.done $0x0  }
0xb8: {  	[sflag:s29] =	ssyncadd.s32 $0xFFFF8000  }
0xb9: {  	[spmem:s2] =	stream.indirect.scatter.add.f32 [tilespmem:s22], [sflag:$0x3], $0x40, s31, s26, $0xb8;
	[tilespmem:$0x1AE00] =	vst v63  }
0xba: {  	_ =	swait.ge [sflag:s25], $0x200  }
0xbb: {  	[sflag:s25] =	ssyncset.done $0x0  }
0xbc: {  	[sflag:s25] =	ssyncadd.s32 $0xFFFFFE00  }
0xbd: {  	s18 =	sadd.s32 $0x4, s18;
	_ =	swait.ge [sflag:s25], $0x200  }
0xbe: {  	s21 =	smin.u32 s18, $0x23;
	s20 =	rddreg [dreg:$0x3]  }
0xbf: {  	s10 =	sadd.s32 s21, s20  }
0xc0: {  	s19 =	sshll.u32 s10, $0x9  }
0xc1: {  	s19 =	sadd.s32 s8, s19  }
0xc2: {  	[sflag:s25] =	ssyncset.done $0x0;
	s19 =	sshrl.u32 s19, $0x3  }
0xc3: {  	[sflag:s25] =	ssyncadd.s32 $0xFFFFFE00;
	s10 =	sshll.u32 s10, $0x6;
	s19 =	sadd.s32 s5, s19  }
0xc4: {  	[tilespmem:s3], [sflag:$0x1] =	stream.linear.gather [hbm4b:s19+s3], $0x200, $0x38;
	[tilespmem:$0x1AE00] =	vst v63  }
0xc5: {  	s17 =	sadd.s32 $0x100, s17;
	s10 =	sadd.s32 s6, s10  }
0xc6: {  	[tilespmem:s24], [sflag:$0x1] =	stream.linear.gather [hbm4b:s10+s3], $0x200, $0x38;
	[tilespmem:$0x1AE00] =	vst v63  }
0xc7: {  	p0 =	sne.s32 s17, $0xA00;
	_ =	swait.ge [sflag:s15], $0x8000  }
.Ltmp0:
0xc8: {  	[sflag:s15] =	ssyncset.done $0x0;
	(pc) =	sbr.rel @p0 .LBB2_2-.Ltmp0, $4  }
0xc9: {  	[sflag:s15] =	ssyncadd.s32 $0xFFFF8000  }
0xca: {  	[tilespmem:s0], [sflag:$0x2] =	stream.indirect.gather [hbm4b:s4+s26], $0x40, s1, s26, $0xb8;
	[tilespmem:$0x1AE00] =	vst v63  }
0xcb: {  	_ =	swait.ge [sflag:s29], $0x8000  }
0xcc: {  	[sflag:s29] =	ssyncset.done $0x0  }
0xcd: {  	[sflag:s29] =	ssyncadd.s32 $0xFFFF8000  }
0xce: {  	[spmem:s2] =	stream.indirect.scatter.add.f32 [tilespmem:s0], [sflag:$0x4], $0x40, s7, s26, $0xb8;
	[tilespmem:$0x1AE00] =	vst v63  }
0xcf: {  	_ =	swait.ge [sflag:s14], $0x8000  }
0xd0: {  	[sflag:s14] =	ssyncset.done $0x0  }
0xd1: {  	[sflag:s14] =	ssyncadd.s32 $0xFFFF8000  }
0xd2: {  	_ =	swait.ge [sflag:s15], $0x8000  }
0xd3: {  	[sflag:s15] =	ssyncset.done $0x0  }
0xd4: {  	[sflag:s15] =	ssyncadd.s32 $0xFFFF8000  }
0xd5: {  	_ =	swait.ge [sflag:s25], $0x200  }
0xd6: {  	[sflag:s25] =	ssyncset.done $0x0  }
0xd7: {  	[sflag:s25] =	ssyncadd.s32 $0xFFFFFE00  }
0xd8: {  	_ =	swait.ge [sflag:s25], $0x200  }
0xd9: {  	[sflag:s25] =	ssyncset.done $0x0  }
0xda: {  	[sflag:s25] =	ssyncadd.s32 $0xFFFFFE00  }
0xdb: {  	[bflag:$0x0] =	sbarrier.arrive $0xFFFF  }
0xdc: {  	[tilespmem:s22], [sflag:$0x5] =	stream.linear.gather [spmem:s9], $0x2000, $0x38;
	[tilespmem:$0x1AE00] =	vst v63  }
0xdd: {  	_ =	swait.ge [sflag:s23], $0x2000  }
0xde: {  	[sflag:s23] =	ssyncset.done $0x0  }
0xdf: {  	s20 =	rddreg [dreg:$0xc];
	[sflag:s23] =	ssyncadd.s32 $0xFFFFE000  }
0xe0: {  	[hbm4b:s20+s3] =	stream.linear.scatter [tilespmem:s22], [sflag:$0x5], $0x2000, $0x38;
	[tilespmem:$0x1AE00] =	vst v63  }
0xe1: {  	_ =	swait.ge [sflag:s23], $0x2000  }
0xe2: {  	[sflag:s23] =	ssyncset.done $0x0  }
0xe3: {  	[sflag:s23] =	ssyncadd.s32 $0xFFFFE000  }
0xe4: {  	[tilespmem:s22], [sflag:$0x5] =	stream.linear.gather [spmem:s11], $0x2000, $0x38;
	[tilespmem:$0x1AE00] =	vst v63  }
0xe5: {  	_ =	swait.ge [sflag:s23], $0x2000  }
0xe6: {  	[sflag:s23] =	ssyncset.done $0x0  }
0xe7: {  	s21 =	rddreg [dreg:$0xd];
	[sflag:s23] =	ssyncadd.s32 $0xFFFFE000  }
0xe8: {  	[hbm4b:s21+s3] =	stream.linear.scatter [tilespmem:s22], [sflag:$0x5], $0x2000, $0x38;
	[tilespmem:$0x1AE00] =	vst v63  }
0xe9: {  	_ =	swait.ge [sflag:s23], $0x2000  }
0xea: {  	[sflag:s23] =	ssyncset.done $0x0  }
0xeb: {  	[sflag:s23] =	ssyncadd.s32 $0xFFFFE000  }
0xec: {  	[tilespmem:s22], [sflag:$0x5] =	stream.linear.gather [spmem:s12], $0x2000, $0x38;
	[tilespmem:$0x1AE00] =	vst v63  }
0xed: {  	_ =	swait.ge [sflag:s23], $0x2000  }
0xee: {  	[sflag:s23] =	ssyncset.done $0x0  }
0xef: {  	s10 =	rddreg [dreg:$0xe];
	[sflag:s23] =	ssyncadd.s32 $0xFFFFE000  }
0xf0: {  	[hbm4b:s10+s3] =	stream.linear.scatter [tilespmem:s22], [sflag:$0x5], $0x2000, $0x38;
	[tilespmem:$0x1AE00] =	vst v63  }
0xf1: {  	_ =	swait.ge [sflag:s23], $0x2000  }
0xf2: {  	[sflag:s23] =	ssyncset.done $0x0  }
0xf3: {  	[sflag:s23] =	ssyncadd.s32 $0xFFFFE000  }
0xf4: {  	[tilespmem:s22], [sflag:$0x5] =	stream.linear.gather [spmem:s13], $0x2000, $0x38;
	[tilespmem:$0x1AE00] =	vst v63  }
0xf5: {  	_ =	swait.ge [sflag:s23], $0x2000  }
0xf6: {  	[sflag:s23] =	ssyncset.done $0x0  }
0xf7: {  	s18 =	smov.u32 s11;
	s11 =	rddreg [dreg:$0xf];
	[sflag:s23] =	ssyncadd.s32 $0xFFFFE000  }
0xf8: {  	[hbm4b:s11+s3] =	stream.linear.scatter [tilespmem:s22], [sflag:$0x5], $0x2000, $0x38;
	[tilespmem:$0x1AE00] =	vst v63  }
0xf9: {  	_ =	swait.ge [sflag:s23], $0x2000  }
0xfa: {  	[sflag:s23] =	ssyncset.done $0x0  }
0xfb: {  	s21 =	rddreg [dreg:$0x9];
	[sflag:s23] =	ssyncadd.s32 $0xFFFFE000  }
0xfc: {  	[tilespmem:s22], [sflag:$0x5] =	stream.linear.gather [spmem:s21], $0x1E00, $0x38;
	[tilespmem:$0x1AE00] =	vst v63  }
0xfd: {  	_ =	swait.ge [sflag:s23], $0x1E00  }
0xfe: {  	[sflag:s23] =	ssyncset.done $0x0  }
0xff: {  	s19 =	smov.u32 s12;
	s12 =	rddreg [dreg:$0x10];
	[sflag:s23] =	ssyncadd.s32 $0xFFFFE200  }
0x100: {  	[hbm4b:s12+s3] =	stream.linear.scatter [tilespmem:s22], [sflag:$0x5], $0x1E00, $0x38;
	[tilespmem:$0x1AE00] =	vst v63  }
0x101: {  	_ =	swait.ge [sflag:s23], $0x1E00  }
0x102: {  	s16 =	sadd.s32 $0x1, s16;
	s20 =	smov.u32 s13;
	s13 =	rddreg [dreg:$0x11]  }
0x103: {  	p0 =	sne.s32 s16, s13  }
.Ltmp1:
0x104: {  	_ = 	snop;
	(pc) =	sbr.rel @p0 .LBB2_1-.Ltmp1, $3  }
0x105: {  	_ =	sdelay $0x1  }
0x106: {  	[sflag:s23] =	ssyncset.done $0x0  }
0x107: {  	s17 =	smov.u32 s9;
	[sflag:s23] =	ssyncadd.s32 $0xFFFFE200  }
0x108: {  	_ =	sfence.sel $0x180000  }
0x109: {  	[bflag:$0x0] =	sbarrier.arrive $0xFFFF  }
0x10a: {  	_ =	strace $0x9000004A  }
0x10b: {  	s0 =	stileid.u32;
	[bflag:$0x2] =	sbarrier.arrive $0xFFFF  }
0x10c: {  	p0 =	sne.s32 s0, $0x0;
	s0 =	rddreg [dreg:$0x2]  }
0x10d: {  	s0 =	sadd.s32 @!p0 $0x100000, s0  }
0x10e: {  	[sflag:s0] =	ssyncadd.tile.s32 @!p0 $0x1;
	_ =	shalt  }
.Lfunc_end2:
_tile_overlayer_lowered:
.L_overlay_start_2:
0x10f: {  	(tag) =	ssettag $0x2  }
0x110: {  	s0 =	rddreg [dreg:$0x0];
	s2 =	stileid.u32  }
0x111: {  	s1 =	rddreg [dreg:$0x1];
	p0 =	sne.s32 s2, $0x0  }
0x112: {  	s3 =	rddreg [dreg:$0x2];
	[bflag:$0x3] =	sbarrier.arrive $0xFFFF;
	s2 =	simm.s32 @!p0 $0x1C05  }
0x113: {  	[timem:s3], [sflag:s2] =	dma.local @!p0 [hbm:s0], s1  }
0x114: {  	s0 =	simm.s32 @!p0 $0x5  }
0x115: {  	_ =	swait.ge @!p0 [sflag:s0], s1  }
0x116: {  	s1 =	ssub.s32 @!p0 $0x0, s1;
	[sflag:s0] =	ssyncset.done @!p0 $0x0  }
0x117: {  	[sflag:s0] =	ssyncadd.s32 @!p0 s1  }
0x118: {  	[bflag:$0x3] =	sbarrier.arrive $0xFFFF  }
0x119: {  	_ =	shalt  }

// kernel: kernel.14.cloned.1.call-start
scs
__scs_entry_jumppad:
0x0: {  	(pc) =	sbr.rel $0x88, $3  }
0x1: {  	(tag) =	ssettag $0x0;
	lr =	simm.s32 $0x1  }
0x2: {  	[smem:$0x3F95] =	sst lr;
	_ =	strace $0xD0000000  }
0x3: {  	_ = 	snop  }
0x4: {  	_ = 	snop  }
0x5: {  	_ = 	snop  }
0x6: {  	_ = 	snop  }
0x7: {  	_ = 	snop  }
__scs_overlays_trampoline_lowered:
0x8: {  	[smem:$0x3FA4] =	sst s0  }
0x9: {  	[smem:$0x3FA5] =	sst s1  }
0xa: {  	[smem:$0x3FA6] =	sst s2  }
0xb: {  	[smem:$0x3FA7] =	sst s3  }
0xc: {  	[smem:$0x3FA8] =	sst s4  }
0xd: {  	[smem:$0x3FA9] =	sst s5  }
0xe: {  	[smem:$0x3FAA] =	sst s6  }
0xf: {  	[smem:$0x3FAB] =	sst s7  }
0x10: {  	[smem:$0x3FAC] =	sst s8  }
0x11: {  	[smem:$0x3FAD] =	sst s9;
	s0 =	simm.s32 @!p0 $0x0  }
0x12: {  	s1 =	sld [smem:$0x3F93];
	s0 =	simm.s32 @p0 $0x1  }
0x13: {  	[smem:$0x3FAE] =	sst s0;
	s0 =	simm.s32 @!p1 $0x0  }
0x14: {  	s2 =	sld [smem:$0x3F92];
	s0 =	simm.s32 @p1 $0x1  }
0x15: {  	[smem:$0x3FAF] =	sst s0;
	s0 =	simm.s32 @!p2 $0x0  }
0x16: {  	s3 =	sld [smem:$0x3FDB];
	s0 =	simm.s32 @p2 $0x1  }
0x17: {  	s4 =	simm.s32 $0x1BF5;
	[smem:$0x3FB1] =	sst s0  }
0x18: {  	s0 =	sld [smem:$0x3F94];
	_ =	swait.ge [sflag:s4], $0x0  }
0x19: {  	s7 =	sld [smem:$0x3F95]  }
0x1a: {  	s8 =	sadd.s32 $0xFFFFE003, lr  }
0x1b: {  	s9 =	sadd.s32 $0xFFFFFEF7, lr;
	s5 =	simm.s32 $0xFFFFFFFF;
	p2 =	slt.u32 s8, $0xFFFFF086  }
0x1c: {  	p1 =	slt.u32 s9, $0xF7A;
	s5 =	simm.s32 @!p2 $0x0  }
0x1d: {  	s5 =	simm.s32 @p1 $0x1;
	p0 =	seq.s32 s7, s2  }
0x1e: {  	s7 =	smul.u32 @!p0 $0xF7A, s2;
	p2 =	seq.s32 @!p0 s5, $0x0  }
0x1f: {  	s9 =	smul.u32 $0xF7A, s1;
	s8 =	simm.s32 @!p0 $0x1BF5;
	p2 =	por !p2, p0  }
0x20: {  	[sflag:s8] =	ssyncset.s32 @!p0 $0xFFFFF086;
	s6 =	sadd.s32 @!p0 s3, s7;
	s7 =	simm.s32 @!p0 $0x108  }
0x21: {  	s3 =	sadd.s32 s3, s9;
	s6 =	sadd.s32 @!p0 $0x88, s6;
	s7 =	simm.s32 @p2 $0x1082  }
0x22: {  	[simem:s7], [sflag:s8] =	dma.local @!p0 [hbm:s6], $0xF7A  }
0x23: {  	s9 =	sor.u32 $0xD0000000, s2;
	s6 =	simm.s32 $0x108;
	_ =	swait.ge @!p0 [sflag:s8], $0x0  }
0x24: {  	s3 =	sadd.s32 $0x88, s3;
	s6 =	simm.s32 @!p1 $0x1082;
	[sflag:s4] =	ssyncset.s32 $0xFFFFF086  }
0x25: {  	[simem:s6], [sflag:s4] =	dma.local [hbm:s3], $0xF7A  }
0x26: {  	[smem:$0x3F95] =	sst s1;
	(tag) =	ssettag s2;
	_ =	strace s9  }
0x27: {  	s1 =	sld [smem:$0x3FA5]  }
0x28: {  	s2 =	sld [smem:$0x3FA6]  }
0x29: {  	s4 =	sld [smem:$0x3FA8]  }
0x2a: {  	p0 =	seq.s32 s5, $0x0;
	s5 =	sld [smem:$0x3FA9]  }
0x2b: {  	s6 =	sld [smem:$0x3FAA]  }
0x2c: {  	s7 =	sld [smem:$0x3FAB]  }
0x2d: {  	s3 =	simm.s32 $0x108;
	s8 =	sld [smem:$0x3FAC]  }
0x2e: {  	s3 =	simm.s32 @!p0 $0x1082;
	s9 =	sld [smem:$0x3FAD]  }
0x2f: {  	lr =	sadd.s32 s0, s3;
	s0 =	sld [smem:$0x3FA4]  }
0x30: {  	s3 =	sld [smem:$0x3FA7]  }
0x31: {  	[smem:$0x3FB0] =	sst s10  }
0x32: {  	s10 =	sld [smem:$0x3FAE];
	_ =	sdelay $0x3  }
0x33: {  	p0 =	seq.s32 s10, $0x1;
	s10 =	sld [smem:$0x3FB0];
	_ =	sdelay $0x3  }
0x34: {  	[smem:$0x3FB0] =	sst s10  }
0x35: {  	s10 =	sld [smem:$0x3FAF];
	_ =	sdelay $0x3  }
0x36: {  	p1 =	seq.s32 s10, $0x1;
	s10 =	sld [smem:$0x3FB0];
	_ =	sdelay $0x3  }
0x37: {  	[smem:$0x3FB0] =	sst s10  }
0x38: {  	s10 =	sld [smem:$0x3FB1]  }
0x39: {  	_ = 	snop;
	(pc) =	sbr.ind lr, $3  }
0x3a: {  	_ = 	snop  }
0x3b: {  	_ = 	snop  }
0x3c: {  	p2 =	seq.s32 s10, $0x1;
	s10 =	sld [smem:$0x3FB0]  }
0x3d: {  	_ =	shalt  }
0x3e: {  	_ =	shalt  }
0x3f: {  	_ =	shalt  }
0x40: {  	_ =	shalt  }
0x41: {  	_ =	shalt  }
0x42: {  	_ =	shalt  }
0x43: {  	_ =	shalt  }
0x44: {  	_ =	shalt  }
0x45: {  	_ =	shalt  }
0x46: {  	_ =	shalt  }
0x47: {  	_ =	shalt  }
0x48: {  	_ =	shalt  }
0x49: {  	_ =	shalt  }
0x4a: {  	_ =	shalt  }
0x4b: {  	_ =	shalt  }
0x4c: {  	_ =	shalt  }
0x4d: {  	_ =	shalt  }
0x4e: {  	_ =	shalt  }
0x4f: {  	_ =	shalt  }
0x50: {  	_ =	shalt  }
0x51: {  	_ =	shalt  }
0x52: {  	_ =	shalt  }
0x53: {  	_ =	shalt  }
0x54: {  	_ =	shalt  }
0x55: {  	_ =	shalt  }
0x56: {  	_ =	shalt  }
0x57: {  	_ =	shalt  }
0x58: {  	_ =	shalt  }
0x59: {  	_ =	shalt  }
0x5a: {  	_ =	shalt  }
0x5b: {  	_ =	shalt  }
0x5c: {  	_ =	shalt  }
0x5d: {  	_ =	shalt  }
0x5e: {  	_ =	shalt  }
0x5f: {  	_ =	shalt  }
0x60: {  	_ =	shalt  }
0x61: {  	_ =	shalt  }
0x62: {  	_ =	shalt  }
0x63: {  	_ =	shalt  }
0x64: {  	_ =	shalt  }
0x65: {  	_ =	shalt  }
0x66: {  	_ =	shalt  }
0x67: {  	_ =	shalt  }
0x68: {  	_ =	shalt  }
0x69: {  	_ =	shalt  }
0x6a: {  	_ =	shalt  }
0x6b: {  	_ =	shalt  }
0x6c: {  	_ =	shalt  }
0x6d: {  	_ =	shalt  }
0x6e: {  	_ =	shalt  }
0x6f: {  	_ =	shalt  }
0x70: {  	_ =	shalt  }
0x71: {  	_ =	shalt  }
0x72: {  	_ =	shalt  }
0x73: {  	_ =	shalt  }
0x74: {  	_ =	shalt  }
0x75: {  	_ =	shalt  }
0x76: {  	_ =	shalt  }
0x77: {  	_ =	shalt  }
0x78: {  	_ =	shalt  }
0x79: {  	_ =	shalt  }
0x7a: {  	_ =	shalt  }
0x7b: {  	_ =	shalt  }
0x7c: {  	_ =	shalt  }
0x7d: {  	_ =	shalt  }
0x7e: {  	_ =	shalt  }
0x7f: {  	_ =	shalt  }
0x80: {  	_ =	shalt  }
0x81: {  	_ =	shalt  }
0x82: {  	_ =	shalt  }
0x83: {  	_ =	shalt  }
0x84: {  	_ =	shalt  }
0x85: {  	_ =	shalt  }
0x86: {  	_ =	shalt  }
0x87: {  	_ =	shalt  }
.Lfunc_end0:
.L_simem_size_0:
called_computation.2_lowered:
.L_overlay_start_0:
0x88: {  	s2 =	sld [smem:$0x3FD9]  }
0x89: {  	s3 =	sld [smem:$0x3FFE];
	_ =	sdelay $0x1  }
0x8a: {  	s1 =	srdreg.scid  }
0x8b: {  	s0 =	sand.u32 $0x1, s1  }
0x8c: {  	s16 =	sshll.u32 s0, $0xA;
	s2 =	sadd.s32 s3, s2  }
0x8d: {  	s2 =	sadd.s32 s2, s16  }
0x8e: {  	[smem:$0x3FBC] =	sst s2  }
0x8f: {  	_ = 	snop  }
0x90: {  	(tm) =	ssettm $0x1  }
0x91: {  	s17 =	sld [smem:$0x3FFB];
	_ =	sdelay $0x3  }
0x92: {  	_ =	strace s17  }
0x93: {  	s2 =	sld [smem:$0x3FFC];
	_ =	sdelay $0x3  }
0x94: {  	_ =	strace s2  }
0x95: {  	s2 =	sld [smem:$0x3FFD];
	_ =	sdelay $0x3  }
0x96: {  	_ =	strace s2  }
0x97: {  	_ =	strace $0x8FFFFFFF  }
0x98: {  	s18 =	sld [smem:$0x3FDB];
	_ =	sdelay $0x1  }
0x99: {  	s19 =	simm.s32 $_scs_section_size  }
0x9a: {  	s4 =	simm.s32 $_size__tile_overlayer_lowered;
	s5 =	simm.s32 $_tile_overlayer_lowered  }
0x9b: {  	s22 =	simm.s32 $0x1BFF;
	s21 =	sshll.u32 s5, $0x1;
	s2 =	sadd.s32 s19, s18  }
0x9c: {  	s6 =	simm.s32 $0x0;
	s20 =	sshll.u32 s4, $0x1;
	s4 =	sadd.s32 s21, s2  }
0x9d: {  	[timem:s6], [sflag:s22] =	dma.local [hbm:s4], s20  }
0x9e: {  	_ =	swait.ge [sflag:s22], s20  }
0x9f: {  	s3 =	ssub.s32 $0x0, s20;
	[sflag:s22] =	ssyncset.done $0x0  }
0xa0: {  	[sflag:s22] =	ssyncadd.s32 s3;
	_ =	sdelay $0x1  }
0xa1: {  	s23 =	simm.s32 $0x1B8B  }
0xa2: {  	_ =	swait.ge [sflag:s23], $0x1  }
0xa3: {  	[sflag:s23] =	ssyncset.done $0x0  }
0xa4: {  	s25 =	simm.s32 $0x1B8E;
	s24 =	sld [smem:$0x3FFE];
	[sflag:s23] =	ssyncadd.s32 $0xFFFFFFFF  }
0xa5: {  	s26 =	simm.s32 $execute0_lowered;
	[smem:$0x3FD2] =	sst s25  }
0xa6: {  	s4 =	sshll.u32 s26, $0x1;
	_ =	strace $0x8000004C;
	[dreg:$0x1] =	wrdreg $0xFFFFFFFF  }
0xa7: {  	s28 =	simm.s32 $_size_execute0_lowered;
	s2 =	sadd.s32 s2, s4;
	[dreg:$0x0] =	wrdreg $0x0  }
0xa8: {  	s4 =	sshll.u32 s28, $0x1;
	[dreg:$0x2] =	wrdreg s2  }
0xa9: {  	[dreg:$0x3] =	wrdreg s4  }
0xaa: {  	[dreg:$0x4] =	wrdreg $0xC0  }
0xab: {  	_ =	task [dreg:s6], $0x5FFFF  }
0xac: {  	[dreg:$0x1] =	wrdreg $0xFFFFFFFF  }
0xad: {  	[dreg:$0x0] =	wrdreg $0x60  }
0xae: {  	[dreg:$0x2] =	wrdreg s24  }
0xaf: {  	[dreg:$0x3] =	wrdreg $0x110000  }
0xb0: {  	[dreg:$0x4] =	wrdreg $0x9  }
0xb1: {  	_ =	task.clear_ibuf [dreg:s6], $0x5FFFF;
	_ =	strace $0x9000004C  }
0xb2: {  	s29 =	simm.s32 $0x9;
	_ =	strace $0x8000004E  }
0xb3: {  	_ =	swait.ge [sflag:s29], $0x1  }
0xb4: {  	[sflag:s29] =	ssyncadd.s32 $0xFFFFFFFF  }
0xb5: {  	_ =	strace $0x9000004E  }
0xb6: {  	_ =	sfence  }
0xb7: {  	s30 =	sld [smem:$0x0];
	_ =	sdelay $0x2  }
0xb8: {  	s31 =	sshll.u32 s1, $0xD;
	s1 =	sshrl.u32 s1, $0x2  }
0xb9: {  	s3 =	sand.u32 $0x4000, s31;
	s1 =	sadd.s32 s1, s30  }
0xba: {  	s0 =	sor.u32 s3, s0;
	s1 =	sshll.u32 s1, $0x11  }
0xbb: {  	s0 =	sor.u32 s1, s0  }
0xbc: {  	s0 =	sadd.s32 $0x8F2B, s0  }
0xbd: {  	[sflag:s0] =	ssyncadd.remote.s32 $0x1  }
0xbe: {  	_ =	sfence.sel $0xFFFF  }
0xbf: {  	[dreg:$0x0] =	wrdreg $0xFFFFFFFF;
	(pc) =	sbr.abs _section_cstart, $3  }
0xc0: {  	[dreg:$0x1] =	wrdreg $0xFFFFFFFF  }
0xc1: {  	_ =	task.clear_ibuf [dreg:s6], $0x2FFFF;
	_ =	strace $0x9FFFFFFF  }
0xc2: {  	(tm) =	ssettm $0x7FFFFFFF  }
0xc3: {  	_ =	shalt  }
tec
execute0_lowered:
.L_overlay_start_1:
0x0: {  	(tag) =	ssettag $0x1  }
0x1: {  	s0 =	rddreg [dreg:$0x0]  }
0x2: {  	s2 =	rddreg [dreg:$0x1];
	s3 =	simm.s32 $0x0  }
0x3: {  	s1 =	srdreg.scid;
	s17 =	stileid.u32;
	s28 =	simm.s32 $0xA00  }
0x4: {  	s29 =	simm.s32 $0x2;
	s30 =	simm.s32 $0x400;
	s7 =	smul.u32 $0x278, s17  }
0x5: {  	s31 =	simm.s32 $0xC00;
	[smem:$0x7FF] =	sst s3;
	s21 =	smul.u32 $0x27800, s17  }
0x6: {  	s1 =	sand.u32 $0x1, s1;
	s4 =	sadd.s32 $0x23800, s0;
	s14 =	smul.u32 $0x5000, s17  }
0x7: {  	s5 =	sadd.s32 $0x5800, s0;
	s6 =	sadd.s32 $0x19800, s0;
	s16 =	smul.u32 $0x28, s17  }
0x8: {  	s9 =	sadd.s32 $0x4B000, s0;
	s8 =	smul.u32 $0x2780, s1;
	s22 =	ssub.s32 $0x2, s1  }
0x9: {  	_ =	strace $0x8000004D;
	[dreg:$0x8] =	wrdreg s9;
	s10 =	sshrl.u32 s22, $0x1  }
0xa: {  	s11 =	sshrl.u32 s21, $0x2;
	s7 =	sadd.s32 s7, s8;
	s8 =	smul.u32 $0x50000, s1  }
0xb: {  	s1 =	ssub.s32 s22, s10;
	s23 =	sadd.s32 s11, s2;
	s10 =	sor.u32 $0x4, s16  }
0xc: {  	s11 =	smul.u32 $0xA00, s17;
	s7 =	sshll.u32 s7, $0x3;
	s18 =	sadd.s32 $0x2000, s23  }
0xd: {  	s19 =	sadd.s32 $0x4000, s23;
	s20 =	sadd.s32 $0x6000, s23;
	s21 =	sadd.s32 $0x8000, s23  }
0xe: {  	s17 =	smov.u32 s23;
	[dreg:$0x3] =	wrdreg s10;
	s0 =	sadd.s32 s7, s0  }
0xf: {  	s24 =	sadd.s32 s14, s8;
	s14 =	sshrl.u32 s14, $0x3;
	[dreg:$0x9] =	wrdreg s21  }
0x10: {  	s15 =	sshrl.u32 s24, $0x3;
	s26 =	sadd.s32 s6, s14;
	s12 =	sadd.s32 $0x9F000, s0  }
0x11: {  	s13 =	sadd.s32 $0x9F400, s0;
	s14 =	sadd.s32 $0x9F800, s0;
	[dreg:$0xb] =	wrdreg s26  }
0x12: {  	s16 =	sor.u32 $0x600, s24;
	s23 =	sor.u32 $0x400, s24;
	[dreg:$0xc] =	wrdreg s12  }
0x13: {  	s7 =	sor.u32 $0x200, s24;
	s25 =	sadd.s32 s5, s15;
	[dreg:$0xd] =	wrdreg s13  }
0x14: {  	[dreg:$0xe] =	wrdreg s14;
	s15 =	sadd.s32 s11, s6;
	s22 =	sshrl.u32 s16, $0x3  }
0x15: {  	s7 =	sshrl.u32 s7, $0x3;
	s26 =	smax.u32 s1, $0x1;
	[dreg:$0xa] =	wrdreg s25  }
0x16: {  	s1 =	simm.s32 $0x600;
	s16 =	simm.s32 $0x0;
	[dreg:$0x4] =	wrdreg s15  }
0x17: {  	s14 =	sadd.s32 s22, s5;
	s15 =	sshrl.u32 s23, $0x3;
	[dreg:$0x11] =	wrdreg s26  }
0x18: {  	s25 =	sadd.s32 $0x9FC00, s0;
	s7 =	sadd.s32 s7, s5;
	[dreg:$0x5] =	wrdreg s14  }
0x19: {  	s0 =	sadd.s32 $0xA0000, s0;
	s22 =	simm.s32 $0x1000;
	[dreg:$0xf] =	wrdreg s25  }
0x1a: {  	s23 =	simm.s32 $0x5;
	s26 =	simm.s32 $0x200;
	[dreg:$0x10] =	wrdreg s0  }
0x1b: {  	s24 =	sadd.s32 s15, s5;
	[dreg:$0x7] =	wrdreg s7;
	s25 =	simm.s32 $0x1  }
0x1c: {  	s0 =	simm.s32 $0x9000;
	s7 =	simm.s32 $0xE00;
	s14 =	simm.s32 $0x3  }
0x1d: {  	s15 =	simm.s32 $0x4;
	[dreg:$0x6] =	wrdreg s24;
	s24 =	simm.s32 $0x800  }
.LBB2_1:
0x1e: {  	s10 =	rddreg [dreg:$0x8]  }
0x1f: {  	[tilespmem:s22], [sflag:$0x5] =	stream.linear.gather [hbm4b:s10+s3], $0x2000, $0x38;
	[tilespmem:$0x1AE00] =	vst v63  }
0x20: {  	_ =	swait.ge [sflag:s23], $0x2000  }
0x21: {  	[sflag:s23] =	ssyncset.done $0x0  }
0x22: {  	[sflag:s23] =	ssyncadd.s32 $0xFFFFE000  }
0x23: {  	[spmem:s17] =	stream.linear.scatter [tilespmem:s22], [sflag:$0x5], $0x2000, $0x38;
	[tilespmem:$0x1AE00] =	vst v63  }
0x24: {  	_ =	swait.ge [sflag:s23], $0x2000  }
0x25: {  	[sflag:s23] =	ssyncset.done $0x0  }
0x26: {  	[sflag:s23] =	ssyncadd.s32 $0xFFFFE000  }
0x27: {  	[spmem:s18] =	stream.linear.scatter [tilespmem:s22], [sflag:$0x5], $0x2000, $0x38;
	[tilespmem:$0x1AE00] =	vst v63  }
0x28: {  	_ =	swait.ge [sflag:s23], $0x2000  }
0x29: {  	[sflag:s23] =	ssyncset.done $0x0  }
0x2a: {  	[sflag:s23] =	ssyncadd.s32 $0xFFFFE000  }
0x2b: {  	[spmem:s19] =	stream.linear.scatter [tilespmem:s22], [sflag:$0x5], $0x2000, $0x38;
	[tilespmem:$0x1AE00] =	vst v63  }
0x2c: {  	_ =	swait.ge [sflag:s23], $0x2000  }
0x2d: {  	[sflag:s23] =	ssyncset.done $0x0  }
0x2e: {  	[sflag:s23] =	ssyncadd.s32 $0xFFFFE000  }
0x2f: {  	[spmem:s20] =	stream.linear.scatter [tilespmem:s22], [sflag:$0x5], $0x2000, $0x38;
	[tilespmem:$0x1AE00] =	vst v63  }
0x30: {  	_ =	swait.ge [sflag:s23], $0x2000  }
0x31: {  	[sflag:s23] =	ssyncset.done $0x0  }
0x32: {  	[sflag:s23] =	ssyncadd.s32 $0xFFFFE000  }
0x33: {  	[spmem:s21] =	stream.linear.scatter [tilespmem:s22], [sflag:$0x5], $0x1E00, $0x38;
	[tilespmem:$0x1AE00] =	vst v63  }
0x34: {  	_ =	swait.ge [sflag:s23], $0x1E00  }
0x35: {  	[sflag:s23] =	ssyncset.done $0x0  }
0x36: {  	[sflag:s23] =	ssyncadd.s32 $0xFFFFE200  }
0x37: {  	[bflag:$0x0] =	sbarrier.arrive $0xFFFF  }
0x38: {  	s21 =	rddreg [dreg:$0xa]  }
0x39: {  	[tilespmem:s3], [sflag:$0x1] =	stream.linear.gather [hbm4b:s21+s3], $0x200, $0x38;
	[tilespmem:$0x1AE00] =	vst v63  }
0x3a: {  	s9 =	smov.u32 s17;
	s17 =	rddreg [dreg:$0xb]  }
0x3b: {  	[tilespmem:s24], [sflag:$0x1] =	stream.linear.gather [hbm4b:s17+s3], $0x200, $0x38;
	[tilespmem:$0x1AE00] =	vst v63  }
0x3c: {  	_ =	swait.ge [sflag:s25], $0x200  }
0x3d: {  	[sflag:s25] =	ssyncset.done $0x0  }
0x3e: {  	[sflag:s25] =	ssyncadd.s32 $0xFFFFFE00  }
0x3f: {  	_ =	swait.ge [sflag:s25], $0x200  }
0x40: {  	s11 =	smov.u32 s18;
	s12 =	smov.u32 s19;
	s18 =	rddreg [dreg:$0x7]  }
0x41: {  	s13 =	smov.u32 s20;
	s19 =	rddreg [dreg:$0x4];
	[sflag:s25] =	ssyncset.done $0x0  }
0x42: {  	[sflag:s25] =	ssyncadd.s32 $0xFFFFFE00;
	s17 =	sadd.s32 $0x0, s18;
	s20 =	sadd.s32 $0x0, s19  }
0x43: {  	[tilespmem:s26], [sflag:$0x1] =	stream.linear.gather [hbm4b:s17+s3], $0x200, $0x38;
	[tilespmem:$0x1AE00] =	vst v63  }
0x44: {  	p0 =	por $0x1, $0x1;
	s18 =	sadd.s32 $0x40, s20  }
0x45: {  	[tilespmem:s28], [sflag:$0x1] =	stream.linear.gather [hbm4b:s18+s3], $0x200, $0x38;
	[tilespmem:$0x1AE00] =	vst v63  }
0x46: {  	s18 =	simm.s32 @!p0 $0x3  }
0x47: {  	_ =	swait.ge @!p0 [sflag:s18], $0x8000  }
0x48: {  	[sflag:s18] =	ssyncset.done @!p0 $0x0  }
0x49: {  	[sflag:s18] =	ssyncadd.s32 @!p0 $0xFFFF8000  }
0x4a: {  	[tilespmem:s22], [sflag:$0x2] =	stream.indirect.gather [hbm4b:s4+s26], $0x40, s3, s26, $0xb8;
	[tilespmem:$0x1AE00] =	vst v63  }
0x4b: {  	_ =	swait.ge [sflag:s29], $0x8000  }
0x4c: {  	[sflag:s29] =	ssyncset.done $0x0  }
0x4d: {  	[sflag:s29] =	ssyncadd.s32 $0xFFFF8000  }
0x4e: {  	[spmem:s2] =	stream.indirect.scatter.add.f32 [tilespmem:s22], [sflag:$0x3], $0x40, s24, s26, $0xb8;
	[tilespmem:$0x1AE00] =	vst v63  }
0x4f: {  	_ =	swait.ge [sflag:s25], $0x200  }
0x50: {  	[sflag:s25] =	ssyncset.done $0x0  }
0x51: {  	[sflag:s25] =	ssyncadd.s32 $0xFFFFFE00  }
0x52: {  	_ =	swait.ge [sflag:s25], $0x200  }
0x53: {  	s21 =	rddreg [dreg:$0x6];
	[sflag:s25] =	ssyncset.done $0x0  }
0x54: {  	[sflag:s25] =	ssyncadd.s32 $0xFFFFFE00;
	s18 =	sadd.s32 $0x0, s21  }
0x55: {  	[tilespmem:s30], [sflag:$0x1] =	stream.linear.gather [hbm4b:s18+s3], $0x200, $0x38;
	[tilespmem:$0x1AE00] =	vst v63  }
0x56: {  	s10 =	sadd.s32 $0x80, s20;
	s18 =	simm.s32 @!p0 $0x4  }
0x57: {  	[tilespmem:s31], [sflag:$0x1] =	stream.linear.gather [hbm4b:s10+s3], $0x200, $0x38;
	[tilespmem:$0x1AE00] =	vst v63  }
0x58: {  	_ =	swait.ge @!p0 [sflag:s18], $0x8000  }
0x59: {  	[sflag:s18] =	ssyncset.done @!p0 $0x0  }
0x5a: {  	[sflag:s18] =	ssyncadd.s32 @!p0 $0xFFFF8000  }
0x5b: {  	[tilespmem:s0], [sflag:$0x2] =	stream.indirect.gather [hbm4b:s4+s26], $0x40, s26, s26, $0xb8;
	[tilespmem:$0x1AE00] =	vst v63  }
0x5c: {  	_ =	swait.ge [sflag:s29], $0x8000  }
0x5d: {  	[sflag:s29] =	ssyncset.done $0x0  }
0x5e: {  	[sflag:s29] =	ssyncadd.s32 $0xFFFF8000  }
0x5f: {  	[spmem:s2] =	stream.indirect.scatter.add.f32 [tilespmem:s0], [sflag:$0x4], $0x40, s28, s26, $0xb8;
	[tilespmem:$0x1AE00] =	vst v63  }
0x60: {  	_ =	swait.ge [sflag:s25], $0x200  }
0x61: {  	[sflag:s25] =	ssyncset.done $0x0  }
0x62: {  	[sflag:s25] =	ssyncadd.s32 $0xFFFFFE00  }
0x63: {  	_ =	swait.ge [sflag:s25], $0x200  }
0x64: {  	s19 =	rddreg [dreg:$0x5];
	[sflag:s25] =	ssyncset.done $0x0  }
0x65: {  	[sflag:s25] =	ssyncadd.s32 $0xFFFFFE00;
	s18 =	sadd.s32 $0x0, s19  }
0x66: {  	[tilespmem:s1], [sflag:$0x1] =	stream.linear.gather [hbm4b:s18+s3], $0x200, $0x38;
	[tilespmem:$0x1AE00] =	vst v63  }
0x67: {  	s17 =	sadd.s32 $0xC0, s20  }
0x68: {  	[tilespmem:s7], [sflag:$0x1] =	stream.linear.gather [hbm4b:s17+s3], $0x200, $0x38;
	[tilespmem:$0x1AE00] =	vst v63  }
0x69: {  	_ =	swait.ge [sflag:s14], $0x8000  }
0x6a: {  	[sflag:s14] =	ssyncset.done $0x0  }
0x6b: {  	[sflag:s14] =	ssyncadd.s32 $0xFFFF8000  }
0x6c: {  	[tilespmem:s22], [sflag:$0x2] =	stream.indirect.gather [hbm4b:s4+s26], $0x40, s30, s26, $0xb8;
	[tilespmem:$0x1AE00] =	vst v63  }
0x6d: {  	_ =	swait.ge [sflag:s29], $0x8000  }
0x6e: {  	[sflag:s29] =	ssyncset.done $0x0  }
0x6f: {  	[sflag:s29] =	ssyncadd.s32 $0xFFFF8000  }
0x70: {  	[spmem:s2] =	stream.indirect.scatter.add.f32 [tilespmem:s22], [sflag:$0x3], $0x40, s31, s26, $0xb8;
	[tilespmem:$0x1AE00] =	vst v63  }
0x71: {  	_ =	swait.ge [sflag:s25], $0x200  }
0x72: {  	[sflag:s25] =	ssyncset.done $0x0  }
0x73: {  	[sflag:s25] =	ssyncadd.s32 $0xFFFFFE00  }
0x74: {  	_ =	swait.ge [sflag:s25], $0x200  }
0x75: {  	s21 =	smin.u32 s3, $0x23;
	s20 =	rddreg [dreg:$0x3]  }
0x76: {  	s17 =	sadd.s32 s21, s20  }
0x77: {  	s18 =	sshll.u32 s17, $0x9  }
0x78: {  	s18 =	sadd.s32 s8, s18  }
0x79: {  	[sflag:s25] =	ssyncset.done $0x0;
	s18 =	sshrl.u32 s18, $0x3  }
0x7a: {  	[sflag:s25] =	ssyncadd.s32 $0xFFFFFE00;
	s17 =	sshll.u32 s17, $0x6;
	s18 =	sadd.s32 s5, s18  }
0x7b: {  	[tilespmem:s3], [sflag:$0x1] =	stream.linear.gather [hbm4b:s18+s3], $0x200, $0x38;
	[tilespmem:$0x1AE00] =	vst v63  }
0x7c: {  	s17 =	sadd.s32 s6, s17  }
0x7d: {  	[tilespmem:s24], [sflag:$0x1] =	stream.linear.gather [hbm4b:s17+s3], $0x200, $0x38;
	[tilespmem:$0x1AE00] =	vst v63  }
0x7e: {  	_ =	swait.ge [sflag:s15], $0x8000  }
0x7f: {  	[sflag:s15] =	ssyncset.done $0x0  }
0x80: {  	[sflag:s15] =	ssyncadd.s32 $0xFFFF8000  }
0x81: {  	[tilespmem:s0], [sflag:$0x2] =	stream.indirect.gather [hbm4b:s4+s26], $0x40, s1, s26, $0xb8;
	[tilespmem:$0x1AE00] =	vst v63  }
0x82: {  	_ =	swait.ge [sflag:s29], $0x8000  }
0x83: {  	s18 =	simm.s32 $0x0;
	s17 =	simm.s32 $0x100;
	[sflag:s29] =	ssyncset.done $0x0  }
.LBB2_2:
0x84: {  	[sflag:s29] =	ssyncadd.s32 $0xFFFF8000  }
0x85: {  	[spmem:s2] =	stream.indirect.scatter.add.f32 [tilespmem:s0], [sflag:$0x4], $0x40, s7, s26, $0xb8;
	[tilespmem:$0x1AE00] =	vst v63  }
0x86: {  	_ =	swait.ge [sflag:s25], $0x200  }
0x87: {  	[sflag:s25] =	ssyncset.done $0x0  }
0x88: {  	[sflag:s25] =	ssyncadd.s32 $0xFFFFFE00  }
0x89: {  	_ =	swait.ge [sflag:s25], $0x200  }
0x8a: {  	s19 =	smov.u32 s17;
	s20 =	rddreg [dreg:$0x7];
	[sflag:s25] =	ssyncset.done $0x0  }
0x8b: {  	s21 =	rddreg [dreg:$0x4];
	[sflag:s25] =	ssyncadd.s32 $0xFFFFFE00;
	s20 =	sadd.s32 s19, s20  }
0x8c: {  	[tilespmem:s26], [sflag:$0x1] =	stream.linear.gather [hbm4b:s20+s3], $0x200, $0x38;
	[tilespmem:$0x1AE00] =	vst v63  }
0x8d: {  	p1 =	seq.s32 s19, $0x0;
	s20 =	sadd.s32 s19, s21  }
0x8e: {  	s10 =	simm.s32 @!p1 $0x3;
	s21 =	sadd.s32 $0x40, s20  }
0x8f: {  	[tilespmem:s28], [sflag:$0x1] =	stream.linear.gather [hbm4b:s21+s3], $0x200, $0x38;
	[tilespmem:$0x1AE00] =	vst v63  }
0x90: {  	_ =	swait.ge @!p1 [sflag:s10], $0x8000  }
0x91: {  	[sflag:s10] =	ssyncset.done @!p1 $0x0  }
0x92: {  	[sflag:s10] =	ssyncadd.s32 @!p1 $0xFFFF8000  }
0x93: {  	[tilespmem:s22], [sflag:$0x2] =	stream.indirect.gather [hbm4b:s4+s26], $0x40, s3, s26, $0xb8;
	[tilespmem:$0x1AE00] =	vst v63  }
0x94: {  	_ =	swait.ge [sflag:s29], $0x8000  }
0x95: {  	[sflag:s29] =	ssyncset.done $0x0  }
0x96: {  	[sflag:s29] =	ssyncadd.s32 $0xFFFF8000  }
0x97: {  	[spmem:s2] =	stream.indirect.scatter.add.f32 [tilespmem:s22], [sflag:$0x3], $0x40, s24, s26, $0xb8;
	[tilespmem:$0x1AE00] =	vst v63  }
0x98: {  	_ =	swait.ge [sflag:s25], $0x200  }
0x99: {  	[sflag:s25] =	ssyncset.done $0x0  }
0x9a: {  	[sflag:s25] =	ssyncadd.s32 $0xFFFFFE00  }
0x9b: {  	_ =	swait.ge [sflag:s25], $0x200  }
0x9c: {  	s21 =	rddreg [dreg:$0x6];
	[sflag:s25] =	ssyncset.done $0x0  }
0x9d: {  	[sflag:s25] =	ssyncadd.s32 $0xFFFFFE00;
	s10 =	sadd.s32 s19, s21  }
0x9e: {  	[tilespmem:s30], [sflag:$0x1] =	stream.linear.gather [hbm4b:s10+s3], $0x200, $0x38;
	[tilespmem:$0x1AE00] =	vst v63  }
0x9f: {  	s21 =	sadd.s32 $0x80, s20;
	s10 =	simm.s32 @!p1 $0x4  }
0xa0: {  	[tilespmem:s31], [sflag:$0x1] =	stream.linear.gather [hbm4b:s21+s3], $0x200, $0x38;
	[tilespmem:$0x1AE00] =	vst v63  }
0xa1: {  	_ =	swait.ge @!p1 [sflag:s10], $0x8000  }
0xa2: {  	[sflag:s10] =	ssyncset.done @!p1 $0x0  }
0xa3: {  	[sflag:s10] =	ssyncadd.s32 @!p1 $0xFFFF8000  }
0xa4: {  	[tilespmem:s0], [sflag:$0x2] =	stream.indirect.gather [hbm4b:s4+s26], $0x40, s26, s26, $0xb8;
	[tilespmem:$0x1AE00] =	vst v63  }
0xa5: {  	_ =	swait.ge [sflag:s29], $0x8000  }
0xa6: {  	[sflag:s29] =	ssyncset.done $0x0  }
0xa7: {  	[sflag:s29] =	ssyncadd.s32 $0xFFFF8000  }
0xa8: {  	[spmem:s2] =	stream.indirect.scatter.add.f32 [tilespmem:s0], [sflag:$0x4], $0x40, s28, s26, $0xb8;
	[tilespmem:$0x1AE00] =	vst v63  }
0xa9: {  	_ =	swait.ge [sflag:s25], $0x200  }
0xaa: {  	[sflag:s25] =	ssyncset.done $0x0  }
0xab: {  	[sflag:s25] =	ssyncadd.s32 $0xFFFFFE00  }
0xac: {  	_ =	swait.ge [sflag:s25], $0x200  }
0xad: {  	s21 =	rddreg [dreg:$0x5];
	[sflag:s25] =	ssyncset.done $0x0  }
0xae: {  	[sflag:s25] =	ssyncadd.s32 $0xFFFFFE00;
	s10 =	sadd.s32 s19, s21  }
0xaf: {  	[tilespmem:s1], [sflag:$0x1] =	stream.linear.gather [hbm4b:s10+s3], $0x200, $0x38;
	[tilespmem:$0x1AE00] =	vst v63  }
0xb0: {  	s21 =	sadd.s32 $0xC0, s20  }
0xb1: {  	[tilespmem:s7], [sflag:$0x1] =	stream.linear.gather [hbm4b:s21+s3], $0x200, $0x38;
	[tilespmem:$0x1AE00] =	vst v63  }
0xb2: {  	_ =	swait.ge [sflag:s14], $0x8000  }
0xb3: {  	[sflag:s14] =	ssyncset.done $0x0  }
0xb4: {  	[sflag:s14] =	ssyncadd.s32 $0xFFFF8000  }
0xb5: {  	[tilespmem:s22], [sflag:$0x2] =	stream.indirect.gather [hbm4b:s4+s26], $0x40, s30, s26, $0xb8;
	[tilespmem:$0x1AE00] =	vst v63  }
0xb6: {  	_ =	swait.ge [sflag:s29], $0x8000  }
0xb7: {  	[sflag:s29] =	ssyncset.done $0x0  }
0xb8: {  	[sflag:s29] =	ssyncadd.s32 $0xFFFF8000  }
0xb9: {  	[spmem:s2] =	stream.indirect.scatter.add.f32 [tilespmem:s22], [sflag:$0x3], $0x40, s31, s26, $0xb8;
	[tilespmem:$0x1AE00] =	vst v63  }
0xba: {  	_ =	swait.ge [sflag:s25], $0x200  }
0xbb: {  	[sflag:s25] =	ssyncset.done $0x0  }
0xbc: {  	[sflag:s25] =	ssyncadd.s32 $0xFFFFFE00  }
0xbd: {  	s18 =	sadd.s32 $0x4, s18;
	_ =	swait.ge [sflag:s25], $0x200  }
0xbe: {  	s21 =	smin.u32 s18, $0x23;
	s20 =	rddreg [dreg:$0x3]  }
0xbf: {  	s10 =	sadd.s32 s21, s20  }
0xc0: {  	s19 =	sshll.u32 s10, $0x9  }
0xc1: {  	s19 =	sadd.s32 s8, s19  }
0xc2: {  	[sflag:s25] =	ssyncset.done $0x0;
	s19 =	sshrl.u32 s19, $0x3  }
0xc3: {  	[sflag:s25] =	ssyncadd.s32 $0xFFFFFE00;
	s10 =	sshll.u32 s10, $0x6;
	s19 =	sadd.s32 s5, s19  }
0xc4: {  	[tilespmem:s3], [sflag:$0x1] =	stream.linear.gather [hbm4b:s19+s3], $0x200, $0x38;
	[tilespmem:$0x1AE00] =	vst v63  }
0xc5: {  	s17 =	sadd.s32 $0x100, s17;
	s10 =	sadd.s32 s6, s10  }
0xc6: {  	[tilespmem:s24], [sflag:$0x1] =	stream.linear.gather [hbm4b:s10+s3], $0x200, $0x38;
	[tilespmem:$0x1AE00] =	vst v63  }
0xc7: {  	p0 =	sne.s32 s17, $0xA00;
	_ =	swait.ge [sflag:s15], $0x8000  }
.Ltmp0:
0xc8: {  	[sflag:s15] =	ssyncset.done $0x0;
	(pc) =	sbr.rel @p0 .LBB2_2-.Ltmp0, $4  }
0xc9: {  	[sflag:s15] =	ssyncadd.s32 $0xFFFF8000  }
0xca: {  	[tilespmem:s0], [sflag:$0x2] =	stream.indirect.gather [hbm4b:s4+s26], $0x40, s1, s26, $0xb8;
	[tilespmem:$0x1AE00] =	vst v63  }
0xcb: {  	_ =	swait.ge [sflag:s29], $0x8000  }
0xcc: {  	[sflag:s29] =	ssyncset.done $0x0  }
0xcd: {  	[sflag:s29] =	ssyncadd.s32 $0xFFFF8000  }
0xce: {  	[spmem:s2] =	stream.indirect.scatter.add.f32 [tilespmem:s0], [sflag:$0x4], $0x40, s7, s26, $0xb8;
	[tilespmem:$0x1AE00] =	vst v63  }
0xcf: {  	_ =	swait.ge [sflag:s14], $0x8000  }
0xd0: {  	[sflag:s14] =	ssyncset.done $0x0  }
0xd1: {  	[sflag:s14] =	ssyncadd.s32 $0xFFFF8000  }
0xd2: {  	_ =	swait.ge [sflag:s15], $0x8000  }
0xd3: {  	[sflag:s15] =	ssyncset.done $0x0  }
0xd4: {  	[sflag:s15] =	ssyncadd.s32 $0xFFFF8000  }
0xd5: {  	_ =	swait.ge [sflag:s25], $0x200  }
0xd6: {  	[sflag:s25] =	ssyncset.done $0x0  }
0xd7: {  	[sflag:s25] =	ssyncadd.s32 $0xFFFFFE00  }
0xd8: {  	_ =	swait.ge [sflag:s25], $0x200  }
0xd9: {  	[sflag:s25] =	ssyncset.done $0x0  }
0xda: {  	[sflag:s25] =	ssyncadd.s32 $0xFFFFFE00  }
0xdb: {  	[bflag:$0x0] =	sbarrier.arrive $0xFFFF  }
0xdc: {  	[tilespmem:s22], [sflag:$0x5] =	stream.linear.gather [spmem:s9], $0x2000, $0x38;
	[tilespmem:$0x1AE00] =	vst v63  }
0xdd: {  	_ =	swait.ge [sflag:s23], $0x2000  }
0xde: {  	[sflag:s23] =	ssyncset.done $0x0  }
0xdf: {  	s20 =	rddreg [dreg:$0xc];
	[sflag:s23] =	ssyncadd.s32 $0xFFFFE000  }
0xe0: {  	[hbm4b:s20+s3] =	stream.linear.scatter [tilespmem:s22], [sflag:$0x5], $0x2000, $0x38;
	[tilespmem:$0x1AE00] =	vst v63  }
0xe1: {  	_ =	swait.ge [sflag:s23], $0x2000  }
0xe2: {  	[sflag:s23] =	ssyncset.done $0x0  }
0xe3: {  	[sflag:s23] =	ssyncadd.s32 $0xFFFFE000  }
0xe4: {  	[tilespmem:s22], [sflag:$0x5] =	stream.linear.gather [spmem:s11], $0x2000, $0x38;
	[tilespmem:$0x1AE00] =	vst v63  }
0xe5: {  	_ =	swait.ge [sflag:s23], $0x2000  }
0xe6: {  	[sflag:s23] =	ssyncset.done $0x0  }
0xe7: {  	s21 =	rddreg [dreg:$0xd];
	[sflag:s23] =	ssyncadd.s32 $0xFFFFE000  }
0xe8: {  	[hbm4b:s21+s3] =	stream.linear.scatter [tilespmem:s22], [sflag:$0x5], $0x2000, $0x38;
	[tilespmem:$0x1AE00] =	vst v63  }
0xe9: {  	_ =	swait.ge [sflag:s23], $0x2000  }
0xea: {  	[sflag:s23] =	ssyncset.done $0x0  }
0xeb: {  	[sflag:s23] =	ssyncadd.s32 $0xFFFFE000  }
0xec: {  	[tilespmem:s22], [sflag:$0x5] =	stream.linear.gather [spmem:s12], $0x2000, $0x38;
	[tilespmem:$0x1AE00] =	vst v63  }
0xed: {  	_ =	swait.ge [sflag:s23], $0x2000  }
0xee: {  	[sflag:s23] =	ssyncset.done $0x0  }
0xef: {  	s10 =	rddreg [dreg:$0xe];
	[sflag:s23] =	ssyncadd.s32 $0xFFFFE000  }
0xf0: {  	[hbm4b:s10+s3] =	stream.linear.scatter [tilespmem:s22], [sflag:$0x5], $0x2000, $0x38;
	[tilespmem:$0x1AE00] =	vst v63  }
0xf1: {  	_ =	swait.ge [sflag:s23], $0x2000  }
0xf2: {  	[sflag:s23] =	ssyncset.done $0x0  }
0xf3: {  	[sflag:s23] =	ssyncadd.s32 $0xFFFFE000  }
0xf4: {  	[tilespmem:s22], [sflag:$0x5] =	stream.linear.gather [spmem:s13], $0x2000, $0x38;
	[tilespmem:$0x1AE00] =	vst v63  }
0xf5: {  	_ =	swait.ge [sflag:s23], $0x2000  }
0xf6: {  	[sflag:s23] =	ssyncset.done $0x0  }
0xf7: {  	s18 =	smov.u32 s11;
	s11 =	rddreg [dreg:$0xf];
	[sflag:s23] =	ssyncadd.s32 $0xFFFFE000  }
0xf8: {  	[hbm4b:s11+s3] =	stream.linear.scatter [tilespmem:s22], [sflag:$0x5], $0x2000, $0x38;
	[tilespmem:$0x1AE00] =	vst v63  }
0xf9: {  	_ =	swait.ge [sflag:s23], $0x2000  }
0xfa: {  	[sflag:s23] =	ssyncset.done $0x0  }
0xfb: {  	s21 =	rddreg [dreg:$0x9];
	[sflag:s23] =	ssyncadd.s32 $0xFFFFE000  }
0xfc: {  	[tilespmem:s22], [sflag:$0x5] =	stream.linear.gather [spmem:s21], $0x1E00, $0x38;
	[tilespmem:$0x1AE00] =	vst v63  }
0xfd: {  	_ =	swait.ge [sflag:s23], $0x1E00  }
0xfe: {  	[sflag:s23] =	ssyncset.done $0x0  }
0xff: {  	s19 =	smov.u32 s12;
	s12 =	rddreg [dreg:$0x10];
	[sflag:s23] =	ssyncadd.s32 $0xFFFFE200  }
0x100: {  	[hbm4b:s12+s3] =	stream.linear.scatter [tilespmem:s22], [sflag:$0x5], $0x1E00, $0x38;
	[tilespmem:$0x1AE00] =	vst v63  }
0x101: {  	_ =	swait.ge [sflag:s23], $0x1E00  }
0x102: {  	s16 =	sadd.s32 $0x1, s16;
	s20 =	smov.u32 s13;
	s13 =	rddreg [dreg:$0x11]  }
0x103: {  	p0 =	sne.s32 s16, s13  }
.Ltmp1:
0x104: {  	_ = 	snop;
	(pc) =	sbr.rel @p0 .LBB2_1-.Ltmp1, $3  }
0x105: {  	_ =	sdelay $0x1  }
0x106: {  	[sflag:s23] =	ssyncset.done $0x0  }
0x107: {  	s17 =	smov.u32 s9;
	[sflag:s23] =	ssyncadd.s32 $0xFFFFE200  }
0x108: {  	_ =	sfence.sel $0x180000  }
0x109: {  	[bflag:$0x0] =	sbarrier.arrive $0xFFFF  }
0x10a: {  	_ =	strace $0x9000004D  }
0x10b: {  	s0 =	stileid.u32;
	[bflag:$0x2] =	sbarrier.arrive $0xFFFF  }
0x10c: {  	p0 =	sne.s32 s0, $0x0;
	s0 =	rddreg [dreg:$0x2]  }
0x10d: {  	s0 =	sadd.s32 @!p0 $0x100000, s0  }
0x10e: {  	[sflag:s0] =	ssyncadd.tile.s32 @!p0 $0x1;
	_ =	shalt  }
.Lfunc_end2:
_tile_overlayer_lowered:
.L_overlay_start_2:
0x10f: {  	(tag) =	ssettag $0x2  }
0x110: {  	s0 =	rddreg [dreg:$0x0];
	s2 =	stileid.u32  }
0x111: {  	s1 =	rddreg [dreg:$0x1];
	p0 =	sne.s32 s2, $0x0  }
0x112: {  	s3 =	rddreg [dreg:$0x2];
	[bflag:$0x3] =	sbarrier.arrive $0xFFFF;
	s2 =	simm.s32 @!p0 $0x1C05  }
0x113: {  	[timem:s3], [sflag:s2] =	dma.local @!p0 [hbm:s0], s1  }
0x114: {  	s0 =	simm.s32 @!p0 $0x5  }
0x115: {  	_ =	swait.ge @!p0 [sflag:s0], s1  }
0x116: {  	s1 =	ssub.s32 @!p0 $0x0, s1;
	[sflag:s0] =	ssyncset.done @!p0 $0x0  }
0x117: {  	[sflag:s0] =	ssyncadd.s32 @!p0 s1  }
0x118: {  	[bflag:$0x3] =	sbarrier.arrive $0xFFFF  }
0x119: {  	_ =	shalt  }

// kernel: kernel.8.cloned.1.call-start
scs
__scs_entry_jumppad:
0x0: {  	(pc) =	sbr.rel $0x88, $3  }
0x1: {  	(tag) =	ssettag $0x0;
	lr =	simm.s32 $0x1  }
0x2: {  	[smem:$0x3F95] =	sst lr;
	_ =	strace $0xD0000000  }
0x3: {  	_ = 	snop  }
0x4: {  	_ = 	snop  }
0x5: {  	_ = 	snop  }
0x6: {  	_ = 	snop  }
0x7: {  	_ = 	snop  }
__scs_overlays_trampoline_lowered:
0x8: {  	[smem:$0x3FA4] =	sst s0  }
0x9: {  	[smem:$0x3FA5] =	sst s1  }
0xa: {  	[smem:$0x3FA6] =	sst s2  }
0xb: {  	[smem:$0x3FA7] =	sst s3  }
0xc: {  	[smem:$0x3FA8] =	sst s4  }
0xd: {  	[smem:$0x3FA9] =	sst s5  }
0xe: {  	[smem:$0x3FAA] =	sst s6  }
0xf: {  	[smem:$0x3FAB] =	sst s7  }
0x10: {  	[smem:$0x3FAC] =	sst s8  }
0x11: {  	[smem:$0x3FAD] =	sst s9;
	s0 =	simm.s32 @!p0 $0x0  }
0x12: {  	s1 =	sld [smem:$0x3F93];
	s0 =	simm.s32 @p0 $0x1  }
0x13: {  	[smem:$0x3FAE] =	sst s0;
	s0 =	simm.s32 @!p1 $0x0  }
0x14: {  	s2 =	sld [smem:$0x3F92];
	s0 =	simm.s32 @p1 $0x1  }
0x15: {  	[smem:$0x3FAF] =	sst s0;
	s0 =	simm.s32 @!p2 $0x0  }
0x16: {  	s3 =	sld [smem:$0x3FDB];
	s0 =	simm.s32 @p2 $0x1  }
0x17: {  	s4 =	simm.s32 $0x1BF5;
	[smem:$0x3FB1] =	sst s0  }
0x18: {  	s0 =	sld [smem:$0x3F94];
	_ =	swait.ge [sflag:s4], $0x0  }
0x19: {  	s7 =	sld [smem:$0x3F95]  }
0x1a: {  	s8 =	sadd.s32 $0xFFFFE003, lr  }
0x1b: {  	s9 =	sadd.s32 $0xFFFFFEF7, lr;
	s5 =	simm.s32 $0xFFFFFFFF;
	p2 =	slt.u32 s8, $0xFFFFF086  }
0x1c: {  	p1 =	slt.u32 s9, $0xF7A;
	s5 =	simm.s32 @!p2 $0x0  }
0x1d: {  	s5 =	simm.s32 @p1 $0x1;
	p0 =	seq.s32 s7, s2  }
0x1e: {  	s7 =	smul.u32 @!p0 $0xF7A, s2;
	p2 =	seq.s32 @!p0 s5, $0x0  }
0x1f: {  	s9 =	smul.u32 $0xF7A, s1;
	s8 =	simm.s32 @!p0 $0x1BF5;
	p2 =	por !p2, p0  }
0x20: {  	[sflag:s8] =	ssyncset.s32 @!p0 $0xFFFFF086;
	s6 =	sadd.s32 @!p0 s3, s7;
	s7 =	simm.s32 @!p0 $0x108  }
0x21: {  	s3 =	sadd.s32 s3, s9;
	s6 =	sadd.s32 @!p0 $0x88, s6;
	s7 =	simm.s32 @p2 $0x1082  }
0x22: {  	[simem:s7], [sflag:s8] =	dma.local @!p0 [hbm:s6], $0xF7A  }
0x23: {  	s9 =	sor.u32 $0xD0000000, s2;
	s6 =	simm.s32 $0x108;
	_ =	swait.ge @!p0 [sflag:s8], $0x0  }
0x24: {  	s3 =	sadd.s32 $0x88, s3;
	s6 =	simm.s32 @!p1 $0x1082;
	[sflag:s4] =	ssyncset.s32 $0xFFFFF086  }
0x25: {  	[simem:s6], [sflag:s4] =	dma.local [hbm:s3], $0xF7A  }
0x26: {  	[smem:$0x3F95] =	sst s1;
	(tag) =	ssettag s2;
	_ =	strace s9  }
0x27: {  	s1 =	sld [smem:$0x3FA5]  }
0x28: {  	s2 =	sld [smem:$0x3FA6]  }
0x29: {  	s4 =	sld [smem:$0x3FA8]  }
0x2a: {  	p0 =	seq.s32 s5, $0x0;
	s5 =	sld [smem:$0x3FA9]  }
0x2b: {  	s6 =	sld [smem:$0x3FAA]  }
0x2c: {  	s7 =	sld [smem:$0x3FAB]  }
0x2d: {  	s3 =	simm.s32 $0x108;
	s8 =	sld [smem:$0x3FAC]  }
0x2e: {  	s3 =	simm.s32 @!p0 $0x1082;
	s9 =	sld [smem:$0x3FAD]  }
0x2f: {  	lr =	sadd.s32 s0, s3;
	s0 =	sld [smem:$0x3FA4]  }
0x30: {  	s3 =	sld [smem:$0x3FA7]  }
0x31: {  	[smem:$0x3FB0] =	sst s10  }
0x32: {  	s10 =	sld [smem:$0x3FAE];
	_ =	sdelay $0x3  }
0x33: {  	p0 =	seq.s32 s10, $0x1;
	s10 =	sld [smem:$0x3FB0];
	_ =	sdelay $0x3  }
0x34: {  	[smem:$0x3FB0] =	sst s10  }
0x35: {  	s10 =	sld [smem:$0x3FAF];
	_ =	sdelay $0x3  }
0x36: {  	p1 =	seq.s32 s10, $0x1;
	s10 =	sld [smem:$0x3FB0];
	_ =	sdelay $0x3  }
0x37: {  	[smem:$0x3FB0] =	sst s10  }
0x38: {  	s10 =	sld [smem:$0x3FB1]  }
0x39: {  	_ = 	snop;
	(pc) =	sbr.ind lr, $3  }
0x3a: {  	_ = 	snop  }
0x3b: {  	_ = 	snop  }
0x3c: {  	p2 =	seq.s32 s10, $0x1;
	s10 =	sld [smem:$0x3FB0]  }
0x3d: {  	_ =	shalt  }
0x3e: {  	_ =	shalt  }
0x3f: {  	_ =	shalt  }
0x40: {  	_ =	shalt  }
0x41: {  	_ =	shalt  }
0x42: {  	_ =	shalt  }
0x43: {  	_ =	shalt  }
0x44: {  	_ =	shalt  }
0x45: {  	_ =	shalt  }
0x46: {  	_ =	shalt  }
0x47: {  	_ =	shalt  }
0x48: {  	_ =	shalt  }
0x49: {  	_ =	shalt  }
0x4a: {  	_ =	shalt  }
0x4b: {  	_ =	shalt  }
0x4c: {  	_ =	shalt  }
0x4d: {  	_ =	shalt  }
0x4e: {  	_ =	shalt  }
0x4f: {  	_ =	shalt  }
0x50: {  	_ =	shalt  }
0x51: {  	_ =	shalt  }
0x52: {  	_ =	shalt  }
0x53: {  	_ =	shalt  }
0x54: {  	_ =	shalt  }
0x55: {  	_ =	shalt  }
0x56: {  	_ =	shalt  }
0x57: {  	_ =	shalt  }
0x58: {  	_ =	shalt  }
0x59: {  	_ =	shalt  }
0x5a: {  	_ =	shalt  }
0x5b: {  	_ =	shalt  }
0x5c: {  	_ =	shalt  }
0x5d: {  	_ =	shalt  }
0x5e: {  	_ =	shalt  }
0x5f: {  	_ =	shalt  }
0x60: {  	_ =	shalt  }
0x61: {  	_ =	shalt  }
0x62: {  	_ =	shalt  }
0x63: {  	_ =	shalt  }
0x64: {  	_ =	shalt  }
0x65: {  	_ =	shalt  }
0x66: {  	_ =	shalt  }
0x67: {  	_ =	shalt  }
0x68: {  	_ =	shalt  }
0x69: {  	_ =	shalt  }
0x6a: {  	_ =	shalt  }
0x6b: {  	_ =	shalt  }
0x6c: {  	_ =	shalt  }
0x6d: {  	_ =	shalt  }
0x6e: {  	_ =	shalt  }
0x6f: {  	_ =	shalt  }
0x70: {  	_ =	shalt  }
0x71: {  	_ =	shalt  }
0x72: {  	_ =	shalt  }
0x73: {  	_ =	shalt  }
0x74: {  	_ =	shalt  }
0x75: {  	_ =	shalt  }
0x76: {  	_ =	shalt  }
0x77: {  	_ =	shalt  }
0x78: {  	_ =	shalt  }
0x79: {  	_ =	shalt  }
0x7a: {  	_ =	shalt  }
0x7b: {  	_ =	shalt  }
0x7c: {  	_ =	shalt  }
0x7d: {  	_ =	shalt  }
0x7e: {  	_ =	shalt  }
0x7f: {  	_ =	shalt  }
0x80: {  	_ =	shalt  }
0x81: {  	_ =	shalt  }
0x82: {  	_ =	shalt  }
0x83: {  	_ =	shalt  }
0x84: {  	_ =	shalt  }
0x85: {  	_ =	shalt  }
0x86: {  	_ =	shalt  }
0x87: {  	_ =	shalt  }
.Lfunc_end0:
.L_simem_size_0:
called_computation_lowered:
.L_overlay_start_0:
0x88: {  	s2 =	sld [smem:$0x3FD9]  }
0x89: {  	s3 =	sld [smem:$0x3FFE];
	_ =	sdelay $0x1  }
0x8a: {  	s1 =	srdreg.scid  }
0x8b: {  	s0 =	sand.u32 $0x1, s1  }
0x8c: {  	s14 =	sshll.u32 s0, $0xA;
	s2 =	sadd.s32 s3, s2  }
0x8d: {  	s2 =	sadd.s32 s2, s14  }
0x8e: {  	[smem:$0x3FBC] =	sst s2  }
0x8f: {  	_ = 	snop  }
0x90: {  	s2 =	sld [smem:$0x3FD0];
	_ =	sdelay $0x2  }
0x91: {  	s15 =	simm.s32 $0xA;
	s4 =	simm.s32 $0x10  }
0x92: {  	[smem:s4], [sflag:s15] =	dma.local [hbm:s2], $0x1  }
0x93: {  	_ =	swait.eq [sflag:s15], $0x1  }
0x94: {  	[sflag:s15] =	ssyncset.done $0x0  }
0x95: {  	[sflag:s15] =	ssyncadd.s32 $0xFFFFFFFF  }
0x96: {  	s16 =	sld [smem:$0x10];
	(tm) =	ssettm $0x1  }
0x97: {  	s17 =	sld [smem:$0x3FFB];
	_ =	sdelay $0x3  }
0x98: {  	_ =	strace s17  }
0x99: {  	s3 =	sld [smem:$0x3FFC];
	_ =	sdelay $0x3  }
0x9a: {  	_ =	strace s3  }
0x9b: {  	s3 =	sld [smem:$0x3FFD];
	_ =	sdelay $0x3  }
0x9c: {  	_ =	strace s3  }
0x9d: {  	_ =	strace $0x8FFFFFFF  }
0x9e: {  	s18 =	sld [smem:$0x3FDB];
	_ =	sdelay $0x1  }
0x9f: {  	s19 =	simm.s32 $_scs_section_size  }
0xa0: {  	s5 =	simm.s32 $_size__tile_overlayer_lowered;
	s6 =	simm.s32 $_tile_overlayer_lowered  }
0xa1: {  	s22 =	simm.s32 $0x1BFF;
	s21 =	sshll.u32 s6, $0x1;
	s3 =	sadd.s32 s19, s18  }
0xa2: {  	s7 =	simm.s32 $0x0;
	s20 =	sshll.u32 s5, $0x1;
	s5 =	sadd.s32 s21, s3  }
0xa3: {  	[timem:s7], [sflag:s22] =	dma.local [hbm:s5], s20  }
0xa4: {  	_ =	swait.ge [sflag:s22], s20  }
0xa5: {  	s4 =	ssub.s32 $0x0, s20;
	[sflag:s22] =	ssyncset.done $0x0  }
0xa6: {  	[sflag:s22] =	ssyncadd.s32 s4;
	_ =	sdelay $0x1  }
0xa7: {  	s23 =	simm.s32 $0x1B8B  }
0xa8: {  	_ =	swait.ge [sflag:s23], $0x1  }
0xa9: {  	[sflag:s23] =	ssyncset.done $0x0  }
0xaa: {  	s25 =	simm.s32 $0x1B8E;
	s24 =	sld [smem:$0x3FFE];
	[sflag:s23] =	ssyncadd.s32 $0xFFFFFFFF  }
0xab: {  	s26 =	simm.s32 $execute0_lowered;
	[smem:$0x3FD2] =	sst s25  }
0xac: {  	s5 =	sshll.u32 s26, $0x1;
	_ =	strace $0x80000046;
	[dreg:$0x1] =	wrdreg $0xFFFFFFFF  }
0xad: {  	s28 =	simm.s32 $_size_execute0_lowered;
	s3 =	sadd.s32 s3, s5;
	[dreg:$0x0] =	wrdreg $0x0  }
0xae: {  	s5 =	sshll.u32 s28, $0x1;
	[dreg:$0x2] =	wrdreg s3  }
0xaf: {  	[dreg:$0x3] =	wrdreg s5  }
0xb0: {  	[dreg:$0x4] =	wrdreg $0xC0  }
0xb1: {  	_ =	task [dreg:s7], $0x5FFFF  }
0xb2: {  	[dreg:$0x1] =	wrdreg $0xFFFFFFFF  }
0xb3: {  	[dreg:$0x0] =	wrdreg $0x60  }
0xb4: {  	[dreg:$0x2] =	wrdreg s24  }
0xb5: {  	[dreg:$0x3] =	wrdreg s16  }
0xb6: {  	[dreg:$0x4] =	wrdreg $0x138000  }
0xb7: {  	[dreg:$0x5] =	wrdreg $0x1D6000  }
0xb8: {  	[dreg:$0x6] =	wrdreg $0x9  }
0xb9: {  	_ =	task.clear_ibuf [dreg:s7], $0x7FFFF;
	_ =	strace $0x90000046  }
0xba: {  	s29 =	simm.s32 $0x9;
	_ =	strace $0x80000048  }
0xbb: {  	_ =	swait.ge [sflag:s29], $0x1  }
0xbc: {  	[sflag:s29] =	ssyncadd.s32 $0xFFFFFFFF  }
0xbd: {  	_ =	strace $0x90000048  }
0xbe: {  	_ =	sfence  }
0xbf: {  	s30 =	sld [smem:$0x0];
	_ =	sdelay $0x2  }
0xc0: {  	s31 =	sshll.u32 s1, $0xD;
	s1 =	sshrl.u32 s1, $0x2  }
0xc1: {  	s3 =	sand.u32 $0x4000, s31;
	s1 =	sadd.s32 s1, s30  }
0xc2: {  	s0 =	sor.u32 s3, s0;
	s1 =	sshll.u32 s1, $0x11  }
0xc3: {  	s0 =	sor.u32 s1, s0  }
0xc4: {  	s0 =	sadd.s32 $0x8F2B, s0  }
0xc5: {  	[sflag:s0] =	ssyncadd.remote.s32 $0x1  }
0xc6: {  	_ =	sfence.sel $0xFFFF  }
0xc7: {  	[dreg:$0x0] =	wrdreg $0xFFFFFFFF;
	(pc) =	sbr.abs _section_cstart, $3  }
0xc8: {  	[dreg:$0x1] =	wrdreg $0xFFFFFFFF  }
0xc9: {  	_ =	task.clear_ibuf [dreg:s7], $0x2FFFF;
	_ =	strace $0x9FFFFFFF  }
0xca: {  	(tm) =	ssettm $0x7FFFFFFF  }
0xcb: {  	_ =	shalt  }
tec
execute0_lowered:
.L_overlay_start_1:
0x0: {  	(tag) =	ssettag $0x1  }
0x1: {  	s1 =	rddreg [dreg:$0x0]  }
0x2: {  	s2 =	rddreg [dreg:$0x2]  }
0x3: {  	s4 =	rddreg [dreg:$0x3]  }
0x4: {  	s5 =	simm.s32 $0x0;
	s0 =	srdreg.scid;
	s7 =	stileid.u32  }
0x5: {  	[smem:$0x7FF] =	sst s5;
	s3 =	sand.u32 $0x1, s0;
	s9 =	smul.u32 $0x278, s7  }
0x6: {  	s6 =	sadd.s32 $0x23800, s1;
	s21 =	sadd.s32 $0x5800, s1;
	s8 =	sadd.s32 $0x19800, s1  }
0x7: {  	s11 =	sadd.s32 $0x77800, s1;
	s14 =	sadd.s32 $0x9F000, s1;
	s23 =	smul.u32 $0x9E00, s7  }
0x8: {  	_ =	strace $0x80000047;
	s0 =	smul.u32 $0x2780, s3;
	s10 =	ssub.s32 $0x2, s3  }
0x9: {  	p0 =	sne.s32 s3, $0x0;
	[dreg:$0x19] =	wrdreg s8;
	s12 =	sshrl.u32 s10, $0x1  }
0xa: {  	s13 =	sadd.s32 s9, s0;
	s0 =	ssub.s32 s10, s12;
	s12 =	smul.u32 $0x27800, s7  }
0xb: {  	s24 =	sadd.s32 $0x80, s13;
	s15 =	sshll.u32 s13, $0x3;
	s25 =	sshll.u32 s13, $0x1  }
0xc: {  	s26 =	sadd.s32 $0x100, s13;
	s17 =	sadd.s32 $0x180, s13;
	s13 =	sadd.s32 $0x200, s13  }
0xd: {  	s0 =	smax.u32 s0, $0x1;
	s16 =	sshll.u32 s24, $0x3;
	s15 =	sadd.s32 s11, s15  }
0xe: {  	s18 =	sshll.u32 s26, $0x3;
	s19 =	sshll.u32 s17, $0x3;
	[dreg:$0x1d] =	wrdreg s0  }
0xf: {  	s20 =	sshll.u32 s13, $0x3;
	[dreg:$0x5] =	wrdreg s15;
	s16 =	sadd.s32 s11, s16  }
0x10: {  	s10 =	sshll.u32 s24, $0x1;
	s18 =	sadd.s32 s11, s18;
	[dreg:$0x6] =	wrdreg s16  }
0x11: {  	s24 =	sshll.u32 s26, $0x1;
	s22 =	sadd.s32 s11, s19;
	[dreg:$0x7] =	wrdreg s18  }
0x12: {  	s13 =	sshll.u32 s13, $0x1;
	s11 =	sadd.s32 s11, s20;
	[dreg:$0x8] =	wrdreg s22  }
0x13: {  	s15 =	sadd.s32 s14, s25;
	s10 =	sadd.s32 s14, s10;
	[dreg:$0x9] =	wrdreg s11  }
0x14: {  	s25 =	sshll.u32 s17, $0x1;
	s17 =	sadd.s32 $0x80, s9;
	[dreg:$0xa] =	wrdreg s15  }
0x15: {  	s20 =	sadd.s32 $0x100, s9;
	[dreg:$0xb] =	wrdreg s10;
	s10 =	sadd.s32 s14, s24  }
0x16: {  	s26 =	sadd.s32 s14, s25;
	s15 =	sshrl.u32 s12, $0x2;
	s16 =	sshrl.u32 s23, $0x2  }
0x17: {  	s18 =	sshll.u32 s17, $0x6;
	s19 =	sshll.u32 s17, $0x4;
	[dreg:$0xc] =	wrdreg s10  }
0x18: {  	s22 =	sshll.u32 s20, $0x6;
	[dreg:$0xd] =	wrdreg s26;
	s10 =	sadd.s32 s14, s13  }
0x19: {  	s25 =	sadd.s32 $0x180, s9;
	s14 =	sadd.s32 $0x4B000, s1;
	[dreg:$0xe] =	wrdreg s10  }
0x1a: {  	s9 =	sadd.s32 $0x200, s9;
	s1 =	sadd.s32 $0x72800, s1;
	[dreg:$0xf] =	wrdreg s14  }
0x1b: {  	s12 =	smul.u32 $0x5000, s7;
	s23 =	sadd.s32 s16, s4;
	[dreg:$0x10] =	wrdreg s1  }
0x1c: {  	s24 =	sadd.s32 s18, s2;
	s26 =	smul.u32 $0x50000, s3;
	[dreg:$0x12] =	wrdreg s23  }
0x1d: {  	s29 =	sadd.s32 s19, s4;
	s16 =	smul.u32 $0x28, s7;
	[dreg:$0x13] =	wrdreg s24  }
0x1e: {  	s30 =	sadd.s32 s22, s2;
	s18 =	smul.u32 $0xA00, s7;
	[dreg:$0x14] =	wrdreg s29  }
0x1f: {  	s1 =	sadd.s32 s15, s2;
	s10 =	sshll.u32 s20, $0x4;
	[dreg:$0x15] =	wrdreg s30  }
0x20: {  	s20 =	sshll.u32 s9, $0x6;
	s17 =	sshrl.u32 s12, $0x3;
	[dreg:$0x11] =	wrdreg s1  }
0x21: {  	s31 =	sadd.s32 s10, s4;
	s10 =	sshll.u32 s25, $0x6;
	s1 =	sshll.u32 s25, $0x4  }
0x22: {  	s22 =	sadd.s32 s20, s2;
	s25 =	sshll.u32 s9, $0x4;
	[dreg:$0x17] =	wrdreg s26  }
0x23: {  	s26 =	sadd.s32 s12, s26;
	s19 =	sor.u32 $0x4, s16;
	s20 =	sadd.s32 s18, s8  }
0x24: {  	s16 =	simm.s32 $0x5;
	s18 =	simm.s32 $0x800;
	s13 =	sadd.s32 s10, s2  }
0x25: {  	s14 =	sadd.s32 s1, s4;
	s11 =	sadd.s32 s25, s4;
	[dreg:$0x1c] =	wrdreg s19  }
0x26: {  	s15 =	sshrl.u32 s26, $0x3;
	[dreg:$0x1e] =	wrdreg s20;
	s10 =	smov.u32 s22  }
0x27: {  	s22 =	sor.u32 $0x600, s26;
	s25 =	sor.u32 $0x400, s26;
	s3 =	sor.u32 $0x200, s26  }
0x28: {  	s19 =	simm.s32 $0x1;
	s20 =	simm.s32 $0x200;
	[dreg:$0x16] =	wrdreg s31  }
0x29: {  	s1 =	sadd.s32 s21, s15;
	s7 =	smov.u32 s13;
	s9 =	smov.u32 s14  }
0x2a: {  	s0 =	sshrl.u32 s22, $0x3;
	s26 =	sshrl.u32 s3, $0x3;
	s15 =	simm.s32 $0x1000  }
0x2b: {  	s3 =	simm.s32 $0xA00;
	s22 =	simm.s32 $0x9000;
	s28 =	smov.u32 s10  }
0x2c: {  	[dreg:$0x1a] =	wrdreg s1;
	s1 =	sadd.s32 s8, s17;
	s0 =	sadd.s32 s0, s21  }
.Ltmp0:
0x2d: {  	s8 =	smov.u32 s21;
	[dreg:$0x18] =	wrdreg s7;
	(pc) =	sbr.rel .LBB2_1-.Ltmp0, $4  }
0x2e: {  	s14 =	sadd.s32 s26, s21;
	s26 =	simm.s32 $0x4;
	[dreg:$0x1b] =	wrdreg s1  }
0x2f: {  	s17 =	simm.s32 $0x0;
	s1 =	sshrl.u32 s25, $0x3;
	[dreg:$0x1f] =	wrdreg s0  }
0x30: {  	s25 =	simm.s32 $0x3;
	s13 =	sadd.s32 s1, s21;
	s21 =	smov.u32 s11  }
0x31: {  	s1 =	simm.s32 $0x2;
	s11 =	smov.u32 s9;
	s12 =	smov.u32 s21  }
.LBB2_13:
0x32: {  	_ =	swait.ge [sflag:s25], $0x8000  }
0x33: {  	[sflag:s25] =	ssyncset.done $0x0  }
0x34: {  	s7 =	simm.s32 @p0 $0x4;
	[sflag:s25] =	ssyncadd.s32 $0xFFFF8000  }
0x35: {  	_ =	swait.ge @p0 [sflag:s7], $0x8000  }
0x36: {  	[sflag:s7] =	ssyncset.done @p0 $0x0  }
0x37: {  	[sflag:s7] =	ssyncadd.s32 @p0 $0xFFFF8000  }
0x38: {  	_ =	swait.ge @!p0 [sflag:s0], $0x2000  }
0x39: {  	[sflag:s0] =	ssyncset.done @!p0 $0x0  }
0x3a: {  	[sflag:s0] =	ssyncadd.s32 @!p0 $0xFFFFE000  }
0x3b: {  	_ =	swait.ge @!p0 [sflag:s29], $0x8000  }
0x3c: {  	[sflag:s29] =	ssyncset.done @!p0 $0x0  }
0x3d: {  	[sflag:s29] =	ssyncadd.s32 @!p0 $0xFFFF8000  }
0x3e: {  	_ =	swait.ge @!p0 [sflag:s29], $0x2000  }
0x3f: {  	[sflag:s29] =	ssyncset.done @!p0 $0x0  }
0x40: {  	[sflag:s29] =	ssyncadd.s32 @!p0 $0xFFFFE000  }
0x41: {  	_ =	swait.ge [sflag:s19], $0x200  }
0x42: {  	[sflag:s19] =	ssyncset.done $0x0  }
0x43: {  	[sflag:s19] =	ssyncadd.s32 $0xFFFFFE00  }
0x44: {  	_ =	swait.ge [sflag:s19], $0x200  }
0x45: {  	[sflag:s19] =	ssyncset.done $0x0  }
0x46: {  	[sflag:s19] =	ssyncadd.s32 $0xFFFFFE00  }
0x47: {  	[bflag:$0x0] =	sbarrier.arrive $0xFFFF  }
0x48: {  	s7 =	rddreg [dreg:$0x11]  }
0x49: {  	[tilespmem:s15], [sflag:$0x5] =	stream.linear.gather [spmem:s7], $0x2000, $0x38;
	[tilespmem:$0x1FD80] =	vst v63  }
0x4a: {  	_ =	swait.ge [sflag:s16], $0x2000  }
0x4b: {  	[sflag:s16] =	ssyncset.done $0x0  }
0x4c: {  	s23 =	rddreg [dreg:$0x5];
	[sflag:s16] =	ssyncadd.s32 $0xFFFFE000  }
0x4d: {  	[hbm4b:s23+s5] =	stream.linear.scatter [tilespmem:s15], [sflag:$0x5], $0x2000, $0x38;
	[tilespmem:$0x1FD80] =	vst v63  }
0x4e: {  	_ =	swait.ge [sflag:s16], $0x2000  }
0x4f: {  	[sflag:s16] =	ssyncset.done $0x0  }
0x50: {  	s23 =	rddreg [dreg:$0x12];
	[sflag:s16] =	ssyncadd.s32 $0xFFFFE000  }
0x51: {  	[tilespmem:s17], [sflag:$0x5] =	stream.linear.gather [spmem:s23], $0x800, $0x38;
	[tilespmem:$0x1FD80] =	vst v63  }
0x52: {  	_ =	swait.ge [sflag:s16], $0x800  }
0x53: {  	[sflag:s16] =	ssyncset.done $0x0  }
0x54: {  	s24 =	rddreg [dreg:$0xa];
	[sflag:s16] =	ssyncadd.s32 $0xFFFFF800  }
0x55: {  	[hbm4b:s24+s5] =	stream.linear.scatter [tilespmem:s17], [sflag:$0x5], $0x800, $0x38;
	[tilespmem:$0x1FD80] =	vst v63  }
0x56: {  	_ =	swait.ge [sflag:s16], $0x800  }
0x57: {  	[sflag:s16] =	ssyncset.done $0x0  }
0x58: {  	s24 =	rddreg [dreg:$0x13];
	[sflag:s16] =	ssyncadd.s32 $0xFFFFF800  }
0x59: {  	[tilespmem:s15], [sflag:$0x5] =	stream.linear.gather [spmem:s24], $0x2000, $0x38;
	[tilespmem:$0x1FD80] =	vst v63  }
0x5a: {  	_ =	swait.ge [sflag:s16], $0x2000  }
0x5b: {  	[sflag:s16] =	ssyncset.done $0x0  }
0x5c: {  	s7 =	rddreg [dreg:$0x6];
	[sflag:s16] =	ssyncadd.s32 $0xFFFFE000  }
0x5d: {  	[hbm4b:s7+s5] =	stream.linear.scatter [tilespmem:s15], [sflag:$0x5], $0x2000, $0x38;
	[tilespmem:$0x1FD80] =	vst v63  }
0x5e: {  	_ =	swait.ge [sflag:s16], $0x2000  }
0x5f: {  	[sflag:s16] =	ssyncset.done $0x0  }
0x60: {  	s29 =	rddreg [dreg:$0x14];
	[sflag:s16] =	ssyncadd.s32 $0xFFFFE000  }
0x61: {  	[tilespmem:s17], [sflag:$0x5] =	stream.linear.gather [spmem:s29], $0x800, $0x38;
	[tilespmem:$0x1FD80] =	vst v63  }
0x62: {  	_ =	swait.ge [sflag:s16], $0x800  }
0x63: {  	[sflag:s16] =	ssyncset.done $0x0  }
0x64: {  	s7 =	rddreg [dreg:$0xb];
	[sflag:s16] =	ssyncadd.s32 $0xFFFFF800  }
0x65: {  	[hbm4b:s7+s5] =	stream.linear.scatter [tilespmem:s17], [sflag:$0x5], $0x800, $0x38;
	[tilespmem:$0x1FD80] =	vst v63  }
0x66: {  	_ =	swait.ge [sflag:s16], $0x800  }
0x67: {  	[sflag:s16] =	ssyncset.done $0x0  }
0x68: {  	s30 =	rddreg [dreg:$0x15];
	[sflag:s16] =	ssyncadd.s32 $0xFFFFF800  }
0x69: {  	[tilespmem:s15], [sflag:$0x5] =	stream.linear.gather [spmem:s30], $0x2000, $0x38;
	[tilespmem:$0x1FD80] =	vst v63  }
0x6a: {  	_ =	swait.ge [sflag:s16], $0x2000  }
0x6b: {  	[sflag:s16] =	ssyncset.done $0x0  }
0x6c: {  	s7 =	rddreg [dreg:$0x7];
	[sflag:s16] =	ssyncadd.s32 $0xFFFFE000  }
0x6d: {  	[hbm4b:s7+s5] =	stream.linear.scatter [tilespmem:s15], [sflag:$0x5], $0x2000, $0x38;
	[tilespmem:$0x1FD80] =	vst v63  }
0x6e: {  	_ =	swait.ge [sflag:s16], $0x2000  }
0x6f: {  	[sflag:s16] =	ssyncset.done $0x0  }
0x70: {  	s31 =	rddreg [dreg:$0x16];
	[sflag:s16] =	ssyncadd.s32 $0xFFFFE000  }
0x71: {  	[tilespmem:s17], [sflag:$0x5] =	stream.linear.gather [spmem:s31], $0x800, $0x38;
	[tilespmem:$0x1FD80] =	vst v63  }
0x72: {  	_ =	swait.ge [sflag:s16], $0x800  }
0x73: {  	[sflag:s16] =	ssyncset.done $0x0  }
0x74: {  	s7 =	rddreg [dreg:$0xc];
	[sflag:s16] =	ssyncadd.s32 $0xFFFFF800  }
0x75: {  	[hbm4b:s7+s5] =	stream.linear.scatter [tilespmem:s17], [sflag:$0x5], $0x800, $0x38;
	[tilespmem:$0x1FD80] =	vst v63  }
0x76: {  	_ =	swait.ge [sflag:s16], $0x800  }
0x77: {  	[sflag:s16] =	ssyncset.done $0x0  }
0x78: {  	s7 =	rddreg [dreg:$0x18];
	[sflag:s16] =	ssyncadd.s32 $0xFFFFF800  }
0x79: {  	[tilespmem:s15], [sflag:$0x5] =	stream.linear.gather [spmem:s7], $0x2000, $0x38;
	[tilespmem:$0x1FD80] =	vst v63  }
0x7a: {  	_ =	swait.ge [sflag:s16], $0x2000  }
0x7b: {  	[sflag:s16] =	ssyncset.done $0x0  }
0x7c: {  	s0 =	rddreg [dreg:$0x8];
	[sflag:s16] =	ssyncadd.s32 $0xFFFFE000  }
0x7d: {  	[hbm4b:s0+s5] =	stream.linear.scatter [tilespmem:s15], [sflag:$0x5], $0x2000, $0x38;
	[tilespmem:$0x1FD80] =	vst v63  }
0x7e: {  	_ =	swait.ge [sflag:s16], $0x2000  }
0x7f: {  	[sflag:s16] =	ssyncset.done $0x0  }
0x80: {  	[sflag:s16] =	ssyncadd.s32 $0xFFFFE000  }
0x81: {  	[tilespmem:s17], [sflag:$0x5] =	stream.linear.gather [spmem:s11], $0x800, $0x38;
	[tilespmem:$0x1FD80] =	vst v63  }
0x82: {  	_ =	swait.ge [sflag:s16], $0x800  }
0x83: {  	[sflag:s16] =	ssyncset.done $0x0  }
0x84: {  	s0 =	rddreg [dreg:$0xd];
	[sflag:s16] =	ssyncadd.s32 $0xFFFFF800  }
0x85: {  	[hbm4b:s0+s5] =	stream.linear.scatter [tilespmem:s17], [sflag:$0x5], $0x800, $0x38;
	[tilespmem:$0x1FD80] =	vst v63  }
0x86: {  	_ =	swait.ge [sflag:s16], $0x800  }
0x87: {  	[sflag:s16] =	ssyncset.done $0x0  }
0x88: {  	[sflag:s16] =	ssyncadd.s32 $0xFFFFF800  }
0x89: {  	[tilespmem:s15], [sflag:$0x5] =	stream.linear.gather [spmem:s28], $0x1E00, $0x38;
	[tilespmem:$0x1FD80] =	vst v63  }
0x8a: {  	_ =	swait.ge [sflag:s16], $0x1E00  }
0x8b: {  	[sflag:s16] =	ssyncset.done $0x0  }
0x8c: {  	s0 =	rddreg [dreg:$0x9];
	[sflag:s16] =	ssyncadd.s32 $0xFFFFE200  }
0x8d: {  	[hbm4b:s0+s5] =	stream.linear.scatter [tilespmem:s15], [sflag:$0x5], $0x1E00, $0x38;
	[tilespmem:$0x1FD80] =	vst v63  }
0x8e: {  	_ =	swait.ge [sflag:s16], $0x1E00  }
0x8f: {  	[sflag:s16] =	ssyncset.done $0x0  }
0x90: {  	[sflag:s16] =	ssyncadd.s32 $0xFFFFE200  }
0x91: {  	[tilespmem:s17], [sflag:$0x5] =	stream.linear.gather [spmem:s12], $0x780, $0x38;
	[tilespmem:$0x1FD80] =	vst v63  }
0x92: {  	_ =	swait.ge [sflag:s16], $0x780  }
0x93: {  	[sflag:s16] =	ssyncset.done $0x0  }
0x94: {  	s0 =	rddreg [dreg:$0xe];
	[sflag:s16] =	ssyncadd.s32 $0xFFFFF880  }
0x95: {  	[hbm4b:s0+s5] =	stream.linear.scatter [tilespmem:s17], [sflag:$0x5], $0x780, $0x38;
	[tilespmem:$0x1FD80] =	vst v63  }
0x96: {  	_ =	swait.ge [sflag:s16], $0x780  }
0x97: {  	s0 =	sld [smem:$0x7FD];
	_ =	sdelay $0x2  }
0x98: {  	s17 =	sadd.s32 $0x1, s0;
	s0 =	rddreg [dreg:$0x1d]  }
0x99: {  	p1 =	sne.s32 s17, s0  }
.Ltmp1:
0x9a: {  	_ = 	snop;
	(pc) =	sbr.rel @!p1 .LBB2_14-.Ltmp1, $3  }
0x9b: {  	_ =	sdelay $0x1  }
0x9c: {  	s9 =	smov.u32 s11;
	[sflag:s16] =	ssyncset.done $0x0  }
0x9d: {  	s10 =	smov.u32 s28;
	s21 =	smov.u32 s12;
	[sflag:s16] =	ssyncadd.s32 $0xFFFFF880  }
.LBB2_1:
0x9e: {  	[smem:$0x7FD] =	sst s17  }
0x9f: {  	s0 =	rddreg [dreg:$0xf]  }
0xa0: {  	[tilespmem:s15], [sflag:$0x5] =	stream.linear.gather [hbm4b:s0+s5], $0x2000, $0x38;
	[tilespmem:$0x1FD80] =	vst v63  }
0xa1: {  	_ =	swait.ge [sflag:s16], $0x2000  }
0xa2: {  	[sflag:s16] =	ssyncset.done $0x0  }
0xa3: {  	[sflag:s16] =	ssyncadd.s32 $0xFFFFE000  }
0xa4: {  	s17 =	simm.s32 $0x11000;
	s0 =	rddreg [dreg:$0x1]  }
0xa5: {  	[tilespmem:s17], [sflag:$0x5] =	stream.linear.gather [hbm4b:s0+s5], $0x2000, $0x38;
	[tilespmem:$0x1FD80] =	vst v63  }
0xa6: {  	_ =	swait.ge [sflag:s16], $0x2000  }
0xa7: {  	[sflag:s16] =	ssyncset.done $0x0  }
0xa8: {  	s17 =	simm.s32 $0x13000;
	s0 =	rddreg [dreg:$0x10];
	[sflag:s16] =	ssyncadd.s32 $0xFFFFE000  }
0xa9: {  	[tilespmem:s17], [sflag:$0x5] =	stream.linear.gather [hbm4b:s0+s5], $0x800, $0x38;
	[tilespmem:$0x1FD80] =	vst v63  }
0xaa: {  	_ =	swait.ge [sflag:s16], $0x800  }
0xab: {  	[sflag:s16] =	ssyncset.done $0x0  }
0xac: {  	s0 =	rddreg [dreg:$0x11];
	[sflag:s16] =	ssyncadd.s32 $0xFFFFF800  }
0xad: {  	[spmem:s0] =	stream.linear.scatter [tilespmem:s15], [sflag:$0x5], $0x2000, $0x38;
	[tilespmem:$0x1FD80] =	vst v63  }
0xae: {  	_ =	swait.ge [sflag:s16], $0x2000  }
0xaf: {  	[sflag:s16] =	ssyncset.done $0x0  }
0xb0: {  	[sflag:s16] =	ssyncadd.s32 $0xFFFFE000  }
0xb1: {  	[spmem:s23] =	stream.linear.scatter [tilespmem:s17], [sflag:$0x5], $0x800, $0x38;
	[tilespmem:$0x1FD80] =	vst v63  }
0xb2: {  	_ =	swait.ge [sflag:s16], $0x800  }
0xb3: {  	[sflag:s16] =	ssyncset.done $0x0  }
0xb4: {  	[sflag:s16] =	ssyncadd.s32 $0xFFFFF800  }
0xb5: {  	[spmem:s24] =	stream.linear.scatter [tilespmem:s15], [sflag:$0x5], $0x2000, $0x38;
	[tilespmem:$0x1FD80] =	vst v63  }
0xb6: {  	_ =	swait.ge [sflag:s16], $0x2000  }
0xb7: {  	[sflag:s16] =	ssyncset.done $0x0  }
0xb8: {  	[sflag:s16] =	ssyncadd.s32 $0xFFFFE000  }
0xb9: {  	[spmem:s29] =	stream.linear.scatter [tilespmem:s17], [sflag:$0x5], $0x800, $0x38;
	[tilespmem:$0x1FD80] =	vst v63  }
0xba: {  	_ =	swait.ge [sflag:s16], $0x800  }
0xbb: {  	[sflag:s16] =	ssyncset.done $0x0  }
0xbc: {  	[sflag:s16] =	ssyncadd.s32 $0xFFFFF800  }
0xbd: {  	[spmem:s30] =	stream.linear.scatter [tilespmem:s15], [sflag:$0x5], $0x2000, $0x38;
	[tilespmem:$0x1FD80] =	vst v63  }
0xbe: {  	_ =	swait.ge [sflag:s16], $0x2000  }
0xbf: {  	[sflag:s16] =	ssyncset.done $0x0  }
0xc0: {  	[sflag:s16] =	ssyncadd.s32 $0xFFFFE000  }
0xc1: {  	[spmem:s31] =	stream.linear.scatter [tilespmem:s17], [sflag:$0x5], $0x800, $0x38;
	[tilespmem:$0x1FD80] =	vst v63  }
0xc2: {  	_ =	swait.ge [sflag:s16], $0x800  }
0xc3: {  	[sflag:s16] =	ssyncset.done $0x0  }
0xc4: {  	[sflag:s16] =	ssyncadd.s32 $0xFFFFF800  }
0xc5: {  	[spmem:s7] =	stream.linear.scatter [tilespmem:s15], [sflag:$0x5], $0x2000, $0x38;
	[tilespmem:$0x1FD80] =	vst v63  }
0xc6: {  	_ =	swait.ge [sflag:s16], $0x2000  }
0xc7: {  	[sflag:s16] =	ssyncset.done $0x0  }
0xc8: {  	[sflag:s16] =	ssyncadd.s32 $0xFFFFE000  }
0xc9: {  	[spmem:s9] =	stream.linear.scatter [tilespmem:s17], [sflag:$0x5], $0x800, $0x38;
	[tilespmem:$0x1FD80] =	vst v63  }
0xca: {  	_ =	swait.ge [sflag:s16], $0x800  }
0xcb: {  	[sflag:s16] =	ssyncset.done $0x0  }
0xcc: {  	[sflag:s16] =	ssyncadd.s32 $0xFFFFF800  }
0xcd: {  	[spmem:s10] =	stream.linear.scatter [tilespmem:s15], [sflag:$0x5], $0x1E00, $0x38;
	[tilespmem:$0x1FD80] =	vst v63  }
0xce: {  	_ =	swait.ge [sflag:s16], $0x1E00  }
0xcf: {  	[sflag:s16] =	ssyncset.done $0x0  }
0xd0: {  	[sflag:s16] =	ssyncadd.s32 $0xFFFFE200  }
0xd1: {  	[spmem:s21] =	stream.linear.scatter [tilespmem:s17], [sflag:$0x5], $0x780, $0x38;
	[tilespmem:$0x1FD80] =	vst v63  }
0xd2: {  	_ =	swait.ge [sflag:s16], $0x780  }
0xd3: {  	[sflag:s16] =	ssyncset.done $0x0  }
0xd4: {  	[sflag:s16] =	ssyncadd.s32 $0xFFFFF880  }
.Ltmp2:
0xd5: {  	[bflag:$0x0] =	sbarrier.arrive $0xFFFF;
	(pc) =	sbr.rel .LBB2_2-.Ltmp2, $4  }
0xd6: {  	s24 =	rddreg [dreg:$0x1a]  }
0xd7: {  	[tilespmem:s5], [sflag:$0x1] =	stream.linear.gather [hbm4b:s24+s5], $0x200, $0x38;
	[tilespmem:$0x1FD80] =	vst v63  }
0xd8: {  	s30 =	simm.s32 $0x0;
	s31 =	simm.s32 $0x0;
	s29 =	rddreg [dreg:$0x1b]  }
0xd9: {  	[tilespmem:s18], [sflag:$0x1] =	stream.linear.gather [hbm4b:s29+s5], $0x200, $0x38;
	[tilespmem:$0x1FD80] =	vst v63  }
.LBB2_9:
0xda: {  	_ =	swait.ge [sflag:s26], $0x2000  }
0xdb: {  	[sflag:s26] =	ssyncset.done $0x0  }
0xdc: {  	[sflag:s26] =	ssyncadd.s32 $0xFFFFE000  }
.LBB2_10:
0xdd: {  	[tilespmem:s22], [sflag:$0x2] =	stream.indirect.gather [hbm4b:s6+s20], $0x40, s20, s20, $0xb8;
	[tilespmem:$0x1FD80] =	vst v63  }
0xde: {  	_ =	swait.ge [sflag:s1], $0x8000  }
0xdf: {  	[sflag:s1] =	ssyncset.done $0x0  }
0xe0: {  	[sflag:s1] =	ssyncadd.s32 $0xFFFF8000  }
0xe1: {  	[spmem:s2] =	stream.indirect.scatter.add.f32 [tilespmem:s22], [sflag:$0x4], $0x40, s3, s20, $0xb8;
	[tilespmem:$0x1FD80] =	vst v63  }
0xe2: {  	s10 =	simm.s32 @!p0 $0x200;
	s17 =	simm.s32 @!p0 $0xA00;
	s29 =	simm.s32 @!p0 $0x11000  }
0xe3: {  	[spmem:s4] =	stream.indirect.scatter.add.f32 @!p0 [tilespmem:s29], [sflag:$0x4], $0x10, s17, s10, $0xb8;
	[tilespmem:$0x1FD80] =	vst v63  }
.LBB2_12:
0xe4: {  	_ =	swait.ge [sflag:s19], $0x200  }
0xe5: {  	[sflag:s19] =	ssyncset.done $0x0  }
0xe6: {  	[sflag:s19] =	ssyncadd.s32 $0xFFFFFE00  }
0xe7: {  	_ =	swait.ge [sflag:s19], $0x200  }
0xe8: {  	[sflag:s19] =	ssyncset.done $0x0;
	s7 =	rddreg [dreg:$0x1f]  }
0xe9: {  	s23 =	simm.s32 $0x600;
	[sflag:s19] =	ssyncadd.s32 $0xFFFFFE00;
	s10 =	sadd.s32 s31, s7  }
0xea: {  	[tilespmem:s23], [sflag:$0x1] =	stream.linear.gather [hbm4b:s10+s5], $0x200, $0x38;
	[tilespmem:$0x1FD80] =	vst v63  }
0xeb: {  	s0 =	sadd.s32 $0xC0, s0;
	s24 =	simm.s32 $0xE00  }
0xec: {  	[tilespmem:s24], [sflag:$0x1] =	stream.linear.gather [hbm4b:s0+s5], $0x200, $0x38;
	[tilespmem:$0x1FD80] =	vst v63  }
0xed: {  	_ =	swait.ge [sflag:s25], $0x8000  }
0xee: {  	s17 =	simm.s32 @p0 $0x1000;
	s29 =	simm.s32 @p0 $0x2;
	[sflag:s25] =	ssyncset.done $0x0  }
0xef: {  	s10 =	simm.s32 @p0 $0x200;
	s0 =	simm.s32 @p0 $0x400;
	[sflag:s25] =	ssyncadd.s32 $0xFFFF8000  }
0xf0: {  	[tilespmem:s17], [sflag:$0x2] =	stream.indirect.gather @p0 [hbm4b:s6+s10], $0x40, s0, s10, $0xb8;
	[tilespmem:$0x1FD80] =	vst v63  }
0xf1: {  	_ =	swait.ge @p0 [sflag:s29], $0x8000  }
0xf2: {  	[sflag:s29] =	ssyncset.done @p0 $0x0  }
0xf3: {  	s0 =	simm.s32 @p0 $0xC00;
	[sflag:s29] =	ssyncadd.s32 @p0 $0xFFFF8000  }
0xf4: {  	[spmem:s2] =	stream.indirect.scatter.add.f32 @p0 [tilespmem:s17], [sflag:$0x3], $0x40, s0, s10, $0xb8;
	[tilespmem:$0x1FD80] =	vst v63  }
0xf5: {  	s0 =	simm.s32 @!p0 $0x3  }
0xf6: {  	_ =	swait.ge @!p0 [sflag:s0], $0x2000  }
0xf7: {  	s21 =	simm.s32 @!p0 $0x400;
	[sflag:s0] =	ssyncset.done @!p0 $0x0  }
0xf8: {  	s23 =	simm.s32 @!p0 $0x1000;
	s17 =	simm.s32 @!p0 $0x200;
	[sflag:s0] =	ssyncadd.s32 @!p0 $0xFFFFE000  }
0xf9: {  	[tilespmem:s23], [sflag:$0x2] =	stream.indirect.gather @!p0 [hbm4b:s6+s17], $0x40, s21, s17, $0xb8;
	[tilespmem:$0x1FD80] =	vst v63  }
0xfa: {  	s21 =	simm.s32 @!p0 $0x2  }
0xfb: {  	_ =	swait.ge @!p0 [sflag:s21], $0x8000  }
0xfc: {  	[sflag:s21] =	ssyncset.done @!p0 $0x0  }
0xfd: {  	s24 =	simm.s32 @!p0 $0xC00;
	[sflag:s21] =	ssyncadd.s32 @!p0 $0xFFFF8000  }
0xfe: {  	[spmem:s2] =	stream.indirect.scatter.add.f32 @!p0 [tilespmem:s23], [sflag:$0x3], $0x40, s24, s17, $0xb8;
	[tilespmem:$0x1FD80] =	vst v63  }
0xff: {  	s23 =	simm.s32 @!p0 $0x11000  }
0x100: {  	[spmem:s4] =	stream.indirect.scatter.add.f32 @!p0 [tilespmem:s23], [sflag:$0x3], $0x10, s24, s17, $0xb8;
	[tilespmem:$0x1FD80] =	vst v63  }
0x101: {  	_ =	swait.ge [sflag:s19], $0x200  }
0x102: {  	[sflag:s19] =	ssyncset.done $0x0  }
0x103: {  	s7 =	smin.u32 s30, $0x23;
	s9 =	rddreg [dreg:$0x1c];
	[sflag:s19] =	ssyncadd.s32 $0xFFFFFE00  }
0x104: {  	s24 =	sadd.s32 s7, s9;
	_ =	swait.ge [sflag:s19], $0x200  }
0x105: {  	s7 =	sshll.u32 s24, $0x9;
	s9 =	rddreg [dreg:$0x17]  }
0x106: {  	[sflag:s19] =	ssyncset.done $0x0;
	s7 =	sadd.s32 s9, s7  }
0x107: {  	[sflag:s19] =	ssyncadd.s32 $0xFFFFFE00;
	s7 =	sshrl.u32 s7, $0x3  }
0x108: {  	s9 =	sshll.u32 s24, $0x6;
	s24 =	rddreg [dreg:$0x19];
	s7 =	sadd.s32 s8, s7  }
0x109: {  	[tilespmem:s5], [sflag:$0x1] =	stream.linear.gather [hbm4b:s7+s5], $0x200, $0x38;
	[tilespmem:$0x1FD80] =	vst v63  }
0x10a: {  	s7 =	sadd.s32 s24, s9  }
0x10b: {  	[tilespmem:s18], [sflag:$0x1] =	stream.linear.gather [hbm4b:s7+s5], $0x200, $0x38;
	[tilespmem:$0x1FD80] =	vst v63  }
0x10c: {  	_ =	swait.ge [sflag:s26], $0x8000  }
0x10d: {  	[sflag:s26] =	ssyncset.done $0x0  }
0x10e: {  	s24 =	simm.s32 @p0 $0x9000;
	s7 =	simm.s32 @p0 $0x600;
	[sflag:s26] =	ssyncadd.s32 $0xFFFF8000  }
0x10f: {  	[tilespmem:s24], [sflag:$0x2] =	stream.indirect.gather @p0 [hbm4b:s6+s10], $0x40, s7, s10, $0xb8;
	[tilespmem:$0x1FD80] =	vst v63  }
0x110: {  	_ =	swait.ge @p0 [sflag:s29], $0x8000  }
0x111: {  	[sflag:s29] =	ssyncset.done @p0 $0x0  }
0x112: {  	s7 =	simm.s32 @p0 $0xE00;
	[sflag:s29] =	ssyncadd.s32 @p0 $0xFFFF8000;
	s29 =	simm.s32 @!p0 $0x4  }
0x113: {  	[spmem:s2] =	stream.indirect.scatter.add.f32 @p0 [tilespmem:s24], [sflag:$0x4], $0x40, s7, s10, $0xb8;
	[tilespmem:$0x1FD80] =	vst v63  }
0x114: {  	_ =	swait.ge @!p0 [sflag:s29], $0x2000  }
0x115: {  	[sflag:s29] =	ssyncset.done @!p0 $0x0  }
0x116: {  	s7 =	simm.s32 @!p0 $0x600;
	s10 =	simm.s32 @!p0 $0x9000;
	[sflag:s29] =	ssyncadd.s32 @!p0 $0xFFFFE000  }
0x117: {  	[tilespmem:s10], [sflag:$0x2] =	stream.indirect.gather @!p0 [hbm4b:s6+s17], $0x40, s7, s17, $0xb8;
	[tilespmem:$0x1FD80] =	vst v63  }
0x118: {  	s31 =	sadd.s32 $0x100, s31;
	_ =	swait.ge @!p0 [sflag:s21], $0x8000  }
0x119: {  	p1 =	sne.s32 s31, $0xA00;
	[sflag:s21] =	ssyncset.done @!p0 $0x0  }
.Ltmp3:
0x11a: {  	s7 =	simm.s32 @!p0 $0xE00;
	[sflag:s21] =	ssyncadd.s32 @!p0 $0xFFFF8000;
	(pc) =	sbr.rel @!p1 .LBB2_13-.Ltmp3, $4  }
0x11b: {  	[spmem:s2] =	stream.indirect.scatter.add.f32 @!p0 [tilespmem:s10], [sflag:$0x4], $0x40, s7, s17, $0xb8;
	[tilespmem:$0x1FD80] =	vst v63  }
0x11c: {  	_ = 	snop  }
0x11d: {  	[spmem:s4] =	stream.indirect.scatter.add.f32 @!p0 [tilespmem:s23], [sflag:$0x4], $0x10, s7, s17, $0xb8;
	[tilespmem:$0x1FD80] =	vst v63  }
0x11e: {  	s30 =	sadd.s32 $0x4, s30;
	s17 =	simm.s32 $0x13000  }
.LBB2_2:
0x11f: {  	_ =	swait.ge [sflag:s19], $0x200  }
0x120: {  	[sflag:s19] =	ssyncset.done $0x0  }
0x121: {  	[sflag:s19] =	ssyncadd.s32 $0xFFFFFE00  }
0x122: {  	_ =	swait.ge [sflag:s19], $0x200  }
0x123: {  	s0 =	sadd.s32 s31, s14;
	p1 =	seq.s32 s31, $0x0;
	[sflag:s19] =	ssyncset.done $0x0  }
.Ltmp4:
0x124: {  	s29 =	rddreg [dreg:$0x1e];
	[sflag:s19] =	ssyncadd.s32 $0xFFFFFE00;
	(pc) =	sbr.rel @p1 .LBB2_5-.Ltmp4, $4  }
0x125: {  	[tilespmem:s20], [sflag:$0x1] =	stream.linear.gather [hbm4b:s0+s5], $0x200, $0x38;
	[tilespmem:$0x1FD80] =	vst v63  }
0x126: {  	s0 =	sadd.s32 s31, s29  }
0x127: {  	s29 =	sadd.s32 $0x40, s0  }
0x128: {  	[tilespmem:s3], [sflag:$0x1] =	stream.linear.gather [hbm4b:s29+s5], $0x200, $0x38;
	[tilespmem:$0x1FD80] =	vst v63  }
.Ltmp5:
0x129: {  	(pc) =	sbr.rel @p0 .LBB2_6-.Ltmp5, $4  }
0x12a: {  	_ = 	snop  }
0x12b: {  	_ =	swait.ge [sflag:s25], $0x8000  }
0x12c: {  	[sflag:s25] =	ssyncset.done $0x0  }
0x12d: {  	[sflag:s25] =	ssyncadd.s32 $0xFFFF8000  }
0x12e: {  	_ =	swait.ge [sflag:s25], $0x2000  }
0x12f: {  	[sflag:s25] =	ssyncset.done $0x0  }
0x130: {  	[sflag:s25] =	ssyncadd.s32 $0xFFFFE000  }
.LBB2_5:
0x131: {  	[tilespmem:s15], [sflag:$0x2] =	stream.indirect.gather [hbm4b:s6+s20], $0x40, s5, s20, $0xb8;
	[tilespmem:$0x1FD80] =	vst v63  }
0x132: {  	_ =	swait.ge [sflag:s1], $0x8000  }
.Ltmp6:
0x133: {  	[sflag:s1] =	ssyncset.done $0x0;
	(pc) =	sbr.rel .LBB2_7-.Ltmp6, $4  }
0x134: {  	[sflag:s1] =	ssyncadd.s32 $0xFFFF8000  }
0x135: {  	[spmem:s2] =	stream.indirect.scatter.add.f32 [tilespmem:s15], [sflag:$0x3], $0x40, s18, s20, $0xb8;
	[tilespmem:$0x1FD80] =	vst v63  }
0x136: {  	s29 =	simm.s32 @!p0 $0x200;
	s17 =	simm.s32 @!p0 $0x800;
	s10 =	simm.s32 @!p0 $0x11000  }
0x137: {  	[spmem:s4] =	stream.indirect.scatter.add.f32 @!p0 [tilespmem:s10], [sflag:$0x3], $0x10, s17, s29, $0xb8;
	[tilespmem:$0x1FD80] =	vst v63  }
.LBB2_6:
0x138: {  	[tilespmem:s15], [sflag:$0x2] =	stream.indirect.gather [hbm4b:s6+s20], $0x40, s5, s20, $0xb8;
	[tilespmem:$0x1FD80] =	vst v63  }
0x139: {  	_ =	swait.ge [sflag:s1], $0x8000  }
0x13a: {  	[sflag:s1] =	ssyncset.done $0x0  }
0x13b: {  	[sflag:s1] =	ssyncadd.s32 $0xFFFF8000  }
0x13c: {  	[spmem:s2] =	stream.indirect.scatter.add.f32 [tilespmem:s15], [sflag:$0x3], $0x40, s18, s20, $0xb8;
	[tilespmem:$0x1FD80] =	vst v63  }
.LBB2_7:
0x13d: {  	_ =	swait.ge [sflag:s19], $0x200  }
0x13e: {  	[sflag:s19] =	ssyncset.done $0x0  }
0x13f: {  	[sflag:s19] =	ssyncadd.s32 $0xFFFFFE00  }
0x140: {  	_ =	swait.ge [sflag:s19], $0x200  }
.Ltmp7:
0x141: {  	[sflag:s19] =	ssyncset.done $0x0;
	(pc) =	sbr.rel @p1 .LBB2_10-.Ltmp7, $4  }
0x142: {  	s10 =	sadd.s32 s31, s13;
	s7 =	simm.s32 $0x400;
	[sflag:s19] =	ssyncadd.s32 $0xFFFFFE00  }
0x143: {  	[tilespmem:s7], [sflag:$0x1] =	stream.linear.gather [hbm4b:s10+s5], $0x200, $0x38;
	[tilespmem:$0x1FD80] =	vst v63  }
0x144: {  	s24 =	sadd.s32 $0x80, s0;
	s29 =	simm.s32 $0xC00  }
0x145: {  	[tilespmem:s29], [sflag:$0x1] =	stream.linear.gather [hbm4b:s24+s5], $0x200, $0x38;
	[tilespmem:$0x1FD80] =	vst v63  }
.Ltmp8:
0x146: {  	(pc) =	sbr.rel @!p0 .LBB2_9-.Ltmp8, $4  }
0x147: {  	_ = 	snop  }
0x148: {  	_ =	swait.ge [sflag:s26], $0x8000  }
0x149: {  	[sflag:s26] =	ssyncset.done $0x0  }
0x14a: {  	[sflag:s26] =	ssyncadd.s32 $0xFFFF8000  }
0x14b: {  	[tilespmem:s22], [sflag:$0x2] =	stream.indirect.gather [hbm4b:s6+s20], $0x40, s20, s20, $0xb8;
	[tilespmem:$0x1FD80] =	vst v63  }
.Ltmp9:
0x14c: {  	_ = 	snop;
	(pc) =	sbr.rel .LBB2_12-.Ltmp9, $4  }
0x14d: {  	_ =	swait.ge [sflag:s1], $0x8000  }
0x14e: {  	[sflag:s1] =	ssyncset.done $0x0  }
0x14f: {  	[sflag:s1] =	ssyncadd.s32 $0xFFFF8000  }
0x150: {  	[spmem:s2] =	stream.indirect.scatter.add.f32 [tilespmem:s22], [sflag:$0x4], $0x40, s3, s20, $0xb8;
	[tilespmem:$0x1FD80] =	vst v63  }
.LBB2_14:
0x151: {  	_ =	sfence.sel $0x180000  }
0x152: {  	[bflag:$0x0] =	sbarrier.arrive $0xFFFF  }
0x153: {  	_ =	strace $0x90000047  }
0x154: {  	s0 =	stileid.u32;
	[bflag:$0x2] =	sbarrier.arrive $0xFFFF  }
0x155: {  	p0 =	sne.s32 s0, $0x0;
	s0 =	rddreg [dreg:$0x4]  }
0x156: {  	s0 =	sadd.s32 @!p0 $0x100000, s0  }
0x157: {  	[sflag:s0] =	ssyncadd.tile.s32 @!p0 $0x1;
	_ =	shalt  }
.Lfunc_end2:
_tile_overlayer_lowered:
.L_overlay_start_2:
0x158: {  	(tag) =	ssettag $0x2  }
0x159: {  	s0 =	rddreg [dreg:$0x0];
	s2 =	stileid.u32  }
0x15a: {  	s1 =	rddreg [dreg:$0x1];
	p0 =	sne.s32 s2, $0x0  }
0x15b: {  	s3 =	rddreg [dreg:$0x2];
	[bflag:$0x3] =	sbarrier.arrive $0xFFFF;
	s2 =	simm.s32 @!p0 $0x1C05  }
0x15c: {  	[timem:s3], [sflag:s2] =	dma.local @!p0 [hbm:s0], s1  }
0x15d: {  	s0 =	simm.s32 @!p0 $0x5  }
0x15e: {  	_ =	swait.ge @!p0 [sflag:s0], s1  }
0x15f: {  	s1 =	ssub.s32 @!p0 $0x0, s1;
	[sflag:s0] =	ssyncset.done @!p0 $0x0  }
0x160: {  	[sflag:s0] =	ssyncadd.s32 @!p0 s1  }
0x161: {  	[bflag:$0x3] =	sbarrier.arrive $0xFFFF  }
0x162: {  	_ =	shalt  }

</sc_bundles>
